<compile_context>
chip_gen: v7x
topology: tpu7x:2x2x1
jax: 0.10.2.dev20260603
libtpu: 0.0.44.dev20260713+nightly
codegen_flags: <defaults>
</compile_context>

<pallas_src>
import functools

import jax
import jax.numpy as jnp
from jax import lax
from jax.experimental import pallas as pl
from jax.experimental.pallas import tpu as pltpu
from jax.experimental.pallas import tpu_sc as plsc

_V = 1000
_D = 128
_L = 200
_B = 4096

_N = _B * _L
_NW = 32
_SEQ_W = _B // _NW
_TOK_W = _N // _NW
_CH = _SEQ_W
_NCH = _L
_NBUF = 4
_LANES = 16


def _pos_encoding():
    even_i = jnp.arange(0, _D, 2).astype(jnp.float32)
    denominator = jnp.power(10000.0, even_i / _D)
    position = jnp.arange(_L).reshape(_L, 1).astype(jnp.float32)
    even_pos = jnp.sin(position / denominator)
    odd_pos = jnp.cos(position / denominator)
    return jnp.stack([even_pos, odd_pos], axis=2).reshape(_L, _D)


_mesh = plsc.VectorSubcoreMesh(core_axis_name="c", subcore_axis_name="s")


@functools.partial(
    pl.kernel,
    out_type=jax.ShapeDtypeStruct((_N, _D), jnp.float32),
    mesh=_mesh,
    scratch_types=[
        pltpu.VMEM((_NCH, _CH), jnp.int32),
        pltpu.VMEM((_L, _D), jnp.float32),
        pltpu.VMEM((_NBUF, _CH, _D), jnp.float32),
        pltpu.VMEM((_NBUF, 2, _CH // 2), jnp.int32),
        pltpu.VMEM((1, _CH), jnp.int32),
        pltpu.VMEM_SHARED((_V, _D), jnp.float32),
        [pltpu.SemaphoreType.DMA] * _NBUF,
        [pltpu.SemaphoreType.DMA] * _NBUF,
    ],
)
def _emb_kernel(table_hbm, idx_hbm, pos_hbm, out_hbm, idx_v, pos_v, rows_v,
                oidx_v, obase_v, table_sh, gsem, ssem):
    sid = lax.axis_index("s")
    wid = sid * 2 + lax.axis_index("c")

    @pl.when(sid == 0)
    def _():
        pltpu.sync_copy(table_hbm, table_sh)

    pltpu.sync_copy(idx_hbm.at[wid], idx_v)
    pltpu.sync_copy(pos_hbm, pos_v)
    base = wid * _TOK_W
    for j in range(_CH // _LANES):
        obase_v[0, pl.ds(j * _LANES, _LANES)] = (
            (lax.iota(jnp.int32, _LANES) + j * _LANES) * _L + base)
    plsc.subcore_barrier()

    def store_half(b, h):
        return pltpu.make_async_copy(
            rows_v.at[b, pl.ds(h * (_CH // 2), _CH // 2)],
            out_hbm.at[oidx_v.at[b, h]], ssem[b])

    pltpu.async_copy(table_sh.at[idx_v.at[0]], rows_v.at[0], gsem[0])
    pltpu.async_copy(table_sh.at[idx_v.at[1]], rows_v.at[1], gsem[1])

    @pl.loop(0, _NCH, step=_NBUF)
    def _chunk(c0):
        for b in range(_NBUF):
            c = c0 + b
            gb = (b + 2) % _NBUF

            @pl.when(c >= 2)
            def _():
                store_half(gb, 0).wait()
                store_half(gb, 1).wait()

            @pl.when(c + 2 < _NCH)
            def _():
                pltpu.async_copy(table_sh.at[idx_v.at[c + 2]], rows_v.at[gb],
                                 gsem[gb])

            for j in range(_CH // _LANES):
                h, jj = divmod(j, _CH // 2 // _LANES)
                sl = pl.ds(jj * _LANES, _LANES)
                oidx_v[b, h, sl] = obase_v[0, pl.ds(j * _LANES, _LANES)] + c

            pltpu.make_async_copy(table_sh.at[idx_v.at[c]], rows_v.at[b],
                                  gsem[b]).wait()

            pvecs = [pos_v[c, pl.ds(d * _LANES, _LANES)]
                     for d in range(_D // _LANES)]
            for h in range(2):
                r0 = h * (_CH // 2)

                @pl.loop(r0, r0 + _CH // 2, unroll=4)
                def _row(r):
                    for d in range(_D // _LANES):
                        plsc.addupdate(
                            rows_v.at[b, r, pl.ds(d * _LANES, _LANES)],
                            pvecs[d])

                store_half(b, h).start()

    for c in (_NCH - 2, _NCH - 1):
        for h in range(2):
            store_half(c % _NBUF, h).wait()


def kernel(x, start_token, end_token, embedding_table):
    idx = x.reshape(_NW, _SEQ_W, _L).transpose(0, 2, 1).astype(jnp.int32)
    pos = _pos_encoding()
    out = _emb_kernel(embedding_table, idx, pos)
    return out.reshape(_B, _L, _D)

# --- scband reference (transcript-rebuilt; emitter-appended) ---
"""Pipeline reference for scband-sentence-embedding-8624294330792 (READ-ONLY COPY).

The authoritative reference and input builder live on the scoring server;
editing this copy changes nothing except your own understanding.
"""

import jax, jax.numpy as jnp
import numpy as np

V = 1000   # vocab_size = len(language_to_index)
D = 128    # d_model
L = 200    # max_sequence_length
B = 4096   # batch


def positional_encoding(max_len, d_model):
    # Faithful translation of PositionalEncoding.forward
    even_i = jnp.arange(0, d_model, 2).astype(jnp.float32)
    denominator = jnp.power(10000.0, even_i / d_model)
    position = jnp.arange(max_len).reshape(max_len, 1).astype(jnp.float32)
    even_pos_encode = jnp.sin(position / denominator)
    odd_pos_encode = jnp.cos(position / denominator)
    stacked = jnp.stack([even_pos_encode, odd_pos_encode], axis=2)
    pos_encode = stacked.reshape(max_len, d_model)  # flatten(start_dim=1, end_dim=2)
    return pos_encode


def setup_inputs(seed: int = 0) -> dict:
    key = jax.random.key(seed)
    k1, k2 = jax.random.split(key)
    # Pre-tokenized sentence batch: int token ids in [0, V)
    x = jax.random.randint(k1, (B, L), 0, V)
    # Learned embedding table (nn.Embedding(V, D) default init ~ N(0, 1))
    embedding_table = jax.random.normal(k2, (V, D), dtype=jnp.float32)
    return {"x": x, "start_token": 1, "end_token": 1, "embedding_table": embedding_table}


def reference(x, start_token, end_token, embedding_table):
    # batch_tokenize is string preprocessing; x is already the tokenized int tensor.
    # start_token / end_token only affect tokenization, which happened upstream.
    emb = jnp.take(embedding_table, x, axis=0)           # nn.Embedding lookup (gather)
    pos = positional_encoding(L, D)[: emb.shape[1], :]    # pos_encode[:x.size(1), :]
    out = emb + pos                                       # dropout(p=0.1) is identity in eval
    return out

if __name__ == "__main__":
    import jax
    _d = setup_inputs()
    print(jax.jit(kernel)(*tuple(_d.values())))

</pallas_src>

<mosaic_0001>
#map = affine_map<(d0, d1) -> (0, 0)>
#map1 = affine_map<(d0, d1) -> (0, 0, 0)>
module attributes {stable_mosaic.version = 14 : i64} {
  func.func @_emb_kernel(%arg0: i32, %arg1: i32, %arg2: memref<1000x128xf32, #tpu.memory_space<hbm>>, %arg3: memref<32x200x128xi32, #tpu.memory_space<hbm>>, %arg4: memref<200x128xf32, #tpu.memory_space<hbm>>, %arg5: memref<819200x128xf32, #tpu.memory_space<hbm>>, %arg6: memref<200x128xi32, #tpu.memory_space<vmem>>, %arg7: memref<200x128xf32, #tpu.memory_space<vmem>>, %arg8: memref<4x128x128xf32, #tpu.memory_space<vmem>>, %arg9: memref<4x2x64xi32, #tpu.memory_space<vmem>>, %arg10: memref<1x128xi32, #tpu.memory_space<vmem>>, %arg11: memref<1000x128xf32, #tpu.memory_space<vmem_shared>>, %arg12: memref<!tpu.dma_semaphore, #tpu.memory_space<semaphore_mem>>, %arg13: memref<!tpu.dma_semaphore, #tpu.memory_space<semaphore_mem>>, %arg14: memref<!tpu.dma_semaphore, #tpu.memory_space<semaphore_mem>>, %arg15: memref<!tpu.dma_semaphore, #tpu.memory_space<semaphore_mem>>, %arg16: memref<!tpu.dma_semaphore, #tpu.memory_space<semaphore_mem>>, %arg17: memref<!tpu.dma_semaphore, #tpu.memory_space<semaphore_mem>>, %arg18: memref<!tpu.dma_semaphore, #tpu.memory_space<semaphore_mem>>, %arg19: memref<!tpu.dma_semaphore, #tpu.memory_space<semaphore_mem>>) attributes {dimension_semantics = [#tpu.dimension_semantics<core_parallel>, #tpu.dimension_semantics<subcore_parallel>], iteration_bounds = array<i64: 2, 16>, scalar_prefetch = 0 : i64, scratch_operands = 14 : i64, tpu.core_type = #tpu.core_type<sc_vector_subcore>, window_params = [{transform_indices = #map}, {transform_indices = #map1}, {transform_indices = #map}, {transform_indices = #map}]} {
    %mul3A = arith.constant 2 : i32
    %mul3A_0 = arith.muli %arg1, %mul3A : i32
    %add3A = arith.addi %mul3A_0, %arg0 : i32
    %eq3A = arith.constant 0 : i32
    %eq3A_1 = arith.cmpi eq, %arg1, %eq3A : i32
    %convert_element_type3A = arith.extui %eq3A_1 : i1 to i32
    %cond3A = arith.constant 0 : i32
    %cond3A_2 = arith.cmpi ne, %convert_element_type3A, %cond3A : i32
    scf.if %cond3A_2 {
      "tpu.region"() ({
        %run_scoped3A = tpu.sem_alloc : memref<!tpu.dma_semaphore, #tpu.memory_space<semaphore_mem>>
        tpu.enqueue_dma source(%arg2 : memref<1000x128xf32, #tpu.memory_space<hbm>>) target(%arg11 : memref<1000x128xf32, #tpu.memory_space<vmem_shared>>) target_semaphore(%run_scoped3A : memref<!tpu.dma_semaphore, #tpu.memory_space<semaphore_mem>>)
        tpu.wait_dma2 semaphore(%run_scoped3A : memref<!tpu.dma_semaphore, #tpu.memory_space<semaphore_mem>>) src(%arg2 : memref<1000x128xf32, #tpu.memory_space<hbm>>) dst(%arg11 : memref<1000x128xf32, #tpu.memory_space<vmem_shared>>)
        tpu.yield
      }) : () -> ()
    } else {
    }
    "tpu.region"() ({
      %run_scoped3A = tpu.sem_alloc : memref<!tpu.dma_semaphore, #tpu.memory_space<semaphore_mem>>
      %dma_start3A_201 = arith.constant 0 : i32
      %dma_start3A_202 = arith.constant 0 : i32
      %dma_start3A_203 = tpu.memref_slice %arg3[%add3A, %dma_start3A_201, %dma_start3A_202] : memref<32x200x128xi32, #tpu.memory_space<hbm>> -> memref<1x200x128xi32, #tpu.memory_space<hbm>>
      %dma_start3A_204 = tpu.memref_squeeze %dma_start3A_203 : memref<1x200x128xi32, #tpu.memory_space<hbm>> -> memref<200x128xi32, #tpu.memory_space<hbm>>
      %dma_start3A_205 = arith.constant 0 : i32
      %dma_start3A_206 = arith.constant 0 : i32
      %dma_start3A_207 = tpu.memref_slice %arg3[%add3A, %dma_start3A_205, %dma_start3A_206] : memref<32x200x128xi32, #tpu.memory_space<hbm>> -> memref<1x200x128xi32, #tpu.memory_space<hbm>>
      %dma_start3A_208 = tpu.memref_squeeze %dma_start3A_207 : memref<1x200x128xi32, #tpu.memory_space<hbm>> -> memref<200x128xi32, #tpu.memory_space<hbm>>
      tpu.enqueue_dma source(%dma_start3A_208 : memref<200x128xi32, #tpu.memory_space<hbm>>) target(%arg6 : memref<200x128xi32, #tpu.memory_space<vmem>>) target_semaphore(%run_scoped3A : memref<!tpu.dma_semaphore, #tpu.memory_space<semaphore_mem>>)
      %dma_wait3A_209 = arith.constant 0 : i32
      %dma_wait3A_210 = arith.constant 0 : i32
      %dma_wait3A_211 = tpu.memref_slice %arg3[%add3A, %dma_wait3A_209, %dma_wait3A_210] : memref<32x200x128xi32, #tpu.memory_space<hbm>> -> memref<1x200x128xi32, #tpu.memory_space<hbm>>
      %dma_wait3A_212 = tpu.memref_squeeze %dma_wait3A_211 : memref<1x200x128xi32, #tpu.memory_space<hbm>> -> memref<200x128xi32, #tpu.memory_space<hbm>>
      %dma_wait3A_213 = arith.constant 0 : i32
      %dma_wait3A_214 = arith.constant 0 : i32
      %dma_wait3A_215 = tpu.memref_slice %arg3[%add3A, %dma_wait3A_213, %dma_wait3A_214] : memref<32x200x128xi32, #tpu.memory_space<hbm>> -> memref<1x200x128xi32, #tpu.memory_space<hbm>>
      %dma_wait3A_216 = tpu.memref_squeeze %dma_wait3A_215 : memref<1x200x128xi32, #tpu.memory_space<hbm>> -> memref<200x128xi32, #tpu.memory_space<hbm>>
      tpu.wait_dma2 semaphore(%run_scoped3A : memref<!tpu.dma_semaphore, #tpu.memory_space<semaphore_mem>>) src(%dma_wait3A_216 : memref<200x128xi32, #tpu.memory_space<hbm>>) dst(%arg6 : memref<200x128xi32, #tpu.memory_space<vmem>>)
      tpu.yield
    }) : () -> ()
    "tpu.region"() ({
      %run_scoped3A = tpu.sem_alloc : memref<!tpu.dma_semaphore, #tpu.memory_space<semaphore_mem>>
      tpu.enqueue_dma source(%arg4 : memref<200x128xf32, #tpu.memory_space<hbm>>) target(%arg7 : memref<200x128xf32, #tpu.memory_space<vmem>>) target_semaphore(%run_scoped3A : memref<!tpu.dma_semaphore, #tpu.memory_space<semaphore_mem>>)
      tpu.wait_dma2 semaphore(%run_scoped3A : memref<!tpu.dma_semaphore, #tpu.memory_space<semaphore_mem>>) src(%arg4 : memref<200x128xf32, #tpu.memory_space<hbm>>) dst(%arg7 : memref<200x128xf32, #tpu.memory_space<vmem>>)
      tpu.yield
    }) : () -> ()
    %mul3A_3 = arith.constant 25600 : i32
    %mul3A_4 = arith.muli %add3A, %mul3A_3 : i32
    %iota3A = tpu.iota {dimensions = array<i32: 0>} : vector<16xi32>
    %add3A_5 = arith.constant 0 : i32
    %add3A_6 = vector.broadcast %add3A_5 : i32 to vector<16xi32>
    %add3A_7 = arith.addi %iota3A, %add3A_6 : vector<16xi32>
    %mul3A_8 = arith.constant 200 : i32
    %mul3A_9 = vector.broadcast %mul3A_8 : i32 to vector<16xi32>
    %mul3A_10 = arith.muli %add3A_7, %mul3A_9 : vector<16xi32>
    %add3A_11 = vector.broadcast %mul3A_4 : i32 to vector<16xi32>
    %add3A_12 = arith.addi %mul3A_10, %add3A_11 : vector<16xi32>
    %swap3A = arith.constant 0 : i32
    %swap3A_13 = arith.index_cast %swap3A : i32 to index
    %swap3A_14 = arith.constant 0 : index
    %swap3A_15 = tpu.vector_load %arg10[%swap3A_13, %swap3A_14] {strides = array<i32>} : memref<1x128xi32, #tpu.memory_space<vmem>>, vector<1x16xi32>,
    %swap3A_16 = vector.shape_cast %swap3A_15 : vector<1x16xi32> to vector<16xi32>
    %swap3A_17 = vector.shape_cast %add3A_12 : vector<16xi32> to vector<1x16xi32>
    tpu.vector_store %arg10[%swap3A_13, %swap3A_14], %swap3A_17 {strides = array<i32>} : memref<1x128xi32, #tpu.memory_space<vmem>>, vector<1x16xi32>,
    %iota3A_18 = tpu.iota {dimensions = array<i32: 0>} : vector<16xi32>
    %add3A_19 = arith.constant 16 : i32
    %add3A_20 = vector.broadcast %add3A_19 : i32 to vector<16xi32>
    %add3A_21 = arith.addi %iota3A_18, %add3A_20 : vector<16xi32>
    %mul3A_22 = arith.constant 200 : i32
    %mul3A_23 = vector.broadcast %mul3A_22 : i32 to vector<16xi32>
    %mul3A_24 = arith.muli %add3A_21, %mul3A_23 : vector<16xi32>
    %add3A_25 = vector.broadcast %mul3A_4 : i32 to vector<16xi32>
    %add3A_26 = arith.addi %mul3A_24, %add3A_25 : vector<16xi32>
    %swap3A_27 = arith.constant 0 : i32
    %swap3A_28 = arith.index_cast %swap3A_27 : i32 to index
    %swap3A_29 = arith.constant 16 : index
    %swap3A_30 = tpu.vector_load %arg10[%swap3A_28, %swap3A_29] {strides = array<i32>} : memref<1x128xi32, #tpu.memory_space<vmem>>, vector<1x16xi32>,
    %swap3A_31 = vector.shape_cast %swap3A_30 : vector<1x16xi32> to vector<16xi32>
    %swap3A_32 = vector.shape_cast %add3A_26 : vector<16xi32> to vector<1x16xi32>
    tpu.vector_store %arg10[%swap3A_28, %swap3A_29], %swap3A_32 {strides = array<i32>} : memref<1x128xi32, #tpu.memory_space<vmem>>, vector<1x16xi32>,
    %iota3A_33 = tpu.iota {dimensions = array<i32: 0>} : vector<16xi32>
    %add3A_34 = arith.constant 32 : i32
    %add3A_35 = vector.broadcast %add3A_34 : i32 to vector<16xi32>
    %add3A_36 = arith.addi %iota3A_33, %add3A_35 : vector<16xi32>
    %mul3A_37 = arith.constant 200 : i32
    %mul3A_38 = vector.broadcast %mul3A_37 : i32 to vector<16xi32>
    %mul3A_39 = arith.muli %add3A_36, %mul3A_38 : vector<16xi32>
    %add3A_40 = vector.broadcast %mul3A_4 : i32 to vector<16xi32>
    %add3A_41 = arith.addi %mul3A_39, %add3A_40 : vector<16xi32>
    %swap3A_42 = arith.constant 0 : i32
    %swap3A_43 = arith.index_cast %swap3A_42 : i32 to index
    %swap3A_44 = arith.constant 32 : index
    %swap3A_45 = tpu.vector_load %arg10[%swap3A_43, %swap3A_44] {strides = array<i32>} : memref<1x128xi32, #tpu.memory_space<vmem>>, vector<1x16xi32>,
    %swap3A_46 = vector.shape_cast %swap3A_45 : vector<1x16xi32> to vector<16xi32>
    %swap3A_47 = vector.shape_cast %add3A_41 : vector<16xi32> to vector<1x16xi32>
    tpu.vector_store %arg10[%swap3A_43, %swap3A_44], %swap3A_47 {strides = array<i32>} : memref<1x128xi32, #tpu.memory_space<vmem>>, vector<1x16xi32>,
    %iota3A_48 = tpu.iota {dimensions = array<i32: 0>} : vector<16xi32>
    %add3A_49 = arith.constant 48 : i32
    %add3A_50 = vector.broadcast %add3A_49 : i32 to vector<16xi32>
    %add3A_51 = arith.addi %iota3A_48, %add3A_50 : vector<16xi32>
    %mul3A_52 = arith.constant 200 : i32
    %mul3A_53 = vector.broadcast %mul3A_52 : i32 to vector<16xi32>
    %mul3A_54 = arith.muli %add3A_51, %mul3A_53 : vector<16xi32>
    %add3A_55 = vector.broadcast %mul3A_4 : i32 to vector<16xi32>
    %add3A_56 = arith.addi %mul3A_54, %add3A_55 : vector<16xi32>
    %swap3A_57 = arith.constant 0 : i32
    %swap3A_58 = arith.index_cast %swap3A_57 : i32 to index
    %swap3A_59 = arith.constant 48 : index
    %swap3A_60 = tpu.vector_load %arg10[%swap3A_58, %swap3A_59] {strides = array<i32>} : memref<1x128xi32, #tpu.memory_space<vmem>>, vector<1x16xi32>,
    %swap3A_61 = vector.shape_cast %swap3A_60 : vector<1x16xi32> to vector<16xi32>
    %swap3A_62 = vector.shape_cast %add3A_56 : vector<16xi32> to vector<1x16xi32>
    tpu.vector_store %arg10[%swap3A_58, %swap3A_59], %swap3A_62 {strides = array<i32>} : memref<1x128xi32, #tpu.memory_space<vmem>>, vector<1x16xi32>,
    %iota3A_63 = tpu.iota {dimensions = array<i32: 0>} : vector<16xi32>
    %add3A_64 = arith.constant 64 : i32
    %add3A_65 = vector.broadcast %add3A_64 : i32 to vector<16xi32>
    %add3A_66 = arith.addi %iota3A_63, %add3A_65 : vector<16xi32>
    %mul3A_67 = arith.constant 200 : i32
    %mul3A_68 = vector.broadcast %mul3A_67 : i32 to vector<16xi32>
    %mul3A_69 = arith.muli %add3A_66, %mul3A_68 : vector<16xi32>
    %add3A_70 = vector.broadcast %mul3A_4 : i32 to vector<16xi32>
    %add3A_71 = arith.addi %mul3A_69, %add3A_70 : vector<16xi32>
    %swap3A_72 = arith.constant 0 : i32
    %swap3A_73 = arith.index_cast %swap3A_72 : i32 to index
    %swap3A_74 = arith.constant 64 : index
    %swap3A_75 = tpu.vector_load %arg10[%swap3A_73, %swap3A_74] {strides = array<i32>} : memref<1x128xi32, #tpu.memory_space<vmem>>, vector<1x16xi32>,
    %swap3A_76 = vector.shape_cast %swap3A_75 : vector<1x16xi32> to vector<16xi32>
    %swap3A_77 = vector.shape_cast %add3A_71 : vector<16xi32> to vector<1x16xi32>
    tpu.vector_store %arg10[%swap3A_73, %swap3A_74], %swap3A_77 {strides = array<i32>} : memref<1x128xi32, #tpu.memory_space<vmem>>, vector<1x16xi32>,
    %iota3A_78 = tpu.iota {dimensions = array<i32: 0>} : vector<16xi32>
    %add3A_79 = arith.constant 80 : i32
    %add3A_80 = vector.broadcast %add3A_79 : i32 to vector<16xi32>
    %add3A_81 = arith.addi %iota3A_78, %add3A_80 : vector<16xi32>
    %mul3A_82 = arith.constant 200 : i32
    %mul3A_83 = vector.broadcast %mul3A_82 : i32 to vector<16xi32>
    %mul3A_84 = arith.muli %add3A_81, %mul3A_83 : vector<16xi32>
    %add3A_85 = vector.broadcast %mul3A_4 : i32 to vector<16xi32>
    %add3A_86 = arith.addi %mul3A_84, %add3A_85 : vector<16xi32>
    %swap3A_87 = arith.constant 0 : i32
    %swap3A_88 = arith.index_cast %swap3A_87 : i32 to index
    %swap3A_89 = arith.constant 80 : index
    %swap3A_90 = tpu.vector_load %arg10[%swap3A_88, %swap3A_89] {strides = array<i32>} : memref<1x128xi32, #tpu.memory_space<vmem>>, vector<1x16xi32>,
    %swap3A_91 = vector.shape_cast %swap3A_90 : vector<1x16xi32> to vector<16xi32>
    %swap3A_92 = vector.shape_cast %add3A_86 : vector<16xi32> to vector<1x16xi32>
    tpu.vector_store %arg10[%swap3A_88, %swap3A_89], %swap3A_92 {strides = array<i32>} : memref<1x128xi32, #tpu.memory_space<vmem>>, vector<1x16xi32>,
    %iota3A_93 = tpu.iota {dimensions = array<i32: 0>} : vector<16xi32>
    %add3A_94 = arith.constant 96 : i32
    %add3A_95 = vector.broadcast %add3A_94 : i32 to vector<16xi32>
    %add3A_96 = arith.addi %iota3A_93, %add3A_95 : vector<16xi32>
    %mul3A_97 = arith.constant 200 : i32
    %mul3A_98 = vector.broadcast %mul3A_97 : i32 to vector<16xi32>
    %mul3A_99 = arith.muli %add3A_96, %mul3A_98 : vector<16xi32>
    %add3A_100 = vector.broadcast %mul3A_4 : i32 to vector<16xi32>
    %add3A_101 = arith.addi %mul3A_99, %add3A_100 : vector<16xi32>
    %swap3A_102 = arith.constant 0 : i32
    %swap3A_103 = arith.index_cast %swap3A_102 : i32 to index
    %swap3A_104 = arith.constant 96 : index
    %swap3A_105 = tpu.vector_load %arg10[%swap3A_103, %swap3A_104] {strides = array<i32>} : memref<1x128xi32, #tpu.memory_space<vmem>>, vector<1x16xi32>,
    %swap3A_106 = vector.shape_cast %swap3A_105 : vector<1x16xi32> to vector<16xi32>
    %swap3A_107 = vector.shape_cast %add3A_101 : vector<16xi32> to vector<1x16xi32>
    tpu.vector_store %arg10[%swap3A_103, %swap3A_104], %swap3A_107 {strides = array<i32>} : memref<1x128xi32, #tpu.memory_space<vmem>>, vector<1x16xi32>,
    %iota3A_108 = tpu.iota {dimensions = array<i32: 0>} : vector<16xi32>
    %add3A_109 = arith.constant 112 : i32
    %add3A_110 = vector.broadcast %add3A_109 : i32 to vector<16xi32>
    %add3A_111 = arith.addi %iota3A_108, %add3A_110 : vector<16xi32>
    %mul3A_112 = arith.constant 200 : i32
    %mul3A_113 = vector.broadcast %mul3A_112 : i32 to vector<16xi32>
    %mul3A_114 = arith.muli %add3A_111, %mul3A_113 : vector<16xi32>
    %add3A_115 = vector.broadcast %mul3A_4 : i32 to vector<16xi32>
    %add3A_116 = arith.addi %mul3A_114, %add3A_115 : vector<16xi32>
    %swap3A_117 = arith.constant 0 : i32
    %swap3A_118 = arith.index_cast %swap3A_117 : i32 to index
    %swap3A_119 = arith.constant 112 : index
    %swap3A_120 = tpu.vector_load %arg10[%swap3A_118, %swap3A_119] {strides = array<i32>} : memref<1x128xi32, #tpu.memory_space<vmem>>, vector<1x16xi32>,
    %swap3A_121 = vector.shape_cast %swap3A_120 : vector<1x16xi32> to vector<16xi32>
    %swap3A_122 = vector.shape_cast %add3A_116 : vector<16xi32> to vector<1x16xi32>
    tpu.vector_store %arg10[%swap3A_118, %swap3A_119], %swap3A_122 {strides = array<i32>} : memref<1x128xi32, #tpu.memory_space<vmem>>, vector<1x16xi32>,
    %barrier3A = arith.constant 0 : index
    tpu.barrier barrier_id(%barrier3A)
    %dma_start3A = arith.constant 0 : i32
    %dma_start3A_123 = arith.constant 0 : i32
    %dma_start3A_124 = arith.constant 0 : i32
    %dma_start3A_125 = arith.constant 0 : i32
    %dma_start3A_126 = tpu.memref_slice %arg8[%dma_start3A_123, %dma_start3A_124, %dma_start3A_125] : memref<4x128x128xf32, #tpu.memory_space<vmem>> -> memref<1x128x128xf32, #tpu.memory_space<vmem>>
    %dma_start3A_127 = tpu.memref_squeeze %dma_start3A_126 : memref<1x128x128xf32, #tpu.memory_space<vmem>> -> memref<128x128xf32, #tpu.memory_space<vmem>>
    %dma_start3A_128 = arith.constant 0 : i32
    %dma_start3A_129 = tpu.memref_slice %arg6[%dma_start3A, %dma_start3A_128] : memref<200x128xi32, #tpu.memory_space<vmem>> -> memref<1x128xi32, #tpu.memory_space<vmem>>
    %dma_start3A_130 = tpu.memref_squeeze %dma_start3A_129 : memref<1x128xi32, #tpu.memory_space<vmem>> -> memref<128xi32, #tpu.memory_space<vmem>>
    %dma_start3A_131 = arith.constant 0 : i32
    %dma_start3A_132 = arith.constant 0 : i32
    %dma_start3A_133 = tpu.memref_slice %arg11[%dma_start3A_131, %dma_start3A_132] : memref<1000x128xf32, #tpu.memory_space<vmem_shared>> -> memref<1000x128xf32, #tpu.memory_space<vmem_shared>>
    tpu.enqueue_indirect_dma source(%dma_start3A_133 : memref<1000x128xf32, #tpu.memory_space<vmem_shared>>) target(%dma_start3A_127 : memref<128x128xf32, #tpu.memory_space<vmem>>) offsets(%dma_start3A_130 : memref<128xi32, #tpu.memory_space<vmem>>) semaphore(%arg12 : memref<!tpu.dma_semaphore, #tpu.memory_space<semaphore_mem>>)
    %dma_start3A_134 = arith.constant 1 : i32
    %dma_start3A_135 = arith.constant 1 : i32
    %dma_start3A_136 = arith.constant 0 : i32
    %dma_start3A_137 = arith.constant 0 : i32
    %dma_start3A_138 = tpu.memref_slice %arg8[%dma_start3A_135, %dma_start3A_136, %dma_start3A_137] : memref<4x128x128xf32, #tpu.memory_space<vmem>> -> memref<1x128x128xf32, #tpu.memory_space<vmem>>
    %dma_start3A_139 = tpu.memref_squeeze %dma_start3A_138 : memref<1x128x128xf32, #tpu.memory_space<vmem>> -> memref<128x128xf32, #tpu.memory_space<vmem>>
    %dma_start3A_140 = arith.constant 0 : i32
    %dma_start3A_141 = tpu.memref_slice %arg6[%dma_start3A_134, %dma_start3A_140] : memref<200x128xi32, #tpu.memory_space<vmem>> -> memref<1x128xi32, #tpu.memory_space<vmem>>
    %dma_start3A_142 = tpu.memref_squeeze %dma_start3A_141 : memref<1x128xi32, #tpu.memory_space<vmem>> -> memref<128xi32, #tpu.memory_space<vmem>>
    %dma_start3A_143 = arith.constant 0 : i32
    %dma_start3A_144 = arith.constant 0 : i32
    %dma_start3A_145 = tpu.memref_slice %arg11[%dma_start3A_143, %dma_start3A_144] : memref<1000x128xf32, #tpu.memory_space<vmem_shared>> -> memref<1000x128xf32, #tpu.memory_space<vmem_shared>>
    tpu.enqueue_indirect_dma source(%dma_start3A_145 : memref<1000x128xf32, #tpu.memory_space<vmem_shared>>) target(%dma_start3A_139 : memref<128x128xf32, #tpu.memory_space<vmem>>) offsets(%dma_start3A_142 : memref<128xi32, #tpu.memory_space<vmem>>) semaphore(%arg13 : memref<!tpu.dma_semaphore, #tpu.memory_space<semaphore_mem>>)
    %scan3A = arith.constant 0 : i32
    %scan3A_146 = arith.constant 50 : i32
    %scan3A_147 = arith.addi %scan3A, %scan3A_146 : i32
    %scan3A_148 = arith.constant 1 : i32
    scf.for %scan3A_201 = %scan3A to %scan3A_147 step %scan3A_148  : i32 {
      %mul3A_202 = arith.constant 4 : i32
      %mul3A_203 = arith.muli %scan3A_201, %mul3A_202 : i32
      %add3A_204 = arith.constant 0 : i32
      %add3A_205 = arith.addi %add3A_204, %mul3A_203 : i32
      %add3A_206 = arith.constant 0 : i32
      %add3A_207 = arith.addi %add3A_205, %add3A_206 : i32
      %ge3A = arith.constant 2 : i32
      %ge3A_208 = arith.cmpi sge, %add3A_207, %ge3A : i32
      %convert_element_type3A_209 = arith.extui %ge3A_208 : i1 to i32
      %cond3A_210 = arith.constant 0 : i32
      %cond3A_211 = arith.cmpi ne, %convert_element_type3A_209, %cond3A_210 : i32
      scf.if %cond3A_211 {
        %dma_wait3A_1055 = arith.constant 2 : i32
        %dma_wait3A_1056 = arith.constant 2 : i32
        %dma_wait3A_1057 = arith.constant 0 : i32
        %dma_wait3A_1058 = arith.constant 0 : i32
        %dma_wait3A_1059 = arith.constant 0 : i32
        %dma_wait3A_1060 = tpu.memref_slice %arg8[%dma_wait3A_1055, %dma_wait3A_1058, %dma_wait3A_1059] : memref<4x128x128xf32, #tpu.memory_space<vmem>> -> memref<1x64x128xf32, #tpu.memory_space<vmem>>
        %dma_wait3A_1061 = tpu.memref_squeeze %dma_wait3A_1060 : memref<1x64x128xf32, #tpu.memory_space<vmem>> -> memref<64x128xf32, #tpu.memory_space<vmem>>
        %dma_wait3A_1062 = arith.constant 0 : i32
        %dma_wait3A_1063 = tpu.memref_slice %arg9[%dma_wait3A_1056, %dma_wait3A_1057, %dma_wait3A_1062] : memref<4x2x64xi32, #tpu.memory_space<vmem>> -> memref<1x1x64xi32, #tpu.memory_space<vmem>>
        %dma_wait3A_1064 = tpu.memref_squeeze %dma_wait3A_1063 : memref<1x1x64xi32, #tpu.memory_space<vmem>> -> memref<64xi32, #tpu.memory_space<vmem>>
        %dma_wait3A_1065 = arith.constant 0 : i32
        %dma_wait3A_1066 = arith.constant 0 : i32
        %dma_wait3A_1067 = tpu.memref_slice %arg5[%dma_wait3A_1065, %dma_wait3A_1066] : memref<819200x128xf32, #tpu.memory_space<hbm>> -> memref<819200x128xf32, #tpu.memory_space<hbm>>
        tpu.wait_indirect_dma semaphore(%arg18 : memref<!tpu.dma_semaphore, #tpu.memory_space<semaphore_mem>>) src(%dma_wait3A_1061 : memref<64x128xf32, #tpu.memory_space<vmem>>) dst(%dma_wait3A_1067 : memref<819200x128xf32, #tpu.memory_space<hbm>>)
        %dma_wait3A_1068 = arith.constant 2 : i32
        %dma_wait3A_1069 = arith.constant 2 : i32
        %dma_wait3A_1070 = arith.constant 1 : i32
        %dma_wait3A_1071 = arith.constant 64 : i32
        %dma_wait3A_1072 = arith.constant 0 : i32
        %dma_wait3A_1073 = tpu.memref_slice %arg8[%dma_wait3A_1068, %dma_wait3A_1071, %dma_wait3A_1072] : memref<4x128x128xf32, #tpu.memory_space<vmem>> -> memref<1x64x128xf32, #tpu.memory_space<vmem>>
        %dma_wait3A_1074 = tpu.memref_squeeze %dma_wait3A_1073 : memref<1x64x128xf32, #tpu.memory_space<vmem>> -> memref<64x128xf32, #tpu.memory_space<vmem>>
        %dma_wait3A_1075 = arith.constant 0 : i32
        %dma_wait3A_1076 = tpu.memref_slice %arg9[%dma_wait3A_1069, %dma_wait3A_1070, %dma_wait3A_1075] : memref<4x2x64xi32, #tpu.memory_space<vmem>> -> memref<1x1x64xi32, #tpu.memory_space<vmem>>
        %dma_wait3A_1077 = tpu.memref_squeeze %dma_wait3A_1076 : memref<1x1x64xi32, #tpu.memory_space<vmem>> -> memref<64xi32, #tpu.memory_space<vmem>>
        %dma_wait3A_1078 = arith.constant 0 : i32
        %dma_wait3A_1079 = arith.constant 0 : i32
        %dma_wait3A_1080 = tpu.memref_slice %arg5[%dma_wait3A_1078, %dma_wait3A_1079] : memref<819200x128xf32, #tpu.memory_space<hbm>> -> memref<819200x128xf32, #tpu.memory_space<hbm>>
        tpu.wait_indirect_dma semaphore(%arg18 : memref<!tpu.dma_semaphore, #tpu.memory_space<semaphore_mem>>) src(%dma_wait3A_1074 : memref<64x128xf32, #tpu.memory_space<vmem>>) dst(%dma_wait3A_1080 : memref<819200x128xf32, #tpu.memory_space<hbm>>)
      } else {
      }
      %add3A_212 = arith.constant 2 : i32
      %add3A_213 = arith.addi %add3A_207, %add3A_212 : i32
      %lt3A = arith.constant 200 : i32
      %lt3A_214 = arith.cmpi slt, %add3A_213, %lt3A : i32
      %convert_element_type3A_215 = arith.extui %lt3A_214 : i1 to i32
      %cond3A_216 = arith.constant 0 : i32
      %cond3A_217 = arith.cmpi ne, %convert_element_type3A_215, %cond3A_216 : i32
      scf.if %cond3A_217 {
        %add3A_1055 = arith.constant 2 : i32
        %add3A_1056 = arith.addi %add3A_207, %add3A_1055 : i32
        %dma_start3A_1057 = arith.constant 2 : i32
        %dma_start3A_1058 = arith.constant 0 : i32
        %dma_start3A_1059 = arith.constant 0 : i32
        %dma_start3A_1060 = tpu.memref_slice %arg8[%dma_start3A_1057, %dma_start3A_1058, %dma_start3A_1059] : memref<4x128x128xf32, #tpu.memory_space<vmem>> -> memref<1x128x128xf32, #tpu.memory_space<vmem>>
        %dma_start3A_1061 = tpu.memref_squeeze %dma_start3A_1060 : memref<1x128x128xf32, #tpu.memory_space<vmem>> -> memref<128x128xf32, #tpu.memory_space<vmem>>
        %dma_start3A_1062 = arith.constant 0 : i32
        %dma_start3A_1063 = tpu.memref_slice %arg6[%add3A_1056, %dma_start3A_1062] : memref<200x128xi32, #tpu.memory_space<vmem>> -> memref<1x128xi32, #tpu.memory_space<vmem>>
        %dma_start3A_1064 = tpu.memref_squeeze %dma_start3A_1063 : memref<1x128xi32, #tpu.memory_space<vmem>> -> memref<128xi32, #tpu.memory_space<vmem>>
        %dma_start3A_1065 = arith.constant 0 : i32
        %dma_start3A_1066 = arith.constant 0 : i32
        %dma_start3A_1067 = tpu.memref_slice %arg11[%dma_start3A_1065, %dma_start3A_1066] : memref<1000x128xf32, #tpu.memory_space<vmem_shared>> -> memref<1000x128xf32, #tpu.memory_space<vmem_shared>>
        tpu.enqueue_indirect_dma source(%dma_start3A_1067 : memref<1000x128xf32, #tpu.memory_space<vmem_shared>>) target(%dma_start3A_1061 : memref<128x128xf32, #tpu.memory_space<vmem>>) offsets(%dma_start3A_1064 : memref<128xi32, #tpu.memory_space<vmem>>) semaphore(%arg14 : memref<!tpu.dma_semaphore, #tpu.memory_space<semaphore_mem>>)
      } else {
      }
      %get3A = arith.constant 0 : i32
      %get3A_218 = arith.index_cast %get3A : i32 to index
      %get3A_219 = arith.constant 0 : index
      %get3A_220 = tpu.vector_load %arg10[%get3A_218, %get3A_219] {strides = array<i32>} : memref<1x128xi32, #tpu.memory_space<vmem>>, vector<1x16xi32>,
      %get3A_221 = vector.shape_cast %get3A_220 : vector<1x16xi32> to vector<16xi32>
      %add3A_222 = vector.broadcast %add3A_207 : i32 to vector<16xi32>
      %add3A_223 = arith.addi %get3A_221, %add3A_222 : vector<16xi32>
      %swap3A_224 = arith.constant 0 : i32
      %swap3A_225 = arith.constant 0 : i32
      %swap3A_226 = arith.index_cast %swap3A_224 : i32 to index
      %swap3A_227 = arith.index_cast %swap3A_225 : i32 to index
      %swap3A_228 = arith.constant 0 : index
      %swap3A_229 = tpu.vector_load %arg9[%swap3A_226, %swap3A_227, %swap3A_228] {strides = array<i32>} : memref<4x2x64xi32, #tpu.memory_space<vmem>>, vector<1x1x16xi32>,
      %swap3A_230 = vector.shape_cast %swap3A_229 : vector<1x1x16xi32> to vector<16xi32>
      %swap3A_231 = vector.shape_cast %add3A_223 : vector<16xi32> to vector<1x1x16xi32>
      tpu.vector_store %arg9[%swap3A_226, %swap3A_227, %swap3A_228], %swap3A_231 {strides = array<i32>} : memref<4x2x64xi32, #tpu.memory_space<vmem>>, vector<1x1x16xi32>,
      %get3A_232 = arith.constant 0 : i32
      %get3A_233 = arith.index_cast %get3A_232 : i32 to index
      %get3A_234 = arith.constant 16 : index
      %get3A_235 = tpu.vector_load %arg10[%get3A_233, %get3A_234] {strides = array<i32>} : memref<1x128xi32, #tpu.memory_space<vmem>>, vector<1x16xi32>,
      %get3A_236 = vector.shape_cast %get3A_235 : vector<1x16xi32> to vector<16xi32>
      %add3A_237 = vector.broadcast %add3A_207 : i32 to vector<16xi32>
      %add3A_238 = arith.addi %get3A_236, %add3A_237 : vector<16xi32>
      %swap3A_239 = arith.constant 0 : i32
      %swap3A_240 = arith.constant 0 : i32
      %swap3A_241 = arith.index_cast %swap3A_239 : i32 to index
      %swap3A_242 = arith.index_cast %swap3A_240 : i32 to index
      %swap3A_243 = arith.constant 16 : index
      %swap3A_244 = tpu.vector_load %arg9[%swap3A_241, %swap3A_242, %swap3A_243] {strides = array<i32>} : memref<4x2x64xi32, #tpu.memory_space<vmem>>, vector<1x1x16xi32>,
      %swap3A_245 = vector.shape_cast %swap3A_244 : vector<1x1x16xi32> to vector<16xi32>
      %swap3A_246 = vector.shape_cast %add3A_238 : vector<16xi32> to vector<1x1x16xi32>
      tpu.vector_store %arg9[%swap3A_241, %swap3A_242, %swap3A_243], %swap3A_246 {strides = array<i32>} : memref<4x2x64xi32, #tpu.memory_space<vmem>>, vector<1x1x16xi32>,
      %get3A_247 = arith.constant 0 : i32
      %get3A_248 = arith.index_cast %get3A_247 : i32 to index
      %get3A_249 = arith.constant 32 : index
      %get3A_250 = tpu.vector_load %arg10[%get3A_248, %get3A_249] {strides = array<i32>} : memref<1x128xi32, #tpu.memory_space<vmem>>, vector<1x16xi32>,
      %get3A_251 = vector.shape_cast %get3A_250 : vector<1x16xi32> to vector<16xi32>
      %add3A_252 = vector.broadcast %add3A_207 : i32 to vector<16xi32>
      %add3A_253 = arith.addi %get3A_251, %add3A_252 : vector<16xi32>
      %swap3A_254 = arith.constant 0 : i32
      %swap3A_255 = arith.constant 0 : i32
      %swap3A_256 = arith.index_cast %swap3A_254 : i32 to index
      %swap3A_257 = arith.index_cast %swap3A_255 : i32 to index
      %swap3A_258 = arith.constant 32 : index
      %swap3A_259 = tpu.vector_load %arg9[%swap3A_256, %swap3A_257, %swap3A_258] {strides = array<i32>} : memref<4x2x64xi32, #tpu.memory_space<vmem>>, vector<1x1x16xi32>,
      %swap3A_260 = vector.shape_cast %swap3A_259 : vector<1x1x16xi32> to vector<16xi32>
      %swap3A_261 = vector.shape_cast %add3A_253 : vector<16xi32> to vector<1x1x16xi32>
      tpu.vector_store %arg9[%swap3A_256, %swap3A_257, %swap3A_258], %swap3A_261 {strides = array<i32>} : memref<4x2x64xi32, #tpu.memory_space<vmem>>, vector<1x1x16xi32>,
      %get3A_262 = arith.constant 0 : i32
      %get3A_263 = arith.index_cast %get3A_262 : i32 to index
      %get3A_264 = arith.constant 48 : index
      %get3A_265 = tpu.vector_load %arg10[%get3A_263, %get3A_264] {strides = array<i32>} : memref<1x128xi32, #tpu.memory_space<vmem>>, vector<1x16xi32>,
      %get3A_266 = vector.shape_cast %get3A_265 : vector<1x16xi32> to vector<16xi32>
      %add3A_267 = vector.broadcast %add3A_207 : i32 to vector<16xi32>
      %add3A_268 = arith.addi %get3A_266, %add3A_267 : vector<16xi32>
      %swap3A_269 = arith.constant 0 : i32
      %swap3A_270 = arith.constant 0 : i32
      %swap3A_271 = arith.index_cast %swap3A_269 : i32 to index
      %swap3A_272 = arith.index_cast %swap3A_270 : i32 to index
      %swap3A_273 = arith.constant 48 : index
      %swap3A_274 = tpu.vector_load %arg9[%swap3A_271, %swap3A_272, %swap3A_273] {strides = array<i32>} : memref<4x2x64xi32, #tpu.memory_space<vmem>>, vector<1x1x16xi32>,
      %swap3A_275 = vector.shape_cast %swap3A_274 : vector<1x1x16xi32> to vector<16xi32>
      %swap3A_276 = vector.shape_cast %add3A_268 : vector<16xi32> to vector<1x1x16xi32>
      tpu.vector_store %arg9[%swap3A_271, %swap3A_272, %swap3A_273], %swap3A_276 {strides = array<i32>} : memref<4x2x64xi32, #tpu.memory_space<vmem>>, vector<1x1x16xi32>,
      %get3A_277 = arith.constant 0 : i32
      %get3A_278 = arith.index_cast %get3A_277 : i32 to index
      %get3A_279 = arith.constant 64 : index
      %get3A_280 = tpu.vector_load %arg10[%get3A_278, %get3A_279] {strides = array<i32>} : memref<1x128xi32, #tpu.memory_space<vmem>>, vector<1x16xi32>,
      %get3A_281 = vector.shape_cast %get3A_280 : vector<1x16xi32> to vector<16xi32>
      %add3A_282 = vector.broadcast %add3A_207 : i32 to vector<16xi32>
      %add3A_283 = arith.addi %get3A_281, %add3A_282 : vector<16xi32>
      %swap3A_284 = arith.constant 0 : i32
      %swap3A_285 = arith.constant 1 : i32
      %swap3A_286 = arith.index_cast %swap3A_284 : i32 to index
      %swap3A_287 = arith.index_cast %swap3A_285 : i32 to index
      %swap3A_288 = arith.constant 0 : index
      %swap3A_289 = tpu.vector_load %arg9[%swap3A_286, %swap3A_287, %swap3A_288] {strides = array<i32>} : memref<4x2x64xi32, #tpu.memory_space<vmem>>, vector<1x1x16xi32>,
      %swap3A_290 = vector.shape_cast %swap3A_289 : vector<1x1x16xi32> to vector<16xi32>
      %swap3A_291 = vector.shape_cast %add3A_283 : vector<16xi32> to vector<1x1x16xi32>
      tpu.vector_store %arg9[%swap3A_286, %swap3A_287, %swap3A_288], %swap3A_291 {strides = array<i32>} : memref<4x2x64xi32, #tpu.memory_space<vmem>>, vector<1x1x16xi32>,
      %get3A_292 = arith.constant 0 : i32
      %get3A_293 = arith.index_cast %get3A_292 : i32 to index
      %get3A_294 = arith.constant 80 : index
      %get3A_295 = tpu.vector_load %arg10[%get3A_293, %get3A_294] {strides = array<i32>} : memref<1x128xi32, #tpu.memory_space<vmem>>, vector<1x16xi32>,
      %get3A_296 = vector.shape_cast %get3A_295 : vector<1x16xi32> to vector<16xi32>
      %add3A_297 = vector.broadcast %add3A_207 : i32 to vector<16xi32>
      %add3A_298 = arith.addi %get3A_296, %add3A_297 : vector<16xi32>
      %swap3A_299 = arith.constant 0 : i32
      %swap3A_300 = arith.constant 1 : i32
      %swap3A_301 = arith.index_cast %swap3A_299 : i32 to index
      %swap3A_302 = arith.index_cast %swap3A_300 : i32 to index
      %swap3A_303 = arith.constant 16 : index
      %swap3A_304 = tpu.vector_load %arg9[%swap3A_301, %swap3A_302, %swap3A_303] {strides = array<i32>} : memref<4x2x64xi32, #tpu.memory_space<vmem>>, vector<1x1x16xi32>,
      %swap3A_305 = vector.shape_cast %swap3A_304 : vector<1x1x16xi32> to vector<16xi32>
      %swap3A_306 = vector.shape_cast %add3A_298 : vector<16xi32> to vector<1x1x16xi32>
      tpu.vector_store %arg9[%swap3A_301, %swap3A_302, %swap3A_303], %swap3A_306 {strides = array<i32>} : memref<4x2x64xi32, #tpu.memory_space<vmem>>, vector<1x1x16xi32>,
      %get3A_307 = arith.constant 0 : i32
      %get3A_308 = arith.index_cast %get3A_307 : i32 to index
      %get3A_309 = arith.constant 96 : index
      %get3A_310 = tpu.vector_load %arg10[%get3A_308, %get3A_309] {strides = array<i32>} : memref<1x128xi32, #tpu.memory_space<vmem>>, vector<1x16xi32>,
      %get3A_311 = vector.shape_cast %get3A_310 : vector<1x16xi32> to vector<16xi32>
      %add3A_312 = vector.broadcast %add3A_207 : i32 to vector<16xi32>
      %add3A_313 = arith.addi %get3A_311, %add3A_312 : vector<16xi32>
      %swap3A_314 = arith.constant 0 : i32
      %swap3A_315 = arith.constant 1 : i32
      %swap3A_316 = arith.index_cast %swap3A_314 : i32 to index
      %swap3A_317 = arith.index_cast %swap3A_315 : i32 to index
      %swap3A_318 = arith.constant 32 : index
      %swap3A_319 = tpu.vector_load %arg9[%swap3A_316, %swap3A_317, %swap3A_318] {strides = array<i32>} : memref<4x2x64xi32, #tpu.memory_space<vmem>>, vector<1x1x16xi32>,
      %swap3A_320 = vector.shape_cast %swap3A_319 : vector<1x1x16xi32> to vector<16xi32>
      %swap3A_321 = vector.shape_cast %add3A_313 : vector<16xi32> to vector<1x1x16xi32>
      tpu.vector_store %arg9[%swap3A_316, %swap3A_317, %swap3A_318], %swap3A_321 {strides = array<i32>} : memref<4x2x64xi32, #tpu.memory_space<vmem>>, vector<1x1x16xi32>,
      %get3A_322 = arith.constant 0 : i32
      %get3A_323 = arith.index_cast %get3A_322 : i32 to index
      %get3A_324 = arith.constant 112 : index
      %get3A_325 = tpu.vector_load %arg10[%get3A_323, %get3A_324] {strides = array<i32>} : memref<1x128xi32, #tpu.memory_space<vmem>>, vector<1x16xi32>,
      %get3A_326 = vector.shape_cast %get3A_325 : vector<1x16xi32> to vector<16xi32>
      %add3A_327 = vector.broadcast %add3A_207 : i32 to vector<16xi32>
      %add3A_328 = arith.addi %get3A_326, %add3A_327 : vector<16xi32>
      %swap3A_329 = arith.constant 0 : i32
      %swap3A_330 = arith.constant 1 : i32
      %swap3A_331 = arith.index_cast %swap3A_329 : i32 to index
      %swap3A_332 = arith.index_cast %swap3A_330 : i32 to index
      %swap3A_333 = arith.constant 48 : index
      %swap3A_334 = tpu.vector_load %arg9[%swap3A_331, %swap3A_332, %swap3A_333] {strides = array<i32>} : memref<4x2x64xi32, #tpu.memory_space<vmem>>, vector<1x1x16xi32>,
      %swap3A_335 = vector.shape_cast %swap3A_334 : vector<1x1x16xi32> to vector<16xi32>
      %swap3A_336 = vector.shape_cast %add3A_328 : vector<16xi32> to vector<1x1x16xi32>
      tpu.vector_store %arg9[%swap3A_331, %swap3A_332, %swap3A_333], %swap3A_336 {strides = array<i32>} : memref<4x2x64xi32, #tpu.memory_space<vmem>>, vector<1x1x16xi32>,
      %dma_wait3A_337 = arith.constant 0 : i32
      %dma_wait3A_338 = arith.constant 0 : i32
      %dma_wait3A_339 = arith.constant 0 : i32
      %dma_wait3A_340 = tpu.memref_slice %arg8[%dma_wait3A_337, %dma_wait3A_338, %dma_wait3A_339] : memref<4x128x128xf32, #tpu.memory_space<vmem>> -> memref<1x128x128xf32, #tpu.memory_space<vmem>>
      %dma_wait3A_341 = tpu.memref_squeeze %dma_wait3A_340 : memref<1x128x128xf32, #tpu.memory_space<vmem>> -> memref<128x128xf32, #tpu.memory_space<vmem>>
      %dma_wait3A_342 = arith.constant 0 : i32
      %dma_wait3A_343 = tpu.memref_slice %arg6[%add3A_207, %dma_wait3A_342] : memref<200x128xi32, #tpu.memory_space<vmem>> -> memref<1x128xi32, #tpu.memory_space<vmem>>
      %dma_wait3A_344 = tpu.memref_squeeze %dma_wait3A_343 : memref<1x128xi32, #tpu.memory_space<vmem>> -> memref<128xi32, #tpu.memory_space<vmem>>
      %dma_wait3A_345 = arith.constant 0 : i32
      %dma_wait3A_346 = arith.constant 0 : i32
      %dma_wait3A_347 = tpu.memref_slice %arg11[%dma_wait3A_345, %dma_wait3A_346] : memref<1000x128xf32, #tpu.memory_space<vmem_shared>> -> memref<1000x128xf32, #tpu.memory_space<vmem_shared>>
      tpu.wait_indirect_dma semaphore(%arg12 : memref<!tpu.dma_semaphore, #tpu.memory_space<semaphore_mem>>) src(%dma_wait3A_347 : memref<1000x128xf32, #tpu.memory_space<vmem_shared>>) dst(%dma_wait3A_341 : memref<128x128xf32, #tpu.memory_space<vmem>>)
      %get3A_348 = arith.index_cast %add3A_207 : i32 to index
      %get3A_349 = arith.constant 0 : index
      %get3A_350 = tpu.vector_load %arg7[%get3A_348, %get3A_349] {strides = array<i32>} : memref<200x128xf32, #tpu.memory_space<vmem>>, vector<1x16xf32>,
      %get3A_351 = vector.shape_cast %get3A_350 : vector<1x16xf32> to vector<16xf32>
      %get3A_352 = arith.index_cast %add3A_207 : i32 to index
      %get3A_353 = arith.constant 16 : index
      %get3A_354 = tpu.vector_load %arg7[%get3A_352, %get3A_353] {strides = array<i32>} : memref<200x128xf32, #tpu.memory_space<vmem>>, vector<1x16xf32>,
      %get3A_355 = vector.shape_cast %get3A_354 : vector<1x16xf32> to vector<16xf32>
      %get3A_356 = arith.index_cast %add3A_207 : i32 to index
      %get3A_357 = arith.constant 32 : index
      %get3A_358 = tpu.vector_load %arg7[%get3A_356, %get3A_357] {strides = array<i32>} : memref<200x128xf32, #tpu.memory_space<vmem>>, vector<1x16xf32>,
      %get3A_359 = vector.shape_cast %get3A_358 : vector<1x16xf32> to vector<16xf32>
      %get3A_360 = arith.index_cast %add3A_207 : i32 to index
      %get3A_361 = arith.constant 48 : index
      %get3A_362 = tpu.vector_load %arg7[%get3A_360, %get3A_361] {strides = array<i32>} : memref<200x128xf32, #tpu.memory_space<vmem>>, vector<1x16xf32>,
      %get3A_363 = vector.shape_cast %get3A_362 : vector<1x16xf32> to vector<16xf32>
      %get3A_364 = arith.index_cast %add3A_207 : i32 to index
      %get3A_365 = arith.constant 64 : index
      %get3A_366 = tpu.vector_load %arg7[%get3A_364, %get3A_365] {strides = array<i32>} : memref<200x128xf32, #tpu.memory_space<vmem>>, vector<1x16xf32>,
      %get3A_367 = vector.shape_cast %get3A_366 : vector<1x16xf32> to vector<16xf32>
      %get3A_368 = arith.index_cast %add3A_207 : i32 to index
      %get3A_369 = arith.constant 80 : index
      %get3A_370 = tpu.vector_load %arg7[%get3A_368, %get3A_369] {strides = array<i32>} : memref<200x128xf32, #tpu.memory_space<vmem>>, vector<1x16xf32>,
      %get3A_371 = vector.shape_cast %get3A_370 : vector<1x16xf32> to vector<16xf32>
      %get3A_372 = arith.index_cast %add3A_207 : i32 to index
      %get3A_373 = arith.constant 96 : index
      %get3A_374 = tpu.vector_load %arg7[%get3A_372, %get3A_373] {strides = array<i32>} : memref<200x128xf32, #tpu.memory_space<vmem>>, vector<1x16xf32>,
      %get3A_375 = vector.shape_cast %get3A_374 : vector<1x16xf32> to vector<16xf32>
      %get3A_376 = arith.index_cast %add3A_207 : i32 to index
      %get3A_377 = arith.constant 112 : index
      %get3A_378 = tpu.vector_load %arg7[%get3A_376, %get3A_377] {strides = array<i32>} : memref<200x128xf32, #tpu.memory_space<vmem>>, vector<1x16xf32>,
      %get3A_379 = vector.shape_cast %get3A_378 : vector<1x16xf32> to vector<16xf32>
      %scan3A_380 = arith.constant 0 : i32
      %scan3A_381 = arith.constant 64 : i32
      %scan3A_382 = arith.addi %scan3A_380, %scan3A_381 : i32
      %scan3A_383 = arith.constant 4 : i32
      scf.for %scan3A_1055 = %scan3A_380 to %scan3A_382 step %scan3A_383  : i32 {
        %mul3A_1056 = arith.constant 1 : i32
        %mul3A_1057 = arith.muli %scan3A_1055, %mul3A_1056 : i32
        %add3A_1058 = arith.constant 0 : i32
        %add3A_1059 = arith.addi %add3A_1058, %mul3A_1057 : i32
        %swap3A_1060 = arith.constant 0 : i32
        %swap3A_1061 = arith.index_cast %swap3A_1060 : i32 to index
        %swap3A_1062 = arith.index_cast %add3A_1059 : i32 to index
        %swap3A_1063 = arith.constant 0 : index
        %swap3A_1064 = tpu.vector_load %arg8[%swap3A_1061, %swap3A_1062, %swap3A_1063] {strides = array<i32>} : memref<4x128x128xf32, #tpu.memory_space<vmem>>, vector<1x1x16xf32>,
        %swap3A_1065 = vector.shape_cast %swap3A_1064 : vector<1x1x16xf32> to vector<16xf32>
        %swap3A_1066 = vector.shape_cast %get3A_351 : vector<16xf32> to vector<1x1x16xf32>
        tpu.vector_store %arg8[%swap3A_1061, %swap3A_1062, %swap3A_1063], %swap3A_1066 {add = true, strides = array<i32>} : memref<4x128x128xf32, #tpu.memory_space<vmem>>, vector<1x1x16xf32>,
        %swap3A_1067 = arith.constant 0 : i32
        %swap3A_1068 = arith.index_cast %swap3A_1067 : i32 to index
        %swap3A_1069 = arith.index_cast %add3A_1059 : i32 to index
        %swap3A_1070 = arith.constant 16 : index
        %swap3A_1071 = tpu.vector_load %arg8[%swap3A_1068, %swap3A_1069, %swap3A_1070] {strides = array<i32>} : memref<4x128x128xf32, #tpu.memory_space<vmem>>, vector<1x1x16xf32>,
        %swap3A_1072 = vector.shape_cast %swap3A_1071 : vector<1x1x16xf32> to vector<16xf32>
        %swap3A_1073 = vector.shape_cast %get3A_355 : vector<16xf32> to vector<1x1x16xf32>
        tpu.vector_store %arg8[%swap3A_1068, %swap3A_1069, %swap3A_1070], %swap3A_1073 {add = true, strides = array<i32>} : memref<4x128x128xf32, #tpu.memory_space<vmem>>, vector<1x1x16xf32>,
        %swap3A_1074 = arith.constant 0 : i32
        %swap3A_1075 = arith.index_cast %swap3A_1074 : i32 to index
        %swap3A_1076 = arith.index_cast %add3A_1059 : i32 to index
        %swap3A_1077 = arith.constant 32 : index
        %swap3A_1078 = tpu.vector_load %arg8[%swap3A_1075, %swap3A_1076, %swap3A_1077] {strides = array<i32>} : memref<4x128x128xf32, #tpu.memory_space<vmem>>, vector<1x1x16xf32>,
        %swap3A_1079 = vector.shape_cast %swap3A_1078 : vector<1x1x16xf32> to vector<16xf32>
        %swap3A_1080 = vector.shape_cast %get3A_359 : vector<16xf32> to vector<1x1x16xf32>
        tpu.vector_store %arg8[%swap3A_1075, %swap3A_1076, %swap3A_1077], %swap3A_1080 {add = true, strides = array<i32>} : memref<4x128x128xf32, #tpu.memory_space<vmem>>, vector<1x1x16xf32>,
        %swap3A_1081 = arith.constant 0 : i32
        %swap3A_1082 = arith.index_cast %swap3A_1081 : i32 to index
        %swap3A_1083 = arith.index_cast %add3A_1059 : i32 to index
        %swap3A_1084 = arith.constant 48 : index
        %swap3A_1085 = tpu.vector_load %arg8[%swap3A_1082, %swap3A_1083, %swap3A_1084] {strides = array<i32>} : memref<4x128x128xf32, #tpu.memory_space<vmem>>, vector<1x1x16xf32>,
        %swap3A_1086 = vector.shape_cast %swap3A_1085 : vector<1x1x16xf32> to vector<16xf32>
        %swap3A_1087 = vector.shape_cast %get3A_363 : vector<16xf32> to vector<1x1x16xf32>
        tpu.vector_store %arg8[%swap3A_1082, %swap3A_1083, %swap3A_1084], %swap3A_1087 {add = true, strides = array<i32>} : memref<4x128x128xf32, #tpu.memory_space<vmem>>, vector<1x1x16xf32>,
        %swap3A_1088 = arith.constant 0 : i32
        %swap3A_1089 = arith.index_cast %swap3A_1088 : i32 to index
        %swap3A_1090 = arith.index_cast %add3A_1059 : i32 to index
        %swap3A_1091 = arith.constant 64 : index
        %swap3A_1092 = tpu.vector_load %arg8[%swap3A_1089, %swap3A_1090, %swap3A_1091] {strides = array<i32>} : memref<4x128x128xf32, #tpu.memory_space<vmem>>, vector<1x1x16xf32>,
        %swap3A_1093 = vector.shape_cast %swap3A_1092 : vector<1x1x16xf32> to vector<16xf32>
        %swap3A_1094 = vector.shape_cast %get3A_367 : vector<16xf32> to vector<1x1x16xf32>
        tpu.vector_store %arg8[%swap3A_1089, %swap3A_1090, %swap3A_1091], %swap3A_1094 {add = true, strides = array<i32>} : memref<4x128x128xf32, #tpu.memory_space<vmem>>, vector<1x1x16xf32>,
        %swap3A_1095 = arith.constant 0 : i32
        %swap3A_1096 = arith.index_cast %swap3A_1095 : i32 to index
        %swap3A_1097 = arith.index_cast %add3A_1059 : i32 to index
        %swap3A_1098 = arith.constant 80 : index
        %swap3A_1099 = tpu.vector_load %arg8[%swap3A_1096, %swap3A_1097, %swap3A_1098] {strides = array<i32>} : memref<4x128x128xf32, #tpu.memory_space<vmem>>, vector<1x1x16xf32>,
        %swap3A_1100 = vector.shape_cast %swap3A_1099 : vector<1x1x16xf32> to vector<16xf32>
        %swap3A_1101 = vector.shape_cast %get3A_371 : vector<16xf32> to vector<1x1x16xf32>
        tpu.vector_store %arg8[%swap3A_1096, %swap3A_1097, %swap3A_1098], %swap3A_1101 {add = true, strides = array<i32>} : memref<4x128x128xf32, #tpu.memory_space<vmem>>, vector<1x1x16xf32>,
        %swap3A_1102 = arith.constant 0 : i32
        %swap3A_1103 = arith.index_cast %swap3A_1102 : i32 to index
        %swap3A_1104 = arith.index_cast %add3A_1059 : i32 to index
        %swap3A_1105 = arith.constant 96 : index
        %swap3A_1106 = tpu.vector_load %arg8[%swap3A_1103, %swap3A_1104, %swap3A_1105] {strides = array<i32>} : memref<4x128x128xf32, #tpu.memory_space<vmem>>, vector<1x1x16xf32>,
        %swap3A_1107 = vector.shape_cast %swap3A_1106 : vector<1x1x16xf32> to vector<16xf32>
        %swap3A_1108 = vector.shape_cast %get3A_375 : vector<16xf32> to vector<1x1x16xf32>
        tpu.vector_store %arg8[%swap3A_1103, %swap3A_1104, %swap3A_1105], %swap3A_1108 {add = true, strides = array<i32>} : memref<4x128x128xf32, #tpu.memory_space<vmem>>, vector<1x1x16xf32>,
        %swap3A_1109 = arith.constant 0 : i32
        %swap3A_1110 = arith.index_cast %swap3A_1109 : i32 to index
        %swap3A_1111 = arith.index_cast %add3A_1059 : i32 to index
        %swap3A_1112 = arith.constant 112 : index
        %swap3A_1113 = tpu.vector_load %arg8[%swap3A_1110, %swap3A_1111, %swap3A_1112] {strides = array<i32>} : memref<4x128x128xf32, #tpu.memory_space<vmem>>, vector<1x1x16xf32>,
        %swap3A_1114 = vector.shape_cast %swap3A_1113 : vector<1x1x16xf32> to vector<16xf32>
        %swap3A_1115 = vector.shape_cast %get3A_379 : vector<16xf32> to vector<1x1x16xf32>
        tpu.vector_store %arg8[%swap3A_1110, %swap3A_1111, %swap3A_1112], %swap3A_1115 {add = true, strides = array<i32>} : memref<4x128x128xf32, #tpu.memory_space<vmem>>, vector<1x1x16xf32>,
        %scan3A_1116 = arith.constant 1 : i32
        %scan3A_1117 = arith.addi %scan3A_1055, %scan3A_1116 : i32
        %mul3A_1118 = arith.constant 1 : i32
        %mul3A_1119 = arith.muli %scan3A_1117, %mul3A_1118 : i32
        %add3A_1120 = arith.constant 0 : i32
        %add3A_1121 = arith.addi %add3A_1120, %mul3A_1119 : i32
        %swap3A_1122 = arith.constant 0 : i32
        %swap3A_1123 = arith.index_cast %swap3A_1122 : i32 to index
        %swap3A_1124 = arith.index_cast %add3A_1121 : i32 to index
        %swap3A_1125 = arith.constant 0 : index
        %swap3A_1126 = tpu.vector_load %arg8[%swap3A_1123, %swap3A_1124, %swap3A_1125] {strides = array<i32>} : memref<4x128x128xf32, #tpu.memory_space<vmem>>, vector<1x1x16xf32>,
        %swap3A_1127 = vector.shape_cast %swap3A_1126 : vector<1x1x16xf32> to vector<16xf32>
        %swap3A_1128 = vector.shape_cast %get3A_351 : vector<16xf32> to vector<1x1x16xf32>
        tpu.vector_store %arg8[%swap3A_1123, %swap3A_1124, %swap3A_1125], %swap3A_1128 {add = true, strides = array<i32>} : memref<4x128x128xf32, #tpu.memory_space<vmem>>, vector<1x1x16xf32>,
        %swap3A_1129 = arith.constant 0 : i32
        %swap3A_1130 = arith.index_cast %swap3A_1129 : i32 to index
        %swap3A_1131 = arith.index_cast %add3A_1121 : i32 to index
        %swap3A_1132 = arith.constant 16 : index
        %swap3A_1133 = tpu.vector_load %arg8[%swap3A_1130, %swap3A_1131, %swap3A_1132] {strides = array<i32>} : memref<4x128x128xf32, #tpu.memory_space<vmem>>, vector<1x1x16xf32>,
        %swap3A_1134 = vector.shape_cast %swap3A_1133 : vector<1x1x16xf32> to vector<16xf32>
        %swap3A_1135 = vector.shape_cast %get3A_355 : vector<16xf32> to vector<1x1x16xf32>
        tpu.vector_store %arg8[%swap3A_1130, %swap3A_1131, %swap3A_1132], %swap3A_1135 {add = true, strides = array<i32>} : memref<4x128x128xf32, #tpu.memory_space<vmem>>, vector<1x1x16xf32>,
        %swap3A_1136 = arith.constant 0 : i32
        %swap3A_1137 = arith.index_cast %swap3A_1136 : i32 to index
        %swap3A_1138 = arith.index_cast %add3A_1121 : i32 to index
        %swap3A_1139 = arith.constant 32 : index
        %swap3A_1140 = tpu.vector_load %arg8[%swap3A_1137, %swap3A_1138, %swap3A_1139] {strides = array<i32>} : memref<4x128x128xf32, #tpu.memory_space<vmem>>, vector<1x1x16xf32>,
        %swap3A_1141 = vector.shape_cast %swap3A_1140 : vector<1x1x16xf32> to vector<16xf32>
        %swap3A_1142 = vector.shape_cast %get3A_359 : vector<16xf32> to vector<1x1x16xf32>
        tpu.vector_store %arg8[%swap3A_1137, %swap3A_1138, %swap3A_1139], %swap3A_1142 {add = true, strides = array<i32>} : memref<4x128x128xf32, #tpu.memory_space<vmem>>, vector<1x1x16xf32>,
        %swap3A_1143 = arith.constant 0 : i32
        %swap3A_1144 = arith.index_cast %swap3A_1143 : i32 to index
        %swap3A_1145 = arith.index_cast %add3A_1121 : i32 to index
        %swap3A_1146 = arith.constant 48 : index
        %swap3A_1147 = tpu.vector_load %arg8[%swap3A_1144, %swap3A_1145, %swap3A_1146] {strides = array<i32>} : memref<4x128x128xf32, #tpu.memory_space<vmem>>, vector<1x1x16xf32>,
        %swap3A_1148 = vector.shape_cast %swap3A_1147 : vector<1x1x16xf32> to vector<16xf32>
        %swap3A_1149 = vector.shape_cast %get3A_363 : vector<16xf32> to vector<1x1x16xf32>
        tpu.vector_store %arg8[%swap3A_1144, %swap3A_1145, %swap3A_1146], %swap3A_1149 {add = true, strides = array<i32>} : memref<4x128x128xf32, #tpu.memory_space<vmem>>, vector<1x1x16xf32>,
        %swap3A_1150 = arith.constant 0 : i32
        %swap3A_1151 = arith.index_cast %swap3A_1150 : i32 to index
        %swap3A_1152 = arith.index_cast %add3A_1121 : i32 to index
        %swap3A_1153 = arith.constant 64 : index
        %swap3A_1154 = tpu.vector_load %arg8[%swap3A_1151, %swap3A_1152, %swap3A_1153] {strides = array<i32>} : memref<4x128x128xf32, #tpu.memory_space<vmem>>, vector<1x1x16xf32>,
        %swap3A_1155 = vector.shape_cast %swap3A_1154 : vector<1x1x16xf32> to vector<16xf32>
        %swap3A_1156 = vector.shape_cast %get3A_367 : vector<16xf32> to vector<1x1x16xf32>
        tpu.vector_store %arg8[%swap3A_1151, %swap3A_1152, %swap3A_1153], %swap3A_1156 {add = true, strides = array<i32>} : memref<4x128x128xf32, #tpu.memory_space<vmem>>, vector<1x1x16xf32>,
        %swap3A_1157 = arith.constant 0 : i32
        %swap3A_1158 = arith.index_cast %swap3A_1157 : i32 to index
        %swap3A_1159 = arith.index_cast %add3A_1121 : i32 to index
        %swap3A_1160 = arith.constant 80 : index
        %swap3A_1161 = tpu.vector_load %arg8[%swap3A_1158, %swap3A_1159, %swap3A_1160] {strides = array<i32>} : memref<4x128x128xf32, #tpu.memory_space<vmem>>, vector<1x1x16xf32>,
        %swap3A_1162 = vector.shape_cast %swap3A_1161 : vector<1x1x16xf32> to vector<16xf32>
        %swap3A_1163 = vector.shape_cast %get3A_371 : vector<16xf32> to vector<1x1x16xf32>
        tpu.vector_store %arg8[%swap3A_1158, %swap3A_1159, %swap3A_1160], %swap3A_1163 {add = true, strides = array<i32>} : memref<4x128x128xf32, #tpu.memory_space<vmem>>, vector<1x1x16xf32>,
        %swap3A_1164 = arith.constant 0 : i32
        %swap3A_1165 = arith.index_cast %swap3A_1164 : i32 to index
        %swap3A_1166 = arith.index_cast %add3A_1121 : i32 to index
        %swap3A_1167 = arith.constant 96 : index
        %swap3A_1168 = tpu.vector_load %arg8[%swap3A_1165, %swap3A_1166, %swap3A_1167] {strides = array<i32>} : memref<4x128x128xf32, #tpu.memory_space<vmem>>, vector<1x1x16xf32>,
        %swap3A_1169 = vector.shape_cast %swap3A_1168 : vector<1x1x16xf32> to vector<16xf32>
        %swap3A_1170 = vector.shape_cast %get3A_375 : vector<16xf32> to vector<1x1x16xf32>
        tpu.vector_store %arg8[%swap3A_1165, %swap3A_1166, %swap3A_1167], %swap3A_1170 {add = true, strides = array<i32>} : memref<4x128x128xf32, #tpu.memory_space<vmem>>, vector<1x1x16xf32>,
        %swap3A_1171 = arith.constant 0 : i32
        %swap3A_1172 = arith.index_cast %swap3A_1171 : i32 to index
        %swap3A_1173 = arith.index_cast %add3A_1121 : i32 to index
        %swap3A_1174 = arith.constant 112 : index
        %swap3A_1175 = tpu.vector_load %arg8[%swap3A_1172, %swap3A_1173, %swap3A_1174] {strides = array<i32>} : memref<4x128x128xf32, #tpu.memory_space<vmem>>, vector<1x1x16xf32>,
        %swap3A_1176 = vector.shape_cast %swap3A_1175 : vector<1x1x16xf32> to vector<16xf32>
        %swap3A_1177 = vector.shape_cast %get3A_379 : vector<16xf32> to vector<1x1x16xf32>
        tpu.vector_store %arg8[%swap3A_1172, %swap3A_1173, %swap3A_1174], %swap3A_1177 {add = true, strides = array<i32>} : memref<4x128x128xf32, #tpu.memory_space<vmem>>, vector<1x1x16xf32>,
        %scan3A_1178 = arith.constant 2 : i32
        %scan3A_1179 = arith.addi %scan3A_1055, %scan3A_1178 : i32
        %mul3A_1180 = arith.constant 1 : i32
        %mul3A_1181 = arith.muli %scan3A_1179, %mul3A_1180 : i32
        %add3A_1182 = arith.constant 0 : i32
        %add3A_1183 = arith.addi %add3A_1182, %mul3A_1181 : i32
        %swap3A_1184 = arith.constant 0 : i32
        %swap3A_1185 = arith.index_cast %swap3A_1184 : i32 to index
        %swap3A_1186 = arith.index_cast %add3A_1183 : i32 to index
        %swap3A_1187 = arith.constant 0 : index
        %swap3A_1188 = tpu.vector_load %arg8[%swap3A_1185, %swap3A_1186, %swap3A_1187] {strides = array<i32>} : memref<4x128x128xf32, #tpu.memory_space<vmem>>, vector<1x1x16xf32>,
        %swap3A_1189 = vector.shape_cast %swap3A_1188 : vector<1x1x16xf32> to vector<16xf32>
        %swap3A_1190 = vector.shape_cast %get3A_351 : vector<16xf32> to vector<1x1x16xf32>
        tpu.vector_store %arg8[%swap3A_1185, %swap3A_1186, %swap3A_1187], %swap3A_1190 {add = true, strides = array<i32>} : memref<4x128x128xf32, #tpu.memory_space<vmem>>, vector<1x1x16xf32>,
        %swap3A_1191 = arith.constant 0 : i32
        %swap3A_1192 = arith.index_cast %swap3A_1191 : i32 to index
        %swap3A_1193 = arith.index_cast %add3A_1183 : i32 to index
        %swap3A_1194 = arith.constant 16 : index
        %swap3A_1195 = tpu.vector_load %arg8[%swap3A_1192, %swap3A_1193, %swap3A_1194] {strides = array<i32>} : memref<4x128x128xf32, #tpu.memory_space<vmem>>, vector<1x1x16xf32>,
        %swap3A_1196 = vector.shape_cast %swap3A_1195 : vector<1x1x16xf32> to vector<16xf32>
        %swap3A_1197 = vector.shape_cast %get3A_355 : vector<16xf32> to vector<1x1x16xf32>
        tpu.vector_store %arg8[%swap3A_1192, %swap3A_1193, %swap3A_1194], %swap3A_1197 {add = true, strides = array<i32>} : memref<4x128x128xf32, #tpu.memory_space<vmem>>, vector<1x1x16xf32>,
        %swap3A_1198 = arith.constant 0 : i32
        %swap3A_1199 = arith.index_cast %swap3A_1198 : i32 to index
        %swap3A_1200 = arith.index_cast %add3A_1183 : i32 to index
        %swap3A_1201 = arith.constant 32 : index
        %swap3A_1202 = tpu.vector_load %arg8[%swap3A_1199, %swap3A_1200, %swap3A_1201] {strides = array<i32>} : memref<4x128x128xf32, #tpu.memory_space<vmem>>, vector<1x1x16xf32>,
        %swap3A_1203 = vector.shape_cast %swap3A_1202 : vector<1x1x16xf32> to vector<16xf32>
        %swap3A_1204 = vector.shape_cast %get3A_359 : vector<16xf32> to vector<1x1x16xf32>
        tpu.vector_store %arg8[%swap3A_1199, %swap3A_1200, %swap3A_1201], %swap3A_1204 {add = true, strides = array<i32>} : memref<4x128x128xf32, #tpu.memory_space<vmem>>, vector<1x1x16xf32>,
        %swap3A_1205 = arith.constant 0 : i32
        %swap3A_1206 = arith.index_cast %swap3A_1205 : i32 to index
        %swap3A_1207 = arith.index_cast %add3A_1183 : i32 to index
        %swap3A_1208 = arith.constant 48 : index
        %swap3A_1209 = tpu.vector_load %arg8[%swap3A_1206, %swap3A_1207, %swap3A_1208] {strides = array<i32>} : memref<4x128x128xf32, #tpu.memory_space<vmem>>, vector<1x1x16xf32>,
        %swap3A_1210 = vector.shape_cast %swap3A_1209 : vector<1x1x16xf32> to vector<16xf32>
        %swap3A_1211 = vector.shape_cast %get3A_363 : vector<16xf32> to vector<1x1x16xf32>
        tpu.vector_store %arg8[%swap3A_1206, %swap3A_1207, %swap3A_1208], %swap3A_1211 {add = true, strides = array<i32>} : memref<4x128x128xf32, #tpu.memory_space<vmem>>, vector<1x1x16xf32>,
        %swap3A_1212 = arith.constant 0 : i32
        %swap3A_1213 = arith.index_cast %swap3A_1212 : i32 to index
        %swap3A_1214 = arith.index_cast %add3A_1183 : i32 to index
        %swap3A_1215 = arith.constant 64 : index
        %swap3A_1216 = tpu.vector_load %arg8[%swap3A_1213, %swap3A_1214, %swap3A_1215] {strides = array<i32>} : memref<4x128x128xf32, #tpu.memory_space<vmem>>, vector<1x1x16xf32>,
        %swap3A_1217 = vector.shape_cast %swap3A_1216 : vector<1x1x16xf32> to vector<16xf32>
        %swap3A_1218 = vector.shape_cast %get3A_367 : vector<16xf32> to vector<1x1x16xf32>
        tpu.vector_store %arg8[%swap3A_1213, %swap3A_1214, %swap3A_1215], %swap3A_1218 {add = true, strides = array<i32>} : memref<4x128x128xf32, #tpu.memory_space<vmem>>, vector<1x1x16xf32>,
        %swap3A_1219 = arith.constant 0 : i32
        %swap3A_1220 = arith.index_cast %swap3A_1219 : i32 to index
        %swap3A_1221 = arith.index_cast %add3A_1183 : i32 to index
        %swap3A_1222 = arith.constant 80 : index
        %swap3A_1223 = tpu.vector_load %arg8[%swap3A_1220, %swap3A_1221, %swap3A_1222] {strides = array<i32>} : memref<4x128x128xf32, #tpu.memory_space<vmem>>, vector<1x1x16xf32>,
        %swap3A_1224 = vector.shape_cast %swap3A_1223 : vector<1x1x16xf32> to vector<16xf32>
        %swap3A_1225 = vector.shape_cast %get3A_371 : vector<16xf32> to vector<1x1x16xf32>
        tpu.vector_store %arg8[%swap3A_1220, %swap3A_1221, %swap3A_1222], %swap3A_1225 {add = true, strides = array<i32>} : memref<4x128x128xf32, #tpu.memory_space<vmem>>, vector<1x1x16xf32>,
        %swap3A_1226 = arith.constant 0 : i32
        %swap3A_1227 = arith.index_cast %swap3A_1226 : i32 to index
        %swap3A_1228 = arith.index_cast %add3A_1183 : i32 to index
        %swap3A_1229 = arith.constant 96 : index
        %swap3A_1230 = tpu.vector_load %arg8[%swap3A_1227, %swap3A_1228, %swap3A_1229] {strides = array<i32>} : memref<4x128x128xf32, #tpu.memory_space<vmem>>, vector<1x1x16xf32>,
        %swap3A_1231 = vector.shape_cast %swap3A_1230 : vector<1x1x16xf32> to vector<16xf32>
        %swap3A_1232 = vector.shape_cast %get3A_375 : vector<16xf32> to vector<1x1x16xf32>
        tpu.vector_store %arg8[%swap3A_1227, %swap3A_1228, %swap3A_1229], %swap3A_1232 {add = true, strides = array<i32>} : memref<4x128x128xf32, #tpu.memory_space<vmem>>, vector<1x1x16xf32>,
        %swap3A_1233 = arith.constant 0 : i32
        %swap3A_1234 = arith.index_cast %swap3A_1233 : i32 to index
        %swap3A_1235 = arith.index_cast %add3A_1183 : i32 to index
        %swap3A_1236 = arith.constant 112 : index
        %swap3A_1237 = tpu.vector_load %arg8[%swap3A_1234, %swap3A_1235, %swap3A_1236] {strides = array<i32>} : memref<4x128x128xf32, #tpu.memory_space<vmem>>, vector<1x1x16xf32>,
        %swap3A_1238 = vector.shape_cast %swap3A_1237 : vector<1x1x16xf32> to vector<16xf32>
        %swap3A_1239 = vector.shape_cast %get3A_379 : vector<16xf32> to vector<1x1x16xf32>
        tpu.vector_store %arg8[%swap3A_1234, %swap3A_1235, %swap3A_1236], %swap3A_1239 {add = true, strides = array<i32>} : memref<4x128x128xf32, #tpu.memory_space<vmem>>, vector<1x1x16xf32>,
        %scan3A_1240 = arith.constant 3 : i32
        %scan3A_1241 = arith.addi %scan3A_1055, %scan3A_1240 : i32
        %mul3A_1242 = arith.constant 1 : i32
        %mul3A_1243 = arith.muli %scan3A_1241, %mul3A_1242 : i32
        %add3A_1244 = arith.constant 0 : i32
        %add3A_1245 = arith.addi %add3A_1244, %mul3A_1243 : i32
        %swap3A_1246 = arith.constant 0 : i32
        %swap3A_1247 = arith.index_cast %swap3A_1246 : i32 to index
        %swap3A_1248 = arith.index_cast %add3A_1245 : i32 to index
        %swap3A_1249 = arith.constant 0 : index
        %swap3A_1250 = tpu.vector_load %arg8[%swap3A_1247, %swap3A_1248, %swap3A_1249] {strides = array<i32>} : memref<4x128x128xf32, #tpu.memory_space<vmem>>, vector<1x1x16xf32>,
        %swap3A_1251 = vector.shape_cast %swap3A_1250 : vector<1x1x16xf32> to vector<16xf32>
        %swap3A_1252 = vector.shape_cast %get3A_351 : vector<16xf32> to vector<1x1x16xf32>
        tpu.vector_store %arg8[%swap3A_1247, %swap3A_1248, %swap3A_1249], %swap3A_1252 {add = true, strides = array<i32>} : memref<4x128x128xf32, #tpu.memory_space<vmem>>, vector<1x1x16xf32>,
        %swap3A_1253 = arith.constant 0 : i32
        %swap3A_1254 = arith.index_cast %swap3A_1253 : i32 to index
        %swap3A_1255 = arith.index_cast %add3A_1245 : i32 to index
        %swap3A_1256 = arith.constant 16 : index
        %swap3A_1257 = tpu.vector_load %arg8[%swap3A_1254, %swap3A_1255, %swap3A_1256] {strides = array<i32>} : memref<4x128x128xf32, #tpu.memory_space<vmem>>, vector<1x1x16xf32>,
        %swap3A_1258 = vector.shape_cast %swap3A_1257 : vector<1x1x16xf32> to vector<16xf32>
        %swap3A_1259 = vector.shape_cast %get3A_355 : vector<16xf32> to vector<1x1x16xf32>
        tpu.vector_store %arg8[%swap3A_1254, %swap3A_1255, %swap3A_1256], %swap3A_1259 {add = true, strides = array<i32>} : memref<4x128x128xf32, #tpu.memory_space<vmem>>, vector<1x1x16xf32>,
        %swap3A_1260 = arith.constant 0 : i32
        %swap3A_1261 = arith.index_cast %swap3A_1260 : i32 to index
        %swap3A_1262 = arith.index_cast %add3A_1245 : i32 to index
        %swap3A_1263 = arith.constant 32 : index
        %swap3A_1264 = tpu.vector_load %arg8[%swap3A_1261, %swap3A_1262, %swap3A_1263] {strides = array<i32>} : memref<4x128x128xf32, #tpu.memory_space<vmem>>, vector<1x1x16xf32>,
        %swap3A_1265 = vector.shape_cast %swap3A_1264 : vector<1x1x16xf32> to vector<16xf32>
        %swap3A_1266 = vector.shape_cast %get3A_359 : vector<16xf32> to vector<1x1x16xf32>
        tpu.vector_store %arg8[%swap3A_1261, %swap3A_1262, %swap3A_1263], %swap3A_1266 {add = true, strides = array<i32>} : memref<4x128x128xf32, #tpu.memory_space<vmem>>, vector<1x1x16xf32>,
        %swap3A_1267 = arith.constant 0 : i32
        %swap3A_1268 = arith.index_cast %swap3A_1267 : i32 to index
        %swap3A_1269 = arith.index_cast %add3A_1245 : i32 to index
        %swap3A_1270 = arith.constant 48 : index
        %swap3A_1271 = tpu.vector_load %arg8[%swap3A_1268, %swap3A_1269, %swap3A_1270] {strides = array<i32>} : memref<4x128x128xf32, #tpu.memory_space<vmem>>, vector<1x1x16xf32>,
        %swap3A_1272 = vector.shape_cast %swap3A_1271 : vector<1x1x16xf32> to vector<16xf32>
        %swap3A_1273 = vector.shape_cast %get3A_363 : vector<16xf32> to vector<1x1x16xf32>
        tpu.vector_store %arg8[%swap3A_1268, %swap3A_1269, %swap3A_1270], %swap3A_1273 {add = true, strides = array<i32>} : memref<4x128x128xf32, #tpu.memory_space<vmem>>, vector<1x1x16xf32>,
        %swap3A_1274 = arith.constant 0 : i32
        %swap3A_1275 = arith.index_cast %swap3A_1274 : i32 to index
        %swap3A_1276 = arith.index_cast %add3A_1245 : i32 to index
        %swap3A_1277 = arith.constant 64 : index
        %swap3A_1278 = tpu.vector_load %arg8[%swap3A_1275, %swap3A_1276, %swap3A_1277] {strides = array<i32>} : memref<4x128x128xf32, #tpu.memory_space<vmem>>, vector<1x1x16xf32>,
        %swap3A_1279 = vector.shape_cast %swap3A_1278 : vector<1x1x16xf32> to vector<16xf32>
        %swap3A_1280 = vector.shape_cast %get3A_367 : vector<16xf32> to vector<1x1x16xf32>
        tpu.vector_store %arg8[%swap3A_1275, %swap3A_1276, %swap3A_1277], %swap3A_1280 {add = true, strides = array<i32>} : memref<4x128x128xf32, #tpu.memory_space<vmem>>, vector<1x1x16xf32>,
        %swap3A_1281 = arith.constant 0 : i32
        %swap3A_1282 = arith.index_cast %swap3A_1281 : i32 to index
        %swap3A_1283 = arith.index_cast %add3A_1245 : i32 to index
        %swap3A_1284 = arith.constant 80 : index
        %swap3A_1285 = tpu.vector_load %arg8[%swap3A_1282, %swap3A_1283, %swap3A_1284] {strides = array<i32>} : memref<4x128x128xf32, #tpu.memory_space<vmem>>, vector<1x1x16xf32>,
        %swap3A_1286 = vector.shape_cast %swap3A_1285 : vector<1x1x16xf32> to vector<16xf32>
        %swap3A_1287 = vector.shape_cast %get3A_371 : vector<16xf32> to vector<1x1x16xf32>
        tpu.vector_store %arg8[%swap3A_1282, %swap3A_1283, %swap3A_1284], %swap3A_1287 {add = true, strides = array<i32>} : memref<4x128x128xf32, #tpu.memory_space<vmem>>, vector<1x1x16xf32>,
        %swap3A_1288 = arith.constant 0 : i32
        %swap3A_1289 = arith.index_cast %swap3A_1288 : i32 to index
        %swap3A_1290 = arith.index_cast %add3A_1245 : i32 to index
        %swap3A_1291 = arith.constant 96 : index
        %swap3A_1292 = tpu.vector_load %arg8[%swap3A_1289, %swap3A_1290, %swap3A_1291] {strides = array<i32>} : memref<4x128x128xf32, #tpu.memory_space<vmem>>, vector<1x1x16xf32>,
        %swap3A_1293 = vector.shape_cast %swap3A_1292 : vector<1x1x16xf32> to vector<16xf32>
        %swap3A_1294 = vector.shape_cast %get3A_375 : vector<16xf32> to vector<1x1x16xf32>
        tpu.vector_store %arg8[%swap3A_1289, %swap3A_1290, %swap3A_1291], %swap3A_1294 {add = true, strides = array<i32>} : memref<4x128x128xf32, #tpu.memory_space<vmem>>, vector<1x1x16xf32>,
        %swap3A_1295 = arith.constant 0 : i32
        %swap3A_1296 = arith.index_cast %swap3A_1295 : i32 to index
        %swap3A_1297 = arith.index_cast %add3A_1245 : i32 to index
        %swap3A_1298 = arith.constant 112 : index
        %swap3A_1299 = tpu.vector_load %arg8[%swap3A_1296, %swap3A_1297, %swap3A_1298] {strides = array<i32>} : memref<4x128x128xf32, #tpu.memory_space<vmem>>, vector<1x1x16xf32>,
        %swap3A_1300 = vector.shape_cast %swap3A_1299 : vector<1x1x16xf32> to vector<16xf32>
        %swap3A_1301 = vector.shape_cast %get3A_379 : vector<16xf32> to vector<1x1x16xf32>
        tpu.vector_store %arg8[%swap3A_1296, %swap3A_1297, %swap3A_1298], %swap3A_1301 {add = true, strides = array<i32>} : memref<4x128x128xf32, #tpu.memory_space<vmem>>, vector<1x1x16xf32>,
      }
      %scan3A_384 = arith.constant 64 : i32
      %dma_start3A_385 = arith.constant 0 : i32
      %dma_start3A_386 = arith.constant 0 : i32
      %dma_start3A_387 = arith.constant 0 : i32
      %dma_start3A_388 = arith.constant 0 : i32
      %dma_start3A_389 = arith.constant 0 : i32
      %dma_start3A_390 = tpu.memref_slice %arg8[%dma_start3A_385, %dma_start3A_388, %dma_start3A_389] : memref<4x128x128xf32, #tpu.memory_space<vmem>> -> memref<1x64x128xf32, #tpu.memory_space<vmem>>
      %dma_start3A_391 = tpu.memref_squeeze %dma_start3A_390 : memref<1x64x128xf32, #tpu.memory_space<vmem>> -> memref<64x128xf32, #tpu.memory_space<vmem>>
      %dma_start3A_392 = arith.constant 0 : i32
      %dma_start3A_393 = tpu.memref_slice %arg9[%dma_start3A_386, %dma_start3A_387, %dma_start3A_392] : memref<4x2x64xi32, #tpu.memory_space<vmem>> -> memref<1x1x64xi32, #tpu.memory_space<vmem>>
      %dma_start3A_394 = tpu.memref_squeeze %dma_start3A_393 : memref<1x1x64xi32, #tpu.memory_space<vmem>> -> memref<64xi32, #tpu.memory_space<vmem>>
      %dma_start3A_395 = arith.constant 0 : i32
      %dma_start3A_396 = arith.constant 0 : i32
      %dma_start3A_397 = tpu.memref_slice %arg5[%dma_start3A_395, %dma_start3A_396] : memref<819200x128xf32, #tpu.memory_space<hbm>> -> memref<819200x128xf32, #tpu.memory_space<hbm>>
      tpu.enqueue_indirect_dma source(%dma_start3A_391 : memref<64x128xf32, #tpu.memory_space<vmem>>) target(%dma_start3A_397 : memref<819200x128xf32, #tpu.memory_space<hbm>>) offsets(%dma_start3A_394 : memref<64xi32, #tpu.memory_space<vmem>>) semaphore(%arg16 : memref<!tpu.dma_semaphore, #tpu.memory_space<semaphore_mem>>)
      %scan3A_398 = arith.constant 0 : i32
      %scan3A_399 = arith.constant 64 : i32
      %scan3A_400 = arith.addi %scan3A_398, %scan3A_399 : i32
      %scan3A_401 = arith.constant 4 : i32
      scf.for %scan3A_1055 = %scan3A_398 to %scan3A_400 step %scan3A_401  : i32 {
        %mul3A_1056 = arith.constant 1 : i32
        %mul3A_1057 = arith.muli %scan3A_1055, %mul3A_1056 : i32
        %add3A_1058 = arith.constant 64 : i32
        %add3A_1059 = arith.addi %add3A_1058, %mul3A_1057 : i32
        %swap3A_1060 = arith.constant 0 : i32
        %swap3A_1061 = arith.index_cast %swap3A_1060 : i32 to index
        %swap3A_1062 = arith.index_cast %add3A_1059 : i32 to index
        %swap3A_1063 = arith.constant 0 : index
        %swap3A_1064 = tpu.vector_load %arg8[%swap3A_1061, %swap3A_1062, %swap3A_1063] {strides = array<i32>} : memref<4x128x128xf32, #tpu.memory_space<vmem>>, vector<1x1x16xf32>,
        %swap3A_1065 = vector.shape_cast %swap3A_1064 : vector<1x1x16xf32> to vector<16xf32>
        %swap3A_1066 = vector.shape_cast %get3A_351 : vector<16xf32> to vector<1x1x16xf32>
        tpu.vector_store %arg8[%swap3A_1061, %swap3A_1062, %swap3A_1063], %swap3A_1066 {add = true, strides = array<i32>} : memref<4x128x128xf32, #tpu.memory_space<vmem>>, vector<1x1x16xf32>,
        %swap3A_1067 = arith.constant 0 : i32
        %swap3A_1068 = arith.index_cast %swap3A_1067 : i32 to index
        %swap3A_1069 = arith.index_cast %add3A_1059 : i32 to index
        %swap3A_1070 = arith.constant 16 : index
        %swap3A_1071 = tpu.vector_load %arg8[%swap3A_1068, %swap3A_1069, %swap3A_1070] {strides = array<i32>} : memref<4x128x128xf32, #tpu.memory_space<vmem>>, vector<1x1x16xf32>,
        %swap3A_1072 = vector.shape_cast %swap3A_1071 : vector<1x1x16xf32> to vector<16xf32>
        %swap3A_1073 = vector.shape_cast %get3A_355 : vector<16xf32> to vector<1x1x16xf32>
        tpu.vector_store %arg8[%swap3A_1068, %swap3A_1069, %swap3A_1070], %swap3A_1073 {add = true, strides = array<i32>} : memref<4x128x128xf32, #tpu.memory_space<vmem>>, vector<1x1x16xf32>,
        %swap3A_1074 = arith.constant 0 : i32
        %swap3A_1075 = arith.index_cast %swap3A_1074 : i32 to index
        %swap3A_1076 = arith.index_cast %add3A_1059 : i32 to index
        %swap3A_1077 = arith.constant 32 : index
        %swap3A_1078 = tpu.vector_load %arg8[%swap3A_1075, %swap3A_1076, %swap3A_1077] {strides = array<i32>} : memref<4x128x128xf32, #tpu.memory_space<vmem>>, vector<1x1x16xf32>,
        %swap3A_1079 = vector.shape_cast %swap3A_1078 : vector<1x1x16xf32> to vector<16xf32>
        %swap3A_1080 = vector.shape_cast %get3A_359 : vector<16xf32> to vector<1x1x16xf32>
        tpu.vector_store %arg8[%swap3A_1075, %swap3A_1076, %swap3A_1077], %swap3A_1080 {add = true, strides = array<i32>} : memref<4x128x128xf32, #tpu.memory_space<vmem>>, vector<1x1x16xf32>,
        %swap3A_1081 = arith.constant 0 : i32
        %swap3A_1082 = arith.index_cast %swap3A_1081 : i32 to index
        %swap3A_1083 = arith.index_cast %add3A_1059 : i32 to index
        %swap3A_1084 = arith.constant 48 : index
        %swap3A_1085 = tpu.vector_load %arg8[%swap3A_1082, %swap3A_1083, %swap3A_1084] {strides = array<i32>} : memref<4x128x128xf32, #tpu.memory_space<vmem>>, vector<1x1x16xf32>,
        %swap3A_1086 = vector.shape_cast %swap3A_1085 : vector<1x1x16xf32> to vector<16xf32>
        %swap3A_1087 = vector.shape_cast %get3A_363 : vector<16xf32> to vector<1x1x16xf32>
        tpu.vector_store %arg8[%swap3A_1082, %swap3A_1083, %swap3A_1084], %swap3A_1087 {add = true, strides = array<i32>} : memref<4x128x128xf32, #tpu.memory_space<vmem>>, vector<1x1x16xf32>,
        %swap3A_1088 = arith.constant 0 : i32
        %swap3A_1089 = arith.index_cast %swap3A_1088 : i32 to index
        %swap3A_1090 = arith.index_cast %add3A_1059 : i32 to index
        %swap3A_1091 = arith.constant 64 : index
        %swap3A_1092 = tpu.vector_load %arg8[%swap3A_1089, %swap3A_1090, %swap3A_1091] {strides = array<i32>} : memref<4x128x128xf32, #tpu.memory_space<vmem>>, vector<1x1x16xf32>,
        %swap3A_1093 = vector.shape_cast %swap3A_1092 : vector<1x1x16xf32> to vector<16xf32>
        %swap3A_1094 = vector.shape_cast %get3A_367 : vector<16xf32> to vector<1x1x16xf32>
        tpu.vector_store %arg8[%swap3A_1089, %swap3A_1090, %swap3A_1091], %swap3A_1094 {add = true, strides = array<i32>} : memref<4x128x128xf32, #tpu.memory_space<vmem>>, vector<1x1x16xf32>,
        %swap3A_1095 = arith.constant 0 : i32
        %swap3A_1096 = arith.index_cast %swap3A_1095 : i32 to index
        %swap3A_1097 = arith.index_cast %add3A_1059 : i32 to index
        %swap3A_1098 = arith.constant 80 : index
        %swap3A_1099 = tpu.vector_load %arg8[%swap3A_1096, %swap3A_1097, %swap3A_1098] {strides = array<i32>} : memref<4x128x128xf32, #tpu.memory_space<vmem>>, vector<1x1x16xf32>,
        %swap3A_1100 = vector.shape_cast %swap3A_1099 : vector<1x1x16xf32> to vector<16xf32>
        %swap3A_1101 = vector.shape_cast %get3A_371 : vector<16xf32> to vector<1x1x16xf32>
        tpu.vector_store %arg8[%swap3A_1096, %swap3A_1097, %swap3A_1098], %swap3A_1101 {add = true, strides = array<i32>} : memref<4x128x128xf32, #tpu.memory_space<vmem>>, vector<1x1x16xf32>,
        %swap3A_1102 = arith.constant 0 : i32
        %swap3A_1103 = arith.index_cast %swap3A_1102 : i32 to index
        %swap3A_1104 = arith.index_cast %add3A_1059 : i32 to index
        %swap3A_1105 = arith.constant 96 : index
        %swap3A_1106 = tpu.vector_load %arg8[%swap3A_1103, %swap3A_1104, %swap3A_1105] {strides = array<i32>} : memref<4x128x128xf32, #tpu.memory_space<vmem>>, vector<1x1x16xf32>,
        %swap3A_1107 = vector.shape_cast %swap3A_1106 : vector<1x1x16xf32> to vector<16xf32>
        %swap3A_1108 = vector.shape_cast %get3A_375 : vector<16xf32> to vector<1x1x16xf32>
        tpu.vector_store %arg8[%swap3A_1103, %swap3A_1104, %swap3A_1105], %swap3A_1108 {add = true, strides = array<i32>} : memref<4x128x128xf32, #tpu.memory_space<vmem>>, vector<1x1x16xf32>,
        %swap3A_1109 = arith.constant 0 : i32
        %swap3A_1110 = arith.index_cast %swap3A_1109 : i32 to index
        %swap3A_1111 = arith.index_cast %add3A_1059 : i32 to index
        %swap3A_1112 = arith.constant 112 : index
        %swap3A_1113 = tpu.vector_load %arg8[%swap3A_1110, %swap3A_1111, %swap3A_1112] {strides = array<i32>} : memref<4x128x128xf32, #tpu.memory_space<vmem>>, vector<1x1x16xf32>,
        %swap3A_1114 = vector.shape_cast %swap3A_1113 : vector<1x1x16xf32> to vector<16xf32>
        %swap3A_1115 = vector.shape_cast %get3A_379 : vector<16xf32> to vector<1x1x16xf32>
        tpu.vector_store %arg8[%swap3A_1110, %swap3A_1111, %swap3A_1112], %swap3A_1115 {add = true, strides = array<i32>} : memref<4x128x128xf32, #tpu.memory_space<vmem>>, vector<1x1x16xf32>,
        %scan3A_1116 = arith.constant 1 : i32
        %scan3A_1117 = arith.addi %scan3A_1055, %scan3A_1116 : i32
        %mul3A_1118 = arith.constant 1 : i32
        %mul3A_1119 = arith.muli %scan3A_1117, %mul3A_1118 : i32
        %add3A_1120 = arith.constant 64 : i32
        %add3A_1121 = arith.addi %add3A_1120, %mul3A_1119 : i32
        %swap3A_1122 = arith.constant 0 : i32
        %swap3A_1123 = arith.index_cast %swap3A_1122 : i32 to index
        %swap3A_1124 = arith.index_cast %add3A_1121 : i32 to index
        %swap3A_1125 = arith.constant 0 : index
        %swap3A_1126 = tpu.vector_load %arg8[%swap3A_1123, %swap3A_1124, %swap3A_1125] {strides = array<i32>} : memref<4x128x128xf32, #tpu.memory_space<vmem>>, vector<1x1x16xf32>,
        %swap3A_1127 = vector.shape_cast %swap3A_1126 : vector<1x1x16xf32> to vector<16xf32>
        %swap3A_1128 = vector.shape_cast %get3A_351 : vector<16xf32> to vector<1x1x16xf32>
        tpu.vector_store %arg8[%swap3A_1123, %swap3A_1124, %swap3A_1125], %swap3A_1128 {add = true, strides = array<i32>} : memref<4x128x128xf32, #tpu.memory_space<vmem>>, vector<1x1x16xf32>,
        %swap3A_1129 = arith.constant 0 : i32
        %swap3A_1130 = arith.index_cast %swap3A_1129 : i32 to index
        %swap3A_1131 = arith.index_cast %add3A_1121 : i32 to index
        %swap3A_1132 = arith.constant 16 : index
        %swap3A_1133 = tpu.vector_load %arg8[%swap3A_1130, %swap3A_1131, %swap3A_1132] {strides = array<i32>} : memref<4x128x128xf32, #tpu.memory_space<vmem>>, vector<1x1x16xf32>,
        %swap3A_1134 = vector.shape_cast %swap3A_1133 : vector<1x1x16xf32> to vector<16xf32>
        %swap3A_1135 = vector.shape_cast %get3A_355 : vector<16xf32> to vector<1x1x16xf32>
        tpu.vector_store %arg8[%swap3A_1130, %swap3A_1131, %swap3A_1132], %swap3A_1135 {add = true, strides = array<i32>} : memref<4x128x128xf32, #tpu.memory_space<vmem>>, vector<1x1x16xf32>,
        %swap3A_1136 = arith.constant 0 : i32
        %swap3A_1137 = arith.index_cast %swap3A_1136 : i32 to index
        %swap3A_1138 = arith.index_cast %add3A_1121 : i32 to index
        %swap3A_1139 = arith.constant 32 : index
        %swap3A_1140 = tpu.vector_load %arg8[%swap3A_1137, %swap3A_1138, %swap3A_1139] {strides = array<i32>} : memref<4x128x128xf32, #tpu.memory_space<vmem>>, vector<1x1x16xf32>,
        %swap3A_1141 = vector.shape_cast %swap3A_1140 : vector<1x1x16xf32> to vector<16xf32>
        %swap3A_1142 = vector.shape_cast %get3A_359 : vector<16xf32> to vector<1x1x16xf32>
        tpu.vector_store %arg8[%swap3A_1137, %swap3A_1138, %swap3A_1139], %swap3A_1142 {add = true, strides = array<i32>} : memref<4x128x128xf32, #tpu.memory_space<vmem>>, vector<1x1x16xf32>,
        %swap3A_1143 = arith.constant 0 : i32
        %swap3A_1144 = arith.index_cast %swap3A_1143 : i32 to index
        %swap3A_1145 = arith.index_cast %add3A_1121 : i32 to index
        %swap3A_1146 = arith.constant 48 : index
        %swap3A_1147 = tpu.vector_load %arg8[%swap3A_1144, %swap3A_1145, %swap3A_1146] {strides = array<i32>} : memref<4x128x128xf32, #tpu.memory_space<vmem>>, vector<1x1x16xf32>,
        %swap3A_1148 = vector.shape_cast %swap3A_1147 : vector<1x1x16xf32> to vector<16xf32>
        %swap3A_1149 = vector.shape_cast %get3A_363 : vector<16xf32> to vector<1x1x16xf32>
        tpu.vector_store %arg8[%swap3A_1144, %swap3A_1145, %swap3A_1146], %swap3A_1149 {add = true, strides = array<i32>} : memref<4x128x128xf32, #tpu.memory_space<vmem>>, vector<1x1x16xf32>,
        %swap3A_1150 = arith.constant 0 : i32
        %swap3A_1151 = arith.index_cast %swap3A_1150 : i32 to index
        %swap3A_1152 = arith.index_cast %add3A_1121 : i32 to index
        %swap3A_1153 = arith.constant 64 : index
        %swap3A_1154 = tpu.vector_load %arg8[%swap3A_1151, %swap3A_1152, %swap3A_1153] {strides = array<i32>} : memref<4x128x128xf32, #tpu.memory_space<vmem>>, vector<1x1x16xf32>,
        %swap3A_1155 = vector.shape_cast %swap3A_1154 : vector<1x1x16xf32> to vector<16xf32>
        %swap3A_1156 = vector.shape_cast %get3A_367 : vector<16xf32> to vector<1x1x16xf32>
        tpu.vector_store %arg8[%swap3A_1151, %swap3A_1152, %swap3A_1153], %swap3A_1156 {add = true, strides = array<i32>} : memref<4x128x128xf32, #tpu.memory_space<vmem>>, vector<1x1x16xf32>,
        %swap3A_1157 = arith.constant 0 : i32
        %swap3A_1158 = arith.index_cast %swap3A_1157 : i32 to index
        %swap3A_1159 = arith.index_cast %add3A_1121 : i32 to index
        %swap3A_1160 = arith.constant 80 : index
        %swap3A_1161 = tpu.vector_load %arg8[%swap3A_1158, %swap3A_1159, %swap3A_1160] {strides = array<i32>} : memref<4x128x128xf32, #tpu.memory_space<vmem>>, vector<1x1x16xf32>,
        %swap3A_1162 = vector.shape_cast %swap3A_1161 : vector<1x1x16xf32> to vector<16xf32>
        %swap3A_1163 = vector.shape_cast %get3A_371 : vector<16xf32> to vector<1x1x16xf32>
        tpu.vector_store %arg8[%swap3A_1158, %swap3A_1159, %swap3A_1160], %swap3A_1163 {add = true, strides = array<i32>} : memref<4x128x128xf32, #tpu.memory_space<vmem>>, vector<1x1x16xf32>,
        %swap3A_1164 = arith.constant 0 : i32
        %swap3A_1165 = arith.index_cast %swap3A_1164 : i32 to index
        %swap3A_1166 = arith.index_cast %add3A_1121 : i32 to index
        %swap3A_1167 = arith.constant 96 : index
        %swap3A_1168 = tpu.vector_load %arg8[%swap3A_1165, %swap3A_1166, %swap3A_1167] {strides = array<i32>} : memref<4x128x128xf32, #tpu.memory_space<vmem>>, vector<1x1x16xf32>,
        %swap3A_1169 = vector.shape_cast %swap3A_1168 : vector<1x1x16xf32> to vector<16xf32>
        %swap3A_1170 = vector.shape_cast %get3A_375 : vector<16xf32> to vector<1x1x16xf32>
        tpu.vector_store %arg8[%swap3A_1165, %swap3A_1166, %swap3A_1167], %swap3A_1170 {add = true, strides = array<i32>} : memref<4x128x128xf32, #tpu.memory_space<vmem>>, vector<1x1x16xf32>,
        %swap3A_1171 = arith.constant 0 : i32
        %swap3A_1172 = arith.index_cast %swap3A_1171 : i32 to index
        %swap3A_1173 = arith.index_cast %add3A_1121 : i32 to index
        %swap3A_1174 = arith.constant 112 : index
        %swap3A_1175 = tpu.vector_load %arg8[%swap3A_1172, %swap3A_1173, %swap3A_1174] {strides = array<i32>} : memref<4x128x128xf32, #tpu.memory_space<vmem>>, vector<1x1x16xf32>,
        %swap3A_1176 = vector.shape_cast %swap3A_1175 : vector<1x1x16xf32> to vector<16xf32>
        %swap3A_1177 = vector.shape_cast %get3A_379 : vector<16xf32> to vector<1x1x16xf32>
        tpu.vector_store %arg8[%swap3A_1172, %swap3A_1173, %swap3A_1174], %swap3A_1177 {add = true, strides = array<i32>} : memref<4x128x128xf32, #tpu.memory_space<vmem>>, vector<1x1x16xf32>,
        %scan3A_1178 = arith.constant 2 : i32
        %scan3A_1179 = arith.addi %scan3A_1055, %scan3A_1178 : i32
        %mul3A_1180 = arith.constant 1 : i32
        %mul3A_1181 = arith.muli %scan3A_1179, %mul3A_1180 : i32
        %add3A_1182 = arith.constant 64 : i32
        %add3A_1183 = arith.addi %add3A_1182, %mul3A_1181 : i32
        %swap3A_1184 = arith.constant 0 : i32
        %swap3A_1185 = arith.index_cast %swap3A_1184 : i32 to index
        %swap3A_1186 = arith.index_cast %add3A_1183 : i32 to index
        %swap3A_1187 = arith.constant 0 : index
        %swap3A_1188 = tpu.vector_load %arg8[%swap3A_1185, %swap3A_1186, %swap3A_1187] {strides = array<i32>} : memref<4x128x128xf32, #tpu.memory_space<vmem>>, vector<1x1x16xf32>,
        %swap3A_1189 = vector.shape_cast %swap3A_1188 : vector<1x1x16xf32> to vector<16xf32>
        %swap3A_1190 = vector.shape_cast %get3A_351 : vector<16xf32> to vector<1x1x16xf32>
        tpu.vector_store %arg8[%swap3A_1185, %swap3A_1186, %swap3A_1187], %swap3A_1190 {add = true, strides = array<i32>} : memref<4x128x128xf32, #tpu.memory_space<vmem>>, vector<1x1x16xf32>,
        %swap3A_1191 = arith.constant 0 : i32
        %swap3A_1192 = arith.index_cast %swap3A_1191 : i32 to index
        %swap3A_1193 = arith.index_cast %add3A_1183 : i32 to index
        %swap3A_1194 = arith.constant 16 : index
        %swap3A_1195 = tpu.vector_load %arg8[%swap3A_1192, %swap3A_1193, %swap3A_1194] {strides = array<i32>} : memref<4x128x128xf32, #tpu.memory_space<vmem>>, vector<1x1x16xf32>,
        %swap3A_1196 = vector.shape_cast %swap3A_1195 : vector<1x1x16xf32> to vector<16xf32>
        %swap3A_1197 = vector.shape_cast %get3A_355 : vector<16xf32> to vector<1x1x16xf32>
        tpu.vector_store %arg8[%swap3A_1192, %swap3A_1193, %swap3A_1194], %swap3A_1197 {add = true, strides = array<i32>} : memref<4x128x128xf32, #tpu.memory_space<vmem>>, vector<1x1x16xf32>,
        %swap3A_1198 = arith.constant 0 : i32
        %swap3A_1199 = arith.index_cast %swap3A_1198 : i32 to index
        %swap3A_1200 = arith.index_cast %add3A_1183 : i32 to index
        %swap3A_1201 = arith.constant 32 : index
        %swap3A_1202 = tpu.vector_load %arg8[%swap3A_1199, %swap3A_1200, %swap3A_1201] {strides = array<i32>} : memref<4x128x128xf32, #tpu.memory_space<vmem>>, vector<1x1x16xf32>,
        %swap3A_1203 = vector.shape_cast %swap3A_1202 : vector<1x1x16xf32> to vector<16xf32>
        %swap3A_1204 = vector.shape_cast %get3A_359 : vector<16xf32> to vector<1x1x16xf32>
        tpu.vector_store %arg8[%swap3A_1199, %swap3A_1200, %swap3A_1201], %swap3A_1204 {add = true, strides = array<i32>} : memref<4x128x128xf32, #tpu.memory_space<vmem>>, vector<1x1x16xf32>,
        %swap3A_1205 = arith.constant 0 : i32
        %swap3A_1206 = arith.index_cast %swap3A_1205 : i32 to index
        %swap3A_1207 = arith.index_cast %add3A_1183 : i32 to index
        %swap3A_1208 = arith.constant 48 : index
        %swap3A_1209 = tpu.vector_load %arg8[%swap3A_1206, %swap3A_1207, %swap3A_1208] {strides = array<i32>} : memref<4x128x128xf32, #tpu.memory_space<vmem>>, vector<1x1x16xf32>,
        %swap3A_1210 = vector.shape_cast %swap3A_1209 : vector<1x1x16xf32> to vector<16xf32>
        %swap3A_1211 = vector.shape_cast %get3A_363 : vector<16xf32> to vector<1x1x16xf32>
        tpu.vector_store %arg8[%swap3A_1206, %swap3A_1207, %swap3A_1208], %swap3A_1211 {add = true, strides = array<i32>} : memref<4x128x128xf32, #tpu.memory_space<vmem>>, vector<1x1x16xf32>,
        %swap3A_1212 = arith.constant 0 : i32
        %swap3A_1213 = arith.index_cast %swap3A_1212 : i32 to index
        %swap3A_1214 = arith.index_cast %add3A_1183 : i32 to index
        %swap3A_1215 = arith.constant 64 : index
        %swap3A_1216 = tpu.vector_load %arg8[%swap3A_1213, %swap3A_1214, %swap3A_1215] {strides = array<i32>} : memref<4x128x128xf32, #tpu.memory_space<vmem>>, vector<1x1x16xf32>,
        %swap3A_1217 = vector.shape_cast %swap3A_1216 : vector<1x1x16xf32> to vector<16xf32>
        %swap3A_1218 = vector.shape_cast %get3A_367 : vector<16xf32> to vector<1x1x16xf32>
        tpu.vector_store %arg8[%swap3A_1213, %swap3A_1214, %swap3A_1215], %swap3A_1218 {add = true, strides = array<i32>} : memref<4x128x128xf32, #tpu.memory_space<vmem>>, vector<1x1x16xf32>,
        %swap3A_1219 = arith.constant 0 : i32
        %swap3A_1220 = arith.index_cast %swap3A_1219 : i32 to index
        %swap3A_1221 = arith.index_cast %add3A_1183 : i32 to index
        %swap3A_1222 = arith.constant 80 : index
        %swap3A_1223 = tpu.vector_load %arg8[%swap3A_1220, %swap3A_1221, %swap3A_1222] {strides = array<i32>} : memref<4x128x128xf32, #tpu.memory_space<vmem>>, vector<1x1x16xf32>,
        %swap3A_1224 = vector.shape_cast %swap3A_1223 : vector<1x1x16xf32> to vector<16xf32>
        %swap3A_1225 = vector.shape_cast %get3A_371 : vector<16xf32> to vector<1x1x16xf32>
        tpu.vector_store %arg8[%swap3A_1220, %swap3A_1221, %swap3A_1222], %swap3A_1225 {add = true, strides = array<i32>} : memref<4x128x128xf32, #tpu.memory_space<vmem>>, vector<1x1x16xf32>,
        %swap3A_1226 = arith.constant 0 : i32
        %swap3A_1227 = arith.index_cast %swap3A_1226 : i32 to index
        %swap3A_1228 = arith.index_cast %add3A_1183 : i32 to index
        %swap3A_1229 = arith.constant 96 : index
        %swap3A_1230 = tpu.vector_load %arg8[%swap3A_1227, %swap3A_1228, %swap3A_1229] {strides = array<i32>} : memref<4x128x128xf32, #tpu.memory_space<vmem>>, vector<1x1x16xf32>,
        %swap3A_1231 = vector.shape_cast %swap3A_1230 : vector<1x1x16xf32> to vector<16xf32>
        %swap3A_1232 = vector.shape_cast %get3A_375 : vector<16xf32> to vector<1x1x16xf32>
        tpu.vector_store %arg8[%swap3A_1227, %swap3A_1228, %swap3A_1229], %swap3A_1232 {add = true, strides = array<i32>} : memref<4x128x128xf32, #tpu.memory_space<vmem>>, vector<1x1x16xf32>,
        %swap3A_1233 = arith.constant 0 : i32
        %swap3A_1234 = arith.index_cast %swap3A_1233 : i32 to index
        %swap3A_1235 = arith.index_cast %add3A_1183 : i32 to index
        %swap3A_1236 = arith.constant 112 : index
        %swap3A_1237 = tpu.vector_load %arg8[%swap3A_1234, %swap3A_1235, %swap3A_1236] {strides = array<i32>} : memref<4x128x128xf32, #tpu.memory_space<vmem>>, vector<1x1x16xf32>,
        %swap3A_1238 = vector.shape_cast %swap3A_1237 : vector<1x1x16xf32> to vector<16xf32>
        %swap3A_1239 = vector.shape_cast %get3A_379 : vector<16xf32> to vector<1x1x16xf32>
        tpu.vector_store %arg8[%swap3A_1234, %swap3A_1235, %swap3A_1236], %swap3A_1239 {add = true, strides = array<i32>} : memref<4x128x128xf32, #tpu.memory_space<vmem>>, vector<1x1x16xf32>,
        %scan3A_1240 = arith.constant 3 : i32
        %scan3A_1241 = arith.addi %scan3A_1055, %scan3A_1240 : i32
        %mul3A_1242 = arith.constant 1 : i32
        %mul3A_1243 = arith.muli %scan3A_1241, %mul3A_1242 : i32
        %add3A_1244 = arith.constant 64 : i32
        %add3A_1245 = arith.addi %add3A_1244, %mul3A_1243 : i32
        %swap3A_1246 = arith.constant 0 : i32
        %swap3A_1247 = arith.index_cast %swap3A_1246 : i32 to index
        %swap3A_1248 = arith.index_cast %add3A_1245 : i32 to index
        %swap3A_1249 = arith.constant 0 : index
        %swap3A_1250 = tpu.vector_load %arg8[%swap3A_1247, %swap3A_1248, %swap3A_1249] {strides = array<i32>} : memref<4x128x128xf32, #tpu.memory_space<vmem>>, vector<1x1x16xf32>,
        %swap3A_1251 = vector.shape_cast %swap3A_1250 : vector<1x1x16xf32> to vector<16xf32>
        %swap3A_1252 = vector.shape_cast %get3A_351 : vector<16xf32> to vector<1x1x16xf32>
        tpu.vector_store %arg8[%swap3A_1247, %swap3A_1248, %swap3A_1249], %swap3A_1252 {add = true, strides = array<i32>} : memref<4x128x128xf32, #tpu.memory_space<vmem>>, vector<1x1x16xf32>,
        %swap3A_1253 = arith.constant 0 : i32
        %swap3A_1254 = arith.index_cast %swap3A_1253 : i32 to index
        %swap3A_1255 = arith.index_cast %add3A_1245 : i32 to index
        %swap3A_1256 = arith.constant 16 : index
        %swap3A_1257 = tpu.vector_load %arg8[%swap3A_1254, %swap3A_1255, %swap3A_1256] {strides = array<i32>} : memref<4x128x128xf32, #tpu.memory_space<vmem>>, vector<1x1x16xf32>,
        %swap3A_1258 = vector.shape_cast %swap3A_1257 : vector<1x1x16xf32> to vector<16xf32>
        %swap3A_1259 = vector.shape_cast %get3A_355 : vector<16xf32> to vector<1x1x16xf32>
        tpu.vector_store %arg8[%swap3A_1254, %swap3A_1255, %swap3A_1256], %swap3A_1259 {add = true, strides = array<i32>} : memref<4x128x128xf32, #tpu.memory_space<vmem>>, vector<1x1x16xf32>,
        %swap3A_1260 = arith.constant 0 : i32
        %swap3A_1261 = arith.index_cast %swap3A_1260 : i32 to index
        %swap3A_1262 = arith.index_cast %add3A_1245 : i32 to index
        %swap3A_1263 = arith.constant 32 : index
        %swap3A_1264 = tpu.vector_load %arg8[%swap3A_1261, %swap3A_1262, %swap3A_1263] {strides = array<i32>} : memref<4x128x128xf32, #tpu.memory_space<vmem>>, vector<1x1x16xf32>,
        %swap3A_1265 = vector.shape_cast %swap3A_1264 : vector<1x1x16xf32> to vector<16xf32>
        %swap3A_1266 = vector.shape_cast %get3A_359 : vector<16xf32> to vector<1x1x16xf32>
        tpu.vector_store %arg8[%swap3A_1261, %swap3A_1262, %swap3A_1263], %swap3A_1266 {add = true, strides = array<i32>} : memref<4x128x128xf32, #tpu.memory_space<vmem>>, vector<1x1x16xf32>,
        %swap3A_1267 = arith.constant 0 : i32
        %swap3A_1268 = arith.index_cast %swap3A_1267 : i32 to index
        %swap3A_1269 = arith.index_cast %add3A_1245 : i32 to index
        %swap3A_1270 = arith.constant 48 : index
        %swap3A_1271 = tpu.vector_load %arg8[%swap3A_1268, %swap3A_1269, %swap3A_1270] {strides = array<i32>} : memref<4x128x128xf32, #tpu.memory_space<vmem>>, vector<1x1x16xf32>,
        %swap3A_1272 = vector.shape_cast %swap3A_1271 : vector<1x1x16xf32> to vector<16xf32>
        %swap3A_1273 = vector.shape_cast %get3A_363 : vector<16xf32> to vector<1x1x16xf32>
        tpu.vector_store %arg8[%swap3A_1268, %swap3A_1269, %swap3A_1270], %swap3A_1273 {add = true, strides = array<i32>} : memref<4x128x128xf32, #tpu.memory_space<vmem>>, vector<1x1x16xf32>,
        %swap3A_1274 = arith.constant 0 : i32
        %swap3A_1275 = arith.index_cast %swap3A_1274 : i32 to index
        %swap3A_1276 = arith.index_cast %add3A_1245 : i32 to index
        %swap3A_1277 = arith.constant 64 : index
        %swap3A_1278 = tpu.vector_load %arg8[%swap3A_1275, %swap3A_1276, %swap3A_1277] {strides = array<i32>} : memref<4x128x128xf32, #tpu.memory_space<vmem>>, vector<1x1x16xf32>,
        %swap3A_1279 = vector.shape_cast %swap3A_1278 : vector<1x1x16xf32> to vector<16xf32>
        %swap3A_1280 = vector.shape_cast %get3A_367 : vector<16xf32> to vector<1x1x16xf32>
        tpu.vector_store %arg8[%swap3A_1275, %swap3A_1276, %swap3A_1277], %swap3A_1280 {add = true, strides = array<i32>} : memref<4x128x128xf32, #tpu.memory_space<vmem>>, vector<1x1x16xf32>,
        %swap3A_1281 = arith.constant 0 : i32
        %swap3A_1282 = arith.index_cast %swap3A_1281 : i32 to index
        %swap3A_1283 = arith.index_cast %add3A_1245 : i32 to index
        %swap3A_1284 = arith.constant 80 : index
        %swap3A_1285 = tpu.vector_load %arg8[%swap3A_1282, %swap3A_1283, %swap3A_1284] {strides = array<i32>} : memref<4x128x128xf32, #tpu.memory_space<vmem>>, vector<1x1x16xf32>,
        %swap3A_1286 = vector.shape_cast %swap3A_1285 : vector<1x1x16xf32> to vector<16xf32>
        %swap3A_1287 = vector.shape_cast %get3A_371 : vector<16xf32> to vector<1x1x16xf32>
        tpu.vector_store %arg8[%swap3A_1282, %swap3A_1283, %swap3A_1284], %swap3A_1287 {add = true, strides = array<i32>} : memref<4x128x128xf32, #tpu.memory_space<vmem>>, vector<1x1x16xf32>,
        %swap3A_1288 = arith.constant 0 : i32
        %swap3A_1289 = arith.index_cast %swap3A_1288 : i32 to index
        %swap3A_1290 = arith.index_cast %add3A_1245 : i32 to index
        %swap3A_1291 = arith.constant 96 : index
        %swap3A_1292 = tpu.vector_load %arg8[%swap3A_1289, %swap3A_1290, %swap3A_1291] {strides = array<i32>} : memref<4x128x128xf32, #tpu.memory_space<vmem>>, vector<1x1x16xf32>,
        %swap3A_1293 = vector.shape_cast %swap3A_1292 : vector<1x1x16xf32> to vector<16xf32>
        %swap3A_1294 = vector.shape_cast %get3A_375 : vector<16xf32> to vector<1x1x16xf32>
        tpu.vector_store %arg8[%swap3A_1289, %swap3A_1290, %swap3A_1291], %swap3A_1294 {add = true, strides = array<i32>} : memref<4x128x128xf32, #tpu.memory_space<vmem>>, vector<1x1x16xf32>,
        %swap3A_1295 = arith.constant 0 : i32
        %swap3A_1296 = arith.index_cast %swap3A_1295 : i32 to index
        %swap3A_1297 = arith.index_cast %add3A_1245 : i32 to index
        %swap3A_1298 = arith.constant 112 : index
        %swap3A_1299 = tpu.vector_load %arg8[%swap3A_1296, %swap3A_1297, %swap3A_1298] {strides = array<i32>} : memref<4x128x128xf32, #tpu.memory_space<vmem>>, vector<1x1x16xf32>,
        %swap3A_1300 = vector.shape_cast %swap3A_1299 : vector<1x1x16xf32> to vector<16xf32>
        %swap3A_1301 = vector.shape_cast %get3A_379 : vector<16xf32> to vector<1x1x16xf32>
        tpu.vector_store %arg8[%swap3A_1296, %swap3A_1297, %swap3A_1298], %swap3A_1301 {add = true, strides = array<i32>} : memref<4x128x128xf32, #tpu.memory_space<vmem>>, vector<1x1x16xf32>,
      }
      %scan3A_402 = arith.constant 64 : i32
      %dma_start3A_403 = arith.constant 0 : i32
      %dma_start3A_404 = arith.constant 0 : i32
      %dma_start3A_405 = arith.constant 1 : i32
      %dma_start3A_406 = arith.constant 64 : i32
      %dma_start3A_407 = arith.constant 0 : i32
      %dma_start3A_408 = tpu.memref_slice %arg8[%dma_start3A_403, %dma_start3A_406, %dma_start3A_407] : memref<4x128x128xf32, #tpu.memory_space<vmem>> -> memref<1x64x128xf32, #tpu.memory_space<vmem>>
      %dma_start3A_409 = tpu.memref_squeeze %dma_start3A_408 : memref<1x64x128xf32, #tpu.memory_space<vmem>> -> memref<64x128xf32, #tpu.memory_space<vmem>>
      %dma_start3A_410 = arith.constant 0 : i32
      %dma_start3A_411 = tpu.memref_slice %arg9[%dma_start3A_404, %dma_start3A_405, %dma_start3A_410] : memref<4x2x64xi32, #tpu.memory_space<vmem>> -> memref<1x1x64xi32, #tpu.memory_space<vmem>>
      %dma_start3A_412 = tpu.memref_squeeze %dma_start3A_411 : memref<1x1x64xi32, #tpu.memory_space<vmem>> -> memref<64xi32, #tpu.memory_space<vmem>>
      %dma_start3A_413 = arith.constant 0 : i32
      %dma_start3A_414 = arith.constant 0 : i32
      %dma_start3A_415 = tpu.memref_slice %arg5[%dma_start3A_413, %dma_start3A_414] : memref<819200x128xf32, #tpu.memory_space<hbm>> -> memref<819200x128xf32, #tpu.memory_space<hbm>>
      tpu.enqueue_indirect_dma source(%dma_start3A_409 : memref<64x128xf32, #tpu.memory_space<vmem>>) target(%dma_start3A_415 : memref<819200x128xf32, #tpu.memory_space<hbm>>) offsets(%dma_start3A_412 : memref<64xi32, #tpu.memory_space<vmem>>) semaphore(%arg16 : memref<!tpu.dma_semaphore, #tpu.memory_space<semaphore_mem>>)
      %add3A_416 = arith.constant 1 : i32
      %add3A_417 = arith.addi %add3A_205, %add3A_416 : i32
      %ge3A_418 = arith.constant 2 : i32
      %ge3A_419 = arith.cmpi sge, %add3A_417, %ge3A_418 : i32
      %convert_element_type3A_420 = arith.extui %ge3A_419 : i1 to i32
      %cond3A_421 = arith.constant 0 : i32
      %cond3A_422 = arith.cmpi ne, %convert_element_type3A_420, %cond3A_421 : i32
      scf.if %cond3A_422 {
        %dma_wait3A_1055 = arith.constant 3 : i32
        %dma_wait3A_1056 = arith.constant 3 : i32
        %dma_wait3A_1057 = arith.constant 0 : i32
        %dma_wait3A_1058 = arith.constant 0 : i32
        %dma_wait3A_1059 = arith.constant 0 : i32
        %dma_wait3A_1060 = tpu.memref_slice %arg8[%dma_wait3A_1055, %dma_wait3A_1058, %dma_wait3A_1059] : memref<4x128x128xf32, #tpu.memory_space<vmem>> -> memref<1x64x128xf32, #tpu.memory_space<vmem>>
        %dma_wait3A_1061 = tpu.memref_squeeze %dma_wait3A_1060 : memref<1x64x128xf32, #tpu.memory_space<vmem>> -> memref<64x128xf32, #tpu.memory_space<vmem>>
        %dma_wait3A_1062 = arith.constant 0 : i32
        %dma_wait3A_1063 = tpu.memref_slice %arg9[%dma_wait3A_1056, %dma_wait3A_1057, %dma_wait3A_1062] : memref<4x2x64xi32, #tpu.memory_space<vmem>> -> memref<1x1x64xi32, #tpu.memory_space<vmem>>
        %dma_wait3A_1064 = tpu.memref_squeeze %dma_wait3A_1063 : memref<1x1x64xi32, #tpu.memory_space<vmem>> -> memref<64xi32, #tpu.memory_space<vmem>>
        %dma_wait3A_1065 = arith.constant 0 : i32
        %dma_wait3A_1066 = arith.constant 0 : i32
        %dma_wait3A_1067 = tpu.memref_slice %arg5[%dma_wait3A_1065, %dma_wait3A_1066] : memref<819200x128xf32, #tpu.memory_space<hbm>> -> memref<819200x128xf32, #tpu.memory_space<hbm>>
        tpu.wait_indirect_dma semaphore(%arg19 : memref<!tpu.dma_semaphore, #tpu.memory_space<semaphore_mem>>) src(%dma_wait3A_1061 : memref<64x128xf32, #tpu.memory_space<vmem>>) dst(%dma_wait3A_1067 : memref<819200x128xf32, #tpu.memory_space<hbm>>)
        %dma_wait3A_1068 = arith.constant 3 : i32
        %dma_wait3A_1069 = arith.constant 3 : i32
        %dma_wait3A_1070 = arith.constant 1 : i32
        %dma_wait3A_1071 = arith.constant 64 : i32
        %dma_wait3A_1072 = arith.constant 0 : i32
        %dma_wait3A_1073 = tpu.memref_slice %arg8[%dma_wait3A_1068, %dma_wait3A_1071, %dma_wait3A_1072] : memref<4x128x128xf32, #tpu.memory_space<vmem>> -> memref<1x64x128xf32, #tpu.memory_space<vmem>>
        %dma_wait3A_1074 = tpu.memref_squeeze %dma_wait3A_1073 : memref<1x64x128xf32, #tpu.memory_space<vmem>> -> memref<64x128xf32, #tpu.memory_space<vmem>>
        %dma_wait3A_1075 = arith.constant 0 : i32
        %dma_wait3A_1076 = tpu.memref_slice %arg9[%dma_wait3A_1069, %dma_wait3A_1070, %dma_wait3A_1075] : memref<4x2x64xi32, #tpu.memory_space<vmem>> -> memref<1x1x64xi32, #tpu.memory_space<vmem>>
        %dma_wait3A_1077 = tpu.memref_squeeze %dma_wait3A_1076 : memref<1x1x64xi32, #tpu.memory_space<vmem>> -> memref<64xi32, #tpu.memory_space<vmem>>
        %dma_wait3A_1078 = arith.constant 0 : i32
        %dma_wait3A_1079 = arith.constant 0 : i32
        %dma_wait3A_1080 = tpu.memref_slice %arg5[%dma_wait3A_1078, %dma_wait3A_1079] : memref<819200x128xf32, #tpu.memory_space<hbm>> -> memref<819200x128xf32, #tpu.memory_space<hbm>>
        tpu.wait_indirect_dma semaphore(%arg19 : memref<!tpu.dma_semaphore, #tpu.memory_space<semaphore_mem>>) src(%dma_wait3A_1074 : memref<64x128xf32, #tpu.memory_space<vmem>>) dst(%dma_wait3A_1080 : memref<819200x128xf32, #tpu.memory_space<hbm>>)
      } else {
      }
      %add3A_423 = arith.constant 2 : i32
      %add3A_424 = arith.addi %add3A_417, %add3A_423 : i32
      %lt3A_425 = arith.constant 200 : i32
      %lt3A_426 = arith.cmpi slt, %add3A_424, %lt3A_425 : i32
      %convert_element_type3A_427 = arith.extui %lt3A_426 : i1 to i32
      %cond3A_428 = arith.constant 0 : i32
      %cond3A_429 = arith.cmpi ne, %convert_element_type3A_427, %cond3A_428 : i32
      scf.if %cond3A_429 {
        %add3A_1055 = arith.constant 2 : i32
        %add3A_1056 = arith.addi %add3A_417, %add3A_1055 : i32
        %dma_start3A_1057 = arith.constant 3 : i32
        %dma_start3A_1058 = arith.constant 0 : i32
        %dma_start3A_1059 = arith.constant 0 : i32
        %dma_start3A_1060 = tpu.memref_slice %arg8[%dma_start3A_1057, %dma_start3A_1058, %dma_start3A_1059] : memref<4x128x128xf32, #tpu.memory_space<vmem>> -> memref<1x128x128xf32, #tpu.memory_space<vmem>>
        %dma_start3A_1061 = tpu.memref_squeeze %dma_start3A_1060 : memref<1x128x128xf32, #tpu.memory_space<vmem>> -> memref<128x128xf32, #tpu.memory_space<vmem>>
        %dma_start3A_1062 = arith.constant 0 : i32
        %dma_start3A_1063 = tpu.memref_slice %arg6[%add3A_1056, %dma_start3A_1062] : memref<200x128xi32, #tpu.memory_space<vmem>> -> memref<1x128xi32, #tpu.memory_space<vmem>>
        %dma_start3A_1064 = tpu.memref_squeeze %dma_start3A_1063 : memref<1x128xi32, #tpu.memory_space<vmem>> -> memref<128xi32, #tpu.memory_space<vmem>>
        %dma_start3A_1065 = arith.constant 0 : i32
        %dma_start3A_1066 = arith.constant 0 : i32
        %dma_start3A_1067 = tpu.memref_slice %arg11[%dma_start3A_1065, %dma_start3A_1066] : memref<1000x128xf32, #tpu.memory_space<vmem_shared>> -> memref<1000x128xf32, #tpu.memory_space<vmem_shared>>
        tpu.enqueue_indirect_dma source(%dma_start3A_1067 : memref<1000x128xf32, #tpu.memory_space<vmem_shared>>) target(%dma_start3A_1061 : memref<128x128xf32, #tpu.memory_space<vmem>>) offsets(%dma_start3A_1064 : memref<128xi32, #tpu.memory_space<vmem>>) semaphore(%arg15 : memref<!tpu.dma_semaphore, #tpu.memory_space<semaphore_mem>>)
      } else {
      }
      %get3A_430 = arith.constant 0 : i32
      %get3A_431 = arith.index_cast %get3A_430 : i32 to index
      %get3A_432 = arith.constant 0 : index
      %get3A_433 = tpu.vector_load %arg10[%get3A_431, %get3A_432] {strides = array<i32>} : memref<1x128xi32, #tpu.memory_space<vmem>>, vector<1x16xi32>,
      %get3A_434 = vector.shape_cast %get3A_433 : vector<1x16xi32> to vector<16xi32>
      %add3A_435 = vector.broadcast %add3A_417 : i32 to vector<16xi32>
      %add3A_436 = arith.addi %get3A_434, %add3A_435 : vector<16xi32>
      %swap3A_437 = arith.constant 1 : i32
      %swap3A_438 = arith.constant 0 : i32
      %swap3A_439 = arith.index_cast %swap3A_437 : i32 to index
      %swap3A_440 = arith.index_cast %swap3A_438 : i32 to index
      %swap3A_441 = arith.constant 0 : index
      %swap3A_442 = tpu.vector_load %arg9[%swap3A_439, %swap3A_440, %swap3A_441] {strides = array<i32>} : memref<4x2x64xi32, #tpu.memory_space<vmem>>, vector<1x1x16xi32>,
      %swap3A_443 = vector.shape_cast %swap3A_442 : vector<1x1x16xi32> to vector<16xi32>
      %swap3A_444 = vector.shape_cast %add3A_436 : vector<16xi32> to vector<1x1x16xi32>
      tpu.vector_store %arg9[%swap3A_439, %swap3A_440, %swap3A_441], %swap3A_444 {strides = array<i32>} : memref<4x2x64xi32, #tpu.memory_space<vmem>>, vector<1x1x16xi32>,
      %get3A_445 = arith.constant 0 : i32
      %get3A_446 = arith.index_cast %get3A_445 : i32 to index
      %get3A_447 = arith.constant 16 : index
      %get3A_448 = tpu.vector_load %arg10[%get3A_446, %get3A_447] {strides = array<i32>} : memref<1x128xi32, #tpu.memory_space<vmem>>, vector<1x16xi32>,
      %get3A_449 = vector.shape_cast %get3A_448 : vector<1x16xi32> to vector<16xi32>
      %add3A_450 = vector.broadcast %add3A_417 : i32 to vector<16xi32>
      %add3A_451 = arith.addi %get3A_449, %add3A_450 : vector<16xi32>
      %swap3A_452 = arith.constant 1 : i32
      %swap3A_453 = arith.constant 0 : i32
      %swap3A_454 = arith.index_cast %swap3A_452 : i32 to index
      %swap3A_455 = arith.index_cast %swap3A_453 : i32 to index
      %swap3A_456 = arith.constant 16 : index
      %swap3A_457 = tpu.vector_load %arg9[%swap3A_454, %swap3A_455, %swap3A_456] {strides = array<i32>} : memref<4x2x64xi32, #tpu.memory_space<vmem>>, vector<1x1x16xi32>,
      %swap3A_458 = vector.shape_cast %swap3A_457 : vector<1x1x16xi32> to vector<16xi32>
      %swap3A_459 = vector.shape_cast %add3A_451 : vector<16xi32> to vector<1x1x16xi32>
      tpu.vector_store %arg9[%swap3A_454, %swap3A_455, %swap3A_456], %swap3A_459 {strides = array<i32>} : memref<4x2x64xi32, #tpu.memory_space<vmem>>, vector<1x1x16xi32>,
      %get3A_460 = arith.constant 0 : i32
      %get3A_461 = arith.index_cast %get3A_460 : i32 to index
      %get3A_462 = arith.constant 32 : index
      %get3A_463 = tpu.vector_load %arg10[%get3A_461, %get3A_462] {strides = array<i32>} : memref<1x128xi32, #tpu.memory_space<vmem>>, vector<1x16xi32>,
      %get3A_464 = vector.shape_cast %get3A_463 : vector<1x16xi32> to vector<16xi32>
      %add3A_465 = vector.broadcast %add3A_417 : i32 to vector<16xi32>
      %add3A_466 = arith.addi %get3A_464, %add3A_465 : vector<16xi32>
      %swap3A_467 = arith.constant 1 : i32
      %swap3A_468 = arith.constant 0 : i32
      %swap3A_469 = arith.index_cast %swap3A_467 : i32 to index
      %swap3A_470 = arith.index_cast %swap3A_468 : i32 to index
      %swap3A_471 = arith.constant 32 : index
      %swap3A_472 = tpu.vector_load %arg9[%swap3A_469, %swap3A_470, %swap3A_471] {strides = array<i32>} : memref<4x2x64xi32, #tpu.memory_space<vmem>>, vector<1x1x16xi32>,
      %swap3A_473 = vector.shape_cast %swap3A_472 : vector<1x1x16xi32> to vector<16xi32>
      %swap3A_474 = vector.shape_cast %add3A_466 : vector<16xi32> to vector<1x1x16xi32>
      tpu.vector_store %arg9[%swap3A_469, %swap3A_470, %swap3A_471], %swap3A_474 {strides = array<i32>} : memref<4x2x64xi32, #tpu.memory_space<vmem>>, vector<1x1x16xi32>,
      %get3A_475 = arith.constant 0 : i32
      %get3A_476 = arith.index_cast %get3A_475 : i32 to index
      %get3A_477 = arith.constant 48 : index
      %get3A_478 = tpu.vector_load %arg10[%get3A_476, %get3A_477] {strides = array<i32>} : memref<1x128xi32, #tpu.memory_space<vmem>>, vector<1x16xi32>,
      %get3A_479 = vector.shape_cast %get3A_478 : vector<1x16xi32> to vector<16xi32>
      %add3A_480 = vector.broadcast %add3A_417 : i32 to vector<16xi32>
      %add3A_481 = arith.addi %get3A_479, %add3A_480 : vector<16xi32>
      %swap3A_482 = arith.constant 1 : i32
      %swap3A_483 = arith.constant 0 : i32
      %swap3A_484 = arith.index_cast %swap3A_482 : i32 to index
      %swap3A_485 = arith.index_cast %swap3A_483 : i32 to index
      %swap3A_486 = arith.constant 48 : index
      %swap3A_487 = tpu.vector_load %arg9[%swap3A_484, %swap3A_485, %swap3A_486] {strides = array<i32>} : memref<4x2x64xi32, #tpu.memory_space<vmem>>, vector<1x1x16xi32>,
      %swap3A_488 = vector.shape_cast %swap3A_487 : vector<1x1x16xi32> to vector<16xi32>
      %swap3A_489 = vector.shape_cast %add3A_481 : vector<16xi32> to vector<1x1x16xi32>
      tpu.vector_store %arg9[%swap3A_484, %swap3A_485, %swap3A_486], %swap3A_489 {strides = array<i32>} : memref<4x2x64xi32, #tpu.memory_space<vmem>>, vector<1x1x16xi32>,
      %get3A_490 = arith.constant 0 : i32
      %get3A_491 = arith.index_cast %get3A_490 : i32 to index
      %get3A_492 = arith.constant 64 : index
      %get3A_493 = tpu.vector_load %arg10[%get3A_491, %get3A_492] {strides = array<i32>} : memref<1x128xi32, #tpu.memory_space<vmem>>, vector<1x16xi32>,
      %get3A_494 = vector.shape_cast %get3A_493 : vector<1x16xi32> to vector<16xi32>
      %add3A_495 = vector.broadcast %add3A_417 : i32 to vector<16xi32>
      %add3A_496 = arith.addi %get3A_494, %add3A_495 : vector<16xi32>
      %swap3A_497 = arith.constant 1 : i32
      %swap3A_498 = arith.constant 1 : i32
      %swap3A_499 = arith.index_cast %swap3A_497 : i32 to index
      %swap3A_500 = arith.index_cast %swap3A_498 : i32 to index
      %swap3A_501 = arith.constant 0 : index
      %swap3A_502 = tpu.vector_load %arg9[%swap3A_499, %swap3A_500, %swap3A_501] {strides = array<i32>} : memref<4x2x64xi32, #tpu.memory_space<vmem>>, vector<1x1x16xi32>,
      %swap3A_503 = vector.shape_cast %swap3A_502 : vector<1x1x16xi32> to vector<16xi32>
      %swap3A_504 = vector.shape_cast %add3A_496 : vector<16xi32> to vector<1x1x16xi32>
      tpu.vector_store %arg9[%swap3A_499, %swap3A_500, %swap3A_501], %swap3A_504 {strides = array<i32>} : memref<4x2x64xi32, #tpu.memory_space<vmem>>, vector<1x1x16xi32>,
      %get3A_505 = arith.constant 0 : i32
      %get3A_506 = arith.index_cast %get3A_505 : i32 to index
      %get3A_507 = arith.constant 80 : index
      %get3A_508 = tpu.vector_load %arg10[%get3A_506, %get3A_507] {strides = array<i32>} : memref<1x128xi32, #tpu.memory_space<vmem>>, vector<1x16xi32>,
      %get3A_509 = vector.shape_cast %get3A_508 : vector<1x16xi32> to vector<16xi32>
      %add3A_510 = vector.broadcast %add3A_417 : i32 to vector<16xi32>
      %add3A_511 = arith.addi %get3A_509, %add3A_510 : vector<16xi32>
      %swap3A_512 = arith.constant 1 : i32
      %swap3A_513 = arith.constant 1 : i32
      %swap3A_514 = arith.index_cast %swap3A_512 : i32 to index
      %swap3A_515 = arith.index_cast %swap3A_513 : i32 to index
      %swap3A_516 = arith.constant 16 : index
      %swap3A_517 = tpu.vector_load %arg9[%swap3A_514, %swap3A_515, %swap3A_516] {strides = array<i32>} : memref<4x2x64xi32, #tpu.memory_space<vmem>>, vector<1x1x16xi32>,
      %swap3A_518 = vector.shape_cast %swap3A_517 : vector<1x1x16xi32> to vector<16xi32>
      %swap3A_519 = vector.shape_cast %add3A_511 : vector<16xi32> to vector<1x1x16xi32>
      tpu.vector_store %arg9[%swap3A_514, %swap3A_515, %swap3A_516], %swap3A_519 {strides = array<i32>} : memref<4x2x64xi32, #tpu.memory_space<vmem>>, vector<1x1x16xi32>,
      %get3A_520 = arith.constant 0 : i32
      %get3A_521 = arith.index_cast %get3A_520 : i32 to index
      %get3A_522 = arith.constant 96 : index
      %get3A_523 = tpu.vector_load %arg10[%get3A_521, %get3A_522] {strides = array<i32>} : memref<1x128xi32, #tpu.memory_space<vmem>>, vector<1x16xi32>,
      %get3A_524 = vector.shape_cast %get3A_523 : vector<1x16xi32> to vector<16xi32>
      %add3A_525 = vector.broadcast %add3A_417 : i32 to vector<16xi32>
      %add3A_526 = arith.addi %get3A_524, %add3A_525 : vector<16xi32>
      %swap3A_527 = arith.constant 1 : i32
      %swap3A_528 = arith.constant 1 : i32
      %swap3A_529 = arith.index_cast %swap3A_527 : i32 to index
      %swap3A_530 = arith.index_cast %swap3A_528 : i32 to index
      %swap3A_531 = arith.constant 32 : index
      %swap3A_532 = tpu.vector_load %arg9[%swap3A_529, %swap3A_530, %swap3A_531] {strides = array<i32>} : memref<4x2x64xi32, #tpu.memory_space<vmem>>, vector<1x1x16xi32>,
      %swap3A_533 = vector.shape_cast %swap3A_532 : vector<1x1x16xi32> to vector<16xi32>
      %swap3A_534 = vector.shape_cast %add3A_526 : vector<16xi32> to vector<1x1x16xi32>
      tpu.vector_store %arg9[%swap3A_529, %swap3A_530, %swap3A_531], %swap3A_534 {strides = array<i32>} : memref<4x2x64xi32, #tpu.memory_space<vmem>>, vector<1x1x16xi32>,
      %get3A_535 = arith.constant 0 : i32
      %get3A_536 = arith.index_cast %get3A_535 : i32 to index
      %get3A_537 = arith.constant 112 : index
      %get3A_538 = tpu.vector_load %arg10[%get3A_536, %get3A_537] {strides = array<i32>} : memref<1x128xi32, #tpu.memory_space<vmem>>, vector<1x16xi32>,
      %get3A_539 = vector.shape_cast %get3A_538 : vector<1x16xi32> to vector<16xi32>
      %add3A_540 = vector.broadcast %add3A_417 : i32 to vector<16xi32>
      %add3A_541 = arith.addi %get3A_539, %add3A_540 : vector<16xi32>
      %swap3A_542 = arith.constant 1 : i32
      %swap3A_543 = arith.constant 1 : i32
      %swap3A_544 = arith.index_cast %swap3A_542 : i32 to index
      %swap3A_545 = arith.index_cast %swap3A_543 : i32 to index
      %swap3A_546 = arith.constant 48 : index
      %swap3A_547 = tpu.vector_load %arg9[%swap3A_544, %swap3A_545, %swap3A_546] {strides = array<i32>} : memref<4x2x64xi32, #tpu.memory_space<vmem>>, vector<1x1x16xi32>,
      %swap3A_548 = vector.shape_cast %swap3A_547 : vector<1x1x16xi32> to vector<16xi32>
      %swap3A_549 = vector.shape_cast %add3A_541 : vector<16xi32> to vector<1x1x16xi32>
      tpu.vector_store %arg9[%swap3A_544, %swap3A_545, %swap3A_546], %swap3A_549 {strides = array<i32>} : memref<4x2x64xi32, #tpu.memory_space<vmem>>, vector<1x1x16xi32>,
      %dma_wait3A_550 = arith.constant 1 : i32
      %dma_wait3A_551 = arith.constant 0 : i32
      %dma_wait3A_552 = arith.constant 0 : i32
      %dma_wait3A_553 = tpu.memref_slice %arg8[%dma_wait3A_550, %dma_wait3A_551, %dma_wait3A_552] : memref<4x128x128xf32, #tpu.memory_space<vmem>> -> memref<1x128x128xf32, #tpu.memory_space<vmem>>
      %dma_wait3A_554 = tpu.memref_squeeze %dma_wait3A_553 : memref<1x128x128xf32, #tpu.memory_space<vmem>> -> memref<128x128xf32, #tpu.memory_space<vmem>>
      %dma_wait3A_555 = arith.constant 0 : i32
      %dma_wait3A_556 = tpu.memref_slice %arg6[%add3A_417, %dma_wait3A_555] : memref<200x128xi32, #tpu.memory_space<vmem>> -> memref<1x128xi32, #tpu.memory_space<vmem>>
      %dma_wait3A_557 = tpu.memref_squeeze %dma_wait3A_556 : memref<1x128xi32, #tpu.memory_space<vmem>> -> memref<128xi32, #tpu.memory_space<vmem>>
      %dma_wait3A_558 = arith.constant 0 : i32
      %dma_wait3A_559 = arith.constant 0 : i32
      %dma_wait3A_560 = tpu.memref_slice %arg11[%dma_wait3A_558, %dma_wait3A_559] : memref<1000x128xf32, #tpu.memory_space<vmem_shared>> -> memref<1000x128xf32, #tpu.memory_space<vmem_shared>>
      tpu.wait_indirect_dma semaphore(%arg13 : memref<!tpu.dma_semaphore, #tpu.memory_space<semaphore_mem>>) src(%dma_wait3A_560 : memref<1000x128xf32, #tpu.memory_space<vmem_shared>>) dst(%dma_wait3A_554 : memref<128x128xf32, #tpu.memory_space<vmem>>)
      %get3A_561 = arith.index_cast %add3A_417 : i32 to index
      %get3A_562 = arith.constant 0 : index
      %get3A_563 = tpu.vector_load %arg7[%get3A_561, %get3A_562] {strides = array<i32>} : memref<200x128xf32, #tpu.memory_space<vmem>>, vector<1x16xf32>,
      %get3A_564 = vector.shape_cast %get3A_563 : vector<1x16xf32> to vector<16xf32>
      %get3A_565 = arith.index_cast %add3A_417 : i32 to index
      %get3A_566 = arith.constant 16 : index
      %get3A_567 = tpu.vector_load %arg7[%get3A_565, %get3A_566] {strides = array<i32>} : memref<200x128xf32, #tpu.memory_space<vmem>>, vector<1x16xf32>,
      %get3A_568 = vector.shape_cast %get3A_567 : vector<1x16xf32> to vector<16xf32>
      %get3A_569 = arith.index_cast %add3A_417 : i32 to index
      %get3A_570 = arith.constant 32 : index
      %get3A_571 = tpu.vector_load %arg7[%get3A_569, %get3A_570] {strides = array<i32>} : memref<200x128xf32, #tpu.memory_space<vmem>>, vector<1x16xf32>,
      %get3A_572 = vector.shape_cast %get3A_571 : vector<1x16xf32> to vector<16xf32>
      %get3A_573 = arith.index_cast %add3A_417 : i32 to index
      %get3A_574 = arith.constant 48 : index
      %get3A_575 = tpu.vector_load %arg7[%get3A_573, %get3A_574] {strides = array<i32>} : memref<200x128xf32, #tpu.memory_space<vmem>>, vector<1x16xf32>,
      %get3A_576 = vector.shape_cast %get3A_575 : vector<1x16xf32> to vector<16xf32>
      %get3A_577 = arith.index_cast %add3A_417 : i32 to index
      %get3A_578 = arith.constant 64 : index
      %get3A_579 = tpu.vector_load %arg7[%get3A_577, %get3A_578] {strides = array<i32>} : memref<200x128xf32, #tpu.memory_space<vmem>>, vector<1x16xf32>,
      %get3A_580 = vector.shape_cast %get3A_579 : vector<1x16xf32> to vector<16xf32>
      %get3A_581 = arith.index_cast %add3A_417 : i32 to index
      %get3A_582 = arith.constant 80 : index
      %get3A_583 = tpu.vector_load %arg7[%get3A_581, %get3A_582] {strides = array<i32>} : memref<200x128xf32, #tpu.memory_space<vmem>>, vector<1x16xf32>,
      %get3A_584 = vector.shape_cast %get3A_583 : vector<1x16xf32> to vector<16xf32>
      %get3A_585 = arith.index_cast %add3A_417 : i32 to index
      %get3A_586 = arith.constant 96 : index
      %get3A_587 = tpu.vector_load %arg7[%get3A_585, %get3A_586] {strides = array<i32>} : memref<200x128xf32, #tpu.memory_space<vmem>>, vector<1x16xf32>,
      %get3A_588 = vector.shape_cast %get3A_587 : vector<1x16xf32> to vector<16xf32>
      %get3A_589 = arith.index_cast %add3A_417 : i32 to index
      %get3A_590 = arith.constant 112 : index
      %get3A_591 = tpu.vector_load %arg7[%get3A_589, %get3A_590] {strides = array<i32>} : memref<200x128xf32, #tpu.memory_space<vmem>>, vector<1x16xf32>,
      %get3A_592 = vector.shape_cast %get3A_591 : vector<1x16xf32> to vector<16xf32>
      %scan3A_593 = arith.constant 0 : i32
      %scan3A_594 = arith.constant 64 : i32
      %scan3A_595 = arith.addi %scan3A_593, %scan3A_594 : i32
      %scan3A_596 = arith.constant 4 : i32
      scf.for %scan3A_1055 = %scan3A_593 to %scan3A_595 step %scan3A_596  : i32 {
        %mul3A_1056 = arith.constant 1 : i32
        %mul3A_1057 = arith.muli %scan3A_1055, %mul3A_1056 : i32
        %add3A_1058 = arith.constant 0 : i32
        %add3A_1059 = arith.addi %add3A_1058, %mul3A_1057 : i32
        %swap3A_1060 = arith.constant 1 : i32
        %swap3A_1061 = arith.index_cast %swap3A_1060 : i32 to index
        %swap3A_1062 = arith.index_cast %add3A_1059 : i32 to index
        %swap3A_1063 = arith.constant 0 : index
        %swap3A_1064 = tpu.vector_load %arg8[%swap3A_1061, %swap3A_1062, %swap3A_1063] {strides = array<i32>} : memref<4x128x128xf32, #tpu.memory_space<vmem>>, vector<1x1x16xf32>,
        %swap3A_1065 = vector.shape_cast %swap3A_1064 : vector<1x1x16xf32> to vector<16xf32>
        %swap3A_1066 = vector.shape_cast %get3A_564 : vector<16xf32> to vector<1x1x16xf32>
        tpu.vector_store %arg8[%swap3A_1061, %swap3A_1062, %swap3A_1063], %swap3A_1066 {add = true, strides = array<i32>} : memref<4x128x128xf32, #tpu.memory_space<vmem>>, vector<1x1x16xf32>,
        %swap3A_1067 = arith.constant 1 : i32
        %swap3A_1068 = arith.index_cast %swap3A_1067 : i32 to index
        %swap3A_1069 = arith.index_cast %add3A_1059 : i32 to index
        %swap3A_1070 = arith.constant 16 : index
        %swap3A_1071 = tpu.vector_load %arg8[%swap3A_1068, %swap3A_1069, %swap3A_1070] {strides = array<i32>} : memref<4x128x128xf32, #tpu.memory_space<vmem>>, vector<1x1x16xf32>,
        %swap3A_1072 = vector.shape_cast %swap3A_1071 : vector<1x1x16xf32> to vector<16xf32>
        %swap3A_1073 = vector.shape_cast %get3A_568 : vector<16xf32> to vector<1x1x16xf32>
        tpu.vector_store %arg8[%swap3A_1068, %swap3A_1069, %swap3A_1070], %swap3A_1073 {add = true, strides = array<i32>} : memref<4x128x128xf32, #tpu.memory_space<vmem>>, vector<1x1x16xf32>,
        %swap3A_1074 = arith.constant 1 : i32
        %swap3A_1075 = arith.index_cast %swap3A_1074 : i32 to index
        %swap3A_1076 = arith.index_cast %add3A_1059 : i32 to index
        %swap3A_1077 = arith.constant 32 : index
        %swap3A_1078 = tpu.vector_load %arg8[%swap3A_1075, %swap3A_1076, %swap3A_1077] {strides = array<i32>} : memref<4x128x128xf32, #tpu.memory_space<vmem>>, vector<1x1x16xf32>,
        %swap3A_1079 = vector.shape_cast %swap3A_1078 : vector<1x1x16xf32> to vector<16xf32>
        %swap3A_1080 = vector.shape_cast %get3A_572 : vector<16xf32> to vector<1x1x16xf32>
        tpu.vector_store %arg8[%swap3A_1075, %swap3A_1076, %swap3A_1077], %swap3A_1080 {add = true, strides = array<i32>} : memref<4x128x128xf32, #tpu.memory_space<vmem>>, vector<1x1x16xf32>,
        %swap3A_1081 = arith.constant 1 : i32
        %swap3A_1082 = arith.index_cast %swap3A_1081 : i32 to index
        %swap3A_1083 = arith.index_cast %add3A_1059 : i32 to index
        %swap3A_1084 = arith.constant 48 : index
        %swap3A_1085 = tpu.vector_load %arg8[%swap3A_1082, %swap3A_1083, %swap3A_1084] {strides = array<i32>} : memref<4x128x128xf32, #tpu.memory_space<vmem>>, vector<1x1x16xf32>,
        %swap3A_1086 = vector.shape_cast %swap3A_1085 : vector<1x1x16xf32> to vector<16xf32>
        %swap3A_1087 = vector.shape_cast %get3A_576 : vector<16xf32> to vector<1x1x16xf32>
        tpu.vector_store %arg8[%swap3A_1082, %swap3A_1083, %swap3A_1084], %swap3A_1087 {add = true, strides = array<i32>} : memref<4x128x128xf32, #tpu.memory_space<vmem>>, vector<1x1x16xf32>,
        %swap3A_1088 = arith.constant 1 : i32
        %swap3A_1089 = arith.index_cast %swap3A_1088 : i32 to index
        %swap3A_1090 = arith.index_cast %add3A_1059 : i32 to index
        %swap3A_1091 = arith.constant 64 : index
        %swap3A_1092 = tpu.vector_load %arg8[%swap3A_1089, %swap3A_1090, %swap3A_1091] {strides = array<i32>} : memref<4x128x128xf32, #tpu.memory_space<vmem>>, vector<1x1x16xf32>,
        %swap3A_1093 = vector.shape_cast %swap3A_1092 : vector<1x1x16xf32> to vector<16xf32>
        %swap3A_1094 = vector.shape_cast %get3A_580 : vector<16xf32> to vector<1x1x16xf32>
        tpu.vector_store %arg8[%swap3A_1089, %swap3A_1090, %swap3A_1091], %swap3A_1094 {add = true, strides = array<i32>} : memref<4x128x128xf32, #tpu.memory_space<vmem>>, vector<1x1x16xf32>,
        %swap3A_1095 = arith.constant 1 : i32
        %swap3A_1096 = arith.index_cast %swap3A_1095 : i32 to index
        %swap3A_1097 = arith.index_cast %add3A_1059 : i32 to index
        %swap3A_1098 = arith.constant 80 : index
        %swap3A_1099 = tpu.vector_load %arg8[%swap3A_1096, %swap3A_1097, %swap3A_1098] {strides = array<i32>} : memref<4x128x128xf32, #tpu.memory_space<vmem>>, vector<1x1x16xf32>,
        %swap3A_1100 = vector.shape_cast %swap3A_1099 : vector<1x1x16xf32> to vector<16xf32>
        %swap3A_1101 = vector.shape_cast %get3A_584 : vector<16xf32> to vector<1x1x16xf32>
        tpu.vector_store %arg8[%swap3A_1096, %swap3A_1097, %swap3A_1098], %swap3A_1101 {add = true, strides = array<i32>} : memref<4x128x128xf32, #tpu.memory_space<vmem>>, vector<1x1x16xf32>,
        %swap3A_1102 = arith.constant 1 : i32
        %swap3A_1103 = arith.index_cast %swap3A_1102 : i32 to index
        %swap3A_1104 = arith.index_cast %add3A_1059 : i32 to index
        %swap3A_1105 = arith.constant 96 : index
        %swap3A_1106 = tpu.vector_load %arg8[%swap3A_1103, %swap3A_1104, %swap3A_1105] {strides = array<i32>} : memref<4x128x128xf32, #tpu.memory_space<vmem>>, vector<1x1x16xf32>,
        %swap3A_1107 = vector.shape_cast %swap3A_1106 : vector<1x1x16xf32> to vector<16xf32>
        %swap3A_1108 = vector.shape_cast %get3A_588 : vector<16xf32> to vector<1x1x16xf32>
        tpu.vector_store %arg8[%swap3A_1103, %swap3A_1104, %swap3A_1105], %swap3A_1108 {add = true, strides = array<i32>} : memref<4x128x128xf32, #tpu.memory_space<vmem>>, vector<1x1x16xf32>,
        %swap3A_1109 = arith.constant 1 : i32
        %swap3A_1110 = arith.index_cast %swap3A_1109 : i32 to index
        %swap3A_1111 = arith.index_cast %add3A_1059 : i32 to index
        %swap3A_1112 = arith.constant 112 : index
        %swap3A_1113 = tpu.vector_load %arg8[%swap3A_1110, %swap3A_1111, %swap3A_1112] {strides = array<i32>} : memref<4x128x128xf32, #tpu.memory_space<vmem>>, vector<1x1x16xf32>,
        %swap3A_1114 = vector.shape_cast %swap3A_1113 : vector<1x1x16xf32> to vector<16xf32>
        %swap3A_1115 = vector.shape_cast %get3A_592 : vector<16xf32> to vector<1x1x16xf32>
        tpu.vector_store %arg8[%swap3A_1110, %swap3A_1111, %swap3A_1112], %swap3A_1115 {add = true, strides = array<i32>} : memref<4x128x128xf32, #tpu.memory_space<vmem>>, vector<1x1x16xf32>,
        %scan3A_1116 = arith.constant 1 : i32
        %scan3A_1117 = arith.addi %scan3A_1055, %scan3A_1116 : i32
        %mul3A_1118 = arith.constant 1 : i32
        %mul3A_1119 = arith.muli %scan3A_1117, %mul3A_1118 : i32
        %add3A_1120 = arith.constant 0 : i32
        %add3A_1121 = arith.addi %add3A_1120, %mul3A_1119 : i32
        %swap3A_1122 = arith.constant 1 : i32
        %swap3A_1123 = arith.index_cast %swap3A_1122 : i32 to index
        %swap3A_1124 = arith.index_cast %add3A_1121 : i32 to index
        %swap3A_1125 = arith.constant 0 : index
        %swap3A_1126 = tpu.vector_load %arg8[%swap3A_1123, %swap3A_1124, %swap3A_1125] {strides = array<i32>} : memref<4x128x128xf32, #tpu.memory_space<vmem>>, vector<1x1x16xf32>,
        %swap3A_1127 = vector.shape_cast %swap3A_1126 : vector<1x1x16xf32> to vector<16xf32>
        %swap3A_1128 = vector.shape_cast %get3A_564 : vector<16xf32> to vector<1x1x16xf32>
        tpu.vector_store %arg8[%swap3A_1123, %swap3A_1124, %swap3A_1125], %swap3A_1128 {add = true, strides = array<i32>} : memref<4x128x128xf32, #tpu.memory_space<vmem>>, vector<1x1x16xf32>,
        %swap3A_1129 = arith.constant 1 : i32
        %swap3A_1130 = arith.index_cast %swap3A_1129 : i32 to index
        %swap3A_1131 = arith.index_cast %add3A_1121 : i32 to index
        %swap3A_1132 = arith.constant 16 : index
        %swap3A_1133 = tpu.vector_load %arg8[%swap3A_1130, %swap3A_1131, %swap3A_1132] {strides = array<i32>} : memref<4x128x128xf32, #tpu.memory_space<vmem>>, vector<1x1x16xf32>,
        %swap3A_1134 = vector.shape_cast %swap3A_1133 : vector<1x1x16xf32> to vector<16xf32>
        %swap3A_1135 = vector.shape_cast %get3A_568 : vector<16xf32> to vector<1x1x16xf32>
        tpu.vector_store %arg8[%swap3A_1130, %swap3A_1131, %swap3A_1132], %swap3A_1135 {add = true, strides = array<i32>} : memref<4x128x128xf32, #tpu.memory_space<vmem>>, vector<1x1x16xf32>,
        %swap3A_1136 = arith.constant 1 : i32
        %swap3A_1137 = arith.index_cast %swap3A_1136 : i32 to index
        %swap3A_1138 = arith.index_cast %add3A_1121 : i32 to index
        %swap3A_1139 = arith.constant 32 : index
        %swap3A_1140 = tpu.vector_load %arg8[%swap3A_1137, %swap3A_1138, %swap3A_1139] {strides = array<i32>} : memref<4x128x128xf32, #tpu.memory_space<vmem>>, vector<1x1x16xf32>,
        %swap3A_1141 = vector.shape_cast %swap3A_1140 : vector<1x1x16xf32> to vector<16xf32>
        %swap3A_1142 = vector.shape_cast %get3A_572 : vector<16xf32> to vector<1x1x16xf32>
        tpu.vector_store %arg8[%swap3A_1137, %swap3A_1138, %swap3A_1139], %swap3A_1142 {add = true, strides = array<i32>} : memref<4x128x128xf32, #tpu.memory_space<vmem>>, vector<1x1x16xf32>,
        %swap3A_1143 = arith.constant 1 : i32
        %swap3A_1144 = arith.index_cast %swap3A_1143 : i32 to index
        %swap3A_1145 = arith.index_cast %add3A_1121 : i32 to index
        %swap3A_1146 = arith.constant 48 : index
        %swap3A_1147 = tpu.vector_load %arg8[%swap3A_1144, %swap3A_1145, %swap3A_1146] {strides = array<i32>} : memref<4x128x128xf32, #tpu.memory_space<vmem>>, vector<1x1x16xf32>,
        %swap3A_1148 = vector.shape_cast %swap3A_1147 : vector<1x1x16xf32> to vector<16xf32>
        %swap3A_1149 = vector.shape_cast %get3A_576 : vector<16xf32> to vector<1x1x16xf32>
        tpu.vector_store %arg8[%swap3A_1144, %swap3A_1145, %swap3A_1146], %swap3A_1149 {add = true, strides = array<i32>} : memref<4x128x128xf32, #tpu.memory_space<vmem>>, vector<1x1x16xf32>,
        %swap3A_1150 = arith.constant 1 : i32
        %swap3A_1151 = arith.index_cast %swap3A_1150 : i32 to index
        %swap3A_1152 = arith.index_cast %add3A_1121 : i32 to index
        %swap3A_1153 = arith.constant 64 : index
        %swap3A_1154 = tpu.vector_load %arg8[%swap3A_1151, %swap3A_1152, %swap3A_1153] {strides = array<i32>} : memref<4x128x128xf32, #tpu.memory_space<vmem>>, vector<1x1x16xf32>,
        %swap3A_1155 = vector.shape_cast %swap3A_1154 : vector<1x1x16xf32> to vector<16xf32>
        %swap3A_1156 = vector.shape_cast %get3A_580 : vector<16xf32> to vector<1x1x16xf32>
        tpu.vector_store %arg8[%swap3A_1151, %swap3A_1152, %swap3A_1153], %swap3A_1156 {add = true, strides = array<i32>} : memref<4x128x128xf32, #tpu.memory_space<vmem>>, vector<1x1x16xf32>,
        %swap3A_1157 = arith.constant 1 : i32
        %swap3A_1158 = arith.index_cast %swap3A_1157 : i32 to index
        %swap3A_1159 = arith.index_cast %add3A_1121 : i32 to index
        %swap3A_1160 = arith.constant 80 : index
        %swap3A_1161 = tpu.vector_load %arg8[%swap3A_1158, %swap3A_1159, %swap3A_1160] {strides = array<i32>} : memref<4x128x128xf32, #tpu.memory_space<vmem>>, vector<1x1x16xf32>,
        %swap3A_1162 = vector.shape_cast %swap3A_1161 : vector<1x1x16xf32> to vector<16xf32>
        %swap3A_1163 = vector.shape_cast %get3A_584 : vector<16xf32> to vector<1x1x16xf32>
        tpu.vector_store %arg8[%swap3A_1158, %swap3A_1159, %swap3A_1160], %swap3A_1163 {add = true, strides = array<i32>} : memref<4x128x128xf32, #tpu.memory_space<vmem>>, vector<1x1x16xf32>,
        %swap3A_1164 = arith.constant 1 : i32
        %swap3A_1165 = arith.index_cast %swap3A_1164 : i32 to index
        %swap3A_1166 = arith.index_cast %add3A_1121 : i32 to index
        %swap3A_1167 = arith.constant 96 : index
        %swap3A_1168 = tpu.vector_load %arg8[%swap3A_1165, %swap3A_1166, %swap3A_1167] {strides = array<i32>} : memref<4x128x128xf32, #tpu.memory_space<vmem>>, vector<1x1x16xf32>,
        %swap3A_1169 = vector.shape_cast %swap3A_1168 : vector<1x1x16xf32> to vector<16xf32>
        %swap3A_1170 = vector.shape_cast %get3A_588 : vector<16xf32> to vector<1x1x16xf32>
        tpu.vector_store %arg8[%swap3A_1165, %swap3A_1166, %swap3A_1167], %swap3A_1170 {add = true, strides = array<i32>} : memref<4x128x128xf32, #tpu.memory_space<vmem>>, vector<1x1x16xf32>,
        %swap3A_1171 = arith.constant 1 : i32
        %swap3A_1172 = arith.index_cast %swap3A_1171 : i32 to index
        %swap3A_1173 = arith.index_cast %add3A_1121 : i32 to index
        %swap3A_1174 = arith.constant 112 : index
        %swap3A_1175 = tpu.vector_load %arg8[%swap3A_1172, %swap3A_1173, %swap3A_1174] {strides = array<i32>} : memref<4x128x128xf32, #tpu.memory_space<vmem>>, vector<1x1x16xf32>,
        %swap3A_1176 = vector.shape_cast %swap3A_1175 : vector<1x1x16xf32> to vector<16xf32>
        %swap3A_1177 = vector.shape_cast %get3A_592 : vector<16xf32> to vector<1x1x16xf32>
        tpu.vector_store %arg8[%swap3A_1172, %swap3A_1173, %swap3A_1174], %swap3A_1177 {add = true, strides = array<i32>} : memref<4x128x128xf32, #tpu.memory_space<vmem>>, vector<1x1x16xf32>,
        %scan3A_1178 = arith.constant 2 : i32
        %scan3A_1179 = arith.addi %scan3A_1055, %scan3A_1178 : i32
        %mul3A_1180 = arith.constant 1 : i32
        %mul3A_1181 = arith.muli %scan3A_1179, %mul3A_1180 : i32
        %add3A_1182 = arith.constant 0 : i32
        %add3A_1183 = arith.addi %add3A_1182, %mul3A_1181 : i32
        %swap3A_1184 = arith.constant 1 : i32
        %swap3A_1185 = arith.index_cast %swap3A_1184 : i32 to index
        %swap3A_1186 = arith.index_cast %add3A_1183 : i32 to index
        %swap3A_1187 = arith.constant 0 : index
        %swap3A_1188 = tpu.vector_load %arg8[%swap3A_1185, %swap3A_1186, %swap3A_1187] {strides = array<i32>} : memref<4x128x128xf32, #tpu.memory_space<vmem>>, vector<1x1x16xf32>,
        %swap3A_1189 = vector.shape_cast %swap3A_1188 : vector<1x1x16xf32> to vector<16xf32>
        %swap3A_1190 = vector.shape_cast %get3A_564 : vector<16xf32> to vector<1x1x16xf32>
        tpu.vector_store %arg8[%swap3A_1185, %swap3A_1186, %swap3A_1187], %swap3A_1190 {add = true, strides = array<i32>} : memref<4x128x128xf32, #tpu.memory_space<vmem>>, vector<1x1x16xf32>,
        %swap3A_1191 = arith.constant 1 : i32
        %swap3A_1192 = arith.index_cast %swap3A_1191 : i32 to index
        %swap3A_1193 = arith.index_cast %add3A_1183 : i32 to index
        %swap3A_1194 = arith.constant 16 : index
        %swap3A_1195 = tpu.vector_load %arg8[%swap3A_1192, %swap3A_1193, %swap3A_1194] {strides = array<i32>} : memref<4x128x128xf32, #tpu.memory_space<vmem>>, vector<1x1x16xf32>,
        %swap3A_1196 = vector.shape_cast %swap3A_1195 : vector<1x1x16xf32> to vector<16xf32>
        %swap3A_1197 = vector.shape_cast %get3A_568 : vector<16xf32> to vector<1x1x16xf32>
        tpu.vector_store %arg8[%swap3A_1192, %swap3A_1193, %swap3A_1194], %swap3A_1197 {add = true, strides = array<i32>} : memref<4x128x128xf32, #tpu.memory_space<vmem>>, vector<1x1x16xf32>,
        %swap3A_1198 = arith.constant 1 : i32
        %swap3A_1199 = arith.index_cast %swap3A_1198 : i32 to index
        %swap3A_1200 = arith.index_cast %add3A_1183 : i32 to index
        %swap3A_1201 = arith.constant 32 : index
        %swap3A_1202 = tpu.vector_load %arg8[%swap3A_1199, %swap3A_1200, %swap3A_1201] {strides = array<i32>} : memref<4x128x128xf32, #tpu.memory_space<vmem>>, vector<1x1x16xf32>,
        %swap3A_1203 = vector.shape_cast %swap3A_1202 : vector<1x1x16xf32> to vector<16xf32>
        %swap3A_1204 = vector.shape_cast %get3A_572 : vector<16xf32> to vector<1x1x16xf32>
        tpu.vector_store %arg8[%swap3A_1199, %swap3A_1200, %swap3A_1201], %swap3A_1204 {add = true, strides = array<i32>} : memref<4x128x128xf32, #tpu.memory_space<vmem>>, vector<1x1x16xf32>,
        %swap3A_1205 = arith.constant 1 : i32
        %swap3A_1206 = arith.index_cast %swap3A_1205 : i32 to index
        %swap3A_1207 = arith.index_cast %add3A_1183 : i32 to index
        %swap3A_1208 = arith.constant 48 : index
        %swap3A_1209 = tpu.vector_load %arg8[%swap3A_1206, %swap3A_1207, %swap3A_1208] {strides = array<i32>} : memref<4x128x128xf32, #tpu.memory_space<vmem>>, vector<1x1x16xf32>,
        %swap3A_1210 = vector.shape_cast %swap3A_1209 : vector<1x1x16xf32> to vector<16xf32>
        %swap3A_1211 = vector.shape_cast %get3A_576 : vector<16xf32> to vector<1x1x16xf32>
        tpu.vector_store %arg8[%swap3A_1206, %swap3A_1207, %swap3A_1208], %swap3A_1211 {add = true, strides = array<i32>} : memref<4x128x128xf32, #tpu.memory_space<vmem>>, vector<1x1x16xf32>,
        %swap3A_1212 = arith.constant 1 : i32
        %swap3A_1213 = arith.index_cast %swap3A_1212 : i32 to index
        %swap3A_1214 = arith.index_cast %add3A_1183 : i32 to index
        %swap3A_1215 = arith.constant 64 : index
        %swap3A_1216 = tpu.vector_load %arg8[%swap3A_1213, %swap3A_1214, %swap3A_1215] {strides = array<i32>} : memref<4x128x128xf32, #tpu.memory_space<vmem>>, vector<1x1x16xf32>,
        %swap3A_1217 = vector.shape_cast %swap3A_1216 : vector<1x1x16xf32> to vector<16xf32>
        %swap3A_1218 = vector.shape_cast %get3A_580 : vector<16xf32> to vector<1x1x16xf32>
        tpu.vector_store %arg8[%swap3A_1213, %swap3A_1214, %swap3A_1215], %swap3A_1218 {add = true, strides = array<i32>} : memref<4x128x128xf32, #tpu.memory_space<vmem>>, vector<1x1x16xf32>,
        %swap3A_1219 = arith.constant 1 : i32
        %swap3A_1220 = arith.index_cast %swap3A_1219 : i32 to index
        %swap3A_1221 = arith.index_cast %add3A_1183 : i32 to index
        %swap3A_1222 = arith.constant 80 : index
        %swap3A_1223 = tpu.vector_load %arg8[%swap3A_1220, %swap3A_1221, %swap3A_1222] {strides = array<i32>} : memref<4x128x128xf32, #tpu.memory_space<vmem>>, vector<1x1x16xf32>,
        %swap3A_1224 = vector.shape_cast %swap3A_1223 : vector<1x1x16xf32> to vector<16xf32>
        %swap3A_1225 = vector.shape_cast %get3A_584 : vector<16xf32> to vector<1x1x16xf32>
        tpu.vector_store %arg8[%swap3A_1220, %swap3A_1221, %swap3A_1222], %swap3A_1225 {add = true, strides = array<i32>} : memref<4x128x128xf32, #tpu.memory_space<vmem>>, vector<1x1x16xf32>,
        %swap3A_1226 = arith.constant 1 : i32
        %swap3A_1227 = arith.index_cast %swap3A_1226 : i32 to index
        %swap3A_1228 = arith.index_cast %add3A_1183 : i32 to index
        %swap3A_1229 = arith.constant 96 : index
        %swap3A_1230 = tpu.vector_load %arg8[%swap3A_1227, %swap3A_1228, %swap3A_1229] {strides = array<i32>} : memref<4x128x128xf32, #tpu.memory_space<vmem>>, vector<1x1x16xf32>,
        %swap3A_1231 = vector.shape_cast %swap3A_1230 : vector<1x1x16xf32> to vector<16xf32>
        %swap3A_1232 = vector.shape_cast %get3A_588 : vector<16xf32> to vector<1x1x16xf32>
        tpu.vector_store %arg8[%swap3A_1227, %swap3A_1228, %swap3A_1229], %swap3A_1232 {add = true, strides = array<i32>} : memref<4x128x128xf32, #tpu.memory_space<vmem>>, vector<1x1x16xf32>,
        %swap3A_1233 = arith.constant 1 : i32
        %swap3A_1234 = arith.index_cast %swap3A_1233 : i32 to index
        %swap3A_1235 = arith.index_cast %add3A_1183 : i32 to index
        %swap3A_1236 = arith.constant 112 : index
        %swap3A_1237 = tpu.vector_load %arg8[%swap3A_1234, %swap3A_1235, %swap3A_1236] {strides = array<i32>} : memref<4x128x128xf32, #tpu.memory_space<vmem>>, vector<1x1x16xf32>,
        %swap3A_1238 = vector.shape_cast %swap3A_1237 : vector<1x1x16xf32> to vector<16xf32>
        %swap3A_1239 = vector.shape_cast %get3A_592 : vector<16xf32> to vector<1x1x16xf32>
        tpu.vector_store %arg8[%swap3A_1234, %swap3A_1235, %swap3A_1236], %swap3A_1239 {add = true, strides = array<i32>} : memref<4x128x128xf32, #tpu.memory_space<vmem>>, vector<1x1x16xf32>,
        %scan3A_1240 = arith.constant 3 : i32
        %scan3A_1241 = arith.addi %scan3A_1055, %scan3A_1240 : i32
        %mul3A_1242 = arith.constant 1 : i32
        %mul3A_1243 = arith.muli %scan3A_1241, %mul3A_1242 : i32
        %add3A_1244 = arith.constant 0 : i32
        %add3A_1245 = arith.addi %add3A_1244, %mul3A_1243 : i32
        %swap3A_1246 = arith.constant 1 : i32
        %swap3A_1247 = arith.index_cast %swap3A_1246 : i32 to index
        %swap3A_1248 = arith.index_cast %add3A_1245 : i32 to index
        %swap3A_1249 = arith.constant 0 : index
        %swap3A_1250 = tpu.vector_load %arg8[%swap3A_1247, %swap3A_1248, %swap3A_1249] {strides = array<i32>} : memref<4x128x128xf32, #tpu.memory_space<vmem>>, vector<1x1x16xf32>,
        %swap3A_1251 = vector.shape_cast %swap3A_1250 : vector<1x1x16xf32> to vector<16xf32>
        %swap3A_1252 = vector.shape_cast %get3A_564 : vector<16xf32> to vector<1x1x16xf32>
        tpu.vector_store %arg8[%swap3A_1247, %swap3A_1248, %swap3A_1249], %swap3A_1252 {add = true, strides = array<i32>} : memref<4x128x128xf32, #tpu.memory_space<vmem>>, vector<1x1x16xf32>,
        %swap3A_1253 = arith.constant 1 : i32
        %swap3A_1254 = arith.index_cast %swap3A_1253 : i32 to index
        %swap3A_1255 = arith.index_cast %add3A_1245 : i32 to index
        %swap3A_1256 = arith.constant 16 : index
        %swap3A_1257 = tpu.vector_load %arg8[%swap3A_1254, %swap3A_1255, %swap3A_1256] {strides = array<i32>} : memref<4x128x128xf32, #tpu.memory_space<vmem>>, vector<1x1x16xf32>,
        %swap3A_1258 = vector.shape_cast %swap3A_1257 : vector<1x1x16xf32> to vector<16xf32>
        %swap3A_1259 = vector.shape_cast %get3A_568 : vector<16xf32> to vector<1x1x16xf32>
        tpu.vector_store %arg8[%swap3A_1254, %swap3A_1255, %swap3A_1256], %swap3A_1259 {add = true, strides = array<i32>} : memref<4x128x128xf32, #tpu.memory_space<vmem>>, vector<1x1x16xf32>,
        %swap3A_1260 = arith.constant 1 : i32
        %swap3A_1261 = arith.index_cast %swap3A_1260 : i32 to index
        %swap3A_1262 = arith.index_cast %add3A_1245 : i32 to index
        %swap3A_1263 = arith.constant 32 : index
        %swap3A_1264 = tpu.vector_load %arg8[%swap3A_1261, %swap3A_1262, %swap3A_1263] {strides = array<i32>} : memref<4x128x128xf32, #tpu.memory_space<vmem>>, vector<1x1x16xf32>,
        %swap3A_1265 = vector.shape_cast %swap3A_1264 : vector<1x1x16xf32> to vector<16xf32>
        %swap3A_1266 = vector.shape_cast %get3A_572 : vector<16xf32> to vector<1x1x16xf32>
        tpu.vector_store %arg8[%swap3A_1261, %swap3A_1262, %swap3A_1263], %swap3A_1266 {add = true, strides = array<i32>} : memref<4x128x128xf32, #tpu.memory_space<vmem>>, vector<1x1x16xf32>,
        %swap3A_1267 = arith.constant 1 : i32
        %swap3A_1268 = arith.index_cast %swap3A_1267 : i32 to index
        %swap3A_1269 = arith.index_cast %add3A_1245 : i32 to index
        %swap3A_1270 = arith.constant 48 : index
        %swap3A_1271 = tpu.vector_load %arg8[%swap3A_1268, %swap3A_1269, %swap3A_1270] {strides = array<i32>} : memref<4x128x128xf32, #tpu.memory_space<vmem>>, vector<1x1x16xf32>,
        %swap3A_1272 = vector.shape_cast %swap3A_1271 : vector<1x1x16xf32> to vector<16xf32>
        %swap3A_1273 = vector.shape_cast %get3A_576 : vector<16xf32> to vector<1x1x16xf32>
        tpu.vector_store %arg8[%swap3A_1268, %swap3A_1269, %swap3A_1270], %swap3A_1273 {add = true, strides = array<i32>} : memref<4x128x128xf32, #tpu.memory_space<vmem>>, vector<1x1x16xf32>,
        %swap3A_1274 = arith.constant 1 : i32
        %swap3A_1275 = arith.index_cast %swap3A_1274 : i32 to index
        %swap3A_1276 = arith.index_cast %add3A_1245 : i32 to index
        %swap3A_1277 = arith.constant 64 : index
        %swap3A_1278 = tpu.vector_load %arg8[%swap3A_1275, %swap3A_1276, %swap3A_1277] {strides = array<i32>} : memref<4x128x128xf32, #tpu.memory_space<vmem>>, vector<1x1x16xf32>,
        %swap3A_1279 = vector.shape_cast %swap3A_1278 : vector<1x1x16xf32> to vector<16xf32>
        %swap3A_1280 = vector.shape_cast %get3A_580 : vector<16xf32> to vector<1x1x16xf32>
        tpu.vector_store %arg8[%swap3A_1275, %swap3A_1276, %swap3A_1277], %swap3A_1280 {add = true, strides = array<i32>} : memref<4x128x128xf32, #tpu.memory_space<vmem>>, vector<1x1x16xf32>,
        %swap3A_1281 = arith.constant 1 : i32
        %swap3A_1282 = arith.index_cast %swap3A_1281 : i32 to index
        %swap3A_1283 = arith.index_cast %add3A_1245 : i32 to index
        %swap3A_1284 = arith.constant 80 : index
        %swap3A_1285 = tpu.vector_load %arg8[%swap3A_1282, %swap3A_1283, %swap3A_1284] {strides = array<i32>} : memref<4x128x128xf32, #tpu.memory_space<vmem>>, vector<1x1x16xf32>,
        %swap3A_1286 = vector.shape_cast %swap3A_1285 : vector<1x1x16xf32> to vector<16xf32>
        %swap3A_1287 = vector.shape_cast %get3A_584 : vector<16xf32> to vector<1x1x16xf32>
        tpu.vector_store %arg8[%swap3A_1282, %swap3A_1283, %swap3A_1284], %swap3A_1287 {add = true, strides = array<i32>} : memref<4x128x128xf32, #tpu.memory_space<vmem>>, vector<1x1x16xf32>,
        %swap3A_1288 = arith.constant 1 : i32
        %swap3A_1289 = arith.index_cast %swap3A_1288 : i32 to index
        %swap3A_1290 = arith.index_cast %add3A_1245 : i32 to index
        %swap3A_1291 = arith.constant 96 : index
        %swap3A_1292 = tpu.vector_load %arg8[%swap3A_1289, %swap3A_1290, %swap3A_1291] {strides = array<i32>} : memref<4x128x128xf32, #tpu.memory_space<vmem>>, vector<1x1x16xf32>,
        %swap3A_1293 = vector.shape_cast %swap3A_1292 : vector<1x1x16xf32> to vector<16xf32>
        %swap3A_1294 = vector.shape_cast %get3A_588 : vector<16xf32> to vector<1x1x16xf32>
        tpu.vector_store %arg8[%swap3A_1289, %swap3A_1290, %swap3A_1291], %swap3A_1294 {add = true, strides = array<i32>} : memref<4x128x128xf32, #tpu.memory_space<vmem>>, vector<1x1x16xf32>,
        %swap3A_1295 = arith.constant 1 : i32
        %swap3A_1296 = arith.index_cast %swap3A_1295 : i32 to index
        %swap3A_1297 = arith.index_cast %add3A_1245 : i32 to index
        %swap3A_1298 = arith.constant 112 : index
        %swap3A_1299 = tpu.vector_load %arg8[%swap3A_1296, %swap3A_1297, %swap3A_1298] {strides = array<i32>} : memref<4x128x128xf32, #tpu.memory_space<vmem>>, vector<1x1x16xf32>,
        %swap3A_1300 = vector.shape_cast %swap3A_1299 : vector<1x1x16xf32> to vector<16xf32>
        %swap3A_1301 = vector.shape_cast %get3A_592 : vector<16xf32> to vector<1x1x16xf32>
        tpu.vector_store %arg8[%swap3A_1296, %swap3A_1297, %swap3A_1298], %swap3A_1301 {add = true, strides = array<i32>} : memref<4x128x128xf32, #tpu.memory_space<vmem>>, vector<1x1x16xf32>,
      }
      %scan3A_597 = arith.constant 64 : i32
      %dma_start3A_598 = arith.constant 1 : i32
      %dma_start3A_599 = arith.constant 1 : i32
      %dma_start3A_600 = arith.constant 0 : i32
      %dma_start3A_601 = arith.constant 0 : i32
      %dma_start3A_602 = arith.constant 0 : i32
      %dma_start3A_603 = tpu.memref_slice %arg8[%dma_start3A_598, %dma_start3A_601, %dma_start3A_602] : memref<4x128x128xf32, #tpu.memory_space<vmem>> -> memref<1x64x128xf32, #tpu.memory_space<vmem>>
      %dma_start3A_604 = tpu.memref_squeeze %dma_start3A_603 : memref<1x64x128xf32, #tpu.memory_space<vmem>> -> memref<64x128xf32, #tpu.memory_space<vmem>>
      %dma_start3A_605 = arith.constant 0 : i32
      %dma_start3A_606 = tpu.memref_slice %arg9[%dma_start3A_599, %dma_start3A_600, %dma_start3A_605] : memref<4x2x64xi32, #tpu.memory_space<vmem>> -> memref<1x1x64xi32, #tpu.memory_space<vmem>>
      %dma_start3A_607 = tpu.memref_squeeze %dma_start3A_606 : memref<1x1x64xi32, #tpu.memory_space<vmem>> -> memref<64xi32, #tpu.memory_space<vmem>>
      %dma_start3A_608 = arith.constant 0 : i32
      %dma_start3A_609 = arith.constant 0 : i32
      %dma_start3A_610 = tpu.memref_slice %arg5[%dma_start3A_608, %dma_start3A_609] : memref<819200x128xf32, #tpu.memory_space<hbm>> -> memref<819200x128xf32, #tpu.memory_space<hbm>>
      tpu.enqueue_indirect_dma source(%dma_start3A_604 : memref<64x128xf32, #tpu.memory_space<vmem>>) target(%dma_start3A_610 : memref<819200x128xf32, #tpu.memory_space<hbm>>) offsets(%dma_start3A_607 : memref<64xi32, #tpu.memory_space<vmem>>) semaphore(%arg17 : memref<!tpu.dma_semaphore, #tpu.memory_space<semaphore_mem>>)
      %scan3A_611 = arith.constant 0 : i32
      %scan3A_612 = arith.constant 64 : i32
      %scan3A_613 = arith.addi %scan3A_611, %scan3A_612 : i32
      %scan3A_614 = arith.constant 4 : i32
      scf.for %scan3A_1055 = %scan3A_611 to %scan3A_613 step %scan3A_614  : i32 {
        %mul3A_1056 = arith.constant 1 : i32
        %mul3A_1057 = arith.muli %scan3A_1055, %mul3A_1056 : i32
        %add3A_1058 = arith.constant 64 : i32
        %add3A_1059 = arith.addi %add3A_1058, %mul3A_1057 : i32
        %swap3A_1060 = arith.constant 1 : i32
        %swap3A_1061 = arith.index_cast %swap3A_1060 : i32 to index
        %swap3A_1062 = arith.index_cast %add3A_1059 : i32 to index
        %swap3A_1063 = arith.constant 0 : index
        %swap3A_1064 = tpu.vector_load %arg8[%swap3A_1061, %swap3A_1062, %swap3A_1063] {strides = array<i32>} : memref<4x128x128xf32, #tpu.memory_space<vmem>>, vector<1x1x16xf32>,
        %swap3A_1065 = vector.shape_cast %swap3A_1064 : vector<1x1x16xf32> to vector<16xf32>
        %swap3A_1066 = vector.shape_cast %get3A_564 : vector<16xf32> to vector<1x1x16xf32>
        tpu.vector_store %arg8[%swap3A_1061, %swap3A_1062, %swap3A_1063], %swap3A_1066 {add = true, strides = array<i32>} : memref<4x128x128xf32, #tpu.memory_space<vmem>>, vector<1x1x16xf32>,
        %swap3A_1067 = arith.constant 1 : i32
        %swap3A_1068 = arith.index_cast %swap3A_1067 : i32 to index
        %swap3A_1069 = arith.index_cast %add3A_1059 : i32 to index
        %swap3A_1070 = arith.constant 16 : index
        %swap3A_1071 = tpu.vector_load %arg8[%swap3A_1068, %swap3A_1069, %swap3A_1070] {strides = array<i32>} : memref<4x128x128xf32, #tpu.memory_space<vmem>>, vector<1x1x16xf32>,
        %swap3A_1072 = vector.shape_cast %swap3A_1071 : vector<1x1x16xf32> to vector<16xf32>
        %swap3A_1073 = vector.shape_cast %get3A_568 : vector<16xf32> to vector<1x1x16xf32>
        tpu.vector_store %arg8[%swap3A_1068, %swap3A_1069, %swap3A_1070], %swap3A_1073 {add = true, strides = array<i32>} : memref<4x128x128xf32, #tpu.memory_space<vmem>>, vector<1x1x16xf32>,
        %swap3A_1074 = arith.constant 1 : i32
        %swap3A_1075 = arith.index_cast %swap3A_1074 : i32 to index
        %swap3A_1076 = arith.index_cast %add3A_1059 : i32 to index
        %swap3A_1077 = arith.constant 32 : index
        %swap3A_1078 = tpu.vector_load %arg8[%swap3A_1075, %swap3A_1076, %swap3A_1077] {strides = array<i32>} : memref<4x128x128xf32, #tpu.memory_space<vmem>>, vector<1x1x16xf32>,
        %swap3A_1079 = vector.shape_cast %swap3A_1078 : vector<1x1x16xf32> to vector<16xf32>
        %swap3A_1080 = vector.shape_cast %get3A_572 : vector<16xf32> to vector<1x1x16xf32>
        tpu.vector_store %arg8[%swap3A_1075, %swap3A_1076, %swap3A_1077], %swap3A_1080 {add = true, strides = array<i32>} : memref<4x128x128xf32, #tpu.memory_space<vmem>>, vector<1x1x16xf32>,
        %swap3A_1081 = arith.constant 1 : i32
        %swap3A_1082 = arith.index_cast %swap3A_1081 : i32 to index
        %swap3A_1083 = arith.index_cast %add3A_1059 : i32 to index
        %swap3A_1084 = arith.constant 48 : index
        %swap3A_1085 = tpu.vector_load %arg8[%swap3A_1082, %swap3A_1083, %swap3A_1084] {strides = array<i32>} : memref<4x128x128xf32, #tpu.memory_space<vmem>>, vector<1x1x16xf32>,
        %swap3A_1086 = vector.shape_cast %swap3A_1085 : vector<1x1x16xf32> to vector<16xf32>
        %swap3A_1087 = vector.shape_cast %get3A_576 : vector<16xf32> to vector<1x1x16xf32>
        tpu.vector_store %arg8[%swap3A_1082, %swap3A_1083, %swap3A_1084], %swap3A_1087 {add = true, strides = array<i32>} : memref<4x128x128xf32, #tpu.memory_space<vmem>>, vector<1x1x16xf32>,
        %swap3A_1088 = arith.constant 1 : i32
        %swap3A_1089 = arith.index_cast %swap3A_1088 : i32 to index
        %swap3A_1090 = arith.index_cast %add3A_1059 : i32 to index
        %swap3A_1091 = arith.constant 64 : index
        %swap3A_1092 = tpu.vector_load %arg8[%swap3A_1089, %swap3A_1090, %swap3A_1091] {strides = array<i32>} : memref<4x128x128xf32, #tpu.memory_space<vmem>>, vector<1x1x16xf32>,
        %swap3A_1093 = vector.shape_cast %swap3A_1092 : vector<1x1x16xf32> to vector<16xf32>
        %swap3A_1094 = vector.shape_cast %get3A_580 : vector<16xf32> to vector<1x1x16xf32>
        tpu.vector_store %arg8[%swap3A_1089, %swap3A_1090, %swap3A_1091], %swap3A_1094 {add = true, strides = array<i32>} : memref<4x128x128xf32, #tpu.memory_space<vmem>>, vector<1x1x16xf32>,
        %swap3A_1095 = arith.constant 1 : i32
        %swap3A_1096 = arith.index_cast %swap3A_1095 : i32 to index
        %swap3A_1097 = arith.index_cast %add3A_1059 : i32 to index
        %swap3A_1098 = arith.constant 80 : index
        %swap3A_1099 = tpu.vector_load %arg8[%swap3A_1096, %swap3A_1097, %swap3A_1098] {strides = array<i32>} : memref<4x128x128xf32, #tpu.memory_space<vmem>>, vector<1x1x16xf32>,
        %swap3A_1100 = vector.shape_cast %swap3A_1099 : vector<1x1x16xf32> to vector<16xf32>
        %swap3A_1101 = vector.shape_cast %get3A_584 : vector<16xf32> to vector<1x1x16xf32>
        tpu.vector_store %arg8[%swap3A_1096, %swap3A_1097, %swap3A_1098], %swap3A_1101 {add = true, strides = array<i32>} : memref<4x128x128xf32, #tpu.memory_space<vmem>>, vector<1x1x16xf32>,
        %swap3A_1102 = arith.constant 1 : i32
        %swap3A_1103 = arith.index_cast %swap3A_1102 : i32 to index
        %swap3A_1104 = arith.index_cast %add3A_1059 : i32 to index
        %swap3A_1105 = arith.constant 96 : index
        %swap3A_1106 = tpu.vector_load %arg8[%swap3A_1103, %swap3A_1104, %swap3A_1105] {strides = array<i32>} : memref<4x128x128xf32, #tpu.memory_space<vmem>>, vector<1x1x16xf32>,
        %swap3A_1107 = vector.shape_cast %swap3A_1106 : vector<1x1x16xf32> to vector<16xf32>
        %swap3A_1108 = vector.shape_cast %get3A_588 : vector<16xf32> to vector<1x1x16xf32>
        tpu.vector_store %arg8[%swap3A_1103, %swap3A_1104, %swap3A_1105], %swap3A_1108 {add = true, strides = array<i32>} : memref<4x128x128xf32, #tpu.memory_space<vmem>>, vector<1x1x16xf32>,
        %swap3A_1109 = arith.constant 1 : i32
        %swap3A_1110 = arith.index_cast %swap3A_1109 : i32 to index
        %swap3A_1111 = arith.index_cast %add3A_1059 : i32 to index
        %swap3A_1112 = arith.constant 112 : index
        %swap3A_1113 = tpu.vector_load %arg8[%swap3A_1110, %swap3A_1111, %swap3A_1112] {strides = array<i32>} : memref<4x128x128xf32, #tpu.memory_space<vmem>>, vector<1x1x16xf32>,
        %swap3A_1114 = vector.shape_cast %swap3A_1113 : vector<1x1x16xf32> to vector<16xf32>
        %swap3A_1115 = vector.shape_cast %get3A_592 : vector<16xf32> to vector<1x1x16xf32>
        tpu.vector_store %arg8[%swap3A_1110, %swap3A_1111, %swap3A_1112], %swap3A_1115 {add = true, strides = array<i32>} : memref<4x128x128xf32, #tpu.memory_space<vmem>>, vector<1x1x16xf32>,
        %scan3A_1116 = arith.constant 1 : i32
        %scan3A_1117 = arith.addi %scan3A_1055, %scan3A_1116 : i32
        %mul3A_1118 = arith.constant 1 : i32
        %mul3A_1119 = arith.muli %scan3A_1117, %mul3A_1118 : i32
        %add3A_1120 = arith.constant 64 : i32
        %add3A_1121 = arith.addi %add3A_1120, %mul3A_1119 : i32
        %swap3A_1122 = arith.constant 1 : i32
        %swap3A_1123 = arith.index_cast %swap3A_1122 : i32 to index
        %swap3A_1124 = arith.index_cast %add3A_1121 : i32 to index
        %swap3A_1125 = arith.constant 0 : index
        %swap3A_1126 = tpu.vector_load %arg8[%swap3A_1123, %swap3A_1124, %swap3A_1125] {strides = array<i32>} : memref<4x128x128xf32, #tpu.memory_space<vmem>>, vector<1x1x16xf32>,
        %swap3A_1127 = vector.shape_cast %swap3A_1126 : vector<1x1x16xf32> to vector<16xf32>
        %swap3A_1128 = vector.shape_cast %get3A_564 : vector<16xf32> to vector<1x1x16xf32>
        tpu.vector_store %arg8[%swap3A_1123, %swap3A_1124, %swap3A_1125], %swap3A_1128 {add = true, strides = array<i32>} : memref<4x128x128xf32, #tpu.memory_space<vmem>>, vector<1x1x16xf32>,
        %swap3A_1129 = arith.constant 1 : i32
        %swap3A_1130 = arith.index_cast %swap3A_1129 : i32 to index
        %swap3A_1131 = arith.index_cast %add3A_1121 : i32 to index
        %swap3A_1132 = arith.constant 16 : index
        %swap3A_1133 = tpu.vector_load %arg8[%swap3A_1130, %swap3A_1131, %swap3A_1132] {strides = array<i32>} : memref<4x128x128xf32, #tpu.memory_space<vmem>>, vector<1x1x16xf32>,
        %swap3A_1134 = vector.shape_cast %swap3A_1133 : vector<1x1x16xf32> to vector<16xf32>
        %swap3A_1135 = vector.shape_cast %get3A_568 : vector<16xf32> to vector<1x1x16xf32>
        tpu.vector_store %arg8[%swap3A_1130, %swap3A_1131, %swap3A_1132], %swap3A_1135 {add = true, strides = array<i32>} : memref<4x128x128xf32, #tpu.memory_space<vmem>>, vector<1x1x16xf32>,
        %swap3A_1136 = arith.constant 1 : i32
        %swap3A_1137 = arith.index_cast %swap3A_1136 : i32 to index
        %swap3A_1138 = arith.index_cast %add3A_1121 : i32 to index
        %swap3A_1139 = arith.constant 32 : index
        %swap3A_1140 = tpu.vector_load %arg8[%swap3A_1137, %swap3A_1138, %swap3A_1139] {strides = array<i32>} : memref<4x128x128xf32, #tpu.memory_space<vmem>>, vector<1x1x16xf32>,
        %swap3A_1141 = vector.shape_cast %swap3A_1140 : vector<1x1x16xf32> to vector<16xf32>
        %swap3A_1142 = vector.shape_cast %get3A_572 : vector<16xf32> to vector<1x1x16xf32>
        tpu.vector_store %arg8[%swap3A_1137, %swap3A_1138, %swap3A_1139], %swap3A_1142 {add = true, strides = array<i32>} : memref<4x128x128xf32, #tpu.memory_space<vmem>>, vector<1x1x16xf32>,
        %swap3A_1143 = arith.constant 1 : i32
        %swap3A_1144 = arith.index_cast %swap3A_1143 : i32 to index
        %swap3A_1145 = arith.index_cast %add3A_1121 : i32 to index
        %swap3A_1146 = arith.constant 48 : index
        %swap3A_1147 = tpu.vector_load %arg8[%swap3A_1144, %swap3A_1145, %swap3A_1146] {strides = array<i32>} : memref<4x128x128xf32, #tpu.memory_space<vmem>>, vector<1x1x16xf32>,
        %swap3A_1148 = vector.shape_cast %swap3A_1147 : vector<1x1x16xf32> to vector<16xf32>
        %swap3A_1149 = vector.shape_cast %get3A_576 : vector<16xf32> to vector<1x1x16xf32>
        tpu.vector_store %arg8[%swap3A_1144, %swap3A_1145, %swap3A_1146], %swap3A_1149 {add = true, strides = array<i32>} : memref<4x128x128xf32, #tpu.memory_space<vmem>>, vector<1x1x16xf32>,
        %swap3A_1150 = arith.constant 1 : i32
        %swap3A_1151 = arith.index_cast %swap3A_1150 : i32 to index
        %swap3A_1152 = arith.index_cast %add3A_1121 : i32 to index
        %swap3A_1153 = arith.constant 64 : index
        %swap3A_1154 = tpu.vector_load %arg8[%swap3A_1151, %swap3A_1152, %swap3A_1153] {strides = array<i32>} : memref<4x128x128xf32, #tpu.memory_space<vmem>>, vector<1x1x16xf32>,
        %swap3A_1155 = vector.shape_cast %swap3A_1154 : vector<1x1x16xf32> to vector<16xf32>
        %swap3A_1156 = vector.shape_cast %get3A_580 : vector<16xf32> to vector<1x1x16xf32>
        tpu.vector_store %arg8[%swap3A_1151, %swap3A_1152, %swap3A_1153], %swap3A_1156 {add = true, strides = array<i32>} : memref<4x128x128xf32, #tpu.memory_space<vmem>>, vector<1x1x16xf32>,
        %swap3A_1157 = arith.constant 1 : i32
        %swap3A_1158 = arith.index_cast %swap3A_1157 : i32 to index
        %swap3A_1159 = arith.index_cast %add3A_1121 : i32 to index
        %swap3A_1160 = arith.constant 80 : index
        %swap3A_1161 = tpu.vector_load %arg8[%swap3A_1158, %swap3A_1159, %swap3A_1160] {strides = array<i32>} : memref<4x128x128xf32, #tpu.memory_space<vmem>>, vector<1x1x16xf32>,
        %swap3A_1162 = vector.shape_cast %swap3A_1161 : vector<1x1x16xf32> to vector<16xf32>
        %swap3A_1163 = vector.shape_cast %get3A_584 : vector<16xf32> to vector<1x1x16xf32>
        tpu.vector_store %arg8[%swap3A_1158, %swap3A_1159, %swap3A_1160], %swap3A_1163 {add = true, strides = array<i32>} : memref<4x128x128xf32, #tpu.memory_space<vmem>>, vector<1x1x16xf32>,
        %swap3A_1164 = arith.constant 1 : i32
        %swap3A_1165 = arith.index_cast %swap3A_1164 : i32 to index
        %swap3A_1166 = arith.index_cast %add3A_1121 : i32 to index
        %swap3A_1167 = arith.constant 96 : index
        %swap3A_1168 = tpu.vector_load %arg8[%swap3A_1165, %swap3A_1166, %swap3A_1167] {strides = array<i32>} : memref<4x128x128xf32, #tpu.memory_space<vmem>>, vector<1x1x16xf32>,
        %swap3A_1169 = vector.shape_cast %swap3A_1168 : vector<1x1x16xf32> to vector<16xf32>
        %swap3A_1170 = vector.shape_cast %get3A_588 : vector<16xf32> to vector<1x1x16xf32>
        tpu.vector_store %arg8[%swap3A_1165, %swap3A_1166, %swap3A_1167], %swap3A_1170 {add = true, strides = array<i32>} : memref<4x128x128xf32, #tpu.memory_space<vmem>>, vector<1x1x16xf32>,
        %swap3A_1171 = arith.constant 1 : i32
        %swap3A_1172 = arith.index_cast %swap3A_1171 : i32 to index
        %swap3A_1173 = arith.index_cast %add3A_1121 : i32 to index
        %swap3A_1174 = arith.constant 112 : index
        %swap3A_1175 = tpu.vector_load %arg8[%swap3A_1172, %swap3A_1173, %swap3A_1174] {strides = array<i32>} : memref<4x128x128xf32, #tpu.memory_space<vmem>>, vector<1x1x16xf32>,
        %swap3A_1176 = vector.shape_cast %swap3A_1175 : vector<1x1x16xf32> to vector<16xf32>
        %swap3A_1177 = vector.shape_cast %get3A_592 : vector<16xf32> to vector<1x1x16xf32>
        tpu.vector_store %arg8[%swap3A_1172, %swap3A_1173, %swap3A_1174], %swap3A_1177 {add = true, strides = array<i32>} : memref<4x128x128xf32, #tpu.memory_space<vmem>>, vector<1x1x16xf32>,
        %scan3A_1178 = arith.constant 2 : i32
        %scan3A_1179 = arith.addi %scan3A_1055, %scan3A_1178 : i32
        %mul3A_1180 = arith.constant 1 : i32
        %mul3A_1181 = arith.muli %scan3A_1179, %mul3A_1180 : i32
        %add3A_1182 = arith.constant 64 : i32
        %add3A_1183 = arith.addi %add3A_1182, %mul3A_1181 : i32
        %swap3A_1184 = arith.constant 1 : i32
        %swap3A_1185 = arith.index_cast %swap3A_1184 : i32 to index
        %swap3A_1186 = arith.index_cast %add3A_1183 : i32 to index
        %swap3A_1187 = arith.constant 0 : index
        %swap3A_1188 = tpu.vector_load %arg8[%swap3A_1185, %swap3A_1186, %swap3A_1187] {strides = array<i32>} : memref<4x128x128xf32, #tpu.memory_space<vmem>>, vector<1x1x16xf32>,
        %swap3A_1189 = vector.shape_cast %swap3A_1188 : vector<1x1x16xf32> to vector<16xf32>
        %swap3A_1190 = vector.shape_cast %get3A_564 : vector<16xf32> to vector<1x1x16xf32>
        tpu.vector_store %arg8[%swap3A_1185, %swap3A_1186, %swap3A_1187], %swap3A_1190 {add = true, strides = array<i32>} : memref<4x128x128xf32, #tpu.memory_space<vmem>>, vector<1x1x16xf32>,
        %swap3A_1191 = arith.constant 1 : i32
        %swap3A_1192 = arith.index_cast %swap3A_1191 : i32 to index
        %swap3A_1193 = arith.index_cast %add3A_1183 : i32 to index
        %swap3A_1194 = arith.constant 16 : index
        %swap3A_1195 = tpu.vector_load %arg8[%swap3A_1192, %swap3A_1193, %swap3A_1194] {strides = array<i32>} : memref<4x128x128xf32, #tpu.memory_space<vmem>>, vector<1x1x16xf32>,
        %swap3A_1196 = vector.shape_cast %swap3A_1195 : vector<1x1x16xf32> to vector<16xf32>
        %swap3A_1197 = vector.shape_cast %get3A_568 : vector<16xf32> to vector<1x1x16xf32>
        tpu.vector_store %arg8[%swap3A_1192, %swap3A_1193, %swap3A_1194], %swap3A_1197 {add = true, strides = array<i32>} : memref<4x128x128xf32, #tpu.memory_space<vmem>>, vector<1x1x16xf32>,
        %swap3A_1198 = arith.constant 1 : i32
        %swap3A_1199 = arith.index_cast %swap3A_1198 : i32 to index
        %swap3A_1200 = arith.index_cast %add3A_1183 : i32 to index
        %swap3A_1201 = arith.constant 32 : index
        %swap3A_1202 = tpu.vector_load %arg8[%swap3A_1199, %swap3A_1200, %swap3A_1201] {strides = array<i32>} : memref<4x128x128xf32, #tpu.memory_space<vmem>>, vector<1x1x16xf32>,
        %swap3A_1203 = vector.shape_cast %swap3A_1202 : vector<1x1x16xf32> to vector<16xf32>
        %swap3A_1204 = vector.shape_cast %get3A_572 : vector<16xf32> to vector<1x1x16xf32>
        tpu.vector_store %arg8[%swap3A_1199, %swap3A_1200, %swap3A_1201], %swap3A_1204 {add = true, strides = array<i32>} : memref<4x128x128xf32, #tpu.memory_space<vmem>>, vector<1x1x16xf32>,
        %swap3A_1205 = arith.constant 1 : i32
        %swap3A_1206 = arith.index_cast %swap3A_1205 : i32 to index
        %swap3A_1207 = arith.index_cast %add3A_1183 : i32 to index
        %swap3A_1208 = arith.constant 48 : index
        %swap3A_1209 = tpu.vector_load %arg8[%swap3A_1206, %swap3A_1207, %swap3A_1208] {strides = array<i32>} : memref<4x128x128xf32, #tpu.memory_space<vmem>>, vector<1x1x16xf32>,
        %swap3A_1210 = vector.shape_cast %swap3A_1209 : vector<1x1x16xf32> to vector<16xf32>
        %swap3A_1211 = vector.shape_cast %get3A_576 : vector<16xf32> to vector<1x1x16xf32>
        tpu.vector_store %arg8[%swap3A_1206, %swap3A_1207, %swap3A_1208], %swap3A_1211 {add = true, strides = array<i32>} : memref<4x128x128xf32, #tpu.memory_space<vmem>>, vector<1x1x16xf32>,
        %swap3A_1212 = arith.constant 1 : i32
        %swap3A_1213 = arith.index_cast %swap3A_1212 : i32 to index
        %swap3A_1214 = arith.index_cast %add3A_1183 : i32 to index
        %swap3A_1215 = arith.constant 64 : index
        %swap3A_1216 = tpu.vector_load %arg8[%swap3A_1213, %swap3A_1214, %swap3A_1215] {strides = array<i32>} : memref<4x128x128xf32, #tpu.memory_space<vmem>>, vector<1x1x16xf32>,
        %swap3A_1217 = vector.shape_cast %swap3A_1216 : vector<1x1x16xf32> to vector<16xf32>
        %swap3A_1218 = vector.shape_cast %get3A_580 : vector<16xf32> to vector<1x1x16xf32>
        tpu.vector_store %arg8[%swap3A_1213, %swap3A_1214, %swap3A_1215], %swap3A_1218 {add = true, strides = array<i32>} : memref<4x128x128xf32, #tpu.memory_space<vmem>>, vector<1x1x16xf32>,
        %swap3A_1219 = arith.constant 1 : i32
        %swap3A_1220 = arith.index_cast %swap3A_1219 : i32 to index
        %swap3A_1221 = arith.index_cast %add3A_1183 : i32 to index
        %swap3A_1222 = arith.constant 80 : index
        %swap3A_1223 = tpu.vector_load %arg8[%swap3A_1220, %swap3A_1221, %swap3A_1222] {strides = array<i32>} : memref<4x128x128xf32, #tpu.memory_space<vmem>>, vector<1x1x16xf32>,
        %swap3A_1224 = vector.shape_cast %swap3A_1223 : vector<1x1x16xf32> to vector<16xf32>
        %swap3A_1225 = vector.shape_cast %get3A_584 : vector<16xf32> to vector<1x1x16xf32>
        tpu.vector_store %arg8[%swap3A_1220, %swap3A_1221, %swap3A_1222], %swap3A_1225 {add = true, strides = array<i32>} : memref<4x128x128xf32, #tpu.memory_space<vmem>>, vector<1x1x16xf32>,
        %swap3A_1226 = arith.constant 1 : i32
        %swap3A_1227 = arith.index_cast %swap3A_1226 : i32 to index
        %swap3A_1228 = arith.index_cast %add3A_1183 : i32 to index
        %swap3A_1229 = arith.constant 96 : index
        %swap3A_1230 = tpu.vector_load %arg8[%swap3A_1227, %swap3A_1228, %swap3A_1229] {strides = array<i32>} : memref<4x128x128xf32, #tpu.memory_space<vmem>>, vector<1x1x16xf32>,
        %swap3A_1231 = vector.shape_cast %swap3A_1230 : vector<1x1x16xf32> to vector<16xf32>
        %swap3A_1232 = vector.shape_cast %get3A_588 : vector<16xf32> to vector<1x1x16xf32>
        tpu.vector_store %arg8[%swap3A_1227, %swap3A_1228, %swap3A_1229], %swap3A_1232 {add = true, strides = array<i32>} : memref<4x128x128xf32, #tpu.memory_space<vmem>>, vector<1x1x16xf32>,
        %swap3A_1233 = arith.constant 1 : i32
        %swap3A_1234 = arith.index_cast %swap3A_1233 : i32 to index
        %swap3A_1235 = arith.index_cast %add3A_1183 : i32 to index
        %swap3A_1236 = arith.constant 112 : index
        %swap3A_1237 = tpu.vector_load %arg8[%swap3A_1234, %swap3A_1235, %swap3A_1236] {strides = array<i32>} : memref<4x128x128xf32, #tpu.memory_space<vmem>>, vector<1x1x16xf32>,
        %swap3A_1238 = vector.shape_cast %swap3A_1237 : vector<1x1x16xf32> to vector<16xf32>
        %swap3A_1239 = vector.shape_cast %get3A_592 : vector<16xf32> to vector<1x1x16xf32>
        tpu.vector_store %arg8[%swap3A_1234, %swap3A_1235, %swap3A_1236], %swap3A_1239 {add = true, strides = array<i32>} : memref<4x128x128xf32, #tpu.memory_space<vmem>>, vector<1x1x16xf32>,
        %scan3A_1240 = arith.constant 3 : i32
        %scan3A_1241 = arith.addi %scan3A_1055, %scan3A_1240 : i32
        %mul3A_1242 = arith.constant 1 : i32
        %mul3A_1243 = arith.muli %scan3A_1241, %mul3A_1242 : i32
        %add3A_1244 = arith.constant 64 : i32
        %add3A_1245 = arith.addi %add3A_1244, %mul3A_1243 : i32
        %swap3A_1246 = arith.constant 1 : i32
        %swap3A_1247 = arith.index_cast %swap3A_1246 : i32 to index
        %swap3A_1248 = arith.index_cast %add3A_1245 : i32 to index
        %swap3A_1249 = arith.constant 0 : index
        %swap3A_1250 = tpu.vector_load %arg8[%swap3A_1247, %swap3A_1248, %swap3A_1249] {strides = array<i32>} : memref<4x128x128xf32, #tpu.memory_space<vmem>>, vector<1x1x16xf32>,
        %swap3A_1251 = vector.shape_cast %swap3A_1250 : vector<1x1x16xf32> to vector<16xf32>
        %swap3A_1252 = vector.shape_cast %get3A_564 : vector<16xf32> to vector<1x1x16xf32>
        tpu.vector_store %arg8[%swap3A_1247, %swap3A_1248, %swap3A_1249], %swap3A_1252 {add = true, strides = array<i32>} : memref<4x128x128xf32, #tpu.memory_space<vmem>>, vector<1x1x16xf32>,
        %swap3A_1253 = arith.constant 1 : i32
        %swap3A_1254 = arith.index_cast %swap3A_1253 : i32 to index
        %swap3A_1255 = arith.index_cast %add3A_1245 : i32 to index
        %swap3A_1256 = arith.constant 16 : index
        %swap3A_1257 = tpu.vector_load %arg8[%swap3A_1254, %swap3A_1255, %swap3A_1256] {strides = array<i32>} : memref<4x128x128xf32, #tpu.memory_space<vmem>>, vector<1x1x16xf32>,
        %swap3A_1258 = vector.shape_cast %swap3A_1257 : vector<1x1x16xf32> to vector<16xf32>
        %swap3A_1259 = vector.shape_cast %get3A_568 : vector<16xf32> to vector<1x1x16xf32>
        tpu.vector_store %arg8[%swap3A_1254, %swap3A_1255, %swap3A_1256], %swap3A_1259 {add = true, strides = array<i32>} : memref<4x128x128xf32, #tpu.memory_space<vmem>>, vector<1x1x16xf32>,
        %swap3A_1260 = arith.constant 1 : i32
        %swap3A_1261 = arith.index_cast %swap3A_1260 : i32 to index
        %swap3A_1262 = arith.index_cast %add3A_1245 : i32 to index
        %swap3A_1263 = arith.constant 32 : index
        %swap3A_1264 = tpu.vector_load %arg8[%swap3A_1261, %swap3A_1262, %swap3A_1263] {strides = array<i32>} : memref<4x128x128xf32, #tpu.memory_space<vmem>>, vector<1x1x16xf32>,
        %swap3A_1265 = vector.shape_cast %swap3A_1264 : vector<1x1x16xf32> to vector<16xf32>
        %swap3A_1266 = vector.shape_cast %get3A_572 : vector<16xf32> to vector<1x1x16xf32>
        tpu.vector_store %arg8[%swap3A_1261, %swap3A_1262, %swap3A_1263], %swap3A_1266 {add = true, strides = array<i32>} : memref<4x128x128xf32, #tpu.memory_space<vmem>>, vector<1x1x16xf32>,
        %swap3A_1267 = arith.constant 1 : i32
        %swap3A_1268 = arith.index_cast %swap3A_1267 : i32 to index
        %swap3A_1269 = arith.index_cast %add3A_1245 : i32 to index
        %swap3A_1270 = arith.constant 48 : index
        %swap3A_1271 = tpu.vector_load %arg8[%swap3A_1268, %swap3A_1269, %swap3A_1270] {strides = array<i32>} : memref<4x128x128xf32, #tpu.memory_space<vmem>>, vector<1x1x16xf32>,
        %swap3A_1272 = vector.shape_cast %swap3A_1271 : vector<1x1x16xf32> to vector<16xf32>
        %swap3A_1273 = vector.shape_cast %get3A_576 : vector<16xf32> to vector<1x1x16xf32>
        tpu.vector_store %arg8[%swap3A_1268, %swap3A_1269, %swap3A_1270], %swap3A_1273 {add = true, strides = array<i32>} : memref<4x128x128xf32, #tpu.memory_space<vmem>>, vector<1x1x16xf32>,
        %swap3A_1274 = arith.constant 1 : i32
        %swap3A_1275 = arith.index_cast %swap3A_1274 : i32 to index
        %swap3A_1276 = arith.index_cast %add3A_1245 : i32 to index
        %swap3A_1277 = arith.constant 64 : index
        %swap3A_1278 = tpu.vector_load %arg8[%swap3A_1275, %swap3A_1276, %swap3A_1277] {strides = array<i32>} : memref<4x128x128xf32, #tpu.memory_space<vmem>>, vector<1x1x16xf32>,
        %swap3A_1279 = vector.shape_cast %swap3A_1278 : vector<1x1x16xf32> to vector<16xf32>
        %swap3A_1280 = vector.shape_cast %get3A_580 : vector<16xf32> to vector<1x1x16xf32>
        tpu.vector_store %arg8[%swap3A_1275, %swap3A_1276, %swap3A_1277], %swap3A_1280 {add = true, strides = array<i32>} : memref<4x128x128xf32, #tpu.memory_space<vmem>>, vector<1x1x16xf32>,
        %swap3A_1281 = arith.constant 1 : i32
        %swap3A_1282 = arith.index_cast %swap3A_1281 : i32 to index
        %swap3A_1283 = arith.index_cast %add3A_1245 : i32 to index
        %swap3A_1284 = arith.constant 80 : index
        %swap3A_1285 = tpu.vector_load %arg8[%swap3A_1282, %swap3A_1283, %swap3A_1284] {strides = array<i32>} : memref<4x128x128xf32, #tpu.memory_space<vmem>>, vector<1x1x16xf32>,
        %swap3A_1286 = vector.shape_cast %swap3A_1285 : vector<1x1x16xf32> to vector<16xf32>
        %swap3A_1287 = vector.shape_cast %get3A_584 : vector<16xf32> to vector<1x1x16xf32>
        tpu.vector_store %arg8[%swap3A_1282, %swap3A_1283, %swap3A_1284], %swap3A_1287 {add = true, strides = array<i32>} : memref<4x128x128xf32, #tpu.memory_space<vmem>>, vector<1x1x16xf32>,
        %swap3A_1288 = arith.constant 1 : i32
        %swap3A_1289 = arith.index_cast %swap3A_1288 : i32 to index
        %swap3A_1290 = arith.index_cast %add3A_1245 : i32 to index
        %swap3A_1291 = arith.constant 96 : index
        %swap3A_1292 = tpu.vector_load %arg8[%swap3A_1289, %swap3A_1290, %swap3A_1291] {strides = array<i32>} : memref<4x128x128xf32, #tpu.memory_space<vmem>>, vector<1x1x16xf32>,
        %swap3A_1293 = vector.shape_cast %swap3A_1292 : vector<1x1x16xf32> to vector<16xf32>
        %swap3A_1294 = vector.shape_cast %get3A_588 : vector<16xf32> to vector<1x1x16xf32>
        tpu.vector_store %arg8[%swap3A_1289, %swap3A_1290, %swap3A_1291], %swap3A_1294 {add = true, strides = array<i32>} : memref<4x128x128xf32, #tpu.memory_space<vmem>>, vector<1x1x16xf32>,
        %swap3A_1295 = arith.constant 1 : i32
        %swap3A_1296 = arith.index_cast %swap3A_1295 : i32 to index
        %swap3A_1297 = arith.index_cast %add3A_1245 : i32 to index
        %swap3A_1298 = arith.constant 112 : index
        %swap3A_1299 = tpu.vector_load %arg8[%swap3A_1296, %swap3A_1297, %swap3A_1298] {strides = array<i32>} : memref<4x128x128xf32, #tpu.memory_space<vmem>>, vector<1x1x16xf32>,
        %swap3A_1300 = vector.shape_cast %swap3A_1299 : vector<1x1x16xf32> to vector<16xf32>
        %swap3A_1301 = vector.shape_cast %get3A_592 : vector<16xf32> to vector<1x1x16xf32>
        tpu.vector_store %arg8[%swap3A_1296, %swap3A_1297, %swap3A_1298], %swap3A_1301 {add = true, strides = array<i32>} : memref<4x128x128xf32, #tpu.memory_space<vmem>>, vector<1x1x16xf32>,
      }
      %scan3A_615 = arith.constant 64 : i32
      %dma_start3A_616 = arith.constant 1 : i32
      %dma_start3A_617 = arith.constant 1 : i32
      %dma_start3A_618 = arith.constant 1 : i32
      %dma_start3A_619 = arith.constant 64 : i32
      %dma_start3A_620 = arith.constant 0 : i32
      %dma_start3A_621 = tpu.memref_slice %arg8[%dma_start3A_616, %dma_start3A_619, %dma_start3A_620] : memref<4x128x128xf32, #tpu.memory_space<vmem>> -> memref<1x64x128xf32, #tpu.memory_space<vmem>>
      %dma_start3A_622 = tpu.memref_squeeze %dma_start3A_621 : memref<1x64x128xf32, #tpu.memory_space<vmem>> -> memref<64x128xf32, #tpu.memory_space<vmem>>
      %dma_start3A_623 = arith.constant 0 : i32
      %dma_start3A_624 = tpu.memref_slice %arg9[%dma_start3A_617, %dma_start3A_618, %dma_start3A_623] : memref<4x2x64xi32, #tpu.memory_space<vmem>> -> memref<1x1x64xi32, #tpu.memory_space<vmem>>
      %dma_start3A_625 = tpu.memref_squeeze %dma_start3A_624 : memref<1x1x64xi32, #tpu.memory_space<vmem>> -> memref<64xi32, #tpu.memory_space<vmem>>
      %dma_start3A_626 = arith.constant 0 : i32
      %dma_start3A_627 = arith.constant 0 : i32
      %dma_start3A_628 = tpu.memref_slice %arg5[%dma_start3A_626, %dma_start3A_627] : memref<819200x128xf32, #tpu.memory_space<hbm>> -> memref<819200x128xf32, #tpu.memory_space<hbm>>
      tpu.enqueue_indirect_dma source(%dma_start3A_622 : memref<64x128xf32, #tpu.memory_space<vmem>>) target(%dma_start3A_628 : memref<819200x128xf32, #tpu.memory_space<hbm>>) offsets(%dma_start3A_625 : memref<64xi32, #tpu.memory_space<vmem>>) semaphore(%arg17 : memref<!tpu.dma_semaphore, #tpu.memory_space<semaphore_mem>>)
      %add3A_629 = arith.constant 2 : i32
      %add3A_630 = arith.addi %add3A_205, %add3A_629 : i32
      %ge3A_631 = arith.constant 2 : i32
      %ge3A_632 = arith.cmpi sge, %add3A_630, %ge3A_631 : i32
      %convert_element_type3A_633 = arith.extui %ge3A_632 : i1 to i32
      %cond3A_634 = arith.constant 0 : i32
      %cond3A_635 = arith.cmpi ne, %convert_element_type3A_633, %cond3A_634 : i32
      scf.if %cond3A_635 {
        %dma_wait3A_1055 = arith.constant 0 : i32
        %dma_wait3A_1056 = arith.constant 0 : i32
        %dma_wait3A_1057 = arith.constant 0 : i32
        %dma_wait3A_1058 = arith.constant 0 : i32
        %dma_wait3A_1059 = arith.constant 0 : i32
        %dma_wait3A_1060 = tpu.memref_slice %arg8[%dma_wait3A_1055, %dma_wait3A_1058, %dma_wait3A_1059] : memref<4x128x128xf32, #tpu.memory_space<vmem>> -> memref<1x64x128xf32, #tpu.memory_space<vmem>>
        %dma_wait3A_1061 = tpu.memref_squeeze %dma_wait3A_1060 : memref<1x64x128xf32, #tpu.memory_space<vmem>> -> memref<64x128xf32, #tpu.memory_space<vmem>>
        %dma_wait3A_1062 = arith.constant 0 : i32
        %dma_wait3A_1063 = tpu.memref_slice %arg9[%dma_wait3A_1056, %dma_wait3A_1057, %dma_wait3A_1062] : memref<4x2x64xi32, #tpu.memory_space<vmem>> -> memref<1x1x64xi32, #tpu.memory_space<vmem>>
        %dma_wait3A_1064 = tpu.memref_squeeze %dma_wait3A_1063 : memref<1x1x64xi32, #tpu.memory_space<vmem>> -> memref<64xi32, #tpu.memory_space<vmem>>
        %dma_wait3A_1065 = arith.constant 0 : i32
        %dma_wait3A_1066 = arith.constant 0 : i32
        %dma_wait3A_1067 = tpu.memref_slice %arg5[%dma_wait3A_1065, %dma_wait3A_1066] : memref<819200x128xf32, #tpu.memory_space<hbm>> -> memref<819200x128xf32, #tpu.memory_space<hbm>>
        tpu.wait_indirect_dma semaphore(%arg16 : memref<!tpu.dma_semaphore, #tpu.memory_space<semaphore_mem>>) src(%dma_wait3A_1061 : memref<64x128xf32, #tpu.memory_space<vmem>>) dst(%dma_wait3A_1067 : memref<819200x128xf32, #tpu.memory_space<hbm>>)
        %dma_wait3A_1068 = arith.constant 0 : i32
        %dma_wait3A_1069 = arith.constant 0 : i32
        %dma_wait3A_1070 = arith.constant 1 : i32
        %dma_wait3A_1071 = arith.constant 64 : i32
        %dma_wait3A_1072 = arith.constant 0 : i32
        %dma_wait3A_1073 = tpu.memref_slice %arg8[%dma_wait3A_1068, %dma_wait3A_1071, %dma_wait3A_1072] : memref<4x128x128xf32, #tpu.memory_space<vmem>> -> memref<1x64x128xf32, #tpu.memory_space<vmem>>
        %dma_wait3A_1074 = tpu.memref_squeeze %dma_wait3A_1073 : memref<1x64x128xf32, #tpu.memory_space<vmem>> -> memref<64x128xf32, #tpu.memory_space<vmem>>
        %dma_wait3A_1075 = arith.constant 0 : i32
        %dma_wait3A_1076 = tpu.memref_slice %arg9[%dma_wait3A_1069, %dma_wait3A_1070, %dma_wait3A_1075] : memref<4x2x64xi32, #tpu.memory_space<vmem>> -> memref<1x1x64xi32, #tpu.memory_space<vmem>>
        %dma_wait3A_1077 = tpu.memref_squeeze %dma_wait3A_1076 : memref<1x1x64xi32, #tpu.memory_space<vmem>> -> memref<64xi32, #tpu.memory_space<vmem>>
        %dma_wait3A_1078 = arith.constant 0 : i32
        %dma_wait3A_1079 = arith.constant 0 : i32
        %dma_wait3A_1080 = tpu.memref_slice %arg5[%dma_wait3A_1078, %dma_wait3A_1079] : memref<819200x128xf32, #tpu.memory_space<hbm>> -> memref<819200x128xf32, #tpu.memory_space<hbm>>
        tpu.wait_indirect_dma semaphore(%arg16 : memref<!tpu.dma_semaphore, #tpu.memory_space<semaphore_mem>>) src(%dma_wait3A_1074 : memref<64x128xf32, #tpu.memory_space<vmem>>) dst(%dma_wait3A_1080 : memref<819200x128xf32, #tpu.memory_space<hbm>>)
      } else {
      }
      %add3A_636 = arith.constant 2 : i32
      %add3A_637 = arith.addi %add3A_630, %add3A_636 : i32
      %lt3A_638 = arith.constant 200 : i32
      %lt3A_639 = arith.cmpi slt, %add3A_637, %lt3A_638 : i32
      %convert_element_type3A_640 = arith.extui %lt3A_639 : i1 to i32
      %cond3A_641 = arith.constant 0 : i32
      %cond3A_642 = arith.cmpi ne, %convert_element_type3A_640, %cond3A_641 : i32
      scf.if %cond3A_642 {
        %add3A_1055 = arith.constant 2 : i32
        %add3A_1056 = arith.addi %add3A_630, %add3A_1055 : i32
        %dma_start3A_1057 = arith.constant 0 : i32
        %dma_start3A_1058 = arith.constant 0 : i32
        %dma_start3A_1059 = arith.constant 0 : i32
        %dma_start3A_1060 = tpu.memref_slice %arg8[%dma_start3A_1057, %dma_start3A_1058, %dma_start3A_1059] : memref<4x128x128xf32, #tpu.memory_space<vmem>> -> memref<1x128x128xf32, #tpu.memory_space<vmem>>
        %dma_start3A_1061 = tpu.memref_squeeze %dma_start3A_1060 : memref<1x128x128xf32, #tpu.memory_space<vmem>> -> memref<128x128xf32, #tpu.memory_space<vmem>>
        %dma_start3A_1062 = arith.constant 0 : i32
        %dma_start3A_1063 = tpu.memref_slice %arg6[%add3A_1056, %dma_start3A_1062] : memref<200x128xi32, #tpu.memory_space<vmem>> -> memref<1x128xi32, #tpu.memory_space<vmem>>
        %dma_start3A_1064 = tpu.memref_squeeze %dma_start3A_1063 : memref<1x128xi32, #tpu.memory_space<vmem>> -> memref<128xi32, #tpu.memory_space<vmem>>
        %dma_start3A_1065 = arith.constant 0 : i32
        %dma_start3A_1066 = arith.constant 0 : i32
        %dma_start3A_1067 = tpu.memref_slice %arg11[%dma_start3A_1065, %dma_start3A_1066] : memref<1000x128xf32, #tpu.memory_space<vmem_shared>> -> memref<1000x128xf32, #tpu.memory_space<vmem_shared>>
        tpu.enqueue_indirect_dma source(%dma_start3A_1067 : memref<1000x128xf32, #tpu.memory_space<vmem_shared>>) target(%dma_start3A_1061 : memref<128x128xf32, #tpu.memory_space<vmem>>) offsets(%dma_start3A_1064 : memref<128xi32, #tpu.memory_space<vmem>>) semaphore(%arg12 : memref<!tpu.dma_semaphore, #tpu.memory_space<semaphore_mem>>)
      } else {
      }
      %get3A_643 = arith.constant 0 : i32
      %get3A_644 = arith.index_cast %get3A_643 : i32 to index
      %get3A_645 = arith.constant 0 : index
      %get3A_646 = tpu.vector_load %arg10[%get3A_644, %get3A_645] {strides = array<i32>} : memref<1x128xi32, #tpu.memory_space<vmem>>, vector<1x16xi32>,
      %get3A_647 = vector.shape_cast %get3A_646 : vector<1x16xi32> to vector<16xi32>
      %add3A_648 = vector.broadcast %add3A_630 : i32 to vector<16xi32>
      %add3A_649 = arith.addi %get3A_647, %add3A_648 : vector<16xi32>
      %swap3A_650 = arith.constant 2 : i32
      %swap3A_651 = arith.constant 0 : i32
      %swap3A_652 = arith.index_cast %swap3A_650 : i32 to index
      %swap3A_653 = arith.index_cast %swap3A_651 : i32 to index
      %swap3A_654 = arith.constant 0 : index
      %swap3A_655 = tpu.vector_load %arg9[%swap3A_652, %swap3A_653, %swap3A_654] {strides = array<i32>} : memref<4x2x64xi32, #tpu.memory_space<vmem>>, vector<1x1x16xi32>,
      %swap3A_656 = vector.shape_cast %swap3A_655 : vector<1x1x16xi32> to vector<16xi32>
      %swap3A_657 = vector.shape_cast %add3A_649 : vector<16xi32> to vector<1x1x16xi32>
      tpu.vector_store %arg9[%swap3A_652, %swap3A_653, %swap3A_654], %swap3A_657 {strides = array<i32>} : memref<4x2x64xi32, #tpu.memory_space<vmem>>, vector<1x1x16xi32>,
      %get3A_658 = arith.constant 0 : i32
      %get3A_659 = arith.index_cast %get3A_658 : i32 to index
      %get3A_660 = arith.constant 16 : index
      %get3A_661 = tpu.vector_load %arg10[%get3A_659, %get3A_660] {strides = array<i32>} : memref<1x128xi32, #tpu.memory_space<vmem>>, vector<1x16xi32>,
      %get3A_662 = vector.shape_cast %get3A_661 : vector<1x16xi32> to vector<16xi32>
      %add3A_663 = vector.broadcast %add3A_630 : i32 to vector<16xi32>
      %add3A_664 = arith.addi %get3A_662, %add3A_663 : vector<16xi32>
      %swap3A_665 = arith.constant 2 : i32
      %swap3A_666 = arith.constant 0 : i32
      %swap3A_667 = arith.index_cast %swap3A_665 : i32 to index
      %swap3A_668 = arith.index_cast %swap3A_666 : i32 to index
      %swap3A_669 = arith.constant 16 : index
      %swap3A_670 = tpu.vector_load %arg9[%swap3A_667, %swap3A_668, %swap3A_669] {strides = array<i32>} : memref<4x2x64xi32, #tpu.memory_space<vmem>>, vector<1x1x16xi32>,
      %swap3A_671 = vector.shape_cast %swap3A_670 : vector<1x1x16xi32> to vector<16xi32>
      %swap3A_672 = vector.shape_cast %add3A_664 : vector<16xi32> to vector<1x1x16xi32>
      tpu.vector_store %arg9[%swap3A_667, %swap3A_668, %swap3A_669], %swap3A_672 {strides = array<i32>} : memref<4x2x64xi32, #tpu.memory_space<vmem>>, vector<1x1x16xi32>,
      %get3A_673 = arith.constant 0 : i32
      %get3A_674 = arith.index_cast %get3A_673 : i32 to index
      %get3A_675 = arith.constant 32 : index
      %get3A_676 = tpu.vector_load %arg10[%get3A_674, %get3A_675] {strides = array<i32>} : memref<1x128xi32, #tpu.memory_space<vmem>>, vector<1x16xi32>,
      %get3A_677 = vector.shape_cast %get3A_676 : vector<1x16xi32> to vector<16xi32>
      %add3A_678 = vector.broadcast %add3A_630 : i32 to vector<16xi32>
      %add3A_679 = arith.addi %get3A_677, %add3A_678 : vector<16xi32>
      %swap3A_680 = arith.constant 2 : i32
      %swap3A_681 = arith.constant 0 : i32
      %swap3A_682 = arith.index_cast %swap3A_680 : i32 to index
      %swap3A_683 = arith.index_cast %swap3A_681 : i32 to index
      %swap3A_684 = arith.constant 32 : index
      %swap3A_685 = tpu.vector_load %arg9[%swap3A_682, %swap3A_683, %swap3A_684] {strides = array<i32>} : memref<4x2x64xi32, #tpu.memory_space<vmem>>, vector<1x1x16xi32>,
      %swap3A_686 = vector.shape_cast %swap3A_685 : vector<1x1x16xi32> to vector<16xi32>
      %swap3A_687 = vector.shape_cast %add3A_679 : vector<16xi32> to vector<1x1x16xi32>
      tpu.vector_store %arg9[%swap3A_682, %swap3A_683, %swap3A_684], %swap3A_687 {strides = array<i32>} : memref<4x2x64xi32, #tpu.memory_space<vmem>>, vector<1x1x16xi32>,
      %get3A_688 = arith.constant 0 : i32
      %get3A_689 = arith.index_cast %get3A_688 : i32 to index
      %get3A_690 = arith.constant 48 : index
      %get3A_691 = tpu.vector_load %arg10[%get3A_689, %get3A_690] {strides = array<i32>} : memref<1x128xi32, #tpu.memory_space<vmem>>, vector<1x16xi32>,
      %get3A_692 = vector.shape_cast %get3A_691 : vector<1x16xi32> to vector<16xi32>
      %add3A_693 = vector.broadcast %add3A_630 : i32 to vector<16xi32>
      %add3A_694 = arith.addi %get3A_692, %add3A_693 : vector<16xi32>
      %swap3A_695 = arith.constant 2 : i32
      %swap3A_696 = arith.constant 0 : i32
      %swap3A_697 = arith.index_cast %swap3A_695 : i32 to index
      %swap3A_698 = arith.index_cast %swap3A_696 : i32 to index
      %swap3A_699 = arith.constant 48 : index
      %swap3A_700 = tpu.vector_load %arg9[%swap3A_697, %swap3A_698, %swap3A_699] {strides = array<i32>} : memref<4x2x64xi32, #tpu.memory_space<vmem>>, vector<1x1x16xi32>,
      %swap3A_701 = vector.shape_cast %swap3A_700 : vector<1x1x16xi32> to vector<16xi32>
      %swap3A_702 = vector.shape_cast %add3A_694 : vector<16xi32> to vector<1x1x16xi32>
      tpu.vector_store %arg9[%swap3A_697, %swap3A_698, %swap3A_699], %swap3A_702 {strides = array<i32>} : memref<4x2x64xi32, #tpu.memory_space<vmem>>, vector<1x1x16xi32>,
      %get3A_703 = arith.constant 0 : i32
      %get3A_704 = arith.index_cast %get3A_703 : i32 to index
      %get3A_705 = arith.constant 64 : index
      %get3A_706 = tpu.vector_load %arg10[%get3A_704, %get3A_705] {strides = array<i32>} : memref<1x128xi32, #tpu.memory_space<vmem>>, vector<1x16xi32>,
      %get3A_707 = vector.shape_cast %get3A_706 : vector<1x16xi32> to vector<16xi32>
      %add3A_708 = vector.broadcast %add3A_630 : i32 to vector<16xi32>
      %add3A_709 = arith.addi %get3A_707, %add3A_708 : vector<16xi32>
      %swap3A_710 = arith.constant 2 : i32
      %swap3A_711 = arith.constant 1 : i32
      %swap3A_712 = arith.index_cast %swap3A_710 : i32 to index
      %swap3A_713 = arith.index_cast %swap3A_711 : i32 to index
      %swap3A_714 = arith.constant 0 : index
      %swap3A_715 = tpu.vector_load %arg9[%swap3A_712, %swap3A_713, %swap3A_714] {strides = array<i32>} : memref<4x2x64xi32, #tpu.memory_space<vmem>>, vector<1x1x16xi32>,
      %swap3A_716 = vector.shape_cast %swap3A_715 : vector<1x1x16xi32> to vector<16xi32>
      %swap3A_717 = vector.shape_cast %add3A_709 : vector<16xi32> to vector<1x1x16xi32>
      tpu.vector_store %arg9[%swap3A_712, %swap3A_713, %swap3A_714], %swap3A_717 {strides = array<i32>} : memref<4x2x64xi32, #tpu.memory_space<vmem>>, vector<1x1x16xi32>,
      %get3A_718 = arith.constant 0 : i32
      %get3A_719 = arith.index_cast %get3A_718 : i32 to index
      %get3A_720 = arith.constant 80 : index
      %get3A_721 = tpu.vector_load %arg10[%get3A_719, %get3A_720] {strides = array<i32>} : memref<1x128xi32, #tpu.memory_space<vmem>>, vector<1x16xi32>,
      %get3A_722 = vector.shape_cast %get3A_721 : vector<1x16xi32> to vector<16xi32>
      %add3A_723 = vector.broadcast %add3A_630 : i32 to vector<16xi32>
      %add3A_724 = arith.addi %get3A_722, %add3A_723 : vector<16xi32>
      %swap3A_725 = arith.constant 2 : i32
      %swap3A_726 = arith.constant 1 : i32
      %swap3A_727 = arith.index_cast %swap3A_725 : i32 to index
      %swap3A_728 = arith.index_cast %swap3A_726 : i32 to index
      %swap3A_729 = arith.constant 16 : index
      %swap3A_730 = tpu.vector_load %arg9[%swap3A_727, %swap3A_728, %swap3A_729] {strides = array<i32>} : memref<4x2x64xi32, #tpu.memory_space<vmem>>, vector<1x1x16xi32>,
      %swap3A_731 = vector.shape_cast %swap3A_730 : vector<1x1x16xi32> to vector<16xi32>
      %swap3A_732 = vector.shape_cast %add3A_724 : vector<16xi32> to vector<1x1x16xi32>
      tpu.vector_store %arg9[%swap3A_727, %swap3A_728, %swap3A_729], %swap3A_732 {strides = array<i32>} : memref<4x2x64xi32, #tpu.memory_space<vmem>>, vector<1x1x16xi32>,
      %get3A_733 = arith.constant 0 : i32
      %get3A_734 = arith.index_cast %get3A_733 : i32 to index
      %get3A_735 = arith.constant 96 : index
      %get3A_736 = tpu.vector_load %arg10[%get3A_734, %get3A_735] {strides = array<i32>} : memref<1x128xi32, #tpu.memory_space<vmem>>, vector<1x16xi32>,
      %get3A_737 = vector.shape_cast %get3A_736 : vector<1x16xi32> to vector<16xi32>
      %add3A_738 = vector.broadcast %add3A_630 : i32 to vector<16xi32>
      %add3A_739 = arith.addi %get3A_737, %add3A_738 : vector<16xi32>
      %swap3A_740 = arith.constant 2 : i32
      %swap3A_741 = arith.constant 1 : i32
      %swap3A_742 = arith.index_cast %swap3A_740 : i32 to index
      %swap3A_743 = arith.index_cast %swap3A_741 : i32 to index
      %swap3A_744 = arith.constant 32 : index
      %swap3A_745 = tpu.vector_load %arg9[%swap3A_742, %swap3A_743, %swap3A_744] {strides = array<i32>} : memref<4x2x64xi32, #tpu.memory_space<vmem>>, vector<1x1x16xi32>,
      %swap3A_746 = vector.shape_cast %swap3A_745 : vector<1x1x16xi32> to vector<16xi32>
      %swap3A_747 = vector.shape_cast %add3A_739 : vector<16xi32> to vector<1x1x16xi32>
      tpu.vector_store %arg9[%swap3A_742, %swap3A_743, %swap3A_744], %swap3A_747 {strides = array<i32>} : memref<4x2x64xi32, #tpu.memory_space<vmem>>, vector<1x1x16xi32>,
      %get3A_748 = arith.constant 0 : i32
      %get3A_749 = arith.index_cast %get3A_748 : i32 to index
      %get3A_750 = arith.constant 112 : index
      %get3A_751 = tpu.vector_load %arg10[%get3A_749, %get3A_750] {strides = array<i32>} : memref<1x128xi32, #tpu.memory_space<vmem>>, vector<1x16xi32>,
      %get3A_752 = vector.shape_cast %get3A_751 : vector<1x16xi32> to vector<16xi32>
      %add3A_753 = vector.broadcast %add3A_630 : i32 to vector<16xi32>
      %add3A_754 = arith.addi %get3A_752, %add3A_753 : vector<16xi32>
      %swap3A_755 = arith.constant 2 : i32
      %swap3A_756 = arith.constant 1 : i32
      %swap3A_757 = arith.index_cast %swap3A_755 : i32 to index
      %swap3A_758 = arith.index_cast %swap3A_756 : i32 to index
      %swap3A_759 = arith.constant 48 : index
      %swap3A_760 = tpu.vector_load %arg9[%swap3A_757, %swap3A_758, %swap3A_759] {strides = array<i32>} : memref<4x2x64xi32, #tpu.memory_space<vmem>>, vector<1x1x16xi32>,
      %swap3A_761 = vector.shape_cast %swap3A_760 : vector<1x1x16xi32> to vector<16xi32>
      %swap3A_762 = vector.shape_cast %add3A_754 : vector<16xi32> to vector<1x1x16xi32>
      tpu.vector_store %arg9[%swap3A_757, %swap3A_758, %swap3A_759], %swap3A_762 {strides = array<i32>} : memref<4x2x64xi32, #tpu.memory_space<vmem>>, vector<1x1x16xi32>,
      %dma_wait3A_763 = arith.constant 2 : i32
      %dma_wait3A_764 = arith.constant 0 : i32
      %dma_wait3A_765 = arith.constant 0 : i32
      %dma_wait3A_766 = tpu.memref_slice %arg8[%dma_wait3A_763, %dma_wait3A_764, %dma_wait3A_765] : memref<4x128x128xf32, #tpu.memory_space<vmem>> -> memref<1x128x128xf32, #tpu.memory_space<vmem>>
      %dma_wait3A_767 = tpu.memref_squeeze %dma_wait3A_766 : memref<1x128x128xf32, #tpu.memory_space<vmem>> -> memref<128x128xf32, #tpu.memory_space<vmem>>
      %dma_wait3A_768 = arith.constant 0 : i32
      %dma_wait3A_769 = tpu.memref_slice %arg6[%add3A_630, %dma_wait3A_768] : memref<200x128xi32, #tpu.memory_space<vmem>> -> memref<1x128xi32, #tpu.memory_space<vmem>>
      %dma_wait3A_770 = tpu.memref_squeeze %dma_wait3A_769 : memref<1x128xi32, #tpu.memory_space<vmem>> -> memref<128xi32, #tpu.memory_space<vmem>>
      %dma_wait3A_771 = arith.constant 0 : i32
      %dma_wait3A_772 = arith.constant 0 : i32
      %dma_wait3A_773 = tpu.memref_slice %arg11[%dma_wait3A_771, %dma_wait3A_772] : memref<1000x128xf32, #tpu.memory_space<vmem_shared>> -> memref<1000x128xf32, #tpu.memory_space<vmem_shared>>
      tpu.wait_indirect_dma semaphore(%arg14 : memref<!tpu.dma_semaphore, #tpu.memory_space<semaphore_mem>>) src(%dma_wait3A_773 : memref<1000x128xf32, #tpu.memory_space<vmem_shared>>) dst(%dma_wait3A_767 : memref<128x128xf32, #tpu.memory_space<vmem>>)
      %get3A_774 = arith.index_cast %add3A_630 : i32 to index
      %get3A_775 = arith.constant 0 : index
      %get3A_776 = tpu.vector_load %arg7[%get3A_774, %get3A_775] {strides = array<i32>} : memref<200x128xf32, #tpu.memory_space<vmem>>, vector<1x16xf32>,
      %get3A_777 = vector.shape_cast %get3A_776 : vector<1x16xf32> to vector<16xf32>
      %get3A_778 = arith.index_cast %add3A_630 : i32 to index
      %get3A_779 = arith.constant 16 : index
      %get3A_780 = tpu.vector_load %arg7[%get3A_778, %get3A_779] {strides = array<i32>} : memref<200x128xf32, #tpu.memory_space<vmem>>, vector<1x16xf32>,
      %get3A_781 = vector.shape_cast %get3A_780 : vector<1x16xf32> to vector<16xf32>
      %get3A_782 = arith.index_cast %add3A_630 : i32 to index
      %get3A_783 = arith.constant 32 : index
      %get3A_784 = tpu.vector_load %arg7[%get3A_782, %get3A_783] {strides = array<i32>} : memref<200x128xf32, #tpu.memory_space<vmem>>, vector<1x16xf32>,
      %get3A_785 = vector.shape_cast %get3A_784 : vector<1x16xf32> to vector<16xf32>
      %get3A_786 = arith.index_cast %add3A_630 : i32 to index
      %get3A_787 = arith.constant 48 : index
      %get3A_788 = tpu.vector_load %arg7[%get3A_786, %get3A_787] {strides = array<i32>} : memref<200x128xf32, #tpu.memory_space<vmem>>, vector<1x16xf32>,
      %get3A_789 = vector.shape_cast %get3A_788 : vector<1x16xf32> to vector<16xf32>
      %get3A_790 = arith.index_cast %add3A_630 : i32 to index
      %get3A_791 = arith.constant 64 : index
      %get3A_792 = tpu.vector_load %arg7[%get3A_790, %get3A_791] {strides = array<i32>} : memref<200x128xf32, #tpu.memory_space<vmem>>, vector<1x16xf32>,
      %get3A_793 = vector.shape_cast %get3A_792 : vector<1x16xf32> to vector<16xf32>
      %get3A_794 = arith.index_cast %add3A_630 : i32 to index
      %get3A_795 = arith.constant 80 : index
      %get3A_796 = tpu.vector_load %arg7[%get3A_794, %get3A_795] {strides = array<i32>} : memref<200x128xf32, #tpu.memory_space<vmem>>, vector<1x16xf32>,
      %get3A_797 = vector.shape_cast %get3A_796 : vector<1x16xf32> to vector<16xf32>
      %get3A_798 = arith.index_cast %add3A_630 : i32 to index
      %get3A_799 = arith.constant 96 : index
      %get3A_800 = tpu.vector_load %arg7[%get3A_798, %get3A_799] {strides = array<i32>} : memref<200x128xf32, #tpu.memory_space<vmem>>, vector<1x16xf32>,
      %get3A_801 = vector.shape_cast %get3A_800 : vector<1x16xf32> to vector<16xf32>
      %get3A_802 = arith.index_cast %add3A_630 : i32 to index
      %get3A_803 = arith.constant 112 : index
      %get3A_804 = tpu.vector_load %arg7[%get3A_802, %get3A_803] {strides = array<i32>} : memref<200x128xf32, #tpu.memory_space<vmem>>, vector<1x16xf32>,
      %get3A_805 = vector.shape_cast %get3A_804 : vector<1x16xf32> to vector<16xf32>
      %scan3A_806 = arith.constant 0 : i32
      %scan3A_807 = arith.constant 64 : i32
      %scan3A_808 = arith.addi %scan3A_806, %scan3A_807 : i32
      %scan3A_809 = arith.constant 4 : i32
      scf.for %scan3A_1055 = %scan3A_806 to %scan3A_808 step %scan3A_809  : i32 {
        %mul3A_1056 = arith.constant 1 : i32
        %mul3A_1057 = arith.muli %scan3A_1055, %mul3A_1056 : i32
        %add3A_1058 = arith.constant 0 : i32
        %add3A_1059 = arith.addi %add3A_1058, %mul3A_1057 : i32
        %swap3A_1060 = arith.constant 2 : i32
        %swap3A_1061 = arith.index_cast %swap3A_1060 : i32 to index
        %swap3A_1062 = arith.index_cast %add3A_1059 : i32 to index
        %swap3A_1063 = arith.constant 0 : index
        %swap3A_1064 = tpu.vector_load %arg8[%swap3A_1061, %swap3A_1062, %swap3A_1063] {strides = array<i32>} : memref<4x128x128xf32, #tpu.memory_space<vmem>>, vector<1x1x16xf32>,
        %swap3A_1065 = vector.shape_cast %swap3A_1064 : vector<1x1x16xf32> to vector<16xf32>
        %swap3A_1066 = vector.shape_cast %get3A_777 : vector<16xf32> to vector<1x1x16xf32>
        tpu.vector_store %arg8[%swap3A_1061, %swap3A_1062, %swap3A_1063], %swap3A_1066 {add = true, strides = array<i32>} : memref<4x128x128xf32, #tpu.memory_space<vmem>>, vector<1x1x16xf32>,
        %swap3A_1067 = arith.constant 2 : i32
        %swap3A_1068 = arith.index_cast %swap3A_1067 : i32 to index
        %swap3A_1069 = arith.index_cast %add3A_1059 : i32 to index
        %swap3A_1070 = arith.constant 16 : index
        %swap3A_1071 = tpu.vector_load %arg8[%swap3A_1068, %swap3A_1069, %swap3A_1070] {strides = array<i32>} : memref<4x128x128xf32, #tpu.memory_space<vmem>>, vector<1x1x16xf32>,
        %swap3A_1072 = vector.shape_cast %swap3A_1071 : vector<1x1x16xf32> to vector<16xf32>
        %swap3A_1073 = vector.shape_cast %get3A_781 : vector<16xf32> to vector<1x1x16xf32>
        tpu.vector_store %arg8[%swap3A_1068, %swap3A_1069, %swap3A_1070], %swap3A_1073 {add = true, strides = array<i32>} : memref<4x128x128xf32, #tpu.memory_space<vmem>>, vector<1x1x16xf32>,
        %swap3A_1074 = arith.constant 2 : i32
        %swap3A_1075 = arith.index_cast %swap3A_1074 : i32 to index
        %swap3A_1076 = arith.index_cast %add3A_1059 : i32 to index
        %swap3A_1077 = arith.constant 32 : index
        %swap3A_1078 = tpu.vector_load %arg8[%swap3A_1075, %swap3A_1076, %swap3A_1077] {strides = array<i32>} : memref<4x128x128xf32, #tpu.memory_space<vmem>>, vector<1x1x16xf32>,
        %swap3A_1079 = vector.shape_cast %swap3A_1078 : vector<1x1x16xf32> to vector<16xf32>
        %swap3A_1080 = vector.shape_cast %get3A_785 : vector<16xf32> to vector<1x1x16xf32>
        tpu.vector_store %arg8[%swap3A_1075, %swap3A_1076, %swap3A_1077], %swap3A_1080 {add = true, strides = array<i32>} : memref<4x128x128xf32, #tpu.memory_space<vmem>>, vector<1x1x16xf32>,
        %swap3A_1081 = arith.constant 2 : i32
        %swap3A_1082 = arith.index_cast %swap3A_1081 : i32 to index
        %swap3A_1083 = arith.index_cast %add3A_1059 : i32 to index
        %swap3A_1084 = arith.constant 48 : index
        %swap3A_1085 = tpu.vector_load %arg8[%swap3A_1082, %swap3A_1083, %swap3A_1084] {strides = array<i32>} : memref<4x128x128xf32, #tpu.memory_space<vmem>>, vector<1x1x16xf32>,
        %swap3A_1086 = vector.shape_cast %swap3A_1085 : vector<1x1x16xf32> to vector<16xf32>
        %swap3A_1087 = vector.shape_cast %get3A_789 : vector<16xf32> to vector<1x1x16xf32>
        tpu.vector_store %arg8[%swap3A_1082, %swap3A_1083, %swap3A_1084], %swap3A_1087 {add = true, strides = array<i32>} : memref<4x128x128xf32, #tpu.memory_space<vmem>>, vector<1x1x16xf32>,
        %swap3A_1088 = arith.constant 2 : i32
        %swap3A_1089 = arith.index_cast %swap3A_1088 : i32 to index
        %swap3A_1090 = arith.index_cast %add3A_1059 : i32 to index
        %swap3A_1091 = arith.constant 64 : index
        %swap3A_1092 = tpu.vector_load %arg8[%swap3A_1089, %swap3A_1090, %swap3A_1091] {strides = array<i32>} : memref<4x128x128xf32, #tpu.memory_space<vmem>>, vector<1x1x16xf32>,
        %swap3A_1093 = vector.shape_cast %swap3A_1092 : vector<1x1x16xf32> to vector<16xf32>
        %swap3A_1094 = vector.shape_cast %get3A_793 : vector<16xf32> to vector<1x1x16xf32>
        tpu.vector_store %arg8[%swap3A_1089, %swap3A_1090, %swap3A_1091], %swap3A_1094 {add = true, strides = array<i32>} : memref<4x128x128xf32, #tpu.memory_space<vmem>>, vector<1x1x16xf32>,
        %swap3A_1095 = arith.constant 2 : i32
        %swap3A_1096 = arith.index_cast %swap3A_1095 : i32 to index
        %swap3A_1097 = arith.index_cast %add3A_1059 : i32 to index
        %swap3A_1098 = arith.constant 80 : index
        %swap3A_1099 = tpu.vector_load %arg8[%swap3A_1096, %swap3A_1097, %swap3A_1098] {strides = array<i32>} : memref<4x128x128xf32, #tpu.memory_space<vmem>>, vector<1x1x16xf32>,
        %swap3A_1100 = vector.shape_cast %swap3A_1099 : vector<1x1x16xf32> to vector<16xf32>
        %swap3A_1101 = vector.shape_cast %get3A_797 : vector<16xf32> to vector<1x1x16xf32>
        tpu.vector_store %arg8[%swap3A_1096, %swap3A_1097, %swap3A_1098], %swap3A_1101 {add = true, strides = array<i32>} : memref<4x128x128xf32, #tpu.memory_space<vmem>>, vector<1x1x16xf32>,
        %swap3A_1102 = arith.constant 2 : i32
        %swap3A_1103 = arith.index_cast %swap3A_1102 : i32 to index
        %swap3A_1104 = arith.index_cast %add3A_1059 : i32 to index
        %swap3A_1105 = arith.constant 96 : index
        %swap3A_1106 = tpu.vector_load %arg8[%swap3A_1103, %swap3A_1104, %swap3A_1105] {strides = array<i32>} : memref<4x128x128xf32, #tpu.memory_space<vmem>>, vector<1x1x16xf32>,
        %swap3A_1107 = vector.shape_cast %swap3A_1106 : vector<1x1x16xf32> to vector<16xf32>
        %swap3A_1108 = vector.shape_cast %get3A_801 : vector<16xf32> to vector<1x1x16xf32>
        tpu.vector_store %arg8[%swap3A_1103, %swap3A_1104, %swap3A_1105], %swap3A_1108 {add = true, strides = array<i32>} : memref<4x128x128xf32, #tpu.memory_space<vmem>>, vector<1x1x16xf32>,
        %swap3A_1109 = arith.constant 2 : i32
        %swap3A_1110 = arith.index_cast %swap3A_1109 : i32 to index
        %swap3A_1111 = arith.index_cast %add3A_1059 : i32 to index
        %swap3A_1112 = arith.constant 112 : index
        %swap3A_1113 = tpu.vector_load %arg8[%swap3A_1110, %swap3A_1111, %swap3A_1112] {strides = array<i32>} : memref<4x128x128xf32, #tpu.memory_space<vmem>>, vector<1x1x16xf32>,
        %swap3A_1114 = vector.shape_cast %swap3A_1113 : vector<1x1x16xf32> to vector<16xf32>
        %swap3A_1115 = vector.shape_cast %get3A_805 : vector<16xf32> to vector<1x1x16xf32>
        tpu.vector_store %arg8[%swap3A_1110, %swap3A_1111, %swap3A_1112], %swap3A_1115 {add = true, strides = array<i32>} : memref<4x128x128xf32, #tpu.memory_space<vmem>>, vector<1x1x16xf32>,
        %scan3A_1116 = arith.constant 1 : i32
        %scan3A_1117 = arith.addi %scan3A_1055, %scan3A_1116 : i32
        %mul3A_1118 = arith.constant 1 : i32
        %mul3A_1119 = arith.muli %scan3A_1117, %mul3A_1118 : i32
        %add3A_1120 = arith.constant 0 : i32
        %add3A_1121 = arith.addi %add3A_1120, %mul3A_1119 : i32
        %swap3A_1122 = arith.constant 2 : i32
        %swap3A_1123 = arith.index_cast %swap3A_1122 : i32 to index
        %swap3A_1124 = arith.index_cast %add3A_1121 : i32 to index
        %swap3A_1125 = arith.constant 0 : index
        %swap3A_1126 = tpu.vector_load %arg8[%swap3A_1123, %swap3A_1124, %swap3A_1125] {strides = array<i32>} : memref<4x128x128xf32, #tpu.memory_space<vmem>>, vector<1x1x16xf32>,
        %swap3A_1127 = vector.shape_cast %swap3A_1126 : vector<1x1x16xf32> to vector<16xf32>
        %swap3A_1128 = vector.shape_cast %get3A_777 : vector<16xf32> to vector<1x1x16xf32>
        tpu.vector_store %arg8[%swap3A_1123, %swap3A_1124, %swap3A_1125], %swap3A_1128 {add = true, strides = array<i32>} : memref<4x128x128xf32, #tpu.memory_space<vmem>>, vector<1x1x16xf32>,
        %swap3A_1129 = arith.constant 2 : i32
        %swap3A_1130 = arith.index_cast %swap3A_1129 : i32 to index
        %swap3A_1131 = arith.index_cast %add3A_1121 : i32 to index
        %swap3A_1132 = arith.constant 16 : index
        %swap3A_1133 = tpu.vector_load %arg8[%swap3A_1130, %swap3A_1131, %swap3A_1132] {strides = array<i32>} : memref<4x128x128xf32, #tpu.memory_space<vmem>>, vector<1x1x16xf32>,
        %swap3A_1134 = vector.shape_cast %swap3A_1133 : vector<1x1x16xf32> to vector<16xf32>
        %swap3A_1135 = vector.shape_cast %get3A_781 : vector<16xf32> to vector<1x1x16xf32>
        tpu.vector_store %arg8[%swap3A_1130, %swap3A_1131, %swap3A_1132], %swap3A_1135 {add = true, strides = array<i32>} : memref<4x128x128xf32, #tpu.memory_space<vmem>>, vector<1x1x16xf32>,
        %swap3A_1136 = arith.constant 2 : i32
        %swap3A_1137 = arith.index_cast %swap3A_1136 : i32 to index
        %swap3A_1138 = arith.index_cast %add3A_1121 : i32 to index
        %swap3A_1139 = arith.constant 32 : index
        %swap3A_1140 = tpu.vector_load %arg8[%swap3A_1137, %swap3A_1138, %swap3A_1139] {strides = array<i32>} : memref<4x128x128xf32, #tpu.memory_space<vmem>>, vector<1x1x16xf32>,
        %swap3A_1141 = vector.shape_cast %swap3A_1140 : vector<1x1x16xf32> to vector<16xf32>
        %swap3A_1142 = vector.shape_cast %get3A_785 : vector<16xf32> to vector<1x1x16xf32>
        tpu.vector_store %arg8[%swap3A_1137, %swap3A_1138, %swap3A_1139], %swap3A_1142 {add = true, strides = array<i32>} : memref<4x128x128xf32, #tpu.memory_space<vmem>>, vector<1x1x16xf32>,
        %swap3A_1143 = arith.constant 2 : i32
        %swap3A_1144 = arith.index_cast %swap3A_1143 : i32 to index
        %swap3A_1145 = arith.index_cast %add3A_1121 : i32 to index
        %swap3A_1146 = arith.constant 48 : index
        %swap3A_1147 = tpu.vector_load %arg8[%swap3A_1144, %swap3A_1145, %swap3A_1146] {strides = array<i32>} : memref<4x128x128xf32, #tpu.memory_space<vmem>>, vector<1x1x16xf32>,
        %swap3A_1148 = vector.shape_cast %swap3A_1147 : vector<1x1x16xf32> to vector<16xf32>
        %swap3A_1149 = vector.shape_cast %get3A_789 : vector<16xf32> to vector<1x1x16xf32>
        tpu.vector_store %arg8[%swap3A_1144, %swap3A_1145, %swap3A_1146], %swap3A_1149 {add = true, strides = array<i32>} : memref<4x128x128xf32, #tpu.memory_space<vmem>>, vector<1x1x16xf32>,
        %swap3A_1150 = arith.constant 2 : i32
        %swap3A_1151 = arith.index_cast %swap3A_1150 : i32 to index
        %swap3A_1152 = arith.index_cast %add3A_1121 : i32 to index
        %swap3A_1153 = arith.constant 64 : index
        %swap3A_1154 = tpu.vector_load %arg8[%swap3A_1151, %swap3A_1152, %swap3A_1153] {strides = array<i32>} : memref<4x128x128xf32, #tpu.memory_space<vmem>>, vector<1x1x16xf32>,
        %swap3A_1155 = vector.shape_cast %swap3A_1154 : vector<1x1x16xf32> to vector<16xf32>
        %swap3A_1156 = vector.shape_cast %get3A_793 : vector<16xf32> to vector<1x1x16xf32>
        tpu.vector_store %arg8[%swap3A_1151, %swap3A_1152, %swap3A_1153], %swap3A_1156 {add = true, strides = array<i32>} : memref<4x128x128xf32, #tpu.memory_space<vmem>>, vector<1x1x16xf32>,
        %swap3A_1157 = arith.constant 2 : i32
        %swap3A_1158 = arith.index_cast %swap3A_1157 : i32 to index
        %swap3A_1159 = arith.index_cast %add3A_1121 : i32 to index
        %swap3A_1160 = arith.constant 80 : index
        %swap3A_1161 = tpu.vector_load %arg8[%swap3A_1158, %swap3A_1159, %swap3A_1160] {strides = array<i32>} : memref<4x128x128xf32, #tpu.memory_space<vmem>>, vector<1x1x16xf32>,
        %swap3A_1162 = vector.shape_cast %swap3A_1161 : vector<1x1x16xf32> to vector<16xf32>
        %swap3A_1163 = vector.shape_cast %get3A_797 : vector<16xf32> to vector<1x1x16xf32>
        tpu.vector_store %arg8[%swap3A_1158, %swap3A_1159, %swap3A_1160], %swap3A_1163 {add = true, strides = array<i32>} : memref<4x128x128xf32, #tpu.memory_space<vmem>>, vector<1x1x16xf32>,
        %swap3A_1164 = arith.constant 2 : i32
        %swap3A_1165 = arith.index_cast %swap3A_1164 : i32 to index
        %swap3A_1166 = arith.index_cast %add3A_1121 : i32 to index
        %swap3A_1167 = arith.constant 96 : index
        %swap3A_1168 = tpu.vector_load %arg8[%swap3A_1165, %swap3A_1166, %swap3A_1167] {strides = array<i32>} : memref<4x128x128xf32, #tpu.memory_space<vmem>>, vector<1x1x16xf32>,
        %swap3A_1169 = vector.shape_cast %swap3A_1168 : vector<1x1x16xf32> to vector<16xf32>
        %swap3A_1170 = vector.shape_cast %get3A_801 : vector<16xf32> to vector<1x1x16xf32>
        tpu.vector_store %arg8[%swap3A_1165, %swap3A_1166, %swap3A_1167], %swap3A_1170 {add = true, strides = array<i32>} : memref<4x128x128xf32, #tpu.memory_space<vmem>>, vector<1x1x16xf32>,
        %swap3A_1171 = arith.constant 2 : i32
        %swap3A_1172 = arith.index_cast %swap3A_1171 : i32 to index
        %swap3A_1173 = arith.index_cast %add3A_1121 : i32 to index
        %swap3A_1174 = arith.constant 112 : index
        %swap3A_1175 = tpu.vector_load %arg8[%swap3A_1172, %swap3A_1173, %swap3A_1174] {strides = array<i32>} : memref<4x128x128xf32, #tpu.memory_space<vmem>>, vector<1x1x16xf32>,
        %swap3A_1176 = vector.shape_cast %swap3A_1175 : vector<1x1x16xf32> to vector<16xf32>
        %swap3A_1177 = vector.shape_cast %get3A_805 : vector<16xf32> to vector<1x1x16xf32>
        tpu.vector_store %arg8[%swap3A_1172, %swap3A_1173, %swap3A_1174], %swap3A_1177 {add = true, strides = array<i32>} : memref<4x128x128xf32, #tpu.memory_space<vmem>>, vector<1x1x16xf32>,
        %scan3A_1178 = arith.constant 2 : i32
        %scan3A_1179 = arith.addi %scan3A_1055, %scan3A_1178 : i32
        %mul3A_1180 = arith.constant 1 : i32
        %mul3A_1181 = arith.muli %scan3A_1179, %mul3A_1180 : i32
        %add3A_1182 = arith.constant 0 : i32
        %add3A_1183 = arith.addi %add3A_1182, %mul3A_1181 : i32
        %swap3A_1184 = arith.constant 2 : i32
        %swap3A_1185 = arith.index_cast %swap3A_1184 : i32 to index
        %swap3A_1186 = arith.index_cast %add3A_1183 : i32 to index
        %swap3A_1187 = arith.constant 0 : index
        %swap3A_1188 = tpu.vector_load %arg8[%swap3A_1185, %swap3A_1186, %swap3A_1187] {strides = array<i32>} : memref<4x128x128xf32, #tpu.memory_space<vmem>>, vector<1x1x16xf32>,
        %swap3A_1189 = vector.shape_cast %swap3A_1188 : vector<1x1x16xf32> to vector<16xf32>
        %swap3A_1190 = vector.shape_cast %get3A_777 : vector<16xf32> to vector<1x1x16xf32>
        tpu.vector_store %arg8[%swap3A_1185, %swap3A_1186, %swap3A_1187], %swap3A_1190 {add = true, strides = array<i32>} : memref<4x128x128xf32, #tpu.memory_space<vmem>>, vector<1x1x16xf32>,
        %swap3A_1191 = arith.constant 2 : i32
        %swap3A_1192 = arith.index_cast %swap3A_1191 : i32 to index
        %swap3A_1193 = arith.index_cast %add3A_1183 : i32 to index
        %swap3A_1194 = arith.constant 16 : index
        %swap3A_1195 = tpu.vector_load %arg8[%swap3A_1192, %swap3A_1193, %swap3A_1194] {strides = array<i32>} : memref<4x128x128xf32, #tpu.memory_space<vmem>>, vector<1x1x16xf32>,
        %swap3A_1196 = vector.shape_cast %swap3A_1195 : vector<1x1x16xf32> to vector<16xf32>
        %swap3A_1197 = vector.shape_cast %get3A_781 : vector<16xf32> to vector<1x1x16xf32>
        tpu.vector_store %arg8[%swap3A_1192, %swap3A_1193, %swap3A_1194], %swap3A_1197 {add = true, strides = array<i32>} : memref<4x128x128xf32, #tpu.memory_space<vmem>>, vector<1x1x16xf32>,
        %swap3A_1198 = arith.constant 2 : i32
        %swap3A_1199 = arith.index_cast %swap3A_1198 : i32 to index
        %swap3A_1200 = arith.index_cast %add3A_1183 : i32 to index
        %swap3A_1201 = arith.constant 32 : index
        %swap3A_1202 = tpu.vector_load %arg8[%swap3A_1199, %swap3A_1200, %swap3A_1201] {strides = array<i32>} : memref<4x128x128xf32, #tpu.memory_space<vmem>>, vector<1x1x16xf32>,
        %swap3A_1203 = vector.shape_cast %swap3A_1202 : vector<1x1x16xf32> to vector<16xf32>
        %swap3A_1204 = vector.shape_cast %get3A_785 : vector<16xf32> to vector<1x1x16xf32>
        tpu.vector_store %arg8[%swap3A_1199, %swap3A_1200, %swap3A_1201], %swap3A_1204 {add = true, strides = array<i32>} : memref<4x128x128xf32, #tpu.memory_space<vmem>>, vector<1x1x16xf32>,
        %swap3A_1205 = arith.constant 2 : i32
        %swap3A_1206 = arith.index_cast %swap3A_1205 : i32 to index
        %swap3A_1207 = arith.index_cast %add3A_1183 : i32 to index
        %swap3A_1208 = arith.constant 48 : index
        %swap3A_1209 = tpu.vector_load %arg8[%swap3A_1206, %swap3A_1207, %swap3A_1208] {strides = array<i32>} : memref<4x128x128xf32, #tpu.memory_space<vmem>>, vector<1x1x16xf32>,
        %swap3A_1210 = vector.shape_cast %swap3A_1209 : vector<1x1x16xf32> to vector<16xf32>
        %swap3A_1211 = vector.shape_cast %get3A_789 : vector<16xf32> to vector<1x1x16xf32>
        tpu.vector_store %arg8[%swap3A_1206, %swap3A_1207, %swap3A_1208], %swap3A_1211 {add = true, strides = array<i32>} : memref<4x128x128xf32, #tpu.memory_space<vmem>>, vector<1x1x16xf32>,
        %swap3A_1212 = arith.constant 2 : i32
        %swap3A_1213 = arith.index_cast %swap3A_1212 : i32 to index
        %swap3A_1214 = arith.index_cast %add3A_1183 : i32 to index
        %swap3A_1215 = arith.constant 64 : index
        %swap3A_1216 = tpu.vector_load %arg8[%swap3A_1213, %swap3A_1214, %swap3A_1215] {strides = array<i32>} : memref<4x128x128xf32, #tpu.memory_space<vmem>>, vector<1x1x16xf32>,
        %swap3A_1217 = vector.shape_cast %swap3A_1216 : vector<1x1x16xf32> to vector<16xf32>
        %swap3A_1218 = vector.shape_cast %get3A_793 : vector<16xf32> to vector<1x1x16xf32>
        tpu.vector_store %arg8[%swap3A_1213, %swap3A_1214, %swap3A_1215], %swap3A_1218 {add = true, strides = array<i32>} : memref<4x128x128xf32, #tpu.memory_space<vmem>>, vector<1x1x16xf32>,
        %swap3A_1219 = arith.constant 2 : i32
        %swap3A_1220 = arith.index_cast %swap3A_1219 : i32 to index
        %swap3A_1221 = arith.index_cast %add3A_1183 : i32 to index
        %swap3A_1222 = arith.constant 80 : index
        %swap3A_1223 = tpu.vector_load %arg8[%swap3A_1220, %swap3A_1221, %swap3A_1222] {strides = array<i32>} : memref<4x128x128xf32, #tpu.memory_space<vmem>>, vector<1x1x16xf32>,
        %swap3A_1224 = vector.shape_cast %swap3A_1223 : vector<1x1x16xf32> to vector<16xf32>
        %swap3A_1225 = vector.shape_cast %get3A_797 : vector<16xf32> to vector<1x1x16xf32>
        tpu.vector_store %arg8[%swap3A_1220, %swap3A_1221, %swap3A_1222], %swap3A_1225 {add = true, strides = array<i32>} : memref<4x128x128xf32, #tpu.memory_space<vmem>>, vector<1x1x16xf32>,
        %swap3A_1226 = arith.constant 2 : i32
        %swap3A_1227 = arith.index_cast %swap3A_1226 : i32 to index
        %swap3A_1228 = arith.index_cast %add3A_1183 : i32 to index
        %swap3A_1229 = arith.constant 96 : index
        %swap3A_1230 = tpu.vector_load %arg8[%swap3A_1227, %swap3A_1228, %swap3A_1229] {strides = array<i32>} : memref<4x128x128xf32, #tpu.memory_space<vmem>>, vector<1x1x16xf32>,
        %swap3A_1231 = vector.shape_cast %swap3A_1230 : vector<1x1x16xf32> to vector<16xf32>
        %swap3A_1232 = vector.shape_cast %get3A_801 : vector<16xf32> to vector<1x1x16xf32>
        tpu.vector_store %arg8[%swap3A_1227, %swap3A_1228, %swap3A_1229], %swap3A_1232 {add = true, strides = array<i32>} : memref<4x128x128xf32, #tpu.memory_space<vmem>>, vector<1x1x16xf32>,
        %swap3A_1233 = arith.constant 2 : i32
        %swap3A_1234 = arith.index_cast %swap3A_1233 : i32 to index
        %swap3A_1235 = arith.index_cast %add3A_1183 : i32 to index
        %swap3A_1236 = arith.constant 112 : index
        %swap3A_1237 = tpu.vector_load %arg8[%swap3A_1234, %swap3A_1235, %swap3A_1236] {strides = array<i32>} : memref<4x128x128xf32, #tpu.memory_space<vmem>>, vector<1x1x16xf32>,
        %swap3A_1238 = vector.shape_cast %swap3A_1237 : vector<1x1x16xf32> to vector<16xf32>
        %swap3A_1239 = vector.shape_cast %get3A_805 : vector<16xf32> to vector<1x1x16xf32>
        tpu.vector_store %arg8[%swap3A_1234, %swap3A_1235, %swap3A_1236], %swap3A_1239 {add = true, strides = array<i32>} : memref<4x128x128xf32, #tpu.memory_space<vmem>>, vector<1x1x16xf32>,
        %scan3A_1240 = arith.constant 3 : i32
        %scan3A_1241 = arith.addi %scan3A_1055, %scan3A_1240 : i32
        %mul3A_1242 = arith.constant 1 : i32
        %mul3A_1243 = arith.muli %scan3A_1241, %mul3A_1242 : i32
        %add3A_1244 = arith.constant 0 : i32
        %add3A_1245 = arith.addi %add3A_1244, %mul3A_1243 : i32
        %swap3A_1246 = arith.constant 2 : i32
        %swap3A_1247 = arith.index_cast %swap3A_1246 : i32 to index
        %swap3A_1248 = arith.index_cast %add3A_1245 : i32 to index
        %swap3A_1249 = arith.constant 0 : index
        %swap3A_1250 = tpu.vector_load %arg8[%swap3A_1247, %swap3A_1248, %swap3A_1249] {strides = array<i32>} : memref<4x128x128xf32, #tpu.memory_space<vmem>>, vector<1x1x16xf32>,
        %swap3A_1251 = vector.shape_cast %swap3A_1250 : vector<1x1x16xf32> to vector<16xf32>
        %swap3A_1252 = vector.shape_cast %get3A_777 : vector<16xf32> to vector<1x1x16xf32>
        tpu.vector_store %arg8[%swap3A_1247, %swap3A_1248, %swap3A_1249], %swap3A_1252 {add = true, strides = array<i32>} : memref<4x128x128xf32, #tpu.memory_space<vmem>>, vector<1x1x16xf32>,
        %swap3A_1253 = arith.constant 2 : i32
        %swap3A_1254 = arith.index_cast %swap3A_1253 : i32 to index
        %swap3A_1255 = arith.index_cast %add3A_1245 : i32 to index
        %swap3A_1256 = arith.constant 16 : index
        %swap3A_1257 = tpu.vector_load %arg8[%swap3A_1254, %swap3A_1255, %swap3A_1256] {strides = array<i32>} : memref<4x128x128xf32, #tpu.memory_space<vmem>>, vector<1x1x16xf32>,
        %swap3A_1258 = vector.shape_cast %swap3A_1257 : vector<1x1x16xf32> to vector<16xf32>
        %swap3A_1259 = vector.shape_cast %get3A_781 : vector<16xf32> to vector<1x1x16xf32>
        tpu.vector_store %arg8[%swap3A_1254, %swap3A_1255, %swap3A_1256], %swap3A_1259 {add = true, strides = array<i32>} : memref<4x128x128xf32, #tpu.memory_space<vmem>>, vector<1x1x16xf32>,
        %swap3A_1260 = arith.constant 2 : i32
        %swap3A_1261 = arith.index_cast %swap3A_1260 : i32 to index
        %swap3A_1262 = arith.index_cast %add3A_1245 : i32 to index
        %swap3A_1263 = arith.constant 32 : index
        %swap3A_1264 = tpu.vector_load %arg8[%swap3A_1261, %swap3A_1262, %swap3A_1263] {strides = array<i32>} : memref<4x128x128xf32, #tpu.memory_space<vmem>>, vector<1x1x16xf32>,
        %swap3A_1265 = vector.shape_cast %swap3A_1264 : vector<1x1x16xf32> to vector<16xf32>
        %swap3A_1266 = vector.shape_cast %get3A_785 : vector<16xf32> to vector<1x1x16xf32>
        tpu.vector_store %arg8[%swap3A_1261, %swap3A_1262, %swap3A_1263], %swap3A_1266 {add = true, strides = array<i32>} : memref<4x128x128xf32, #tpu.memory_space<vmem>>, vector<1x1x16xf32>,
        %swap3A_1267 = arith.constant 2 : i32
        %swap3A_1268 = arith.index_cast %swap3A_1267 : i32 to index
        %swap3A_1269 = arith.index_cast %add3A_1245 : i32 to index
        %swap3A_1270 = arith.constant 48 : index
        %swap3A_1271 = tpu.vector_load %arg8[%swap3A_1268, %swap3A_1269, %swap3A_1270] {strides = array<i32>} : memref<4x128x128xf32, #tpu.memory_space<vmem>>, vector<1x1x16xf32>,
        %swap3A_1272 = vector.shape_cast %swap3A_1271 : vector<1x1x16xf32> to vector<16xf32>
        %swap3A_1273 = vector.shape_cast %get3A_789 : vector<16xf32> to vector<1x1x16xf32>
        tpu.vector_store %arg8[%swap3A_1268, %swap3A_1269, %swap3A_1270], %swap3A_1273 {add = true, strides = array<i32>} : memref<4x128x128xf32, #tpu.memory_space<vmem>>, vector<1x1x16xf32>,
        %swap3A_1274 = arith.constant 2 : i32
        %swap3A_1275 = arith.index_cast %swap3A_1274 : i32 to index
        %swap3A_1276 = arith.index_cast %add3A_1245 : i32 to index
        %swap3A_1277 = arith.constant 64 : index
        %swap3A_1278 = tpu.vector_load %arg8[%swap3A_1275, %swap3A_1276, %swap3A_1277] {strides = array<i32>} : memref<4x128x128xf32, #tpu.memory_space<vmem>>, vector<1x1x16xf32>,
        %swap3A_1279 = vector.shape_cast %swap3A_1278 : vector<1x1x16xf32> to vector<16xf32>
        %swap3A_1280 = vector.shape_cast %get3A_793 : vector<16xf32> to vector<1x1x16xf32>
        tpu.vector_store %arg8[%swap3A_1275, %swap3A_1276, %swap3A_1277], %swap3A_1280 {add = true, strides = array<i32>} : memref<4x128x128xf32, #tpu.memory_space<vmem>>, vector<1x1x16xf32>,
        %swap3A_1281 = arith.constant 2 : i32
        %swap3A_1282 = arith.index_cast %swap3A_1281 : i32 to index
        %swap3A_1283 = arith.index_cast %add3A_1245 : i32 to index
        %swap3A_1284 = arith.constant 80 : index
        %swap3A_1285 = tpu.vector_load %arg8[%swap3A_1282, %swap3A_1283, %swap3A_1284] {strides = array<i32>} : memref<4x128x128xf32, #tpu.memory_space<vmem>>, vector<1x1x16xf32>,
        %swap3A_1286 = vector.shape_cast %swap3A_1285 : vector<1x1x16xf32> to vector<16xf32>
        %swap3A_1287 = vector.shape_cast %get3A_797 : vector<16xf32> to vector<1x1x16xf32>
        tpu.vector_store %arg8[%swap3A_1282, %swap3A_1283, %swap3A_1284], %swap3A_1287 {add = true, strides = array<i32>} : memref<4x128x128xf32, #tpu.memory_space<vmem>>, vector<1x1x16xf32>,
        %swap3A_1288 = arith.constant 2 : i32
        %swap3A_1289 = arith.index_cast %swap3A_1288 : i32 to index
        %swap3A_1290 = arith.index_cast %add3A_1245 : i32 to index
        %swap3A_1291 = arith.constant 96 : index
        %swap3A_1292 = tpu.vector_load %arg8[%swap3A_1289, %swap3A_1290, %swap3A_1291] {strides = array<i32>} : memref<4x128x128xf32, #tpu.memory_space<vmem>>, vector<1x1x16xf32>,
        %swap3A_1293 = vector.shape_cast %swap3A_1292 : vector<1x1x16xf32> to vector<16xf32>
        %swap3A_1294 = vector.shape_cast %get3A_801 : vector<16xf32> to vector<1x1x16xf32>
        tpu.vector_store %arg8[%swap3A_1289, %swap3A_1290, %swap3A_1291], %swap3A_1294 {add = true, strides = array<i32>} : memref<4x128x128xf32, #tpu.memory_space<vmem>>, vector<1x1x16xf32>,
        %swap3A_1295 = arith.constant 2 : i32
        %swap3A_1296 = arith.index_cast %swap3A_1295 : i32 to index
        %swap3A_1297 = arith.index_cast %add3A_1245 : i32 to index
        %swap3A_1298 = arith.constant 112 : index
        %swap3A_1299 = tpu.vector_load %arg8[%swap3A_1296, %swap3A_1297, %swap3A_1298] {strides = array<i32>} : memref<4x128x128xf32, #tpu.memory_space<vmem>>, vector<1x1x16xf32>,
        %swap3A_1300 = vector.shape_cast %swap3A_1299 : vector<1x1x16xf32> to vector<16xf32>
        %swap3A_1301 = vector.shape_cast %get3A_805 : vector<16xf32> to vector<1x1x16xf32>
        tpu.vector_store %arg8[%swap3A_1296, %swap3A_1297, %swap3A_1298], %swap3A_1301 {add = true, strides = array<i32>} : memref<4x128x128xf32, #tpu.memory_space<vmem>>, vector<1x1x16xf32>,
      }
      %scan3A_810 = arith.constant 64 : i32
      %dma_start3A_811 = arith.constant 2 : i32
      %dma_start3A_812 = arith.constant 2 : i32
      %dma_start3A_813 = arith.constant 0 : i32
      %dma_start3A_814 = arith.constant 0 : i32
      %dma_start3A_815 = arith.constant 0 : i32
      %dma_start3A_816 = tpu.memref_slice %arg8[%dma_start3A_811, %dma_start3A_814, %dma_start3A_815] : memref<4x128x128xf32, #tpu.memory_space<vmem>> -> memref<1x64x128xf32, #tpu.memory_space<vmem>>
      %dma_start3A_817 = tpu.memref_squeeze %dma_start3A_816 : memref<1x64x128xf32, #tpu.memory_space<vmem>> -> memref<64x128xf32, #tpu.memory_space<vmem>>
      %dma_start3A_818 = arith.constant 0 : i32
      %dma_start3A_819 = tpu.memref_slice %arg9[%dma_start3A_812, %dma_start3A_813, %dma_start3A_818] : memref<4x2x64xi32, #tpu.memory_space<vmem>> -> memref<1x1x64xi32, #tpu.memory_space<vmem>>
      %dma_start3A_820 = tpu.memref_squeeze %dma_start3A_819 : memref<1x1x64xi32, #tpu.memory_space<vmem>> -> memref<64xi32, #tpu.memory_space<vmem>>
      %dma_start3A_821 = arith.constant 0 : i32
      %dma_start3A_822 = arith.constant 0 : i32
      %dma_start3A_823 = tpu.memref_slice %arg5[%dma_start3A_821, %dma_start3A_822] : memref<819200x128xf32, #tpu.memory_space<hbm>> -> memref<819200x128xf32, #tpu.memory_space<hbm>>
      tpu.enqueue_indirect_dma source(%dma_start3A_817 : memref<64x128xf32, #tpu.memory_space<vmem>>) target(%dma_start3A_823 : memref<819200x128xf32, #tpu.memory_space<hbm>>) offsets(%dma_start3A_820 : memref<64xi32, #tpu.memory_space<vmem>>) semaphore(%arg18 : memref<!tpu.dma_semaphore, #tpu.memory_space<semaphore_mem>>)
      %scan3A_824 = arith.constant 0 : i32
      %scan3A_825 = arith.constant 64 : i32
      %scan3A_826 = arith.addi %scan3A_824, %scan3A_825 : i32
      %scan3A_827 = arith.constant 4 : i32
      scf.for %scan3A_1055 = %scan3A_824 to %scan3A_826 step %scan3A_827  : i32 {
        %mul3A_1056 = arith.constant 1 : i32
        %mul3A_1057 = arith.muli %scan3A_1055, %mul3A_1056 : i32
        %add3A_1058 = arith.constant 64 : i32
        %add3A_1059 = arith.addi %add3A_1058, %mul3A_1057 : i32
        %swap3A_1060 = arith.constant 2 : i32
        %swap3A_1061 = arith.index_cast %swap3A_1060 : i32 to index
        %swap3A_1062 = arith.index_cast %add3A_1059 : i32 to index
        %swap3A_1063 = arith.constant 0 : index
        %swap3A_1064 = tpu.vector_load %arg8[%swap3A_1061, %swap3A_1062, %swap3A_1063] {strides = array<i32>} : memref<4x128x128xf32, #tpu.memory_space<vmem>>, vector<1x1x16xf32>,
        %swap3A_1065 = vector.shape_cast %swap3A_1064 : vector<1x1x16xf32> to vector<16xf32>
        %swap3A_1066 = vector.shape_cast %get3A_777 : vector<16xf32> to vector<1x1x16xf32>
        tpu.vector_store %arg8[%swap3A_1061, %swap3A_1062, %swap3A_1063], %swap3A_1066 {add = true, strides = array<i32>} : memref<4x128x128xf32, #tpu.memory_space<vmem>>, vector<1x1x16xf32>,
        %swap3A_1067 = arith.constant 2 : i32
        %swap3A_1068 = arith.index_cast %swap3A_1067 : i32 to index
        %swap3A_1069 = arith.index_cast %add3A_1059 : i32 to index
        %swap3A_1070 = arith.constant 16 : index
        %swap3A_1071 = tpu.vector_load %arg8[%swap3A_1068, %swap3A_1069, %swap3A_1070] {strides = array<i32>} : memref<4x128x128xf32, #tpu.memory_space<vmem>>, vector<1x1x16xf32>,
        %swap3A_1072 = vector.shape_cast %swap3A_1071 : vector<1x1x16xf32> to vector<16xf32>
        %swap3A_1073 = vector.shape_cast %get3A_781 : vector<16xf32> to vector<1x1x16xf32>
        tpu.vector_store %arg8[%swap3A_1068, %swap3A_1069, %swap3A_1070], %swap3A_1073 {add = true, strides = array<i32>} : memref<4x128x128xf32, #tpu.memory_space<vmem>>, vector<1x1x16xf32>,
        %swap3A_1074 = arith.constant 2 : i32
        %swap3A_1075 = arith.index_cast %swap3A_1074 : i32 to index
        %swap3A_1076 = arith.index_cast %add3A_1059 : i32 to index
        %swap3A_1077 = arith.constant 32 : index
        %swap3A_1078 = tpu.vector_load %arg8[%swap3A_1075, %swap3A_1076, %swap3A_1077] {strides = array<i32>} : memref<4x128x128xf32, #tpu.memory_space<vmem>>, vector<1x1x16xf32>,
        %swap3A_1079 = vector.shape_cast %swap3A_1078 : vector<1x1x16xf32> to vector<16xf32>
        %swap3A_1080 = vector.shape_cast %get3A_785 : vector<16xf32> to vector<1x1x16xf32>
        tpu.vector_store %arg8[%swap3A_1075, %swap3A_1076, %swap3A_1077], %swap3A_1080 {add = true, strides = array<i32>} : memref<4x128x128xf32, #tpu.memory_space<vmem>>, vector<1x1x16xf32>,
        %swap3A_1081 = arith.constant 2 : i32
        %swap3A_1082 = arith.index_cast %swap3A_1081 : i32 to index
        %swap3A_1083 = arith.index_cast %add3A_1059 : i32 to index
        %swap3A_1084 = arith.constant 48 : index
        %swap3A_1085 = tpu.vector_load %arg8[%swap3A_1082, %swap3A_1083, %swap3A_1084] {strides = array<i32>} : memref<4x128x128xf32, #tpu.memory_space<vmem>>, vector<1x1x16xf32>,
        %swap3A_1086 = vector.shape_cast %swap3A_1085 : vector<1x1x16xf32> to vector<16xf32>
        %swap3A_1087 = vector.shape_cast %get3A_789 : vector<16xf32> to vector<1x1x16xf32>
        tpu.vector_store %arg8[%swap3A_1082, %swap3A_1083, %swap3A_1084], %swap3A_1087 {add = true, strides = array<i32>} : memref<4x128x128xf32, #tpu.memory_space<vmem>>, vector<1x1x16xf32>,
        %swap3A_1088 = arith.constant 2 : i32
        %swap3A_1089 = arith.index_cast %swap3A_1088 : i32 to index
        %swap3A_1090 = arith.index_cast %add3A_1059 : i32 to index
        %swap3A_1091 = arith.constant 64 : index
        %swap3A_1092 = tpu.vector_load %arg8[%swap3A_1089, %swap3A_1090, %swap3A_1091] {strides = array<i32>} : memref<4x128x128xf32, #tpu.memory_space<vmem>>, vector<1x1x16xf32>,
        %swap3A_1093 = vector.shape_cast %swap3A_1092 : vector<1x1x16xf32> to vector<16xf32>
        %swap3A_1094 = vector.shape_cast %get3A_793 : vector<16xf32> to vector<1x1x16xf32>
        tpu.vector_store %arg8[%swap3A_1089, %swap3A_1090, %swap3A_1091], %swap3A_1094 {add = true, strides = array<i32>} : memref<4x128x128xf32, #tpu.memory_space<vmem>>, vector<1x1x16xf32>,
        %swap3A_1095 = arith.constant 2 : i32
        %swap3A_1096 = arith.index_cast %swap3A_1095 : i32 to index
        %swap3A_1097 = arith.index_cast %add3A_1059 : i32 to index
        %swap3A_1098 = arith.constant 80 : index
        %swap3A_1099 = tpu.vector_load %arg8[%swap3A_1096, %swap3A_1097, %swap3A_1098] {strides = array<i32>} : memref<4x128x128xf32, #tpu.memory_space<vmem>>, vector<1x1x16xf32>,
        %swap3A_1100 = vector.shape_cast %swap3A_1099 : vector<1x1x16xf32> to vector<16xf32>
        %swap3A_1101 = vector.shape_cast %get3A_797 : vector<16xf32> to vector<1x1x16xf32>
        tpu.vector_store %arg8[%swap3A_1096, %swap3A_1097, %swap3A_1098], %swap3A_1101 {add = true, strides = array<i32>} : memref<4x128x128xf32, #tpu.memory_space<vmem>>, vector<1x1x16xf32>,
        %swap3A_1102 = arith.constant 2 : i32
        %swap3A_1103 = arith.index_cast %swap3A_1102 : i32 to index
        %swap3A_1104 = arith.index_cast %add3A_1059 : i32 to index
        %swap3A_1105 = arith.constant 96 : index
        %swap3A_1106 = tpu.vector_load %arg8[%swap3A_1103, %swap3A_1104, %swap3A_1105] {strides = array<i32>} : memref<4x128x128xf32, #tpu.memory_space<vmem>>, vector<1x1x16xf32>,
        %swap3A_1107 = vector.shape_cast %swap3A_1106 : vector<1x1x16xf32> to vector<16xf32>
        %swap3A_1108 = vector.shape_cast %get3A_801 : vector<16xf32> to vector<1x1x16xf32>
        tpu.vector_store %arg8[%swap3A_1103, %swap3A_1104, %swap3A_1105], %swap3A_1108 {add = true, strides = array<i32>} : memref<4x128x128xf32, #tpu.memory_space<vmem>>, vector<1x1x16xf32>,
        %swap3A_1109 = arith.constant 2 : i32
        %swap3A_1110 = arith.index_cast %swap3A_1109 : i32 to index
        %swap3A_1111 = arith.index_cast %add3A_1059 : i32 to index
        %swap3A_1112 = arith.constant 112 : index
        %swap3A_1113 = tpu.vector_load %arg8[%swap3A_1110, %swap3A_1111, %swap3A_1112] {strides = array<i32>} : memref<4x128x128xf32, #tpu.memory_space<vmem>>, vector<1x1x16xf32>,
        %swap3A_1114 = vector.shape_cast %swap3A_1113 : vector<1x1x16xf32> to vector<16xf32>
        %swap3A_1115 = vector.shape_cast %get3A_805 : vector<16xf32> to vector<1x1x16xf32>
        tpu.vector_store %arg8[%swap3A_1110, %swap3A_1111, %swap3A_1112], %swap3A_1115 {add = true, strides = array<i32>} : memref<4x128x128xf32, #tpu.memory_space<vmem>>, vector<1x1x16xf32>,
        %scan3A_1116 = arith.constant 1 : i32
        %scan3A_1117 = arith.addi %scan3A_1055, %scan3A_1116 : i32
        %mul3A_1118 = arith.constant 1 : i32
        %mul3A_1119 = arith.muli %scan3A_1117, %mul3A_1118 : i32
        %add3A_1120 = arith.constant 64 : i32
        %add3A_1121 = arith.addi %add3A_1120, %mul3A_1119 : i32
        %swap3A_1122 = arith.constant 2 : i32
        %swap3A_1123 = arith.index_cast %swap3A_1122 : i32 to index
        %swap3A_1124 = arith.index_cast %add3A_1121 : i32 to index
        %swap3A_1125 = arith.constant 0 : index
        %swap3A_1126 = tpu.vector_load %arg8[%swap3A_1123, %swap3A_1124, %swap3A_1125] {strides = array<i32>} : memref<4x128x128xf32, #tpu.memory_space<vmem>>, vector<1x1x16xf32>,
        %swap3A_1127 = vector.shape_cast %swap3A_1126 : vector<1x1x16xf32> to vector<16xf32>
        %swap3A_1128 = vector.shape_cast %get3A_777 : vector<16xf32> to vector<1x1x16xf32>
        tpu.vector_store %arg8[%swap3A_1123, %swap3A_1124, %swap3A_1125], %swap3A_1128 {add = true, strides = array<i32>} : memref<4x128x128xf32, #tpu.memory_space<vmem>>, vector<1x1x16xf32>,
        %swap3A_1129 = arith.constant 2 : i32
        %swap3A_1130 = arith.index_cast %swap3A_1129 : i32 to index
        %swap3A_1131 = arith.index_cast %add3A_1121 : i32 to index
        %swap3A_1132 = arith.constant 16 : index
        %swap3A_1133 = tpu.vector_load %arg8[%swap3A_1130, %swap3A_1131, %swap3A_1132] {strides = array<i32>} : memref<4x128x128xf32, #tpu.memory_space<vmem>>, vector<1x1x16xf32>,
        %swap3A_1134 = vector.shape_cast %swap3A_1133 : vector<1x1x16xf32> to vector<16xf32>
        %swap3A_1135 = vector.shape_cast %get3A_781 : vector<16xf32> to vector<1x1x16xf32>
        tpu.vector_store %arg8[%swap3A_1130, %swap3A_1131, %swap3A_1132], %swap3A_1135 {add = true, strides = array<i32>} : memref<4x128x128xf32, #tpu.memory_space<vmem>>, vector<1x1x16xf32>,
        %swap3A_1136 = arith.constant 2 : i32
        %swap3A_1137 = arith.index_cast %swap3A_1136 : i32 to index
        %swap3A_1138 = arith.index_cast %add3A_1121 : i32 to index
        %swap3A_1139 = arith.constant 32 : index
        %swap3A_1140 = tpu.vector_load %arg8[%swap3A_1137, %swap3A_1138, %swap3A_1139] {strides = array<i32>} : memref<4x128x128xf32, #tpu.memory_space<vmem>>, vector<1x1x16xf32>,
        %swap3A_1141 = vector.shape_cast %swap3A_1140 : vector<1x1x16xf32> to vector<16xf32>
        %swap3A_1142 = vector.shape_cast %get3A_785 : vector<16xf32> to vector<1x1x16xf32>
        tpu.vector_store %arg8[%swap3A_1137, %swap3A_1138, %swap3A_1139], %swap3A_1142 {add = true, strides = array<i32>} : memref<4x128x128xf32, #tpu.memory_space<vmem>>, vector<1x1x16xf32>,
        %swap3A_1143 = arith.constant 2 : i32
        %swap3A_1144 = arith.index_cast %swap3A_1143 : i32 to index
        %swap3A_1145 = arith.index_cast %add3A_1121 : i32 to index
        %swap3A_1146 = arith.constant 48 : index
        %swap3A_1147 = tpu.vector_load %arg8[%swap3A_1144, %swap3A_1145, %swap3A_1146] {strides = array<i32>} : memref<4x128x128xf32, #tpu.memory_space<vmem>>, vector<1x1x16xf32>,
        %swap3A_1148 = vector.shape_cast %swap3A_1147 : vector<1x1x16xf32> to vector<16xf32>
        %swap3A_1149 = vector.shape_cast %get3A_789 : vector<16xf32> to vector<1x1x16xf32>
        tpu.vector_store %arg8[%swap3A_1144, %swap3A_1145, %swap3A_1146], %swap3A_1149 {add = true, strides = array<i32>} : memref<4x128x128xf32, #tpu.memory_space<vmem>>, vector<1x1x16xf32>,
        %swap3A_1150 = arith.constant 2 : i32
        %swap3A_1151 = arith.index_cast %swap3A_1150 : i32 to index
        %swap3A_1152 = arith.index_cast %add3A_1121 : i32 to index
        %swap3A_1153 = arith.constant 64 : index
        %swap3A_1154 = tpu.vector_load %arg8[%swap3A_1151, %swap3A_1152, %swap3A_1153] {strides = array<i32>} : memref<4x128x128xf32, #tpu.memory_space<vmem>>, vector<1x1x16xf32>,
        %swap3A_1155 = vector.shape_cast %swap3A_1154 : vector<1x1x16xf32> to vector<16xf32>
        %swap3A_1156 = vector.shape_cast %get3A_793 : vector<16xf32> to vector<1x1x16xf32>
        tpu.vector_store %arg8[%swap3A_1151, %swap3A_1152, %swap3A_1153], %swap3A_1156 {add = true, strides = array<i32>} : memref<4x128x128xf32, #tpu.memory_space<vmem>>, vector<1x1x16xf32>,
        %swap3A_1157 = arith.constant 2 : i32
        %swap3A_1158 = arith.index_cast %swap3A_1157 : i32 to index
        %swap3A_1159 = arith.index_cast %add3A_1121 : i32 to index
        %swap3A_1160 = arith.constant 80 : index
        %swap3A_1161 = tpu.vector_load %arg8[%swap3A_1158, %swap3A_1159, %swap3A_1160] {strides = array<i32>} : memref<4x128x128xf32, #tpu.memory_space<vmem>>, vector<1x1x16xf32>,
        %swap3A_1162 = vector.shape_cast %swap3A_1161 : vector<1x1x16xf32> to vector<16xf32>
        %swap3A_1163 = vector.shape_cast %get3A_797 : vector<16xf32> to vector<1x1x16xf32>
        tpu.vector_store %arg8[%swap3A_1158, %swap3A_1159, %swap3A_1160], %swap3A_1163 {add = true, strides = array<i32>} : memref<4x128x128xf32, #tpu.memory_space<vmem>>, vector<1x1x16xf32>,
        %swap3A_1164 = arith.constant 2 : i32
        %swap3A_1165 = arith.index_cast %swap3A_1164 : i32 to index
        %swap3A_1166 = arith.index_cast %add3A_1121 : i32 to index
        %swap3A_1167 = arith.constant 96 : index
        %swap3A_1168 = tpu.vector_load %arg8[%swap3A_1165, %swap3A_1166, %swap3A_1167] {strides = array<i32>} : memref<4x128x128xf32, #tpu.memory_space<vmem>>, vector<1x1x16xf32>,
        %swap3A_1169 = vector.shape_cast %swap3A_1168 : vector<1x1x16xf32> to vector<16xf32>
        %swap3A_1170 = vector.shape_cast %get3A_801 : vector<16xf32> to vector<1x1x16xf32>
        tpu.vector_store %arg8[%swap3A_1165, %swap3A_1166, %swap3A_1167], %swap3A_1170 {add = true, strides = array<i32>} : memref<4x128x128xf32, #tpu.memory_space<vmem>>, vector<1x1x16xf32>,
        %swap3A_1171 = arith.constant 2 : i32
        %swap3A_1172 = arith.index_cast %swap3A_1171 : i32 to index
        %swap3A_1173 = arith.index_cast %add3A_1121 : i32 to index
        %swap3A_1174 = arith.constant 112 : index
        %swap3A_1175 = tpu.vector_load %arg8[%swap3A_1172, %swap3A_1173, %swap3A_1174] {strides = array<i32>} : memref<4x128x128xf32, #tpu.memory_space<vmem>>, vector<1x1x16xf32>,
        %swap3A_1176 = vector.shape_cast %swap3A_1175 : vector<1x1x16xf32> to vector<16xf32>
        %swap3A_1177 = vector.shape_cast %get3A_805 : vector<16xf32> to vector<1x1x16xf32>
        tpu.vector_store %arg8[%swap3A_1172, %swap3A_1173, %swap3A_1174], %swap3A_1177 {add = true, strides = array<i32>} : memref<4x128x128xf32, #tpu.memory_space<vmem>>, vector<1x1x16xf32>,
        %scan3A_1178 = arith.constant 2 : i32
        %scan3A_1179 = arith.addi %scan3A_1055, %scan3A_1178 : i32
        %mul3A_1180 = arith.constant 1 : i32
        %mul3A_1181 = arith.muli %scan3A_1179, %mul3A_1180 : i32
        %add3A_1182 = arith.constant 64 : i32
        %add3A_1183 = arith.addi %add3A_1182, %mul3A_1181 : i32
        %swap3A_1184 = arith.constant 2 : i32
        %swap3A_1185 = arith.index_cast %swap3A_1184 : i32 to index
        %swap3A_1186 = arith.index_cast %add3A_1183 : i32 to index
        %swap3A_1187 = arith.constant 0 : index
        %swap3A_1188 = tpu.vector_load %arg8[%swap3A_1185, %swap3A_1186, %swap3A_1187] {strides = array<i32>} : memref<4x128x128xf32, #tpu.memory_space<vmem>>, vector<1x1x16xf32>,
        %swap3A_1189 = vector.shape_cast %swap3A_1188 : vector<1x1x16xf32> to vector<16xf32>
        %swap3A_1190 = vector.shape_cast %get3A_777 : vector<16xf32> to vector<1x1x16xf32>
        tpu.vector_store %arg8[%swap3A_1185, %swap3A_1186, %swap3A_1187], %swap3A_1190 {add = true, strides = array<i32>} : memref<4x128x128xf32, #tpu.memory_space<vmem>>, vector<1x1x16xf32>,
        %swap3A_1191 = arith.constant 2 : i32
        %swap3A_1192 = arith.index_cast %swap3A_1191 : i32 to index
        %swap3A_1193 = arith.index_cast %add3A_1183 : i32 to index
        %swap3A_1194 = arith.constant 16 : index
        %swap3A_1195 = tpu.vector_load %arg8[%swap3A_1192, %swap3A_1193, %swap3A_1194] {strides = array<i32>} : memref<4x128x128xf32, #tpu.memory_space<vmem>>, vector<1x1x16xf32>,
        %swap3A_1196 = vector.shape_cast %swap3A_1195 : vector<1x1x16xf32> to vector<16xf32>
        %swap3A_1197 = vector.shape_cast %get3A_781 : vector<16xf32> to vector<1x1x16xf32>
        tpu.vector_store %arg8[%swap3A_1192, %swap3A_1193, %swap3A_1194], %swap3A_1197 {add = true, strides = array<i32>} : memref<4x128x128xf32, #tpu.memory_space<vmem>>, vector<1x1x16xf32>,
        %swap3A_1198 = arith.constant 2 : i32
        %swap3A_1199 = arith.index_cast %swap3A_1198 : i32 to index
        %swap3A_1200 = arith.index_cast %add3A_1183 : i32 to index
        %swap3A_1201 = arith.constant 32 : index
        %swap3A_1202 = tpu.vector_load %arg8[%swap3A_1199, %swap3A_1200, %swap3A_1201] {strides = array<i32>} : memref<4x128x128xf32, #tpu.memory_space<vmem>>, vector<1x1x16xf32>,
        %swap3A_1203 = vector.shape_cast %swap3A_1202 : vector<1x1x16xf32> to vector<16xf32>
        %swap3A_1204 = vector.shape_cast %get3A_785 : vector<16xf32> to vector<1x1x16xf32>
        tpu.vector_store %arg8[%swap3A_1199, %swap3A_1200, %swap3A_1201], %swap3A_1204 {add = true, strides = array<i32>} : memref<4x128x128xf32, #tpu.memory_space<vmem>>, vector<1x1x16xf32>,
        %swap3A_1205 = arith.constant 2 : i32
        %swap3A_1206 = arith.index_cast %swap3A_1205 : i32 to index
        %swap3A_1207 = arith.index_cast %add3A_1183 : i32 to index
        %swap3A_1208 = arith.constant 48 : index
        %swap3A_1209 = tpu.vector_load %arg8[%swap3A_1206, %swap3A_1207, %swap3A_1208] {strides = array<i32>} : memref<4x128x128xf32, #tpu.memory_space<vmem>>, vector<1x1x16xf32>,
        %swap3A_1210 = vector.shape_cast %swap3A_1209 : vector<1x1x16xf32> to vector<16xf32>
        %swap3A_1211 = vector.shape_cast %get3A_789 : vector<16xf32> to vector<1x1x16xf32>
        tpu.vector_store %arg8[%swap3A_1206, %swap3A_1207, %swap3A_1208], %swap3A_1211 {add = true, strides = array<i32>} : memref<4x128x128xf32, #tpu.memory_space<vmem>>, vector<1x1x16xf32>,
        %swap3A_1212 = arith.constant 2 : i32
        %swap3A_1213 = arith.index_cast %swap3A_1212 : i32 to index
        %swap3A_1214 = arith.index_cast %add3A_1183 : i32 to index
        %swap3A_1215 = arith.constant 64 : index
        %swap3A_1216 = tpu.vector_load %arg8[%swap3A_1213, %swap3A_1214, %swap3A_1215] {strides = array<i32>} : memref<4x128x128xf32, #tpu.memory_space<vmem>>, vector<1x1x16xf32>,
        %swap3A_1217 = vector.shape_cast %swap3A_1216 : vector<1x1x16xf32> to vector<16xf32>
        %swap3A_1218 = vector.shape_cast %get3A_793 : vector<16xf32> to vector<1x1x16xf32>
        tpu.vector_store %arg8[%swap3A_1213, %swap3A_1214, %swap3A_1215], %swap3A_1218 {add = true, strides = array<i32>} : memref<4x128x128xf32, #tpu.memory_space<vmem>>, vector<1x1x16xf32>,
        %swap3A_1219 = arith.constant 2 : i32
        %swap3A_1220 = arith.index_cast %swap3A_1219 : i32 to index
        %swap3A_1221 = arith.index_cast %add3A_1183 : i32 to index
        %swap3A_1222 = arith.constant 80 : index
        %swap3A_1223 = tpu.vector_load %arg8[%swap3A_1220, %swap3A_1221, %swap3A_1222] {strides = array<i32>} : memref<4x128x128xf32, #tpu.memory_space<vmem>>, vector<1x1x16xf32>,
        %swap3A_1224 = vector.shape_cast %swap3A_1223 : vector<1x1x16xf32> to vector<16xf32>
        %swap3A_1225 = vector.shape_cast %get3A_797 : vector<16xf32> to vector<1x1x16xf32>
        tpu.vector_store %arg8[%swap3A_1220, %swap3A_1221, %swap3A_1222], %swap3A_1225 {add = true, strides = array<i32>} : memref<4x128x128xf32, #tpu.memory_space<vmem>>, vector<1x1x16xf32>,
        %swap3A_1226 = arith.constant 2 : i32
        %swap3A_1227 = arith.index_cast %swap3A_1226 : i32 to index
        %swap3A_1228 = arith.index_cast %add3A_1183 : i32 to index
        %swap3A_1229 = arith.constant 96 : index
        %swap3A_1230 = tpu.vector_load %arg8[%swap3A_1227, %swap3A_1228, %swap3A_1229] {strides = array<i32>} : memref<4x128x128xf32, #tpu.memory_space<vmem>>, vector<1x1x16xf32>,
        %swap3A_1231 = vector.shape_cast %swap3A_1230 : vector<1x1x16xf32> to vector<16xf32>
        %swap3A_1232 = vector.shape_cast %get3A_801 : vector<16xf32> to vector<1x1x16xf32>
        tpu.vector_store %arg8[%swap3A_1227, %swap3A_1228, %swap3A_1229], %swap3A_1232 {add = true, strides = array<i32>} : memref<4x128x128xf32, #tpu.memory_space<vmem>>, vector<1x1x16xf32>,
        %swap3A_1233 = arith.constant 2 : i32
        %swap3A_1234 = arith.index_cast %swap3A_1233 : i32 to index
        %swap3A_1235 = arith.index_cast %add3A_1183 : i32 to index
        %swap3A_1236 = arith.constant 112 : index
        %swap3A_1237 = tpu.vector_load %arg8[%swap3A_1234, %swap3A_1235, %swap3A_1236] {strides = array<i32>} : memref<4x128x128xf32, #tpu.memory_space<vmem>>, vector<1x1x16xf32>,
        %swap3A_1238 = vector.shape_cast %swap3A_1237 : vector<1x1x16xf32> to vector<16xf32>
        %swap3A_1239 = vector.shape_cast %get3A_805 : vector<16xf32> to vector<1x1x16xf32>
        tpu.vector_store %arg8[%swap3A_1234, %swap3A_1235, %swap3A_1236], %swap3A_1239 {add = true, strides = array<i32>} : memref<4x128x128xf32, #tpu.memory_space<vmem>>, vector<1x1x16xf32>,
        %scan3A_1240 = arith.constant 3 : i32
        %scan3A_1241 = arith.addi %scan3A_1055, %scan3A_1240 : i32
        %mul3A_1242 = arith.constant 1 : i32
        %mul3A_1243 = arith.muli %scan3A_1241, %mul3A_1242 : i32
        %add3A_1244 = arith.constant 64 : i32
        %add3A_1245 = arith.addi %add3A_1244, %mul3A_1243 : i32
        %swap3A_1246 = arith.constant 2 : i32
        %swap3A_1247 = arith.index_cast %swap3A_1246 : i32 to index
        %swap3A_1248 = arith.index_cast %add3A_1245 : i32 to index
        %swap3A_1249 = arith.constant 0 : index
        %swap3A_1250 = tpu.vector_load %arg8[%swap3A_1247, %swap3A_1248, %swap3A_1249] {strides = array<i32>} : memref<4x128x128xf32, #tpu.memory_space<vmem>>, vector<1x1x16xf32>,
        %swap3A_1251 = vector.shape_cast %swap3A_1250 : vector<1x1x16xf32> to vector<16xf32>
        %swap3A_1252 = vector.shape_cast %get3A_777 : vector<16xf32> to vector<1x1x16xf32>
        tpu.vector_store %arg8[%swap3A_1247, %swap3A_1248, %swap3A_1249], %swap3A_1252 {add = true, strides = array<i32>} : memref<4x128x128xf32, #tpu.memory_space<vmem>>, vector<1x1x16xf32>,
        %swap3A_1253 = arith.constant 2 : i32
        %swap3A_1254 = arith.index_cast %swap3A_1253 : i32 to index
        %swap3A_1255 = arith.index_cast %add3A_1245 : i32 to index
        %swap3A_1256 = arith.constant 16 : index
        %swap3A_1257 = tpu.vector_load %arg8[%swap3A_1254, %swap3A_1255, %swap3A_1256] {strides = array<i32>} : memref<4x128x128xf32, #tpu.memory_space<vmem>>, vector<1x1x16xf32>,
        %swap3A_1258 = vector.shape_cast %swap3A_1257 : vector<1x1x16xf32> to vector<16xf32>
        %swap3A_1259 = vector.shape_cast %get3A_781 : vector<16xf32> to vector<1x1x16xf32>
        tpu.vector_store %arg8[%swap3A_1254, %swap3A_1255, %swap3A_1256], %swap3A_1259 {add = true, strides = array<i32>} : memref<4x128x128xf32, #tpu.memory_space<vmem>>, vector<1x1x16xf32>,
        %swap3A_1260 = arith.constant 2 : i32
        %swap3A_1261 = arith.index_cast %swap3A_1260 : i32 to index
        %swap3A_1262 = arith.index_cast %add3A_1245 : i32 to index
        %swap3A_1263 = arith.constant 32 : index
        %swap3A_1264 = tpu.vector_load %arg8[%swap3A_1261, %swap3A_1262, %swap3A_1263] {strides = array<i32>} : memref<4x128x128xf32, #tpu.memory_space<vmem>>, vector<1x1x16xf32>,
        %swap3A_1265 = vector.shape_cast %swap3A_1264 : vector<1x1x16xf32> to vector<16xf32>
        %swap3A_1266 = vector.shape_cast %get3A_785 : vector<16xf32> to vector<1x1x16xf32>
        tpu.vector_store %arg8[%swap3A_1261, %swap3A_1262, %swap3A_1263], %swap3A_1266 {add = true, strides = array<i32>} : memref<4x128x128xf32, #tpu.memory_space<vmem>>, vector<1x1x16xf32>,
        %swap3A_1267 = arith.constant 2 : i32
        %swap3A_1268 = arith.index_cast %swap3A_1267 : i32 to index
        %swap3A_1269 = arith.index_cast %add3A_1245 : i32 to index
        %swap3A_1270 = arith.constant 48 : index
        %swap3A_1271 = tpu.vector_load %arg8[%swap3A_1268, %swap3A_1269, %swap3A_1270] {strides = array<i32>} : memref<4x128x128xf32, #tpu.memory_space<vmem>>, vector<1x1x16xf32>,
        %swap3A_1272 = vector.shape_cast %swap3A_1271 : vector<1x1x16xf32> to vector<16xf32>
        %swap3A_1273 = vector.shape_cast %get3A_789 : vector<16xf32> to vector<1x1x16xf32>
        tpu.vector_store %arg8[%swap3A_1268, %swap3A_1269, %swap3A_1270], %swap3A_1273 {add = true, strides = array<i32>} : memref<4x128x128xf32, #tpu.memory_space<vmem>>, vector<1x1x16xf32>,
        %swap3A_1274 = arith.constant 2 : i32
        %swap3A_1275 = arith.index_cast %swap3A_1274 : i32 to index
        %swap3A_1276 = arith.index_cast %add3A_1245 : i32 to index
        %swap3A_1277 = arith.constant 64 : index
        %swap3A_1278 = tpu.vector_load %arg8[%swap3A_1275, %swap3A_1276, %swap3A_1277] {strides = array<i32>} : memref<4x128x128xf32, #tpu.memory_space<vmem>>, vector<1x1x16xf32>,
        %swap3A_1279 = vector.shape_cast %swap3A_1278 : vector<1x1x16xf32> to vector<16xf32>
        %swap3A_1280 = vector.shape_cast %get3A_793 : vector<16xf32> to vector<1x1x16xf32>
        tpu.vector_store %arg8[%swap3A_1275, %swap3A_1276, %swap3A_1277], %swap3A_1280 {add = true, strides = array<i32>} : memref<4x128x128xf32, #tpu.memory_space<vmem>>, vector<1x1x16xf32>,
        %swap3A_1281 = arith.constant 2 : i32
        %swap3A_1282 = arith.index_cast %swap3A_1281 : i32 to index
        %swap3A_1283 = arith.index_cast %add3A_1245 : i32 to index
        %swap3A_1284 = arith.constant 80 : index
        %swap3A_1285 = tpu.vector_load %arg8[%swap3A_1282, %swap3A_1283, %swap3A_1284] {strides = array<i32>} : memref<4x128x128xf32, #tpu.memory_space<vmem>>, vector<1x1x16xf32>,
        %swap3A_1286 = vector.shape_cast %swap3A_1285 : vector<1x1x16xf32> to vector<16xf32>
        %swap3A_1287 = vector.shape_cast %get3A_797 : vector<16xf32> to vector<1x1x16xf32>
        tpu.vector_store %arg8[%swap3A_1282, %swap3A_1283, %swap3A_1284], %swap3A_1287 {add = true, strides = array<i32>} : memref<4x128x128xf32, #tpu.memory_space<vmem>>, vector<1x1x16xf32>,
        %swap3A_1288 = arith.constant 2 : i32
        %swap3A_1289 = arith.index_cast %swap3A_1288 : i32 to index
        %swap3A_1290 = arith.index_cast %add3A_1245 : i32 to index
        %swap3A_1291 = arith.constant 96 : index
        %swap3A_1292 = tpu.vector_load %arg8[%swap3A_1289, %swap3A_1290, %swap3A_1291] {strides = array<i32>} : memref<4x128x128xf32, #tpu.memory_space<vmem>>, vector<1x1x16xf32>,
        %swap3A_1293 = vector.shape_cast %swap3A_1292 : vector<1x1x16xf32> to vector<16xf32>
        %swap3A_1294 = vector.shape_cast %get3A_801 : vector<16xf32> to vector<1x1x16xf32>
        tpu.vector_store %arg8[%swap3A_1289, %swap3A_1290, %swap3A_1291], %swap3A_1294 {add = true, strides = array<i32>} : memref<4x128x128xf32, #tpu.memory_space<vmem>>, vector<1x1x16xf32>,
        %swap3A_1295 = arith.constant 2 : i32
        %swap3A_1296 = arith.index_cast %swap3A_1295 : i32 to index
        %swap3A_1297 = arith.index_cast %add3A_1245 : i32 to index
        %swap3A_1298 = arith.constant 112 : index
        %swap3A_1299 = tpu.vector_load %arg8[%swap3A_1296, %swap3A_1297, %swap3A_1298] {strides = array<i32>} : memref<4x128x128xf32, #tpu.memory_space<vmem>>, vector<1x1x16xf32>,
        %swap3A_1300 = vector.shape_cast %swap3A_1299 : vector<1x1x16xf32> to vector<16xf32>
        %swap3A_1301 = vector.shape_cast %get3A_805 : vector<16xf32> to vector<1x1x16xf32>
        tpu.vector_store %arg8[%swap3A_1296, %swap3A_1297, %swap3A_1298], %swap3A_1301 {add = true, strides = array<i32>} : memref<4x128x128xf32, #tpu.memory_space<vmem>>, vector<1x1x16xf32>,
      }
      %scan3A_828 = arith.constant 64 : i32
      %dma_start3A_829 = arith.constant 2 : i32
      %dma_start3A_830 = arith.constant 2 : i32
      %dma_start3A_831 = arith.constant 1 : i32
      %dma_start3A_832 = arith.constant 64 : i32
      %dma_start3A_833 = arith.constant 0 : i32
      %dma_start3A_834 = tpu.memref_slice %arg8[%dma_start3A_829, %dma_start3A_832, %dma_start3A_833] : memref<4x128x128xf32, #tpu.memory_space<vmem>> -> memref<1x64x128xf32, #tpu.memory_space<vmem>>
      %dma_start3A_835 = tpu.memref_squeeze %dma_start3A_834 : memref<1x64x128xf32, #tpu.memory_space<vmem>> -> memref<64x128xf32, #tpu.memory_space<vmem>>
      %dma_start3A_836 = arith.constant 0 : i32
      %dma_start3A_837 = tpu.memref_slice %arg9[%dma_start3A_830, %dma_start3A_831, %dma_start3A_836] : memref<4x2x64xi32, #tpu.memory_space<vmem>> -> memref<1x1x64xi32, #tpu.memory_space<vmem>>
      %dma_start3A_838 = tpu.memref_squeeze %dma_start3A_837 : memref<1x1x64xi32, #tpu.memory_space<vmem>> -> memref<64xi32, #tpu.memory_space<vmem>>
      %dma_start3A_839 = arith.constant 0 : i32
      %dma_start3A_840 = arith.constant 0 : i32
      %dma_start3A_841 = tpu.memref_slice %arg5[%dma_start3A_839, %dma_start3A_840] : memref<819200x128xf32, #tpu.memory_space<hbm>> -> memref<819200x128xf32, #tpu.memory_space<hbm>>
      tpu.enqueue_indirect_dma source(%dma_start3A_835 : memref<64x128xf32, #tpu.memory_space<vmem>>) target(%dma_start3A_841 : memref<819200x128xf32, #tpu.memory_space<hbm>>) offsets(%dma_start3A_838 : memref<64xi32, #tpu.memory_space<vmem>>) semaphore(%arg18 : memref<!tpu.dma_semaphore, #tpu.memory_space<semaphore_mem>>)
      %add3A_842 = arith.constant 3 : i32
      %add3A_843 = arith.addi %add3A_205, %add3A_842 : i32
      %ge3A_844 = arith.constant 2 : i32
      %ge3A_845 = arith.cmpi sge, %add3A_843, %ge3A_844 : i32
      %convert_element_type3A_846 = arith.extui %ge3A_845 : i1 to i32
      %cond3A_847 = arith.constant 0 : i32
      %cond3A_848 = arith.cmpi ne, %convert_element_type3A_846, %cond3A_847 : i32
      scf.if %cond3A_848 {
        %dma_wait3A_1055 = arith.constant 1 : i32
        %dma_wait3A_1056 = arith.constant 1 : i32
        %dma_wait3A_1057 = arith.constant 0 : i32
        %dma_wait3A_1058 = arith.constant 0 : i32
        %dma_wait3A_1059 = arith.constant 0 : i32
        %dma_wait3A_1060 = tpu.memref_slice %arg8[%dma_wait3A_1055, %dma_wait3A_1058, %dma_wait3A_1059] : memref<4x128x128xf32, #tpu.memory_space<vmem>> -> memref<1x64x128xf32, #tpu.memory_space<vmem>>
        %dma_wait3A_1061 = tpu.memref_squeeze %dma_wait3A_1060 : memref<1x64x128xf32, #tpu.memory_space<vmem>> -> memref<64x128xf32, #tpu.memory_space<vmem>>
        %dma_wait3A_1062 = arith.constant 0 : i32
        %dma_wait3A_1063 = tpu.memref_slice %arg9[%dma_wait3A_1056, %dma_wait3A_1057, %dma_wait3A_1062] : memref<4x2x64xi32, #tpu.memory_space<vmem>> -> memref<1x1x64xi32, #tpu.memory_space<vmem>>
        %dma_wait3A_1064 = tpu.memref_squeeze %dma_wait3A_1063 : memref<1x1x64xi32, #tpu.memory_space<vmem>> -> memref<64xi32, #tpu.memory_space<vmem>>
        %dma_wait3A_1065 = arith.constant 0 : i32
        %dma_wait3A_1066 = arith.constant 0 : i32
        %dma_wait3A_1067 = tpu.memref_slice %arg5[%dma_wait3A_1065, %dma_wait3A_1066] : memref<819200x128xf32, #tpu.memory_space<hbm>> -> memref<819200x128xf32, #tpu.memory_space<hbm>>
        tpu.wait_indirect_dma semaphore(%arg17 : memref<!tpu.dma_semaphore, #tpu.memory_space<semaphore_mem>>) src(%dma_wait3A_1061 : memref<64x128xf32, #tpu.memory_space<vmem>>) dst(%dma_wait3A_1067 : memref<819200x128xf32, #tpu.memory_space<hbm>>)
        %dma_wait3A_1068 = arith.constant 1 : i32
        %dma_wait3A_1069 = arith.constant 1 : i32
        %dma_wait3A_1070 = arith.constant 1 : i32
        %dma_wait3A_1071 = arith.constant 64 : i32
        %dma_wait3A_1072 = arith.constant 0 : i32
        %dma_wait3A_1073 = tpu.memref_slice %arg8[%dma_wait3A_1068, %dma_wait3A_1071, %dma_wait3A_1072] : memref<4x128x128xf32, #tpu.memory_space<vmem>> -> memref<1x64x128xf32, #tpu.memory_space<vmem>>
        %dma_wait3A_1074 = tpu.memref_squeeze %dma_wait3A_1073 : memref<1x64x128xf32, #tpu.memory_space<vmem>> -> memref<64x128xf32, #tpu.memory_space<vmem>>
        %dma_wait3A_1075 = arith.constant 0 : i32
        %dma_wait3A_1076 = tpu.memref_slice %arg9[%dma_wait3A_1069, %dma_wait3A_1070, %dma_wait3A_1075] : memref<4x2x64xi32, #tpu.memory_space<vmem>> -> memref<1x1x64xi32, #tpu.memory_space<vmem>>
        %dma_wait3A_1077 = tpu.memref_squeeze %dma_wait3A_1076 : memref<1x1x64xi32, #tpu.memory_space<vmem>> -> memref<64xi32, #tpu.memory_space<vmem>>
        %dma_wait3A_1078 = arith.constant 0 : i32
        %dma_wait3A_1079 = arith.constant 0 : i32
        %dma_wait3A_1080 = tpu.memref_slice %arg5[%dma_wait3A_1078, %dma_wait3A_1079] : memref<819200x128xf32, #tpu.memory_space<hbm>> -> memref<819200x128xf32, #tpu.memory_space<hbm>>
        tpu.wait_indirect_dma semaphore(%arg17 : memref<!tpu.dma_semaphore, #tpu.memory_space<semaphore_mem>>) src(%dma_wait3A_1074 : memref<64x128xf32, #tpu.memory_space<vmem>>) dst(%dma_wait3A_1080 : memref<819200x128xf32, #tpu.memory_space<hbm>>)
      } else {
      }
      %add3A_849 = arith.constant 2 : i32
      %add3A_850 = arith.addi %add3A_843, %add3A_849 : i32
      %lt3A_851 = arith.constant 200 : i32
      %lt3A_852 = arith.cmpi slt, %add3A_850, %lt3A_851 : i32
      %convert_element_type3A_853 = arith.extui %lt3A_852 : i1 to i32
      %cond3A_854 = arith.constant 0 : i32
      %cond3A_855 = arith.cmpi ne, %convert_element_type3A_853, %cond3A_854 : i32
      scf.if %cond3A_855 {
        %add3A_1055 = arith.constant 2 : i32
        %add3A_1056 = arith.addi %add3A_843, %add3A_1055 : i32
        %dma_start3A_1057 = arith.constant 1 : i32
        %dma_start3A_1058 = arith.constant 0 : i32
        %dma_start3A_1059 = arith.constant 0 : i32
        %dma_start3A_1060 = tpu.memref_slice %arg8[%dma_start3A_1057, %dma_start3A_1058, %dma_start3A_1059] : memref<4x128x128xf32, #tpu.memory_space<vmem>> -> memref<1x128x128xf32, #tpu.memory_space<vmem>>
        %dma_start3A_1061 = tpu.memref_squeeze %dma_start3A_1060 : memref<1x128x128xf32, #tpu.memory_space<vmem>> -> memref<128x128xf32, #tpu.memory_space<vmem>>
        %dma_start3A_1062 = arith.constant 0 : i32
        %dma_start3A_1063 = tpu.memref_slice %arg6[%add3A_1056, %dma_start3A_1062] : memref<200x128xi32, #tpu.memory_space<vmem>> -> memref<1x128xi32, #tpu.memory_space<vmem>>
        %dma_start3A_1064 = tpu.memref_squeeze %dma_start3A_1063 : memref<1x128xi32, #tpu.memory_space<vmem>> -> memref<128xi32, #tpu.memory_space<vmem>>
        %dma_start3A_1065 = arith.constant 0 : i32
        %dma_start3A_1066 = arith.constant 0 : i32
        %dma_start3A_1067 = tpu.memref_slice %arg11[%dma_start3A_1065, %dma_start3A_1066] : memref<1000x128xf32, #tpu.memory_space<vmem_shared>> -> memref<1000x128xf32, #tpu.memory_space<vmem_shared>>
        tpu.enqueue_indirect_dma source(%dma_start3A_1067 : memref<1000x128xf32, #tpu.memory_space<vmem_shared>>) target(%dma_start3A_1061 : memref<128x128xf32, #tpu.memory_space<vmem>>) offsets(%dma_start3A_1064 : memref<128xi32, #tpu.memory_space<vmem>>) semaphore(%arg13 : memref<!tpu.dma_semaphore, #tpu.memory_space<semaphore_mem>>)
      } else {
      }
      %get3A_856 = arith.constant 0 : i32
      %get3A_857 = arith.index_cast %get3A_856 : i32 to index
      %get3A_858 = arith.constant 0 : index
      %get3A_859 = tpu.vector_load %arg10[%get3A_857, %get3A_858] {strides = array<i32>} : memref<1x128xi32, #tpu.memory_space<vmem>>, vector<1x16xi32>,
      %get3A_860 = vector.shape_cast %get3A_859 : vector<1x16xi32> to vector<16xi32>
      %add3A_861 = vector.broadcast %add3A_843 : i32 to vector<16xi32>
      %add3A_862 = arith.addi %get3A_860, %add3A_861 : vector<16xi32>
      %swap3A_863 = arith.constant 3 : i32
      %swap3A_864 = arith.constant 0 : i32
      %swap3A_865 = arith.index_cast %swap3A_863 : i32 to index
      %swap3A_866 = arith.index_cast %swap3A_864 : i32 to index
      %swap3A_867 = arith.constant 0 : index
      %swap3A_868 = tpu.vector_load %arg9[%swap3A_865, %swap3A_866, %swap3A_867] {strides = array<i32>} : memref<4x2x64xi32, #tpu.memory_space<vmem>>, vector<1x1x16xi32>,
      %swap3A_869 = vector.shape_cast %swap3A_868 : vector<1x1x16xi32> to vector<16xi32>
      %swap3A_870 = vector.shape_cast %add3A_862 : vector<16xi32> to vector<1x1x16xi32>
      tpu.vector_store %arg9[%swap3A_865, %swap3A_866, %swap3A_867], %swap3A_870 {strides = array<i32>} : memref<4x2x64xi32, #tpu.memory_space<vmem>>, vector<1x1x16xi32>,
      %get3A_871 = arith.constant 0 : i32
      %get3A_872 = arith.index_cast %get3A_871 : i32 to index
      %get3A_873 = arith.constant 16 : index
      %get3A_874 = tpu.vector_load %arg10[%get3A_872, %get3A_873] {strides = array<i32>} : memref<1x128xi32, #tpu.memory_space<vmem>>, vector<1x16xi32>,
      %get3A_875 = vector.shape_cast %get3A_874 : vector<1x16xi32> to vector<16xi32>
      %add3A_876 = vector.broadcast %add3A_843 : i32 to vector<16xi32>
      %add3A_877 = arith.addi %get3A_875, %add3A_876 : vector<16xi32>
      %swap3A_878 = arith.constant 3 : i32
      %swap3A_879 = arith.constant 0 : i32
      %swap3A_880 = arith.index_cast %swap3A_878 : i32 to index
      %swap3A_881 = arith.index_cast %swap3A_879 : i32 to index
      %swap3A_882 = arith.constant 16 : index
      %swap3A_883 = tpu.vector_load %arg9[%swap3A_880, %swap3A_881, %swap3A_882] {strides = array<i32>} : memref<4x2x64xi32, #tpu.memory_space<vmem>>, vector<1x1x16xi32>,
      %swap3A_884 = vector.shape_cast %swap3A_883 : vector<1x1x16xi32> to vector<16xi32>
      %swap3A_885 = vector.shape_cast %add3A_877 : vector<16xi32> to vector<1x1x16xi32>
      tpu.vector_store %arg9[%swap3A_880, %swap3A_881, %swap3A_882], %swap3A_885 {strides = array<i32>} : memref<4x2x64xi32, #tpu.memory_space<vmem>>, vector<1x1x16xi32>,
      %get3A_886 = arith.constant 0 : i32
      %get3A_887 = arith.index_cast %get3A_886 : i32 to index
      %get3A_888 = arith.constant 32 : index
      %get3A_889 = tpu.vector_load %arg10[%get3A_887, %get3A_888] {strides = array<i32>} : memref<1x128xi32, #tpu.memory_space<vmem>>, vector<1x16xi32>,
      %get3A_890 = vector.shape_cast %get3A_889 : vector<1x16xi32> to vector<16xi32>
      %add3A_891 = vector.broadcast %add3A_843 : i32 to vector<16xi32>
      %add3A_892 = arith.addi %get3A_890, %add3A_891 : vector<16xi32>
      %swap3A_893 = arith.constant 3 : i32
      %swap3A_894 = arith.constant 0 : i32
      %swap3A_895 = arith.index_cast %swap3A_893 : i32 to index
      %swap3A_896 = arith.index_cast %swap3A_894 : i32 to index
      %swap3A_897 = arith.constant 32 : index
      %swap3A_898 = tpu.vector_load %arg9[%swap3A_895, %swap3A_896, %swap3A_897] {strides = array<i32>} : memref<4x2x64xi32, #tpu.memory_space<vmem>>, vector<1x1x16xi32>,
      %swap3A_899 = vector.shape_cast %swap3A_898 : vector<1x1x16xi32> to vector<16xi32>
      %swap3A_900 = vector.shape_cast %add3A_892 : vector<16xi32> to vector<1x1x16xi32>
      tpu.vector_store %arg9[%swap3A_895, %swap3A_896, %swap3A_897], %swap3A_900 {strides = array<i32>} : memref<4x2x64xi32, #tpu.memory_space<vmem>>, vector<1x1x16xi32>,
      %get3A_901 = arith.constant 0 : i32
      %get3A_902 = arith.index_cast %get3A_901 : i32 to index
      %get3A_903 = arith.constant 48 : index
      %get3A_904 = tpu.vector_load %arg10[%get3A_902, %get3A_903] {strides = array<i32>} : memref<1x128xi32, #tpu.memory_space<vmem>>, vector<1x16xi32>,
      %get3A_905 = vector.shape_cast %get3A_904 : vector<1x16xi32> to vector<16xi32>
      %add3A_906 = vector.broadcast %add3A_843 : i32 to vector<16xi32>
      %add3A_907 = arith.addi %get3A_905, %add3A_906 : vector<16xi32>
      %swap3A_908 = arith.constant 3 : i32
      %swap3A_909 = arith.constant 0 : i32
      %swap3A_910 = arith.index_cast %swap3A_908 : i32 to index
      %swap3A_911 = arith.index_cast %swap3A_909 : i32 to index
      %swap3A_912 = arith.constant 48 : index
      %swap3A_913 = tpu.vector_load %arg9[%swap3A_910, %swap3A_911, %swap3A_912] {strides = array<i32>} : memref<4x2x64xi32, #tpu.memory_space<vmem>>, vector<1x1x16xi32>,
      %swap3A_914 = vector.shape_cast %swap3A_913 : vector<1x1x16xi32> to vector<16xi32>
      %swap3A_915 = vector.shape_cast %add3A_907 : vector<16xi32> to vector<1x1x16xi32>
      tpu.vector_store %arg9[%swap3A_910, %swap3A_911, %swap3A_912], %swap3A_915 {strides = array<i32>} : memref<4x2x64xi32, #tpu.memory_space<vmem>>, vector<1x1x16xi32>,
      %get3A_916 = arith.constant 0 : i32
      %get3A_917 = arith.index_cast %get3A_916 : i32 to index
      %get3A_918 = arith.constant 64 : index
      %get3A_919 = tpu.vector_load %arg10[%get3A_917, %get3A_918] {strides = array<i32>} : memref<1x128xi32, #tpu.memory_space<vmem>>, vector<1x16xi32>,
      %get3A_920 = vector.shape_cast %get3A_919 : vector<1x16xi32> to vector<16xi32>
      %add3A_921 = vector.broadcast %add3A_843 : i32 to vector<16xi32>
      %add3A_922 = arith.addi %get3A_920, %add3A_921 : vector<16xi32>
      %swap3A_923 = arith.constant 3 : i32
      %swap3A_924 = arith.constant 1 : i32
      %swap3A_925 = arith.index_cast %swap3A_923 : i32 to index
      %swap3A_926 = arith.index_cast %swap3A_924 : i32 to index
      %swap3A_927 = arith.constant 0 : index
      %swap3A_928 = tpu.vector_load %arg9[%swap3A_925, %swap3A_926, %swap3A_927] {strides = array<i32>} : memref<4x2x64xi32, #tpu.memory_space<vmem>>, vector<1x1x16xi32>,
      %swap3A_929 = vector.shape_cast %swap3A_928 : vector<1x1x16xi32> to vector<16xi32>
      %swap3A_930 = vector.shape_cast %add3A_922 : vector<16xi32> to vector<1x1x16xi32>
      tpu.vector_store %arg9[%swap3A_925, %swap3A_926, %swap3A_927], %swap3A_930 {strides = array<i32>} : memref<4x2x64xi32, #tpu.memory_space<vmem>>, vector<1x1x16xi32>,
      %get3A_931 = arith.constant 0 : i32
      %get3A_932 = arith.index_cast %get3A_931 : i32 to index
      %get3A_933 = arith.constant 80 : index
      %get3A_934 = tpu.vector_load %arg10[%get3A_932, %get3A_933] {strides = array<i32>} : memref<1x128xi32, #tpu.memory_space<vmem>>, vector<1x16xi32>,
      %get3A_935 = vector.shape_cast %get3A_934 : vector<1x16xi32> to vector<16xi32>
      %add3A_936 = vector.broadcast %add3A_843 : i32 to vector<16xi32>
      %add3A_937 = arith.addi %get3A_935, %add3A_936 : vector<16xi32>
      %swap3A_938 = arith.constant 3 : i32
      %swap3A_939 = arith.constant 1 : i32
      %swap3A_940 = arith.index_cast %swap3A_938 : i32 to index
      %swap3A_941 = arith.index_cast %swap3A_939 : i32 to index
      %swap3A_942 = arith.constant 16 : index
      %swap3A_943 = tpu.vector_load %arg9[%swap3A_940, %swap3A_941, %swap3A_942] {strides = array<i32>} : memref<4x2x64xi32, #tpu.memory_space<vmem>>, vector<1x1x16xi32>,
      %swap3A_944 = vector.shape_cast %swap3A_943 : vector<1x1x16xi32> to vector<16xi32>
      %swap3A_945 = vector.shape_cast %add3A_937 : vector<16xi32> to vector<1x1x16xi32>
      tpu.vector_store %arg9[%swap3A_940, %swap3A_941, %swap3A_942], %swap3A_945 {strides = array<i32>} : memref<4x2x64xi32, #tpu.memory_space<vmem>>, vector<1x1x16xi32>,
      %get3A_946 = arith.constant 0 : i32
      %get3A_947 = arith.index_cast %get3A_946 : i32 to index
      %get3A_948 = arith.constant 96 : index
      %get3A_949 = tpu.vector_load %arg10[%get3A_947, %get3A_948] {strides = array<i32>} : memref<1x128xi32, #tpu.memory_space<vmem>>, vector<1x16xi32>,
      %get3A_950 = vector.shape_cast %get3A_949 : vector<1x16xi32> to vector<16xi32>
      %add3A_951 = vector.broadcast %add3A_843 : i32 to vector<16xi32>
      %add3A_952 = arith.addi %get3A_950, %add3A_951 : vector<16xi32>
      %swap3A_953 = arith.constant 3 : i32
      %swap3A_954 = arith.constant 1 : i32
      %swap3A_955 = arith.index_cast %swap3A_953 : i32 to index
      %swap3A_956 = arith.index_cast %swap3A_954 : i32 to index
      %swap3A_957 = arith.constant 32 : index
      %swap3A_958 = tpu.vector_load %arg9[%swap3A_955, %swap3A_956, %swap3A_957] {strides = array<i32>} : memref<4x2x64xi32, #tpu.memory_space<vmem>>, vector<1x1x16xi32>,
      %swap3A_959 = vector.shape_cast %swap3A_958 : vector<1x1x16xi32> to vector<16xi32>
      %swap3A_960 = vector.shape_cast %add3A_952 : vector<16xi32> to vector<1x1x16xi32>
      tpu.vector_store %arg9[%swap3A_955, %swap3A_956, %swap3A_957], %swap3A_960 {strides = array<i32>} : memref<4x2x64xi32, #tpu.memory_space<vmem>>, vector<1x1x16xi32>,
      %get3A_961 = arith.constant 0 : i32
      %get3A_962 = arith.index_cast %get3A_961 : i32 to index
      %get3A_963 = arith.constant 112 : index
      %get3A_964 = tpu.vector_load %arg10[%get3A_962, %get3A_963] {strides = array<i32>} : memref<1x128xi32, #tpu.memory_space<vmem>>, vector<1x16xi32>,
      %get3A_965 = vector.shape_cast %get3A_964 : vector<1x16xi32> to vector<16xi32>
      %add3A_966 = vector.broadcast %add3A_843 : i32 to vector<16xi32>
      %add3A_967 = arith.addi %get3A_965, %add3A_966 : vector<16xi32>
      %swap3A_968 = arith.constant 3 : i32
      %swap3A_969 = arith.constant 1 : i32
      %swap3A_970 = arith.index_cast %swap3A_968 : i32 to index
      %swap3A_971 = arith.index_cast %swap3A_969 : i32 to index
      %swap3A_972 = arith.constant 48 : index
      %swap3A_973 = tpu.vector_load %arg9[%swap3A_970, %swap3A_971, %swap3A_972] {strides = array<i32>} : memref<4x2x64xi32, #tpu.memory_space<vmem>>, vector<1x1x16xi32>,
      %swap3A_974 = vector.shape_cast %swap3A_973 : vector<1x1x16xi32> to vector<16xi32>
      %swap3A_975 = vector.shape_cast %add3A_967 : vector<16xi32> to vector<1x1x16xi32>
      tpu.vector_store %arg9[%swap3A_970, %swap3A_971, %swap3A_972], %swap3A_975 {strides = array<i32>} : memref<4x2x64xi32, #tpu.memory_space<vmem>>, vector<1x1x16xi32>,
      %dma_wait3A_976 = arith.constant 3 : i32
      %dma_wait3A_977 = arith.constant 0 : i32
      %dma_wait3A_978 = arith.constant 0 : i32
      %dma_wait3A_979 = tpu.memref_slice %arg8[%dma_wait3A_976, %dma_wait3A_977, %dma_wait3A_978] : memref<4x128x128xf32, #tpu.memory_space<vmem>> -> memref<1x128x128xf32, #tpu.memory_space<vmem>>
      %dma_wait3A_980 = tpu.memref_squeeze %dma_wait3A_979 : memref<1x128x128xf32, #tpu.memory_space<vmem>> -> memref<128x128xf32, #tpu.memory_space<vmem>>
      %dma_wait3A_981 = arith.constant 0 : i32
      %dma_wait3A_982 = tpu.memref_slice %arg6[%add3A_843, %dma_wait3A_981] : memref<200x128xi32, #tpu.memory_space<vmem>> -> memref<1x128xi32, #tpu.memory_space<vmem>>
      %dma_wait3A_983 = tpu.memref_squeeze %dma_wait3A_982 : memref<1x128xi32, #tpu.memory_space<vmem>> -> memref<128xi32, #tpu.memory_space<vmem>>
      %dma_wait3A_984 = arith.constant 0 : i32
      %dma_wait3A_985 = arith.constant 0 : i32
      %dma_wait3A_986 = tpu.memref_slice %arg11[%dma_wait3A_984, %dma_wait3A_985] : memref<1000x128xf32, #tpu.memory_space<vmem_shared>> -> memref<1000x128xf32, #tpu.memory_space<vmem_shared>>
      tpu.wait_indirect_dma semaphore(%arg15 : memref<!tpu.dma_semaphore, #tpu.memory_space<semaphore_mem>>) src(%dma_wait3A_986 : memref<1000x128xf32, #tpu.memory_space<vmem_shared>>) dst(%dma_wait3A_980 : memref<128x128xf32, #tpu.memory_space<vmem>>)
      %get3A_987 = arith.index_cast %add3A_843 : i32 to index
      %get3A_988 = arith.constant 0 : index
      %get3A_989 = tpu.vector_load %arg7[%get3A_987, %get3A_988] {strides = array<i32>} : memref<200x128xf32, #tpu.memory_space<vmem>>, vector<1x16xf32>,
      %get3A_990 = vector.shape_cast %get3A_989 : vector<1x16xf32> to vector<16xf32>
      %get3A_991 = arith.index_cast %add3A_843 : i32 to index
      %get3A_992 = arith.constant 16 : index
      %get3A_993 = tpu.vector_load %arg7[%get3A_991, %get3A_992] {strides = array<i32>} : memref<200x128xf32, #tpu.memory_space<vmem>>, vector<1x16xf32>,
      %get3A_994 = vector.shape_cast %get3A_993 : vector<1x16xf32> to vector<16xf32>
      %get3A_995 = arith.index_cast %add3A_843 : i32 to index
      %get3A_996 = arith.constant 32 : index
      %get3A_997 = tpu.vector_load %arg7[%get3A_995, %get3A_996] {strides = array<i32>} : memref<200x128xf32, #tpu.memory_space<vmem>>, vector<1x16xf32>,
      %get3A_998 = vector.shape_cast %get3A_997 : vector<1x16xf32> to vector<16xf32>
      %get3A_999 = arith.index_cast %add3A_843 : i32 to index
      %get3A_1000 = arith.constant 48 : index
      %get3A_1001 = tpu.vector_load %arg7[%get3A_999, %get3A_1000] {strides = array<i32>} : memref<200x128xf32, #tpu.memory_space<vmem>>, vector<1x16xf32>,
      %get3A_1002 = vector.shape_cast %get3A_1001 : vector<1x16xf32> to vector<16xf32>
      %get3A_1003 = arith.index_cast %add3A_843 : i32 to index
      %get3A_1004 = arith.constant 64 : index
      %get3A_1005 = tpu.vector_load %arg7[%get3A_1003, %get3A_1004] {strides = array<i32>} : memref<200x128xf32, #tpu.memory_space<vmem>>, vector<1x16xf32>,
      %get3A_1006 = vector.shape_cast %get3A_1005 : vector<1x16xf32> to vector<16xf32>
      %get3A_1007 = arith.index_cast %add3A_843 : i32 to index
      %get3A_1008 = arith.constant 80 : index
      %get3A_1009 = tpu.vector_load %arg7[%get3A_1007, %get3A_1008] {strides = array<i32>} : memref<200x128xf32, #tpu.memory_space<vmem>>, vector<1x16xf32>,
      %get3A_1010 = vector.shape_cast %get3A_1009 : vector<1x16xf32> to vector<16xf32>
      %get3A_1011 = arith.index_cast %add3A_843 : i32 to index
      %get3A_1012 = arith.constant 96 : index
      %get3A_1013 = tpu.vector_load %arg7[%get3A_1011, %get3A_1012] {strides = array<i32>} : memref<200x128xf32, #tpu.memory_space<vmem>>, vector<1x16xf32>,
      %get3A_1014 = vector.shape_cast %get3A_1013 : vector<1x16xf32> to vector<16xf32>
      %get3A_1015 = arith.index_cast %add3A_843 : i32 to index
      %get3A_1016 = arith.constant 112 : index
      %get3A_1017 = tpu.vector_load %arg7[%get3A_1015, %get3A_1016] {strides = array<i32>} : memref<200x128xf32, #tpu.memory_space<vmem>>, vector<1x16xf32>,
      %get3A_1018 = vector.shape_cast %get3A_1017 : vector<1x16xf32> to vector<16xf32>
      %scan3A_1019 = arith.constant 0 : i32
      %scan3A_1020 = arith.constant 64 : i32
      %scan3A_1021 = arith.addi %scan3A_1019, %scan3A_1020 : i32
      %scan3A_1022 = arith.constant 4 : i32
      scf.for %scan3A_1055 = %scan3A_1019 to %scan3A_1021 step %scan3A_1022  : i32 {
        %mul3A_1056 = arith.constant 1 : i32
        %mul3A_1057 = arith.muli %scan3A_1055, %mul3A_1056 : i32
        %add3A_1058 = arith.constant 0 : i32
        %add3A_1059 = arith.addi %add3A_1058, %mul3A_1057 : i32
        %swap3A_1060 = arith.constant 3 : i32
        %swap3A_1061 = arith.index_cast %swap3A_1060 : i32 to index
        %swap3A_1062 = arith.index_cast %add3A_1059 : i32 to index
        %swap3A_1063 = arith.constant 0 : index
        %swap3A_1064 = tpu.vector_load %arg8[%swap3A_1061, %swap3A_1062, %swap3A_1063] {strides = array<i32>} : memref<4x128x128xf32, #tpu.memory_space<vmem>>, vector<1x1x16xf32>,
        %swap3A_1065 = vector.shape_cast %swap3A_1064 : vector<1x1x16xf32> to vector<16xf32>
        %swap3A_1066 = vector.shape_cast %get3A_990 : vector<16xf32> to vector<1x1x16xf32>
        tpu.vector_store %arg8[%swap3A_1061, %swap3A_1062, %swap3A_1063], %swap3A_1066 {add = true, strides = array<i32>} : memref<4x128x128xf32, #tpu.memory_space<vmem>>, vector<1x1x16xf32>,
        %swap3A_1067 = arith.constant 3 : i32
        %swap3A_1068 = arith.index_cast %swap3A_1067 : i32 to index
        %swap3A_1069 = arith.index_cast %add3A_1059 : i32 to index
        %swap3A_1070 = arith.constant 16 : index
        %swap3A_1071 = tpu.vector_load %arg8[%swap3A_1068, %swap3A_1069, %swap3A_1070] {strides = array<i32>} : memref<4x128x128xf32, #tpu.memory_space<vmem>>, vector<1x1x16xf32>,
        %swap3A_1072 = vector.shape_cast %swap3A_1071 : vector<1x1x16xf32> to vector<16xf32>
        %swap3A_1073 = vector.shape_cast %get3A_994 : vector<16xf32> to vector<1x1x16xf32>
        tpu.vector_store %arg8[%swap3A_1068, %swap3A_1069, %swap3A_1070], %swap3A_1073 {add = true, strides = array<i32>} : memref<4x128x128xf32, #tpu.memory_space<vmem>>, vector<1x1x16xf32>,
        %swap3A_1074 = arith.constant 3 : i32
        %swap3A_1075 = arith.index_cast %swap3A_1074 : i32 to index
        %swap3A_1076 = arith.index_cast %add3A_1059 : i32 to index
        %swap3A_1077 = arith.constant 32 : index
        %swap3A_1078 = tpu.vector_load %arg8[%swap3A_1075, %swap3A_1076, %swap3A_1077] {strides = array<i32>} : memref<4x128x128xf32, #tpu.memory_space<vmem>>, vector<1x1x16xf32>,
        %swap3A_1079 = vector.shape_cast %swap3A_1078 : vector<1x1x16xf32> to vector<16xf32>
        %swap3A_1080 = vector.shape_cast %get3A_998 : vector<16xf32> to vector<1x1x16xf32>
        tpu.vector_store %arg8[%swap3A_1075, %swap3A_1076, %swap3A_1077], %swap3A_1080 {add = true, strides = array<i32>} : memref<4x128x128xf32, #tpu.memory_space<vmem>>, vector<1x1x16xf32>,
        %swap3A_1081 = arith.constant 3 : i32
        %swap3A_1082 = arith.index_cast %swap3A_1081 : i32 to index
        %swap3A_1083 = arith.index_cast %add3A_1059 : i32 to index
        %swap3A_1084 = arith.constant 48 : index
        %swap3A_1085 = tpu.vector_load %arg8[%swap3A_1082, %swap3A_1083, %swap3A_1084] {strides = array<i32>} : memref<4x128x128xf32, #tpu.memory_space<vmem>>, vector<1x1x16xf32>,
        %swap3A_1086 = vector.shape_cast %swap3A_1085 : vector<1x1x16xf32> to vector<16xf32>
        %swap3A_1087 = vector.shape_cast %get3A_1002 : vector<16xf32> to vector<1x1x16xf32>
        tpu.vector_store %arg8[%swap3A_1082, %swap3A_1083, %swap3A_1084], %swap3A_1087 {add = true, strides = array<i32>} : memref<4x128x128xf32, #tpu.memory_space<vmem>>, vector<1x1x16xf32>,
        %swap3A_1088 = arith.constant 3 : i32
        %swap3A_1089 = arith.index_cast %swap3A_1088 : i32 to index
        %swap3A_1090 = arith.index_cast %add3A_1059 : i32 to index
        %swap3A_1091 = arith.constant 64 : index
        %swap3A_1092 = tpu.vector_load %arg8[%swap3A_1089, %swap3A_1090, %swap3A_1091] {strides = array<i32>} : memref<4x128x128xf32, #tpu.memory_space<vmem>>, vector<1x1x16xf32>,
        %swap3A_1093 = vector.shape_cast %swap3A_1092 : vector<1x1x16xf32> to vector<16xf32>
        %swap3A_1094 = vector.shape_cast %get3A_1006 : vector<16xf32> to vector<1x1x16xf32>
        tpu.vector_store %arg8[%swap3A_1089, %swap3A_1090, %swap3A_1091], %swap3A_1094 {add = true, strides = array<i32>} : memref<4x128x128xf32, #tpu.memory_space<vmem>>, vector<1x1x16xf32>,
        %swap3A_1095 = arith.constant 3 : i32
        %swap3A_1096 = arith.index_cast %swap3A_1095 : i32 to index
        %swap3A_1097 = arith.index_cast %add3A_1059 : i32 to index
        %swap3A_1098 = arith.constant 80 : index
        %swap3A_1099 = tpu.vector_load %arg8[%swap3A_1096, %swap3A_1097, %swap3A_1098] {strides = array<i32>} : memref<4x128x128xf32, #tpu.memory_space<vmem>>, vector<1x1x16xf32>,
        %swap3A_1100 = vector.shape_cast %swap3A_1099 : vector<1x1x16xf32> to vector<16xf32>
        %swap3A_1101 = vector.shape_cast %get3A_1010 : vector<16xf32> to vector<1x1x16xf32>
        tpu.vector_store %arg8[%swap3A_1096, %swap3A_1097, %swap3A_1098], %swap3A_1101 {add = true, strides = array<i32>} : memref<4x128x128xf32, #tpu.memory_space<vmem>>, vector<1x1x16xf32>,
        %swap3A_1102 = arith.constant 3 : i32
        %swap3A_1103 = arith.index_cast %swap3A_1102 : i32 to index
        %swap3A_1104 = arith.index_cast %add3A_1059 : i32 to index
        %swap3A_1105 = arith.constant 96 : index
        %swap3A_1106 = tpu.vector_load %arg8[%swap3A_1103, %swap3A_1104, %swap3A_1105] {strides = array<i32>} : memref<4x128x128xf32, #tpu.memory_space<vmem>>, vector<1x1x16xf32>,
        %swap3A_1107 = vector.shape_cast %swap3A_1106 : vector<1x1x16xf32> to vector<16xf32>
        %swap3A_1108 = vector.shape_cast %get3A_1014 : vector<16xf32> to vector<1x1x16xf32>
        tpu.vector_store %arg8[%swap3A_1103, %swap3A_1104, %swap3A_1105], %swap3A_1108 {add = true, strides = array<i32>} : memref<4x128x128xf32, #tpu.memory_space<vmem>>, vector<1x1x16xf32>,
        %swap3A_1109 = arith.constant 3 : i32
        %swap3A_1110 = arith.index_cast %swap3A_1109 : i32 to index
        %swap3A_1111 = arith.index_cast %add3A_1059 : i32 to index
        %swap3A_1112 = arith.constant 112 : index
        %swap3A_1113 = tpu.vector_load %arg8[%swap3A_1110, %swap3A_1111, %swap3A_1112] {strides = array<i32>} : memref<4x128x128xf32, #tpu.memory_space<vmem>>, vector<1x1x16xf32>,
        %swap3A_1114 = vector.shape_cast %swap3A_1113 : vector<1x1x16xf32> to vector<16xf32>
        %swap3A_1115 = vector.shape_cast %get3A_1018 : vector<16xf32> to vector<1x1x16xf32>
        tpu.vector_store %arg8[%swap3A_1110, %swap3A_1111, %swap3A_1112], %swap3A_1115 {add = true, strides = array<i32>} : memref<4x128x128xf32, #tpu.memory_space<vmem>>, vector<1x1x16xf32>,
        %scan3A_1116 = arith.constant 1 : i32
        %scan3A_1117 = arith.addi %scan3A_1055, %scan3A_1116 : i32
        %mul3A_1118 = arith.constant 1 : i32
        %mul3A_1119 = arith.muli %scan3A_1117, %mul3A_1118 : i32
        %add3A_1120 = arith.constant 0 : i32
        %add3A_1121 = arith.addi %add3A_1120, %mul3A_1119 : i32
        %swap3A_1122 = arith.constant 3 : i32
        %swap3A_1123 = arith.index_cast %swap3A_1122 : i32 to index
        %swap3A_1124 = arith.index_cast %add3A_1121 : i32 to index
        %swap3A_1125 = arith.constant 0 : index
        %swap3A_1126 = tpu.vector_load %arg8[%swap3A_1123, %swap3A_1124, %swap3A_1125] {strides = array<i32>} : memref<4x128x128xf32, #tpu.memory_space<vmem>>, vector<1x1x16xf32>,
        %swap3A_1127 = vector.shape_cast %swap3A_1126 : vector<1x1x16xf32> to vector<16xf32>
        %swap3A_1128 = vector.shape_cast %get3A_990 : vector<16xf32> to vector<1x1x16xf32>
        tpu.vector_store %arg8[%swap3A_1123, %swap3A_1124, %swap3A_1125], %swap3A_1128 {add = true, strides = array<i32>} : memref<4x128x128xf32, #tpu.memory_space<vmem>>, vector<1x1x16xf32>,
        %swap3A_1129 = arith.constant 3 : i32
        %swap3A_1130 = arith.index_cast %swap3A_1129 : i32 to index
        %swap3A_1131 = arith.index_cast %add3A_1121 : i32 to index
        %swap3A_1132 = arith.constant 16 : index
        %swap3A_1133 = tpu.vector_load %arg8[%swap3A_1130, %swap3A_1131, %swap3A_1132] {strides = array<i32>} : memref<4x128x128xf32, #tpu.memory_space<vmem>>, vector<1x1x16xf32>,
        %swap3A_1134 = vector.shape_cast %swap3A_1133 : vector<1x1x16xf32> to vector<16xf32>
        %swap3A_1135 = vector.shape_cast %get3A_994 : vector<16xf32> to vector<1x1x16xf32>
        tpu.vector_store %arg8[%swap3A_1130, %swap3A_1131, %swap3A_1132], %swap3A_1135 {add = true, strides = array<i32>} : memref<4x128x128xf32, #tpu.memory_space<vmem>>, vector<1x1x16xf32>,
        %swap3A_1136 = arith.constant 3 : i32
        %swap3A_1137 = arith.index_cast %swap3A_1136 : i32 to index
        %swap3A_1138 = arith.index_cast %add3A_1121 : i32 to index
        %swap3A_1139 = arith.constant 32 : index
        %swap3A_1140 = tpu.vector_load %arg8[%swap3A_1137, %swap3A_1138, %swap3A_1139] {strides = array<i32>} : memref<4x128x128xf32, #tpu.memory_space<vmem>>, vector<1x1x16xf32>,
        %swap3A_1141 = vector.shape_cast %swap3A_1140 : vector<1x1x16xf32> to vector<16xf32>
        %swap3A_1142 = vector.shape_cast %get3A_998 : vector<16xf32> to vector<1x1x16xf32>
        tpu.vector_store %arg8[%swap3A_1137, %swap3A_1138, %swap3A_1139], %swap3A_1142 {add = true, strides = array<i32>} : memref<4x128x128xf32, #tpu.memory_space<vmem>>, vector<1x1x16xf32>,
        %swap3A_1143 = arith.constant 3 : i32
        %swap3A_1144 = arith.index_cast %swap3A_1143 : i32 to index
        %swap3A_1145 = arith.index_cast %add3A_1121 : i32 to index
        %swap3A_1146 = arith.constant 48 : index
        %swap3A_1147 = tpu.vector_load %arg8[%swap3A_1144, %swap3A_1145, %swap3A_1146] {strides = array<i32>} : memref<4x128x128xf32, #tpu.memory_space<vmem>>, vector<1x1x16xf32>,
        %swap3A_1148 = vector.shape_cast %swap3A_1147 : vector<1x1x16xf32> to vector<16xf32>
        %swap3A_1149 = vector.shape_cast %get3A_1002 : vector<16xf32> to vector<1x1x16xf32>
        tpu.vector_store %arg8[%swap3A_1144, %swap3A_1145, %swap3A_1146], %swap3A_1149 {add = true, strides = array<i32>} : memref<4x128x128xf32, #tpu.memory_space<vmem>>, vector<1x1x16xf32>,
        %swap3A_1150 = arith.constant 3 : i32
        %swap3A_1151 = arith.index_cast %swap3A_1150 : i32 to index
        %swap3A_1152 = arith.index_cast %add3A_1121 : i32 to index
        %swap3A_1153 = arith.constant 64 : index
        %swap3A_1154 = tpu.vector_load %arg8[%swap3A_1151, %swap3A_1152, %swap3A_1153] {strides = array<i32>} : memref<4x128x128xf32, #tpu.memory_space<vmem>>, vector<1x1x16xf32>,
        %swap3A_1155 = vector.shape_cast %swap3A_1154 : vector<1x1x16xf32> to vector<16xf32>
        %swap3A_1156 = vector.shape_cast %get3A_1006 : vector<16xf32> to vector<1x1x16xf32>
        tpu.vector_store %arg8[%swap3A_1151, %swap3A_1152, %swap3A_1153], %swap3A_1156 {add = true, strides = array<i32>} : memref<4x128x128xf32, #tpu.memory_space<vmem>>, vector<1x1x16xf32>,
        %swap3A_1157 = arith.constant 3 : i32
        %swap3A_1158 = arith.index_cast %swap3A_1157 : i32 to index
        %swap3A_1159 = arith.index_cast %add3A_1121 : i32 to index
        %swap3A_1160 = arith.constant 80 : index
        %swap3A_1161 = tpu.vector_load %arg8[%swap3A_1158, %swap3A_1159, %swap3A_1160] {strides = array<i32>} : memref<4x128x128xf32, #tpu.memory_space<vmem>>, vector<1x1x16xf32>,
        %swap3A_1162 = vector.shape_cast %swap3A_1161 : vector<1x1x16xf32> to vector<16xf32>
        %swap3A_1163 = vector.shape_cast %get3A_1010 : vector<16xf32> to vector<1x1x16xf32>
        tpu.vector_store %arg8[%swap3A_1158, %swap3A_1159, %swap3A_1160], %swap3A_1163 {add = true, strides = array<i32>} : memref<4x128x128xf32, #tpu.memory_space<vmem>>, vector<1x1x16xf32>,
        %swap3A_1164 = arith.constant 3 : i32
        %swap3A_1165 = arith.index_cast %swap3A_1164 : i32 to index
        %swap3A_1166 = arith.index_cast %add3A_1121 : i32 to index
        %swap3A_1167 = arith.constant 96 : index
        %swap3A_1168 = tpu.vector_load %arg8[%swap3A_1165, %swap3A_1166, %swap3A_1167] {strides = array<i32>} : memref<4x128x128xf32, #tpu.memory_space<vmem>>, vector<1x1x16xf32>,
        %swap3A_1169 = vector.shape_cast %swap3A_1168 : vector<1x1x16xf32> to vector<16xf32>
        %swap3A_1170 = vector.shape_cast %get3A_1014 : vector<16xf32> to vector<1x1x16xf32>
        tpu.vector_store %arg8[%swap3A_1165, %swap3A_1166, %swap3A_1167], %swap3A_1170 {add = true, strides = array<i32>} : memref<4x128x128xf32, #tpu.memory_space<vmem>>, vector<1x1x16xf32>,
        %swap3A_1171 = arith.constant 3 : i32
        %swap3A_1172 = arith.index_cast %swap3A_1171 : i32 to index
        %swap3A_1173 = arith.index_cast %add3A_1121 : i32 to index
        %swap3A_1174 = arith.constant 112 : index
        %swap3A_1175 = tpu.vector_load %arg8[%swap3A_1172, %swap3A_1173, %swap3A_1174] {strides = array<i32>} : memref<4x128x128xf32, #tpu.memory_space<vmem>>, vector<1x1x16xf32>,
        %swap3A_1176 = vector.shape_cast %swap3A_1175 : vector<1x1x16xf32> to vector<16xf32>
        %swap3A_1177 = vector.shape_cast %get3A_1018 : vector<16xf32> to vector<1x1x16xf32>
        tpu.vector_store %arg8[%swap3A_1172, %swap3A_1173, %swap3A_1174], %swap3A_1177 {add = true, strides = array<i32>} : memref<4x128x128xf32, #tpu.memory_space<vmem>>, vector<1x1x16xf32>,
        %scan3A_1178 = arith.constant 2 : i32
        %scan3A_1179 = arith.addi %scan3A_1055, %scan3A_1178 : i32
        %mul3A_1180 = arith.constant 1 : i32
        %mul3A_1181 = arith.muli %scan3A_1179, %mul3A_1180 : i32
        %add3A_1182 = arith.constant 0 : i32
        %add3A_1183 = arith.addi %add3A_1182, %mul3A_1181 : i32
        %swap3A_1184 = arith.constant 3 : i32
        %swap3A_1185 = arith.index_cast %swap3A_1184 : i32 to index
        %swap3A_1186 = arith.index_cast %add3A_1183 : i32 to index
        %swap3A_1187 = arith.constant 0 : index
        %swap3A_1188 = tpu.vector_load %arg8[%swap3A_1185, %swap3A_1186, %swap3A_1187] {strides = array<i32>} : memref<4x128x128xf32, #tpu.memory_space<vmem>>, vector<1x1x16xf32>,
        %swap3A_1189 = vector.shape_cast %swap3A_1188 : vector<1x1x16xf32> to vector<16xf32>
        %swap3A_1190 = vector.shape_cast %get3A_990 : vector<16xf32> to vector<1x1x16xf32>
        tpu.vector_store %arg8[%swap3A_1185, %swap3A_1186, %swap3A_1187], %swap3A_1190 {add = true, strides = array<i32>} : memref<4x128x128xf32, #tpu.memory_space<vmem>>, vector<1x1x16xf32>,
        %swap3A_1191 = arith.constant 3 : i32
        %swap3A_1192 = arith.index_cast %swap3A_1191 : i32 to index
        %swap3A_1193 = arith.index_cast %add3A_1183 : i32 to index
        %swap3A_1194 = arith.constant 16 : index
        %swap3A_1195 = tpu.vector_load %arg8[%swap3A_1192, %swap3A_1193, %swap3A_1194] {strides = array<i32>} : memref<4x128x128xf32, #tpu.memory_space<vmem>>, vector<1x1x16xf32>,
        %swap3A_1196 = vector.shape_cast %swap3A_1195 : vector<1x1x16xf32> to vector<16xf32>
        %swap3A_1197 = vector.shape_cast %get3A_994 : vector<16xf32> to vector<1x1x16xf32>
        tpu.vector_store %arg8[%swap3A_1192, %swap3A_1193, %swap3A_1194], %swap3A_1197 {add = true, strides = array<i32>} : memref<4x128x128xf32, #tpu.memory_space<vmem>>, vector<1x1x16xf32>,
        %swap3A_1198 = arith.constant 3 : i32
        %swap3A_1199 = arith.index_cast %swap3A_1198 : i32 to index
        %swap3A_1200 = arith.index_cast %add3A_1183 : i32 to index
        %swap3A_1201 = arith.constant 32 : index
        %swap3A_1202 = tpu.vector_load %arg8[%swap3A_1199, %swap3A_1200, %swap3A_1201] {strides = array<i32>} : memref<4x128x128xf32, #tpu.memory_space<vmem>>, vector<1x1x16xf32>,
        %swap3A_1203 = vector.shape_cast %swap3A_1202 : vector<1x1x16xf32> to vector<16xf32>
        %swap3A_1204 = vector.shape_cast %get3A_998 : vector<16xf32> to vector<1x1x16xf32>
        tpu.vector_store %arg8[%swap3A_1199, %swap3A_1200, %swap3A_1201], %swap3A_1204 {add = true, strides = array<i32>} : memref<4x128x128xf32, #tpu.memory_space<vmem>>, vector<1x1x16xf32>,
        %swap3A_1205 = arith.constant 3 : i32
        %swap3A_1206 = arith.index_cast %swap3A_1205 : i32 to index
        %swap3A_1207 = arith.index_cast %add3A_1183 : i32 to index
        %swap3A_1208 = arith.constant 48 : index
        %swap3A_1209 = tpu.vector_load %arg8[%swap3A_1206, %swap3A_1207, %swap3A_1208] {strides = array<i32>} : memref<4x128x128xf32, #tpu.memory_space<vmem>>, vector<1x1x16xf32>,
        %swap3A_1210 = vector.shape_cast %swap3A_1209 : vector<1x1x16xf32> to vector<16xf32>
        %swap3A_1211 = vector.shape_cast %get3A_1002 : vector<16xf32> to vector<1x1x16xf32>
        tpu.vector_store %arg8[%swap3A_1206, %swap3A_1207, %swap3A_1208], %swap3A_1211 {add = true, strides = array<i32>} : memref<4x128x128xf32, #tpu.memory_space<vmem>>, vector<1x1x16xf32>,
        %swap3A_1212 = arith.constant 3 : i32
        %swap3A_1213 = arith.index_cast %swap3A_1212 : i32 to index
        %swap3A_1214 = arith.index_cast %add3A_1183 : i32 to index
        %swap3A_1215 = arith.constant 64 : index
        %swap3A_1216 = tpu.vector_load %arg8[%swap3A_1213, %swap3A_1214, %swap3A_1215] {strides = array<i32>} : memref<4x128x128xf32, #tpu.memory_space<vmem>>, vector<1x1x16xf32>,
        %swap3A_1217 = vector.shape_cast %swap3A_1216 : vector<1x1x16xf32> to vector<16xf32>
        %swap3A_1218 = vector.shape_cast %get3A_1006 : vector<16xf32> to vector<1x1x16xf32>
        tpu.vector_store %arg8[%swap3A_1213, %swap3A_1214, %swap3A_1215], %swap3A_1218 {add = true, strides = array<i32>} : memref<4x128x128xf32, #tpu.memory_space<vmem>>, vector<1x1x16xf32>,
        %swap3A_1219 = arith.constant 3 : i32
        %swap3A_1220 = arith.index_cast %swap3A_1219 : i32 to index
        %swap3A_1221 = arith.index_cast %add3A_1183 : i32 to index
        %swap3A_1222 = arith.constant 80 : index
        %swap3A_1223 = tpu.vector_load %arg8[%swap3A_1220, %swap3A_1221, %swap3A_1222] {strides = array<i32>} : memref<4x128x128xf32, #tpu.memory_space<vmem>>, vector<1x1x16xf32>,
        %swap3A_1224 = vector.shape_cast %swap3A_1223 : vector<1x1x16xf32> to vector<16xf32>
        %swap3A_1225 = vector.shape_cast %get3A_1010 : vector<16xf32> to vector<1x1x16xf32>
        tpu.vector_store %arg8[%swap3A_1220, %swap3A_1221, %swap3A_1222], %swap3A_1225 {add = true, strides = array<i32>} : memref<4x128x128xf32, #tpu.memory_space<vmem>>, vector<1x1x16xf32>,
        %swap3A_1226 = arith.constant 3 : i32
        %swap3A_1227 = arith.index_cast %swap3A_1226 : i32 to index
        %swap3A_1228 = arith.index_cast %add3A_1183 : i32 to index
        %swap3A_1229 = arith.constant 96 : index
        %swap3A_1230 = tpu.vector_load %arg8[%swap3A_1227, %swap3A_1228, %swap3A_1229] {strides = array<i32>} : memref<4x128x128xf32, #tpu.memory_space<vmem>>, vector<1x1x16xf32>,
        %swap3A_1231 = vector.shape_cast %swap3A_1230 : vector<1x1x16xf32> to vector<16xf32>
        %swap3A_1232 = vector.shape_cast %get3A_1014 : vector<16xf32> to vector<1x1x16xf32>
        tpu.vector_store %arg8[%swap3A_1227, %swap3A_1228, %swap3A_1229], %swap3A_1232 {add = true, strides = array<i32>} : memref<4x128x128xf32, #tpu.memory_space<vmem>>, vector<1x1x16xf32>,
        %swap3A_1233 = arith.constant 3 : i32
        %swap3A_1234 = arith.index_cast %swap3A_1233 : i32 to index
        %swap3A_1235 = arith.index_cast %add3A_1183 : i32 to index
        %swap3A_1236 = arith.constant 112 : index
        %swap3A_1237 = tpu.vector_load %arg8[%swap3A_1234, %swap3A_1235, %swap3A_1236] {strides = array<i32>} : memref<4x128x128xf32, #tpu.memory_space<vmem>>, vector<1x1x16xf32>,
        %swap3A_1238 = vector.shape_cast %swap3A_1237 : vector<1x1x16xf32> to vector<16xf32>
        %swap3A_1239 = vector.shape_cast %get3A_1018 : vector<16xf32> to vector<1x1x16xf32>
        tpu.vector_store %arg8[%swap3A_1234, %swap3A_1235, %swap3A_1236], %swap3A_1239 {add = true, strides = array<i32>} : memref<4x128x128xf32, #tpu.memory_space<vmem>>, vector<1x1x16xf32>,
        %scan3A_1240 = arith.constant 3 : i32
        %scan3A_1241 = arith.addi %scan3A_1055, %scan3A_1240 : i32
        %mul3A_1242 = arith.constant 1 : i32
        %mul3A_1243 = arith.muli %scan3A_1241, %mul3A_1242 : i32
        %add3A_1244 = arith.constant 0 : i32
        %add3A_1245 = arith.addi %add3A_1244, %mul3A_1243 : i32
        %swap3A_1246 = arith.constant 3 : i32
        %swap3A_1247 = arith.index_cast %swap3A_1246 : i32 to index
        %swap3A_1248 = arith.index_cast %add3A_1245 : i32 to index
        %swap3A_1249 = arith.constant 0 : index
        %swap3A_1250 = tpu.vector_load %arg8[%swap3A_1247, %swap3A_1248, %swap3A_1249] {strides = array<i32>} : memref<4x128x128xf32, #tpu.memory_space<vmem>>, vector<1x1x16xf32>,
        %swap3A_1251 = vector.shape_cast %swap3A_1250 : vector<1x1x16xf32> to vector<16xf32>
        %swap3A_1252 = vector.shape_cast %get3A_990 : vector<16xf32> to vector<1x1x16xf32>
        tpu.vector_store %arg8[%swap3A_1247, %swap3A_1248, %swap3A_1249], %swap3A_1252 {add = true, strides = array<i32>} : memref<4x128x128xf32, #tpu.memory_space<vmem>>, vector<1x1x16xf32>,
        %swap3A_1253 = arith.constant 3 : i32
        %swap3A_1254 = arith.index_cast %swap3A_1253 : i32 to index
        %swap3A_1255 = arith.index_cast %add3A_1245 : i32 to index
        %swap3A_1256 = arith.constant 16 : index
        %swap3A_1257 = tpu.vector_load %arg8[%swap3A_1254, %swap3A_1255, %swap3A_1256] {strides = array<i32>} : memref<4x128x128xf32, #tpu.memory_space<vmem>>, vector<1x1x16xf32>,
        %swap3A_1258 = vector.shape_cast %swap3A_1257 : vector<1x1x16xf32> to vector<16xf32>
        %swap3A_1259 = vector.shape_cast %get3A_994 : vector<16xf32> to vector<1x1x16xf32>
        tpu.vector_store %arg8[%swap3A_1254, %swap3A_1255, %swap3A_1256], %swap3A_1259 {add = true, strides = array<i32>} : memref<4x128x128xf32, #tpu.memory_space<vmem>>, vector<1x1x16xf32>,
        %swap3A_1260 = arith.constant 3 : i32
        %swap3A_1261 = arith.index_cast %swap3A_1260 : i32 to index
        %swap3A_1262 = arith.index_cast %add3A_1245 : i32 to index
        %swap3A_1263 = arith.constant 32 : index
        %swap3A_1264 = tpu.vector_load %arg8[%swap3A_1261, %swap3A_1262, %swap3A_1263] {strides = array<i32>} : memref<4x128x128xf32, #tpu.memory_space<vmem>>, vector<1x1x16xf32>,
        %swap3A_1265 = vector.shape_cast %swap3A_1264 : vector<1x1x16xf32> to vector<16xf32>
        %swap3A_1266 = vector.shape_cast %get3A_998 : vector<16xf32> to vector<1x1x16xf32>
        tpu.vector_store %arg8[%swap3A_1261, %swap3A_1262, %swap3A_1263], %swap3A_1266 {add = true, strides = array<i32>} : memref<4x128x128xf32, #tpu.memory_space<vmem>>, vector<1x1x16xf32>,
        %swap3A_1267 = arith.constant 3 : i32
        %swap3A_1268 = arith.index_cast %swap3A_1267 : i32 to index
        %swap3A_1269 = arith.index_cast %add3A_1245 : i32 to index
        %swap3A_1270 = arith.constant 48 : index
        %swap3A_1271 = tpu.vector_load %arg8[%swap3A_1268, %swap3A_1269, %swap3A_1270] {strides = array<i32>} : memref<4x128x128xf32, #tpu.memory_space<vmem>>, vector<1x1x16xf32>,
        %swap3A_1272 = vector.shape_cast %swap3A_1271 : vector<1x1x16xf32> to vector<16xf32>
        %swap3A_1273 = vector.shape_cast %get3A_1002 : vector<16xf32> to vector<1x1x16xf32>
        tpu.vector_store %arg8[%swap3A_1268, %swap3A_1269, %swap3A_1270], %swap3A_1273 {add = true, strides = array<i32>} : memref<4x128x128xf32, #tpu.memory_space<vmem>>, vector<1x1x16xf32>,
        %swap3A_1274 = arith.constant 3 : i32
        %swap3A_1275 = arith.index_cast %swap3A_1274 : i32 to index
        %swap3A_1276 = arith.index_cast %add3A_1245 : i32 to index
        %swap3A_1277 = arith.constant 64 : index
        %swap3A_1278 = tpu.vector_load %arg8[%swap3A_1275, %swap3A_1276, %swap3A_1277] {strides = array<i32>} : memref<4x128x128xf32, #tpu.memory_space<vmem>>, vector<1x1x16xf32>,
        %swap3A_1279 = vector.shape_cast %swap3A_1278 : vector<1x1x16xf32> to vector<16xf32>
        %swap3A_1280 = vector.shape_cast %get3A_1006 : vector<16xf32> to vector<1x1x16xf32>
        tpu.vector_store %arg8[%swap3A_1275, %swap3A_1276, %swap3A_1277], %swap3A_1280 {add = true, strides = array<i32>} : memref<4x128x128xf32, #tpu.memory_space<vmem>>, vector<1x1x16xf32>,
        %swap3A_1281 = arith.constant 3 : i32
        %swap3A_1282 = arith.index_cast %swap3A_1281 : i32 to index
        %swap3A_1283 = arith.index_cast %add3A_1245 : i32 to index
        %swap3A_1284 = arith.constant 80 : index
        %swap3A_1285 = tpu.vector_load %arg8[%swap3A_1282, %swap3A_1283, %swap3A_1284] {strides = array<i32>} : memref<4x128x128xf32, #tpu.memory_space<vmem>>, vector<1x1x16xf32>,
        %swap3A_1286 = vector.shape_cast %swap3A_1285 : vector<1x1x16xf32> to vector<16xf32>
        %swap3A_1287 = vector.shape_cast %get3A_1010 : vector<16xf32> to vector<1x1x16xf32>
        tpu.vector_store %arg8[%swap3A_1282, %swap3A_1283, %swap3A_1284], %swap3A_1287 {add = true, strides = array<i32>} : memref<4x128x128xf32, #tpu.memory_space<vmem>>, vector<1x1x16xf32>,
        %swap3A_1288 = arith.constant 3 : i32
        %swap3A_1289 = arith.index_cast %swap3A_1288 : i32 to index
        %swap3A_1290 = arith.index_cast %add3A_1245 : i32 to index
        %swap3A_1291 = arith.constant 96 : index
        %swap3A_1292 = tpu.vector_load %arg8[%swap3A_1289, %swap3A_1290, %swap3A_1291] {strides = array<i32>} : memref<4x128x128xf32, #tpu.memory_space<vmem>>, vector<1x1x16xf32>,
        %swap3A_1293 = vector.shape_cast %swap3A_1292 : vector<1x1x16xf32> to vector<16xf32>
        %swap3A_1294 = vector.shape_cast %get3A_1014 : vector<16xf32> to vector<1x1x16xf32>
        tpu.vector_store %arg8[%swap3A_1289, %swap3A_1290, %swap3A_1291], %swap3A_1294 {add = true, strides = array<i32>} : memref<4x128x128xf32, #tpu.memory_space<vmem>>, vector<1x1x16xf32>,
        %swap3A_1295 = arith.constant 3 : i32
        %swap3A_1296 = arith.index_cast %swap3A_1295 : i32 to index
        %swap3A_1297 = arith.index_cast %add3A_1245 : i32 to index
        %swap3A_1298 = arith.constant 112 : index
        %swap3A_1299 = tpu.vector_load %arg8[%swap3A_1296, %swap3A_1297, %swap3A_1298] {strides = array<i32>} : memref<4x128x128xf32, #tpu.memory_space<vmem>>, vector<1x1x16xf32>,
        %swap3A_1300 = vector.shape_cast %swap3A_1299 : vector<1x1x16xf32> to vector<16xf32>
        %swap3A_1301 = vector.shape_cast %get3A_1018 : vector<16xf32> to vector<1x1x16xf32>
        tpu.vector_store %arg8[%swap3A_1296, %swap3A_1297, %swap3A_1298], %swap3A_1301 {add = true, strides = array<i32>} : memref<4x128x128xf32, #tpu.memory_space<vmem>>, vector<1x1x16xf32>,
      }
      %scan3A_1023 = arith.constant 64 : i32
      %dma_start3A_1024 = arith.constant 3 : i32
      %dma_start3A_1025 = arith.constant 3 : i32
      %dma_start3A_1026 = arith.constant 0 : i32
      %dma_start3A_1027 = arith.constant 0 : i32
      %dma_start3A_1028 = arith.constant 0 : i32
      %dma_start3A_1029 = tpu.memref_slice %arg8[%dma_start3A_1024, %dma_start3A_1027, %dma_start3A_1028] : memref<4x128x128xf32, #tpu.memory_space<vmem>> -> memref<1x64x128xf32, #tpu.memory_space<vmem>>
      %dma_start3A_1030 = tpu.memref_squeeze %dma_start3A_1029 : memref<1x64x128xf32, #tpu.memory_space<vmem>> -> memref<64x128xf32, #tpu.memory_space<vmem>>
      %dma_start3A_1031 = arith.constant 0 : i32
      %dma_start3A_1032 = tpu.memref_slice %arg9[%dma_start3A_1025, %dma_start3A_1026, %dma_start3A_1031] : memref<4x2x64xi32, #tpu.memory_space<vmem>> -> memref<1x1x64xi32, #tpu.memory_space<vmem>>
      %dma_start3A_1033 = tpu.memref_squeeze %dma_start3A_1032 : memref<1x1x64xi32, #tpu.memory_space<vmem>> -> memref<64xi32, #tpu.memory_space<vmem>>
      %dma_start3A_1034 = arith.constant 0 : i32
      %dma_start3A_1035 = arith.constant 0 : i32
      %dma_start3A_1036 = tpu.memref_slice %arg5[%dma_start3A_1034, %dma_start3A_1035] : memref<819200x128xf32, #tpu.memory_space<hbm>> -> memref<819200x128xf32, #tpu.memory_space<hbm>>
      tpu.enqueue_indirect_dma source(%dma_start3A_1030 : memref<64x128xf32, #tpu.memory_space<vmem>>) target(%dma_start3A_1036 : memref<819200x128xf32, #tpu.memory_space<hbm>>) offsets(%dma_start3A_1033 : memref<64xi32, #tpu.memory_space<vmem>>) semaphore(%arg19 : memref<!tpu.dma_semaphore, #tpu.memory_space<semaphore_mem>>)
      %scan3A_1037 = arith.constant 0 : i32
      %scan3A_1038 = arith.constant 64 : i32
      %scan3A_1039 = arith.addi %scan3A_1037, %scan3A_1038 : i32
      %scan3A_1040 = arith.constant 4 : i32
      scf.for %scan3A_1055 = %scan3A_1037 to %scan3A_1039 step %scan3A_1040  : i32 {
        %mul3A_1056 = arith.constant 1 : i32
        %mul3A_1057 = arith.muli %scan3A_1055, %mul3A_1056 : i32
        %add3A_1058 = arith.constant 64 : i32
        %add3A_1059 = arith.addi %add3A_1058, %mul3A_1057 : i32
        %swap3A_1060 = arith.constant 3 : i32
        %swap3A_1061 = arith.index_cast %swap3A_1060 : i32 to index
        %swap3A_1062 = arith.index_cast %add3A_1059 : i32 to index
        %swap3A_1063 = arith.constant 0 : index
        %swap3A_1064 = tpu.vector_load %arg8[%swap3A_1061, %swap3A_1062, %swap3A_1063] {strides = array<i32>} : memref<4x128x128xf32, #tpu.memory_space<vmem>>, vector<1x1x16xf32>,
        %swap3A_1065 = vector.shape_cast %swap3A_1064 : vector<1x1x16xf32> to vector<16xf32>
        %swap3A_1066 = vector.shape_cast %get3A_990 : vector<16xf32> to vector<1x1x16xf32>
        tpu.vector_store %arg8[%swap3A_1061, %swap3A_1062, %swap3A_1063], %swap3A_1066 {add = true, strides = array<i32>} : memref<4x128x128xf32, #tpu.memory_space<vmem>>, vector<1x1x16xf32>,
        %swap3A_1067 = arith.constant 3 : i32
        %swap3A_1068 = arith.index_cast %swap3A_1067 : i32 to index
        %swap3A_1069 = arith.index_cast %add3A_1059 : i32 to index
        %swap3A_1070 = arith.constant 16 : index
        %swap3A_1071 = tpu.vector_load %arg8[%swap3A_1068, %swap3A_1069, %swap3A_1070] {strides = array<i32>} : memref<4x128x128xf32, #tpu.memory_space<vmem>>, vector<1x1x16xf32>,
        %swap3A_1072 = vector.shape_cast %swap3A_1071 : vector<1x1x16xf32> to vector<16xf32>
        %swap3A_1073 = vector.shape_cast %get3A_994 : vector<16xf32> to vector<1x1x16xf32>
        tpu.vector_store %arg8[%swap3A_1068, %swap3A_1069, %swap3A_1070], %swap3A_1073 {add = true, strides = array<i32>} : memref<4x128x128xf32, #tpu.memory_space<vmem>>, vector<1x1x16xf32>,
        %swap3A_1074 = arith.constant 3 : i32
        %swap3A_1075 = arith.index_cast %swap3A_1074 : i32 to index
        %swap3A_1076 = arith.index_cast %add3A_1059 : i32 to index
        %swap3A_1077 = arith.constant 32 : index
        %swap3A_1078 = tpu.vector_load %arg8[%swap3A_1075, %swap3A_1076, %swap3A_1077] {strides = array<i32>} : memref<4x128x128xf32, #tpu.memory_space<vmem>>, vector<1x1x16xf32>,
        %swap3A_1079 = vector.shape_cast %swap3A_1078 : vector<1x1x16xf32> to vector<16xf32>
        %swap3A_1080 = vector.shape_cast %get3A_998 : vector<16xf32> to vector<1x1x16xf32>
        tpu.vector_store %arg8[%swap3A_1075, %swap3A_1076, %swap3A_1077], %swap3A_1080 {add = true, strides = array<i32>} : memref<4x128x128xf32, #tpu.memory_space<vmem>>, vector<1x1x16xf32>,
        %swap3A_1081 = arith.constant 3 : i32
        %swap3A_1082 = arith.index_cast %swap3A_1081 : i32 to index
        %swap3A_1083 = arith.index_cast %add3A_1059 : i32 to index
        %swap3A_1084 = arith.constant 48 : index
        %swap3A_1085 = tpu.vector_load %arg8[%swap3A_1082, %swap3A_1083, %swap3A_1084] {strides = array<i32>} : memref<4x128x128xf32, #tpu.memory_space<vmem>>, vector<1x1x16xf32>,
        %swap3A_1086 = vector.shape_cast %swap3A_1085 : vector<1x1x16xf32> to vector<16xf32>
        %swap3A_1087 = vector.shape_cast %get3A_1002 : vector<16xf32> to vector<1x1x16xf32>
        tpu.vector_store %arg8[%swap3A_1082, %swap3A_1083, %swap3A_1084], %swap3A_1087 {add = true, strides = array<i32>} : memref<4x128x128xf32, #tpu.memory_space<vmem>>, vector<1x1x16xf32>,
        %swap3A_1088 = arith.constant 3 : i32
        %swap3A_1089 = arith.index_cast %swap3A_1088 : i32 to index
        %swap3A_1090 = arith.index_cast %add3A_1059 : i32 to index
        %swap3A_1091 = arith.constant 64 : index
        %swap3A_1092 = tpu.vector_load %arg8[%swap3A_1089, %swap3A_1090, %swap3A_1091] {strides = array<i32>} : memref<4x128x128xf32, #tpu.memory_space<vmem>>, vector<1x1x16xf32>,
        %swap3A_1093 = vector.shape_cast %swap3A_1092 : vector<1x1x16xf32> to vector<16xf32>
        %swap3A_1094 = vector.shape_cast %get3A_1006 : vector<16xf32> to vector<1x1x16xf32>
        tpu.vector_store %arg8[%swap3A_1089, %swap3A_1090, %swap3A_1091], %swap3A_1094 {add = true, strides = array<i32>} : memref<4x128x128xf32, #tpu.memory_space<vmem>>, vector<1x1x16xf32>,
        %swap3A_1095 = arith.constant 3 : i32
        %swap3A_1096 = arith.index_cast %swap3A_1095 : i32 to index
        %swap3A_1097 = arith.index_cast %add3A_1059 : i32 to index
        %swap3A_1098 = arith.constant 80 : index
        %swap3A_1099 = tpu.vector_load %arg8[%swap3A_1096, %swap3A_1097, %swap3A_1098] {strides = array<i32>} : memref<4x128x128xf32, #tpu.memory_space<vmem>>, vector<1x1x16xf32>,
        %swap3A_1100 = vector.shape_cast %swap3A_1099 : vector<1x1x16xf32> to vector<16xf32>
        %swap3A_1101 = vector.shape_cast %get3A_1010 : vector<16xf32> to vector<1x1x16xf32>
        tpu.vector_store %arg8[%swap3A_1096, %swap3A_1097, %swap3A_1098], %swap3A_1101 {add = true, strides = array<i32>} : memref<4x128x128xf32, #tpu.memory_space<vmem>>, vector<1x1x16xf32>,
        %swap3A_1102 = arith.constant 3 : i32
        %swap3A_1103 = arith.index_cast %swap3A_1102 : i32 to index
        %swap3A_1104 = arith.index_cast %add3A_1059 : i32 to index
        %swap3A_1105 = arith.constant 96 : index
        %swap3A_1106 = tpu.vector_load %arg8[%swap3A_1103, %swap3A_1104, %swap3A_1105] {strides = array<i32>} : memref<4x128x128xf32, #tpu.memory_space<vmem>>, vector<1x1x16xf32>,
        %swap3A_1107 = vector.shape_cast %swap3A_1106 : vector<1x1x16xf32> to vector<16xf32>
        %swap3A_1108 = vector.shape_cast %get3A_1014 : vector<16xf32> to vector<1x1x16xf32>
        tpu.vector_store %arg8[%swap3A_1103, %swap3A_1104, %swap3A_1105], %swap3A_1108 {add = true, strides = array<i32>} : memref<4x128x128xf32, #tpu.memory_space<vmem>>, vector<1x1x16xf32>,
        %swap3A_1109 = arith.constant 3 : i32
        %swap3A_1110 = arith.index_cast %swap3A_1109 : i32 to index
        %swap3A_1111 = arith.index_cast %add3A_1059 : i32 to index
        %swap3A_1112 = arith.constant 112 : index
        %swap3A_1113 = tpu.vector_load %arg8[%swap3A_1110, %swap3A_1111, %swap3A_1112] {strides = array<i32>} : memref<4x128x128xf32, #tpu.memory_space<vmem>>, vector<1x1x16xf32>,
        %swap3A_1114 = vector.shape_cast %swap3A_1113 : vector<1x1x16xf32> to vector<16xf32>
        %swap3A_1115 = vector.shape_cast %get3A_1018 : vector<16xf32> to vector<1x1x16xf32>
        tpu.vector_store %arg8[%swap3A_1110, %swap3A_1111, %swap3A_1112], %swap3A_1115 {add = true, strides = array<i32>} : memref<4x128x128xf32, #tpu.memory_space<vmem>>, vector<1x1x16xf32>,
        %scan3A_1116 = arith.constant 1 : i32
        %scan3A_1117 = arith.addi %scan3A_1055, %scan3A_1116 : i32
        %mul3A_1118 = arith.constant 1 : i32
        %mul3A_1119 = arith.muli %scan3A_1117, %mul3A_1118 : i32
        %add3A_1120 = arith.constant 64 : i32
        %add3A_1121 = arith.addi %add3A_1120, %mul3A_1119 : i32
        %swap3A_1122 = arith.constant 3 : i32
        %swap3A_1123 = arith.index_cast %swap3A_1122 : i32 to index
        %swap3A_1124 = arith.index_cast %add3A_1121 : i32 to index
        %swap3A_1125 = arith.constant 0 : index
        %swap3A_1126 = tpu.vector_load %arg8[%swap3A_1123, %swap3A_1124, %swap3A_1125] {strides = array<i32>} : memref<4x128x128xf32, #tpu.memory_space<vmem>>, vector<1x1x16xf32>,
        %swap3A_1127 = vector.shape_cast %swap3A_1126 : vector<1x1x16xf32> to vector<16xf32>
        %swap3A_1128 = vector.shape_cast %get3A_990 : vector<16xf32> to vector<1x1x16xf32>
        tpu.vector_store %arg8[%swap3A_1123, %swap3A_1124, %swap3A_1125], %swap3A_1128 {add = true, strides = array<i32>} : memref<4x128x128xf32, #tpu.memory_space<vmem>>, vector<1x1x16xf32>,
        %swap3A_1129 = arith.constant 3 : i32
        %swap3A_1130 = arith.index_cast %swap3A_1129 : i32 to index
        %swap3A_1131 = arith.index_cast %add3A_1121 : i32 to index
        %swap3A_1132 = arith.constant 16 : index
        %swap3A_1133 = tpu.vector_load %arg8[%swap3A_1130, %swap3A_1131, %swap3A_1132] {strides = array<i32>} : memref<4x128x128xf32, #tpu.memory_space<vmem>>, vector<1x1x16xf32>,
        %swap3A_1134 = vector.shape_cast %swap3A_1133 : vector<1x1x16xf32> to vector<16xf32>
        %swap3A_1135 = vector.shape_cast %get3A_994 : vector<16xf32> to vector<1x1x16xf32>
        tpu.vector_store %arg8[%swap3A_1130, %swap3A_1131, %swap3A_1132], %swap3A_1135 {add = true, strides = array<i32>} : memref<4x128x128xf32, #tpu.memory_space<vmem>>, vector<1x1x16xf32>,
        %swap3A_1136 = arith.constant 3 : i32
        %swap3A_1137 = arith.index_cast %swap3A_1136 : i32 to index
        %swap3A_1138 = arith.index_cast %add3A_1121 : i32 to index
        %swap3A_1139 = arith.constant 32 : index
        %swap3A_1140 = tpu.vector_load %arg8[%swap3A_1137, %swap3A_1138, %swap3A_1139] {strides = array<i32>} : memref<4x128x128xf32, #tpu.memory_space<vmem>>, vector<1x1x16xf32>,
        %swap3A_1141 = vector.shape_cast %swap3A_1140 : vector<1x1x16xf32> to vector<16xf32>
        %swap3A_1142 = vector.shape_cast %get3A_998 : vector<16xf32> to vector<1x1x16xf32>
        tpu.vector_store %arg8[%swap3A_1137, %swap3A_1138, %swap3A_1139], %swap3A_1142 {add = true, strides = array<i32>} : memref<4x128x128xf32, #tpu.memory_space<vmem>>, vector<1x1x16xf32>,
        %swap3A_1143 = arith.constant 3 : i32
        %swap3A_1144 = arith.index_cast %swap3A_1143 : i32 to index
        %swap3A_1145 = arith.index_cast %add3A_1121 : i32 to index
        %swap3A_1146 = arith.constant 48 : index
        %swap3A_1147 = tpu.vector_load %arg8[%swap3A_1144, %swap3A_1145, %swap3A_1146] {strides = array<i32>} : memref<4x128x128xf32, #tpu.memory_space<vmem>>, vector<1x1x16xf32>,
        %swap3A_1148 = vector.shape_cast %swap3A_1147 : vector<1x1x16xf32> to vector<16xf32>
        %swap3A_1149 = vector.shape_cast %get3A_1002 : vector<16xf32> to vector<1x1x16xf32>
        tpu.vector_store %arg8[%swap3A_1144, %swap3A_1145, %swap3A_1146], %swap3A_1149 {add = true, strides = array<i32>} : memref<4x128x128xf32, #tpu.memory_space<vmem>>, vector<1x1x16xf32>,
        %swap3A_1150 = arith.constant 3 : i32
        %swap3A_1151 = arith.index_cast %swap3A_1150 : i32 to index
        %swap3A_1152 = arith.index_cast %add3A_1121 : i32 to index
        %swap3A_1153 = arith.constant 64 : index
        %swap3A_1154 = tpu.vector_load %arg8[%swap3A_1151, %swap3A_1152, %swap3A_1153] {strides = array<i32>} : memref<4x128x128xf32, #tpu.memory_space<vmem>>, vector<1x1x16xf32>,
        %swap3A_1155 = vector.shape_cast %swap3A_1154 : vector<1x1x16xf32> to vector<16xf32>
        %swap3A_1156 = vector.shape_cast %get3A_1006 : vector<16xf32> to vector<1x1x16xf32>
        tpu.vector_store %arg8[%swap3A_1151, %swap3A_1152, %swap3A_1153], %swap3A_1156 {add = true, strides = array<i32>} : memref<4x128x128xf32, #tpu.memory_space<vmem>>, vector<1x1x16xf32>,
        %swap3A_1157 = arith.constant 3 : i32
        %swap3A_1158 = arith.index_cast %swap3A_1157 : i32 to index
        %swap3A_1159 = arith.index_cast %add3A_1121 : i32 to index
        %swap3A_1160 = arith.constant 80 : index
        %swap3A_1161 = tpu.vector_load %arg8[%swap3A_1158, %swap3A_1159, %swap3A_1160] {strides = array<i32>} : memref<4x128x128xf32, #tpu.memory_space<vmem>>, vector<1x1x16xf32>,
        %swap3A_1162 = vector.shape_cast %swap3A_1161 : vector<1x1x16xf32> to vector<16xf32>
        %swap3A_1163 = vector.shape_cast %get3A_1010 : vector<16xf32> to vector<1x1x16xf32>
        tpu.vector_store %arg8[%swap3A_1158, %swap3A_1159, %swap3A_1160], %swap3A_1163 {add = true, strides = array<i32>} : memref<4x128x128xf32, #tpu.memory_space<vmem>>, vector<1x1x16xf32>,
        %swap3A_1164 = arith.constant 3 : i32
        %swap3A_1165 = arith.index_cast %swap3A_1164 : i32 to index
        %swap3A_1166 = arith.index_cast %add3A_1121 : i32 to index
        %swap3A_1167 = arith.constant 96 : index
        %swap3A_1168 = tpu.vector_load %arg8[%swap3A_1165, %swap3A_1166, %swap3A_1167] {strides = array<i32>} : memref<4x128x128xf32, #tpu.memory_space<vmem>>, vector<1x1x16xf32>,
        %swap3A_1169 = vector.shape_cast %swap3A_1168 : vector<1x1x16xf32> to vector<16xf32>
        %swap3A_1170 = vector.shape_cast %get3A_1014 : vector<16xf32> to vector<1x1x16xf32>
        tpu.vector_store %arg8[%swap3A_1165, %swap3A_1166, %swap3A_1167], %swap3A_1170 {add = true, strides = array<i32>} : memref<4x128x128xf32, #tpu.memory_space<vmem>>, vector<1x1x16xf32>,
        %swap3A_1171 = arith.constant 3 : i32
        %swap3A_1172 = arith.index_cast %swap3A_1171 : i32 to index
        %swap3A_1173 = arith.index_cast %add3A_1121 : i32 to index
        %swap3A_1174 = arith.constant 112 : index
        %swap3A_1175 = tpu.vector_load %arg8[%swap3A_1172, %swap3A_1173, %swap3A_1174] {strides = array<i32>} : memref<4x128x128xf32, #tpu.memory_space<vmem>>, vector<1x1x16xf32>,
        %swap3A_1176 = vector.shape_cast %swap3A_1175 : vector<1x1x16xf32> to vector<16xf32>
        %swap3A_1177 = vector.shape_cast %get3A_1018 : vector<16xf32> to vector<1x1x16xf32>
        tpu.vector_store %arg8[%swap3A_1172, %swap3A_1173, %swap3A_1174], %swap3A_1177 {add = true, strides = array<i32>} : memref<4x128x128xf32, #tpu.memory_space<vmem>>, vector<1x1x16xf32>,
        %scan3A_1178 = arith.constant 2 : i32
        %scan3A_1179 = arith.addi %scan3A_1055, %scan3A_1178 : i32
        %mul3A_1180 = arith.constant 1 : i32
        %mul3A_1181 = arith.muli %scan3A_1179, %mul3A_1180 : i32
        %add3A_1182 = arith.constant 64 : i32
        %add3A_1183 = arith.addi %add3A_1182, %mul3A_1181 : i32
        %swap3A_1184 = arith.constant 3 : i32
        %swap3A_1185 = arith.index_cast %swap3A_1184 : i32 to index
        %swap3A_1186 = arith.index_cast %add3A_1183 : i32 to index
        %swap3A_1187 = arith.constant 0 : index
        %swap3A_1188 = tpu.vector_load %arg8[%swap3A_1185, %swap3A_1186, %swap3A_1187] {strides = array<i32>} : memref<4x128x128xf32, #tpu.memory_space<vmem>>, vector<1x1x16xf32>,
        %swap3A_1189 = vector.shape_cast %swap3A_1188 : vector<1x1x16xf32> to vector<16xf32>
        %swap3A_1190 = vector.shape_cast %get3A_990 : vector<16xf32> to vector<1x1x16xf32>
        tpu.vector_store %arg8[%swap3A_1185, %swap3A_1186, %swap3A_1187], %swap3A_1190 {add = true, strides = array<i32>} : memref<4x128x128xf32, #tpu.memory_space<vmem>>, vector<1x1x16xf32>,
        %swap3A_1191 = arith.constant 3 : i32
        %swap3A_1192 = arith.index_cast %swap3A_1191 : i32 to index
        %swap3A_1193 = arith.index_cast %add3A_1183 : i32 to index
        %swap3A_1194 = arith.constant 16 : index
        %swap3A_1195 = tpu.vector_load %arg8[%swap3A_1192, %swap3A_1193, %swap3A_1194] {strides = array<i32>} : memref<4x128x128xf32, #tpu.memory_space<vmem>>, vector<1x1x16xf32>,
        %swap3A_1196 = vector.shape_cast %swap3A_1195 : vector<1x1x16xf32> to vector<16xf32>
        %swap3A_1197 = vector.shape_cast %get3A_994 : vector<16xf32> to vector<1x1x16xf32>
        tpu.vector_store %arg8[%swap3A_1192, %swap3A_1193, %swap3A_1194], %swap3A_1197 {add = true, strides = array<i32>} : memref<4x128x128xf32, #tpu.memory_space<vmem>>, vector<1x1x16xf32>,
        %swap3A_1198 = arith.constant 3 : i32
        %swap3A_1199 = arith.index_cast %swap3A_1198 : i32 to index
        %swap3A_1200 = arith.index_cast %add3A_1183 : i32 to index
        %swap3A_1201 = arith.constant 32 : index
        %swap3A_1202 = tpu.vector_load %arg8[%swap3A_1199, %swap3A_1200, %swap3A_1201] {strides = array<i32>} : memref<4x128x128xf32, #tpu.memory_space<vmem>>, vector<1x1x16xf32>,
        %swap3A_1203 = vector.shape_cast %swap3A_1202 : vector<1x1x16xf32> to vector<16xf32>
        %swap3A_1204 = vector.shape_cast %get3A_998 : vector<16xf32> to vector<1x1x16xf32>
        tpu.vector_store %arg8[%swap3A_1199, %swap3A_1200, %swap3A_1201], %swap3A_1204 {add = true, strides = array<i32>} : memref<4x128x128xf32, #tpu.memory_space<vmem>>, vector<1x1x16xf32>,
        %swap3A_1205 = arith.constant 3 : i32
        %swap3A_1206 = arith.index_cast %swap3A_1205 : i32 to index
        %swap3A_1207 = arith.index_cast %add3A_1183 : i32 to index
        %swap3A_1208 = arith.constant 48 : index
        %swap3A_1209 = tpu.vector_load %arg8[%swap3A_1206, %swap3A_1207, %swap3A_1208] {strides = array<i32>} : memref<4x128x128xf32, #tpu.memory_space<vmem>>, vector<1x1x16xf32>,
        %swap3A_1210 = vector.shape_cast %swap3A_1209 : vector<1x1x16xf32> to vector<16xf32>
        %swap3A_1211 = vector.shape_cast %get3A_1002 : vector<16xf32> to vector<1x1x16xf32>
        tpu.vector_store %arg8[%swap3A_1206, %swap3A_1207, %swap3A_1208], %swap3A_1211 {add = true, strides = array<i32>} : memref<4x128x128xf32, #tpu.memory_space<vmem>>, vector<1x1x16xf32>,
        %swap3A_1212 = arith.constant 3 : i32
        %swap3A_1213 = arith.index_cast %swap3A_1212 : i32 to index
        %swap3A_1214 = arith.index_cast %add3A_1183 : i32 to index
        %swap3A_1215 = arith.constant 64 : index
        %swap3A_1216 = tpu.vector_load %arg8[%swap3A_1213, %swap3A_1214, %swap3A_1215] {strides = array<i32>} : memref<4x128x128xf32, #tpu.memory_space<vmem>>, vector<1x1x16xf32>,
        %swap3A_1217 = vector.shape_cast %swap3A_1216 : vector<1x1x16xf32> to vector<16xf32>
        %swap3A_1218 = vector.shape_cast %get3A_1006 : vector<16xf32> to vector<1x1x16xf32>
        tpu.vector_store %arg8[%swap3A_1213, %swap3A_1214, %swap3A_1215], %swap3A_1218 {add = true, strides = array<i32>} : memref<4x128x128xf32, #tpu.memory_space<vmem>>, vector<1x1x16xf32>,
        %swap3A_1219 = arith.constant 3 : i32
        %swap3A_1220 = arith.index_cast %swap3A_1219 : i32 to index
        %swap3A_1221 = arith.index_cast %add3A_1183 : i32 to index
        %swap3A_1222 = arith.constant 80 : index
        %swap3A_1223 = tpu.vector_load %arg8[%swap3A_1220, %swap3A_1221, %swap3A_1222] {strides = array<i32>} : memref<4x128x128xf32, #tpu.memory_space<vmem>>, vector<1x1x16xf32>,
        %swap3A_1224 = vector.shape_cast %swap3A_1223 : vector<1x1x16xf32> to vector<16xf32>
        %swap3A_1225 = vector.shape_cast %get3A_1010 : vector<16xf32> to vector<1x1x16xf32>
        tpu.vector_store %arg8[%swap3A_1220, %swap3A_1221, %swap3A_1222], %swap3A_1225 {add = true, strides = array<i32>} : memref<4x128x128xf32, #tpu.memory_space<vmem>>, vector<1x1x16xf32>,
        %swap3A_1226 = arith.constant 3 : i32
        %swap3A_1227 = arith.index_cast %swap3A_1226 : i32 to index
        %swap3A_1228 = arith.index_cast %add3A_1183 : i32 to index
        %swap3A_1229 = arith.constant 96 : index
        %swap3A_1230 = tpu.vector_load %arg8[%swap3A_1227, %swap3A_1228, %swap3A_1229] {strides = array<i32>} : memref<4x128x128xf32, #tpu.memory_space<vmem>>, vector<1x1x16xf32>,
        %swap3A_1231 = vector.shape_cast %swap3A_1230 : vector<1x1x16xf32> to vector<16xf32>
        %swap3A_1232 = vector.shape_cast %get3A_1014 : vector<16xf32> to vector<1x1x16xf32>
        tpu.vector_store %arg8[%swap3A_1227, %swap3A_1228, %swap3A_1229], %swap3A_1232 {add = true, strides = array<i32>} : memref<4x128x128xf32, #tpu.memory_space<vmem>>, vector<1x1x16xf32>,
        %swap3A_1233 = arith.constant 3 : i32
        %swap3A_1234 = arith.index_cast %swap3A_1233 : i32 to index
        %swap3A_1235 = arith.index_cast %add3A_1183 : i32 to index
        %swap3A_1236 = arith.constant 112 : index
        %swap3A_1237 = tpu.vector_load %arg8[%swap3A_1234, %swap3A_1235, %swap3A_1236] {strides = array<i32>} : memref<4x128x128xf32, #tpu.memory_space<vmem>>, vector<1x1x16xf32>,
        %swap3A_1238 = vector.shape_cast %swap3A_1237 : vector<1x1x16xf32> to vector<16xf32>
        %swap3A_1239 = vector.shape_cast %get3A_1018 : vector<16xf32> to vector<1x1x16xf32>
        tpu.vector_store %arg8[%swap3A_1234, %swap3A_1235, %swap3A_1236], %swap3A_1239 {add = true, strides = array<i32>} : memref<4x128x128xf32, #tpu.memory_space<vmem>>, vector<1x1x16xf32>,
        %scan3A_1240 = arith.constant 3 : i32
        %scan3A_1241 = arith.addi %scan3A_1055, %scan3A_1240 : i32
        %mul3A_1242 = arith.constant 1 : i32
        %mul3A_1243 = arith.muli %scan3A_1241, %mul3A_1242 : i32
        %add3A_1244 = arith.constant 64 : i32
        %add3A_1245 = arith.addi %add3A_1244, %mul3A_1243 : i32
        %swap3A_1246 = arith.constant 3 : i32
        %swap3A_1247 = arith.index_cast %swap3A_1246 : i32 to index
        %swap3A_1248 = arith.index_cast %add3A_1245 : i32 to index
        %swap3A_1249 = arith.constant 0 : index
        %swap3A_1250 = tpu.vector_load %arg8[%swap3A_1247, %swap3A_1248, %swap3A_1249] {strides = array<i32>} : memref<4x128x128xf32, #tpu.memory_space<vmem>>, vector<1x1x16xf32>,
        %swap3A_1251 = vector.shape_cast %swap3A_1250 : vector<1x1x16xf32> to vector<16xf32>
        %swap3A_1252 = vector.shape_cast %get3A_990 : vector<16xf32> to vector<1x1x16xf32>
        tpu.vector_store %arg8[%swap3A_1247, %swap3A_1248, %swap3A_1249], %swap3A_1252 {add = true, strides = array<i32>} : memref<4x128x128xf32, #tpu.memory_space<vmem>>, vector<1x1x16xf32>,
        %swap3A_1253 = arith.constant 3 : i32
        %swap3A_1254 = arith.index_cast %swap3A_1253 : i32 to index
        %swap3A_1255 = arith.index_cast %add3A_1245 : i32 to index
        %swap3A_1256 = arith.constant 16 : index
        %swap3A_1257 = tpu.vector_load %arg8[%swap3A_1254, %swap3A_1255, %swap3A_1256] {strides = array<i32>} : memref<4x128x128xf32, #tpu.memory_space<vmem>>, vector<1x1x16xf32>,
        %swap3A_1258 = vector.shape_cast %swap3A_1257 : vector<1x1x16xf32> to vector<16xf32>
        %swap3A_1259 = vector.shape_cast %get3A_994 : vector<16xf32> to vector<1x1x16xf32>
        tpu.vector_store %arg8[%swap3A_1254, %swap3A_1255, %swap3A_1256], %swap3A_1259 {add = true, strides = array<i32>} : memref<4x128x128xf32, #tpu.memory_space<vmem>>, vector<1x1x16xf32>,
        %swap3A_1260 = arith.constant 3 : i32
        %swap3A_1261 = arith.index_cast %swap3A_1260 : i32 to index
        %swap3A_1262 = arith.index_cast %add3A_1245 : i32 to index
        %swap3A_1263 = arith.constant 32 : index
        %swap3A_1264 = tpu.vector_load %arg8[%swap3A_1261, %swap3A_1262, %swap3A_1263] {strides = array<i32>} : memref<4x128x128xf32, #tpu.memory_space<vmem>>, vector<1x1x16xf32>,
        %swap3A_1265 = vector.shape_cast %swap3A_1264 : vector<1x1x16xf32> to vector<16xf32>
        %swap3A_1266 = vector.shape_cast %get3A_998 : vector<16xf32> to vector<1x1x16xf32>
        tpu.vector_store %arg8[%swap3A_1261, %swap3A_1262, %swap3A_1263], %swap3A_1266 {add = true, strides = array<i32>} : memref<4x128x128xf32, #tpu.memory_space<vmem>>, vector<1x1x16xf32>,
        %swap3A_1267 = arith.constant 3 : i32
        %swap3A_1268 = arith.index_cast %swap3A_1267 : i32 to index
        %swap3A_1269 = arith.index_cast %add3A_1245 : i32 to index
        %swap3A_1270 = arith.constant 48 : index
        %swap3A_1271 = tpu.vector_load %arg8[%swap3A_1268, %swap3A_1269, %swap3A_1270] {strides = array<i32>} : memref<4x128x128xf32, #tpu.memory_space<vmem>>, vector<1x1x16xf32>,
        %swap3A_1272 = vector.shape_cast %swap3A_1271 : vector<1x1x16xf32> to vector<16xf32>
        %swap3A_1273 = vector.shape_cast %get3A_1002 : vector<16xf32> to vector<1x1x16xf32>
        tpu.vector_store %arg8[%swap3A_1268, %swap3A_1269, %swap3A_1270], %swap3A_1273 {add = true, strides = array<i32>} : memref<4x128x128xf32, #tpu.memory_space<vmem>>, vector<1x1x16xf32>,
        %swap3A_1274 = arith.constant 3 : i32
        %swap3A_1275 = arith.index_cast %swap3A_1274 : i32 to index
        %swap3A_1276 = arith.index_cast %add3A_1245 : i32 to index
        %swap3A_1277 = arith.constant 64 : index
        %swap3A_1278 = tpu.vector_load %arg8[%swap3A_1275, %swap3A_1276, %swap3A_1277] {strides = array<i32>} : memref<4x128x128xf32, #tpu.memory_space<vmem>>, vector<1x1x16xf32>,
        %swap3A_1279 = vector.shape_cast %swap3A_1278 : vector<1x1x16xf32> to vector<16xf32>
        %swap3A_1280 = vector.shape_cast %get3A_1006 : vector<16xf32> to vector<1x1x16xf32>
        tpu.vector_store %arg8[%swap3A_1275, %swap3A_1276, %swap3A_1277], %swap3A_1280 {add = true, strides = array<i32>} : memref<4x128x128xf32, #tpu.memory_space<vmem>>, vector<1x1x16xf32>,
        %swap3A_1281 = arith.constant 3 : i32
        %swap3A_1282 = arith.index_cast %swap3A_1281 : i32 to index
        %swap3A_1283 = arith.index_cast %add3A_1245 : i32 to index
        %swap3A_1284 = arith.constant 80 : index
        %swap3A_1285 = tpu.vector_load %arg8[%swap3A_1282, %swap3A_1283, %swap3A_1284] {strides = array<i32>} : memref<4x128x128xf32, #tpu.memory_space<vmem>>, vector<1x1x16xf32>,
        %swap3A_1286 = vector.shape_cast %swap3A_1285 : vector<1x1x16xf32> to vector<16xf32>
        %swap3A_1287 = vector.shape_cast %get3A_1010 : vector<16xf32> to vector<1x1x16xf32>
        tpu.vector_store %arg8[%swap3A_1282, %swap3A_1283, %swap3A_1284], %swap3A_1287 {add = true, strides = array<i32>} : memref<4x128x128xf32, #tpu.memory_space<vmem>>, vector<1x1x16xf32>,
        %swap3A_1288 = arith.constant 3 : i32
        %swap3A_1289 = arith.index_cast %swap3A_1288 : i32 to index
        %swap3A_1290 = arith.index_cast %add3A_1245 : i32 to index
        %swap3A_1291 = arith.constant 96 : index
        %swap3A_1292 = tpu.vector_load %arg8[%swap3A_1289, %swap3A_1290, %swap3A_1291] {strides = array<i32>} : memref<4x128x128xf32, #tpu.memory_space<vmem>>, vector<1x1x16xf32>,
        %swap3A_1293 = vector.shape_cast %swap3A_1292 : vector<1x1x16xf32> to vector<16xf32>
        %swap3A_1294 = vector.shape_cast %get3A_1014 : vector<16xf32> to vector<1x1x16xf32>
        tpu.vector_store %arg8[%swap3A_1289, %swap3A_1290, %swap3A_1291], %swap3A_1294 {add = true, strides = array<i32>} : memref<4x128x128xf32, #tpu.memory_space<vmem>>, vector<1x1x16xf32>,
        %swap3A_1295 = arith.constant 3 : i32
        %swap3A_1296 = arith.index_cast %swap3A_1295 : i32 to index
        %swap3A_1297 = arith.index_cast %add3A_1245 : i32 to index
        %swap3A_1298 = arith.constant 112 : index
        %swap3A_1299 = tpu.vector_load %arg8[%swap3A_1296, %swap3A_1297, %swap3A_1298] {strides = array<i32>} : memref<4x128x128xf32, #tpu.memory_space<vmem>>, vector<1x1x16xf32>,
        %swap3A_1300 = vector.shape_cast %swap3A_1299 : vector<1x1x16xf32> to vector<16xf32>
        %swap3A_1301 = vector.shape_cast %get3A_1018 : vector<16xf32> to vector<1x1x16xf32>
        tpu.vector_store %arg8[%swap3A_1296, %swap3A_1297, %swap3A_1298], %swap3A_1301 {add = true, strides = array<i32>} : memref<4x128x128xf32, #tpu.memory_space<vmem>>, vector<1x1x16xf32>,
      }
      %scan3A_1041 = arith.constant 64 : i32
      %dma_start3A_1042 = arith.constant 3 : i32
      %dma_start3A_1043 = arith.constant 3 : i32
      %dma_start3A_1044 = arith.constant 1 : i32
      %dma_start3A_1045 = arith.constant 64 : i32
      %dma_start3A_1046 = arith.constant 0 : i32
      %dma_start3A_1047 = tpu.memref_slice %arg8[%dma_start3A_1042, %dma_start3A_1045, %dma_start3A_1046] : memref<4x128x128xf32, #tpu.memory_space<vmem>> -> memref<1x64x128xf32, #tpu.memory_space<vmem>>
      %dma_start3A_1048 = tpu.memref_squeeze %dma_start3A_1047 : memref<1x64x128xf32, #tpu.memory_space<vmem>> -> memref<64x128xf32, #tpu.memory_space<vmem>>
      %dma_start3A_1049 = arith.constant 0 : i32
      %dma_start3A_1050 = tpu.memref_slice %arg9[%dma_start3A_1043, %dma_start3A_1044, %dma_start3A_1049] : memref<4x2x64xi32, #tpu.memory_space<vmem>> -> memref<1x1x64xi32, #tpu.memory_space<vmem>>
      %dma_start3A_1051 = tpu.memref_squeeze %dma_start3A_1050 : memref<1x1x64xi32, #tpu.memory_space<vmem>> -> memref<64xi32, #tpu.memory_space<vmem>>
      %dma_start3A_1052 = arith.constant 0 : i32
      %dma_start3A_1053 = arith.constant 0 : i32
      %dma_start3A_1054 = tpu.memref_slice %arg5[%dma_start3A_1052, %dma_start3A_1053] : memref<819200x128xf32, #tpu.memory_space<hbm>> -> memref<819200x128xf32, #tpu.memory_space<hbm>>
      tpu.enqueue_indirect_dma source(%dma_start3A_1048 : memref<64x128xf32, #tpu.memory_space<vmem>>) target(%dma_start3A_1054 : memref<819200x128xf32, #tpu.memory_space<hbm>>) offsets(%dma_start3A_1051 : memref<64xi32, #tpu.memory_space<vmem>>) semaphore(%arg19 : memref<!tpu.dma_semaphore, #tpu.memory_space<semaphore_mem>>)
    }
    %scan3A_149 = arith.constant 50 : i32
    %dma_wait3A = arith.constant 2 : i32
    %dma_wait3A_150 = arith.constant 2 : i32
    %dma_wait3A_151 = arith.constant 0 : i32
    %dma_wait3A_152 = arith.constant 0 : i32
    %dma_wait3A_153 = arith.constant 0 : i32
    %dma_wait3A_154 = tpu.memref_slice %arg8[%dma_wait3A, %dma_wait3A_152, %dma_wait3A_153] : memref<4x128x128xf32, #tpu.memory_space<vmem>> -> memref<1x64x128xf32, #tpu.memory_space<vmem>>
    %dma_wait3A_155 = tpu.memref_squeeze %dma_wait3A_154 : memref<1x64x128xf32, #tpu.memory_space<vmem>> -> memref<64x128xf32, #tpu.memory_space<vmem>>
    %dma_wait3A_156 = arith.constant 0 : i32
    %dma_wait3A_157 = tpu.memref_slice %arg9[%dma_wait3A_150, %dma_wait3A_151, %dma_wait3A_156] : memref<4x2x64xi32, #tpu.memory_space<vmem>> -> memref<1x1x64xi32, #tpu.memory_space<vmem>>
    %dma_wait3A_158 = tpu.memref_squeeze %dma_wait3A_157 : memref<1x1x64xi32, #tpu.memory_space<vmem>> -> memref<64xi32, #tpu.memory_space<vmem>>
    %dma_wait3A_159 = arith.constant 0 : i32
    %dma_wait3A_160 = arith.constant 0 : i32
    %dma_wait3A_161 = tpu.memref_slice %arg5[%dma_wait3A_159, %dma_wait3A_160] : memref<819200x128xf32, #tpu.memory_space<hbm>> -> memref<819200x128xf32, #tpu.memory_space<hbm>>
    tpu.wait_indirect_dma semaphore(%arg18 : memref<!tpu.dma_semaphore, #tpu.memory_space<semaphore_mem>>) src(%dma_wait3A_155 : memref<64x128xf32, #tpu.memory_space<vmem>>) dst(%dma_wait3A_161 : memref<819200x128xf32, #tpu.memory_space<hbm>>)
    %dma_wait3A_162 = arith.constant 2 : i32
    %dma_wait3A_163 = arith.constant 2 : i32
    %dma_wait3A_164 = arith.constant 1 : i32
    %dma_wait3A_165 = arith.constant 64 : i32
    %dma_wait3A_166 = arith.constant 0 : i32
    %dma_wait3A_167 = tpu.memref_slice %arg8[%dma_wait3A_162, %dma_wait3A_165, %dma_wait3A_166] : memref<4x128x128xf32, #tpu.memory_space<vmem>> -> memref<1x64x128xf32, #tpu.memory_space<vmem>>
    %dma_wait3A_168 = tpu.memref_squeeze %dma_wait3A_167 : memref<1x64x128xf32, #tpu.memory_space<vmem>> -> memref<64x128xf32, #tpu.memory_space<vmem>>
    %dma_wait3A_169 = arith.constant 0 : i32
    %dma_wait3A_170 = tpu.memref_slice %arg9[%dma_wait3A_163, %dma_wait3A_164, %dma_wait3A_169] : memref<4x2x64xi32, #tpu.memory_space<vmem>> -> memref<1x1x64xi32, #tpu.memory_space<vmem>>
    %dma_wait3A_171 = tpu.memref_squeeze %dma_wait3A_170 : memref<1x1x64xi32, #tpu.memory_space<vmem>> -> memref<64xi32, #tpu.memory_space<vmem>>
    %dma_wait3A_172 = arith.constant 0 : i32
    %dma_wait3A_173 = arith.constant 0 : i32
    %dma_wait3A_174 = tpu.memref_slice %arg5[%dma_wait3A_172, %dma_wait3A_173] : memref<819200x128xf32, #tpu.memory_space<hbm>> -> memref<819200x128xf32, #tpu.memory_space<hbm>>
    tpu.wait_indirect_dma semaphore(%arg18 : memref<!tpu.dma_semaphore, #tpu.memory_space<semaphore_mem>>) src(%dma_wait3A_168 : memref<64x128xf32, #tpu.memory_space<vmem>>) dst(%dma_wait3A_174 : memref<819200x128xf32, #tpu.memory_space<hbm>>)
    %dma_wait3A_175 = arith.constant 3 : i32
    %dma_wait3A_176 = arith.constant 3 : i32
    %dma_wait3A_177 = arith.constant 0 : i32
    %dma_wait3A_178 = arith.constant 0 : i32
    %dma_wait3A_179 = arith.constant 0 : i32
    %dma_wait3A_180 = tpu.memref_slice %arg8[%dma_wait3A_175, %dma_wait3A_178, %dma_wait3A_179] : memref<4x128x128xf32, #tpu.memory_space<vmem>> -> memref<1x64x128xf32, #tpu.memory_space<vmem>>
    %dma_wait3A_181 = tpu.memref_squeeze %dma_wait3A_180 : memref<1x64x128xf32, #tpu.memory_space<vmem>> -> memref<64x128xf32, #tpu.memory_space<vmem>>
    %dma_wait3A_182 = arith.constant 0 : i32
    %dma_wait3A_183 = tpu.memref_slice %arg9[%dma_wait3A_176, %dma_wait3A_177, %dma_wait3A_182] : memref<4x2x64xi32, #tpu.memory_space<vmem>> -> memref<1x1x64xi32, #tpu.memory_space<vmem>>
    %dma_wait3A_184 = tpu.memref_squeeze %dma_wait3A_183 : memref<1x1x64xi32, #tpu.memory_space<vmem>> -> memref<64xi32, #tpu.memory_space<vmem>>
    %dma_wait3A_185 = arith.constant 0 : i32
    %dma_wait3A_186 = arith.constant 0 : i32
    %dma_wait3A_187 = tpu.memref_slice %arg5[%dma_wait3A_185, %dma_wait3A_186] : memref<819200x128xf32, #tpu.memory_space<hbm>> -> memref<819200x128xf32, #tpu.memory_space<hbm>>
    tpu.wait_indirect_dma semaphore(%arg19 : memref<!tpu.dma_semaphore, #tpu.memory_space<semaphore_mem>>) src(%dma_wait3A_181 : memref<64x128xf32, #tpu.memory_space<vmem>>) dst(%dma_wait3A_187 : memref<819200x128xf32, #tpu.memory_space<hbm>>)
    %dma_wait3A_188 = arith.constant 3 : i32
    %dma_wait3A_189 = arith.constant 3 : i32
    %dma_wait3A_190 = arith.constant 1 : i32
    %dma_wait3A_191 = arith.constant 64 : i32
    %dma_wait3A_192 = arith.constant 0 : i32
    %dma_wait3A_193 = tpu.memref_slice %arg8[%dma_wait3A_188, %dma_wait3A_191, %dma_wait3A_192] : memref<4x128x128xf32, #tpu.memory_space<vmem>> -> memref<1x64x128xf32, #tpu.memory_space<vmem>>
    %dma_wait3A_194 = tpu.memref_squeeze %dma_wait3A_193 : memref<1x64x128xf32, #tpu.memory_space<vmem>> -> memref<64x128xf32, #tpu.memory_space<vmem>>
    %dma_wait3A_195 = arith.constant 0 : i32
    %dma_wait3A_196 = tpu.memref_slice %arg9[%dma_wait3A_189, %dma_wait3A_190, %dma_wait3A_195] : memref<4x2x64xi32, #tpu.memory_space<vmem>> -> memref<1x1x64xi32, #tpu.memory_space<vmem>>
    %dma_wait3A_197 = tpu.memref_squeeze %dma_wait3A_196 : memref<1x1x64xi32, #tpu.memory_space<vmem>> -> memref<64xi32, #tpu.memory_space<vmem>>
    %dma_wait3A_198 = arith.constant 0 : i32
    %dma_wait3A_199 = arith.constant 0 : i32
    %dma_wait3A_200 = tpu.memref_slice %arg5[%dma_wait3A_198, %dma_wait3A_199] : memref<819200x128xf32, #tpu.memory_space<hbm>> -> memref<819200x128xf32, #tpu.memory_space<hbm>>
    tpu.wait_indirect_dma semaphore(%arg19 : memref<!tpu.dma_semaphore, #tpu.memory_space<semaphore_mem>>) src(%dma_wait3A_194 : memref<64x128xf32, #tpu.memory_space<vmem>>) dst(%dma_wait3A_200 : memref<819200x128xf32, #tpu.memory_space<hbm>>)
    return
  }
}

</mosaic_0001>

<sc_bundles>
// kernel: kernel.3.cloned.1.call-start
scs
__scs_entry_jumppad:
0x0: {  	(pc) =	sbr.rel $0x88, $3  }
0x1: {  	(tag) =	ssettag $0x0;
	lr =	simm.s32 $0x1  }
0x2: {  	[smem:$0x3F9F] =	sst lr;
	_ =	strace $0xD0000000  }
0x3: {  	_ = 	snop  }
0x4: {  	_ = 	snop  }
0x5: {  	_ = 	snop  }
0x6: {  	_ = 	snop  }
0x7: {  	_ = 	snop  }
__scs_overlays_trampoline_lowered:
0x8: {  	[smem:$0x3FAE] =	sst s0  }
0x9: {  	[smem:$0x3FAF] =	sst s1  }
0xa: {  	[smem:$0x3FB0] =	sst s2  }
0xb: {  	[smem:$0x3FB1] =	sst s3  }
0xc: {  	[smem:$0x3FB2] =	sst s4  }
0xd: {  	[smem:$0x3FB3] =	sst s5  }
0xe: {  	[smem:$0x3FB4] =	sst s6  }
0xf: {  	[smem:$0x3FB5] =	sst s7  }
0x10: {  	[smem:$0x3FB6] =	sst s8  }
0x11: {  	[smem:$0x3FB7] =	sst s9;
	s0 =	simm.s32 @!p0 $0x0  }
0x12: {  	s1 =	sld [smem:$0x3F9D];
	s0 =	simm.s32 @p0 $0x1  }
0x13: {  	[smem:$0x3FB8] =	sst s0;
	s0 =	simm.s32 @!p1 $0x0  }
0x14: {  	s2 =	sld [smem:$0x3F9C];
	s0 =	simm.s32 @p1 $0x1  }
0x15: {  	[smem:$0x3FB9] =	sst s0;
	s0 =	simm.s32 @!p2 $0x0  }
0x16: {  	s3 =	sld [smem:$0x3FDB];
	s0 =	simm.s32 @p2 $0x1  }
0x17: {  	s4 =	simm.s32 $0x1BF5;
	[smem:$0x3FBB] =	sst s0  }
0x18: {  	s0 =	sld [smem:$0x3F9E];
	_ =	swait.ge [sflag:s4], $0x0  }
0x19: {  	s7 =	sld [smem:$0x3F9F]  }
0x1a: {  	s8 =	sadd.s32 $0xFFFFE003, lr  }
0x1b: {  	s9 =	sadd.s32 $0xFFFFFEF7, lr;
	s5 =	simm.s32 $0xFFFFFFFF;
	p2 =	slt.u32 s8, $0xFFFFF086  }
0x1c: {  	p1 =	slt.u32 s9, $0xF7A;
	s5 =	simm.s32 @!p2 $0x0  }
0x1d: {  	s5 =	simm.s32 @p1 $0x1;
	p0 =	seq.s32 s7, s2  }
0x1e: {  	s7 =	smul.u32 @!p0 $0xF7A, s2;
	p2 =	seq.s32 @!p0 s5, $0x0  }
0x1f: {  	s9 =	smul.u32 $0xF7A, s1;
	s8 =	simm.s32 @!p0 $0x1BF5;
	p2 =	por !p2, p0  }
0x20: {  	[sflag:s8] =	ssyncset.s32 @!p0 $0xFFFFF086;
	s6 =	sadd.s32 @!p0 s3, s7;
	s7 =	simm.s32 @!p0 $0x108  }
0x21: {  	s3 =	sadd.s32 s3, s9;
	s6 =	sadd.s32 @!p0 $0x88, s6;
	s7 =	simm.s32 @p2 $0x1082  }
0x22: {  	[simem:s7], [sflag:s8] =	dma.local @!p0 [hbm:s6], $0xF7A  }
0x23: {  	s9 =	sor.u32 $0xD0000000, s2;
	s6 =	simm.s32 $0x108;
	_ =	swait.ge @!p0 [sflag:s8], $0x0  }
0x24: {  	s3 =	sadd.s32 $0x88, s3;
	s6 =	simm.s32 @!p1 $0x1082;
	[sflag:s4] =	ssyncset.s32 $0xFFFFF086  }
0x25: {  	[simem:s6], [sflag:s4] =	dma.local [hbm:s3], $0xF7A  }
0x26: {  	[smem:$0x3F9F] =	sst s1;
	(tag) =	ssettag s2;
	_ =	strace s9  }
0x27: {  	s1 =	sld [smem:$0x3FAF]  }
0x28: {  	s2 =	sld [smem:$0x3FB0]  }
0x29: {  	s4 =	sld [smem:$0x3FB2]  }
0x2a: {  	p0 =	seq.s32 s5, $0x0;
	s5 =	sld [smem:$0x3FB3]  }
0x2b: {  	s6 =	sld [smem:$0x3FB4]  }
0x2c: {  	s7 =	sld [smem:$0x3FB5]  }
0x2d: {  	s3 =	simm.s32 $0x108;
	s8 =	sld [smem:$0x3FB6]  }
0x2e: {  	s3 =	simm.s32 @!p0 $0x1082;
	s9 =	sld [smem:$0x3FB7]  }
0x2f: {  	lr =	sadd.s32 s0, s3;
	s0 =	sld [smem:$0x3FAE]  }
0x30: {  	s3 =	sld [smem:$0x3FB1]  }
0x31: {  	[smem:$0x3FBA] =	sst s10  }
0x32: {  	s10 =	sld [smem:$0x3FB8];
	_ =	sdelay $0x3  }
0x33: {  	p0 =	seq.s32 s10, $0x1;
	s10 =	sld [smem:$0x3FBA];
	_ =	sdelay $0x3  }
0x34: {  	[smem:$0x3FBA] =	sst s10  }
0x35: {  	s10 =	sld [smem:$0x3FB9];
	_ =	sdelay $0x3  }
0x36: {  	p1 =	seq.s32 s10, $0x1;
	s10 =	sld [smem:$0x3FBA];
	_ =	sdelay $0x3  }
0x37: {  	[smem:$0x3FBA] =	sst s10  }
0x38: {  	s10 =	sld [smem:$0x3FBB]  }
0x39: {  	_ = 	snop;
	(pc) =	sbr.ind lr, $3  }
0x3a: {  	_ = 	snop  }
0x3b: {  	_ = 	snop  }
0x3c: {  	p2 =	seq.s32 s10, $0x1;
	s10 =	sld [smem:$0x3FBA]  }
0x3d: {  	_ =	shalt  }
0x3e: {  	_ =	shalt  }
0x3f: {  	_ =	shalt  }
0x40: {  	_ =	shalt  }
0x41: {  	_ =	shalt  }
0x42: {  	_ =	shalt  }
0x43: {  	_ =	shalt  }
0x44: {  	_ =	shalt  }
0x45: {  	_ =	shalt  }
0x46: {  	_ =	shalt  }
0x47: {  	_ =	shalt  }
0x48: {  	_ =	shalt  }
0x49: {  	_ =	shalt  }
0x4a: {  	_ =	shalt  }
0x4b: {  	_ =	shalt  }
0x4c: {  	_ =	shalt  }
0x4d: {  	_ =	shalt  }
0x4e: {  	_ =	shalt  }
0x4f: {  	_ =	shalt  }
0x50: {  	_ =	shalt  }
0x51: {  	_ =	shalt  }
0x52: {  	_ =	shalt  }
0x53: {  	_ =	shalt  }
0x54: {  	_ =	shalt  }
0x55: {  	_ =	shalt  }
0x56: {  	_ =	shalt  }
0x57: {  	_ =	shalt  }
0x58: {  	_ =	shalt  }
0x59: {  	_ =	shalt  }
0x5a: {  	_ =	shalt  }
0x5b: {  	_ =	shalt  }
0x5c: {  	_ =	shalt  }
0x5d: {  	_ =	shalt  }
0x5e: {  	_ =	shalt  }
0x5f: {  	_ =	shalt  }
0x60: {  	_ =	shalt  }
0x61: {  	_ =	shalt  }
0x62: {  	_ =	shalt  }
0x63: {  	_ =	shalt  }
0x64: {  	_ =	shalt  }
0x65: {  	_ =	shalt  }
0x66: {  	_ =	shalt  }
0x67: {  	_ =	shalt  }
0x68: {  	_ =	shalt  }
0x69: {  	_ =	shalt  }
0x6a: {  	_ =	shalt  }
0x6b: {  	_ =	shalt  }
0x6c: {  	_ =	shalt  }
0x6d: {  	_ =	shalt  }
0x6e: {  	_ =	shalt  }
0x6f: {  	_ =	shalt  }
0x70: {  	_ =	shalt  }
0x71: {  	_ =	shalt  }
0x72: {  	_ =	shalt  }
0x73: {  	_ =	shalt  }
0x74: {  	_ =	shalt  }
0x75: {  	_ =	shalt  }
0x76: {  	_ =	shalt  }
0x77: {  	_ =	shalt  }
0x78: {  	_ =	shalt  }
0x79: {  	_ =	shalt  }
0x7a: {  	_ =	shalt  }
0x7b: {  	_ =	shalt  }
0x7c: {  	_ =	shalt  }
0x7d: {  	_ =	shalt  }
0x7e: {  	_ =	shalt  }
0x7f: {  	_ =	shalt  }
0x80: {  	_ =	shalt  }
0x81: {  	_ =	shalt  }
0x82: {  	_ =	shalt  }
0x83: {  	_ =	shalt  }
0x84: {  	_ =	shalt  }
0x85: {  	_ =	shalt  }
0x86: {  	_ =	shalt  }
0x87: {  	_ =	shalt  }
.Lfunc_end0:
.L_simem_size_0:
called_computation_lowered:
.L_overlay_start_0:
0x88: {  	s2 =	sld [smem:$0x3FD9]  }
0x89: {  	s3 =	sld [smem:$0x3FFE];
	_ =	sdelay $0x1  }
0x8a: {  	s1 =	srdreg.scid  }
0x8b: {  	s0 =	sand.u32 $0x1, s1  }
0x8c: {  	s17 =	sshll.u32 s0, $0xA;
	s2 =	sadd.s32 s3, s2  }
0x8d: {  	s2 =	sadd.s32 s2, s17  }
0x8e: {  	[smem:$0x3FC6] =	sst s2  }
0x8f: {  	_ = 	snop  }
0x90: {  	s2 =	sld [smem:$0x3FC8]  }
0x91: {  	s18 =	sld [smem:$0x3FD0];
	(tm) =	ssettm $0x1  }
0x92: {  	s4 =	sld [smem:$0x3FFB];
	_ =	sdelay $0x3  }
0x93: {  	_ =	strace s4  }
0x94: {  	s4 =	sld [smem:$0x3FFC];
	_ =	sdelay $0x3  }
0x95: {  	_ =	strace s4  }
0x96: {  	s4 =	sld [smem:$0x3FFD];
	_ =	sdelay $0x3  }
0x97: {  	_ =	strace s4  }
0x98: {  	_ =	strace $0x8FFFFFFF  }
0x99: {  	s19 =	sld [smem:$0x3FDB];
	_ =	sdelay $0x1  }
0x9a: {  	s5 =	simm.s32 $_scs_section_size  }
0x9b: {  	s6 =	simm.s32 $_size__tile_overlayer_lowered;
	s7 =	simm.s32 $_tile_overlayer_lowered  }
0x9c: {  	s22 =	simm.s32 $0x1BFF;
	s21 =	sshll.u32 s7, $0x1;
	s4 =	sadd.s32 s5, s19  }
0x9d: {  	s8 =	simm.s32 $0x0;
	s20 =	sshll.u32 s6, $0x1;
	s6 =	sadd.s32 s21, s4  }
0x9e: {  	[timem:s8], [sflag:s22] =	dma.local [hbm:s6], s20  }
0x9f: {  	_ =	swait.ge [sflag:s22], s20  }
0xa0: {  	s5 =	ssub.s32 $0x0, s20;
	[sflag:s22] =	ssyncset.done $0x0  }
0xa1: {  	[sflag:s22] =	ssyncadd.s32 s5;
	_ =	sdelay $0x1  }
0xa2: {  	s23 =	simm.s32 $0x1B8B  }
0xa3: {  	_ =	swait.ge [sflag:s23], $0x1  }
0xa4: {  	[sflag:s23] =	ssyncset.done $0x0  }
0xa5: {  	s25 =	simm.s32 $0x1B8E;
	s24 =	sld [smem:$0x3FFE];
	[sflag:s23] =	ssyncadd.s32 $0xFFFFFFFF  }
0xa6: {  	s26 =	simm.s32 $execute0_lowered;
	[smem:$0x3FD2] =	sst s25  }
0xa7: {  	s6 =	sshll.u32 s26, $0x1;
	_ =	strace $0x80000046;
	[dreg:$0x1] =	wrdreg $0xFFFFFFFF  }
0xa8: {  	s28 =	simm.s32 $_size_execute0_lowered;
	s4 =	sadd.s32 s4, s6;
	[dreg:$0x0] =	wrdreg $0x0  }
0xa9: {  	s6 =	sshll.u32 s28, $0x1;
	[dreg:$0x2] =	wrdreg s4  }
0xaa: {  	[dreg:$0x3] =	wrdreg s6  }
0xab: {  	[dreg:$0x4] =	wrdreg $0xC0  }
0xac: {  	_ =	task [dreg:s8], $0x5FFFF  }
0xad: {  	[dreg:$0x1] =	wrdreg $0xFFFFFFFF  }
0xae: {  	[dreg:$0x0] =	wrdreg $0x60  }
0xaf: {  	[dreg:$0x2] =	wrdreg s2  }
0xb0: {  	[dreg:$0x3] =	wrdreg s24  }
0xb1: {  	[dreg:$0x4] =	wrdreg s18  }
0xb2: {  	[dreg:$0x5] =	wrdreg $0x1CC800  }
0xb3: {  	[dreg:$0x6] =	wrdreg $0x9  }
0xb4: {  	_ =	task.clear_ibuf [dreg:s8], $0x7FFFF;
	_ =	strace $0x90000046  }
0xb5: {  	s29 =	simm.s32 $0x9;
	_ =	strace $0x80000048  }
0xb6: {  	_ =	swait.ge [sflag:s29], $0x1  }
0xb7: {  	[sflag:s29] =	ssyncadd.s32 $0xFFFFFFFF  }
0xb8: {  	_ =	strace $0x90000048  }
0xb9: {  	_ =	sfence  }
0xba: {  	s30 =	sld [smem:$0x0];
	_ =	sdelay $0x2  }
0xbb: {  	s31 =	sshll.u32 s1, $0xD;
	s1 =	sshrl.u32 s1, $0x2  }
0xbc: {  	s3 =	sand.u32 $0x4000, s31;
	s1 =	sadd.s32 s1, s30  }
0xbd: {  	s0 =	sor.u32 s3, s0;
	s1 =	sshll.u32 s1, $0x11  }
0xbe: {  	s0 =	sor.u32 s1, s0  }
0xbf: {  	s0 =	sadd.s32 $0x8F2B, s0  }
0xc0: {  	[sflag:s0] =	ssyncadd.remote.s32 $0x1  }
0xc1: {  	_ =	sfence.sel $0xFFFF  }
0xc2: {  	[dreg:$0x0] =	wrdreg $0xFFFFFFFF;
	(pc) =	sbr.abs _section_cstart, $3  }
0xc3: {  	[dreg:$0x1] =	wrdreg $0xFFFFFFFF  }
0xc4: {  	_ =	task.clear_ibuf [dreg:s8], $0x2FFFF;
	_ =	strace $0x9FFFFFFF  }
0xc5: {  	(tm) =	ssettm $0x7FFFFFFF  }
tec
execute0_lowered:
.L_overlay_start_1:
0x0: {  	(tag) =	ssettag $0x1  }
0x1: {  	s0 =	rddreg [dreg:$0x1]  }
0x2: {  	s1 =	srdreg.scid;
	s2 =	rddreg [dreg:$0x2]  }
0x3: {  	s4 =	stileid.u32;
	s3 =	rddreg [dreg:$0x3]  }
0x4: {  	s7 =	simm.s32 $0x0;
	s11 =	simm.s32 $0x80;
	s12 =	simm.s32 $0xC800  }
0x5: {  	s13 =	simm.s32 $0x10800;
	s14 =	simm.s32 $0x14800;
	s15 =	simm.s32 $0x1  }
0x6: {  	s16 =	simm.s32 $0x40;
	s20 =	simm.s32 $0x18800;
	s21 =	simm.s32 $0x2  }
0x7: {  	s23 =	simm.s32 $0x1C980;
	s28 =	simm.s32 $0x1CA00;
	s29 =	simm.s32 $0x1CA80  }
0x8: {  	s30 =	simm.s32 $0x16800;
	s1 =	sand.u32 $0x1, s1;
	s5 =	sshll.u32 s4, $0x1  }
0x9: {  	s31 =	simm.s32 $0x6;
	s10 =	simm.s32 $0x1CB80;
	s5 =	sor.u32 s1, s5  }
0xa: {  	v0 =	vlaneseq.u32;
	[smem:$0x7FF] =	sst s7;
	s1 =	ssub.s32 $0x2, s1;
	s6 =	smul.u32 $0x6400, s5  }
0xb: {  	p0 =	sne.s32 s4, $0x0;
	v5 =	vmul.u32 $0xC8, v0;
	s7 =	simm.s32 $0x0;
	s24 =	sshrl.u32 s1, $0x1  }
0xc: {  	_ =	strace $0x80000047;
	s25 =	ssub.s32 s1, s24;
	s5 =	sshrl.u32 s6, $0x3  }
0xd: {  	v1 =	vadd.s32 $0xC80, v5;
	v2 =	vadd.s32 $0x1900, v5;
	v3 =	vadd.s32 $0x2580, v5;
	s24 =	simm.s32 $0x12800;
	s5 =	sadd.s32 s5, s0;
	s0 =	sadd.s32 $0x800, s0  }
0xe: {  	v4 =	vadd.s32 $0x3200, v5;
	v6 =	vadd.s32 $0x3E80, v5;
	v7 =	vadd.s32 $0x4B00, v5;
	s1 =	simm.s32 $0x4;
	[dreg:$0x5] =	wrdreg s0;
	s26 =	sadd.s32 $0x1600, s5  }
0xf: {  	v8 =	vadd.s32 $0x5780, v5;
	v0 =	vadd.s32 s6, v5;
	v1 =	vadd.s32 s6, v1;
	s0 =	smax.u32 s25, $0x1;
	s25 =	simm.s32 $0x5;
	[dreg:$0x6] =	wrdreg s26  }
0x10: {  	v2 =	vadd.s32 s6, v2;
	v3 =	vadd.s32 s6, v3;
	v4 =	vadd.s32 s6, v4;
	s5 =	simm.s32 $0x1A800;
	[dreg:$0x7] =	wrdreg s0;
	s0 =	sshrl.u32 @!p0 s3, $0x3  }
0x11: {  	v5 =	vadd.s32 s6, v6;
	v6 =	vadd.s32 s6, v7;
	v7 =	vadd.s32 s6, v8;
	s26 =	simm.s32 $0x3;
	[dreg:$0x8] =	wrdreg s0;
	s0 =	simm.s32 $0x1CB00  }
.LBB2_1:
0x12: {  	[dreg:$0x9] =	wrdreg s7  }
0x13: {  	s6 =	rddreg [dreg:$0x0]  }
0x14: {  	s4 =	simm.s32 @!p0 $0x1C09;
	s7 =	rddreg [dreg:$0x8]  }
0x15: {  	[spmem:s7], [sflag:s4] =	dma.local @!p0 [hbm:s6], $0x3E80  }
0x16: {  	s4 =	simm.s32 @!p0 $0x9  }
0x17: {  	_ =	swait.ge @!p0 [sflag:s4], $0x3E80  }
0x18: {  	s17 =	simm.s32 $0x0;
	[sflag:s4] =	ssyncset.done @!p0 $0x0  }
0x19: {  	s19 =	simm.s32 $0x9;
	s18 =	rddreg [dreg:$0x6];
	[sflag:s4] =	ssyncadd.s32 @!p0 $0xFFFFC180  }
0x1a: {  	[tilespmem:s17], [sflag:$0x9] =	stream.linear.gather [hbm4b:s18+s17], $0x6400, $0x38;
	[tilespmem:$0x1EBC0] =	vst v63  }
0x1b: {  	_ =	swait.ge [sflag:s19], $0x6400  }
0x1c: {  	[sflag:s19] =	ssyncset.done $0x0  }
0x1d: {  	s8 =	simm.s32 $0x6400;
	s22 =	rddreg [dreg:$0x5];
	[sflag:s19] =	ssyncadd.s32 $0xFFFF9C00  }
0x1e: {  	[tilespmem:s8], [sflag:$0x9] =	stream.linear.gather [hbm4b:s22+s17], $0x6400, $0x38;
	[tilespmem:$0x1EBC0] =	vst v63  }
0x1f: {  	_ =	swait.ge [sflag:s19], $0x6400  }
0x20: {  	[sflag:s19] =	ssyncset.done $0x0  }
0x21: {  	[sflag:s19] =	ssyncadd.s32 $0xFFFF9C00  }
0x22: {  	[tilespmem:$0x1CC00] =	vst v0  }
0x23: {  	[tilespmem:$0x1CC10] =	vst v1  }
0x24: {  	[tilespmem:$0x1CC20] =	vst v2  }
0x25: {  	[tilespmem:$0x1CC30] =	vst v3  }
0x26: {  	[tilespmem:$0x1CC40] =	vst v4  }
0x27: {  	[tilespmem:$0x1CC50] =	vst v5  }
0x28: {  	[tilespmem:$0x1CC60] =	vst v6  }
0x29: {  	[tilespmem:$0x1CC70] =	vst v7  }
0x2a: {  	[bflag:$0x0] =	sbarrier.arrive $0xFFFF  }
0x2b: {  	[tilespmem:s12], [sflag:$0x1] =	stream.indirect.gather [spmem:s3], $0x80, s17, s11, $0xb8;
	[tilespmem:$0x1EBC0] =	vst v63  }
0x2c: {  	s4 =	simm.s32 $0x0  }
0x2d: {  	[tilespmem:s13], [sflag:$0x2] =	stream.indirect.gather [spmem:s3], $0x80, s11, s11, $0xb8;
	[tilespmem:$0x1EBC0] =	vst v63  }
.LBB2_2:
0x2e: {  	p1 =	seq.s32 s4, $0x0  }
0x2f: {  	s6 =	simm.s32 @!p1 $0x7  }
0x30: {  	_ =	swait.ge @!p1 [sflag:s6], $0x2000  }
0x31: {  	[sflag:s6] =	ssyncset.done @!p1 $0x0  }
0x32: {  	s18 =	sshll.u32 s4, $0x2;
	[sflag:s6] =	ssyncadd.s32 @!p1 $0xFFFFE000  }
0x33: {  	s7 =	sor.u32 $0x2, s18;
	_ =	swait.ge @!p1 [sflag:s6], $0x2000  }
0x34: {  	s8 =	sshll.u32 s7, $0x9;
	[sflag:s6] =	ssyncset.done @!p1 $0x0  }
0x35: {  	s9 =	sshrl.u32 s8, $0x2;
	[sflag:s6] =	ssyncadd.s32 @!p1 $0xFFFFE000  }
0x36: {  	[tilespmem:s14], [sflag:$0x3] =	stream.indirect.gather [spmem:s3], $0x80, s9, s11, $0xb8;
	[tilespmem:$0x1EBC0] =	vst v63  }
0x37: {  	v8 =	vld [tilespmem:$0x1CC00]  }
0x38: {  	v9 =	vld [tilespmem:$0x1CC10]  }
0x39: {  	v10 =	vld [tilespmem:$0x1CC20]  }
0x3a: {  	v11 =	vld [tilespmem:$0x1CC30]  }
0x3b: {  	v12 =	vld [tilespmem:$0x1CC40]  }
0x3c: {  	v13 =	vld [tilespmem:$0x1CC50];
	v8 =	vadd.s32 s18, v8  }
0x3d: {  	[tilespmem:$0x1C800] =	vst v8;
	v8 =	vadd.s32 s18, v9;
	v9 =	vld [tilespmem:$0x1CC60]  }
0x3e: {  	[tilespmem:$0x1C810] =	vst v8;
	v8 =	vadd.s32 s18, v10;
	v10 =	vld [tilespmem:$0x1CC70]  }
0x3f: {  	[tilespmem:$0x1C820] =	vst v8;
	v8 =	vadd.s32 s18, v11  }
0x40: {  	[tilespmem:$0x1C830] =	vst v8;
	v8 =	vadd.s32 s18, v12  }
0x41: {  	[tilespmem:$0x1C880] =	vst v8;
	v8 =	vadd.s32 s18, v13  }
0x42: {  	[tilespmem:$0x1C890] =	vst v8;
	v8 =	vadd.s32 s18, v9  }
0x43: {  	[tilespmem:$0x1C8A0] =	vst v8;
	v8 =	vadd.s32 s18, v10  }
0x44: {  	[tilespmem:$0x1C8B0] =	vst v8  }
0x45: {  	_ =	swait.ge [sflag:s15], $0x4000  }
0x46: {  	s17 =	sshll.u32 s4, $0xB;
	[sflag:s15] =	ssyncset.done $0x0  }
0x47: {  	s22 =	sshrl.u32 s17, $0x2;
	[sflag:s15] =	ssyncadd.s32 $0xFFFFC000  }
0x48: {  	v9 =	vld [tilespmem:s22+$0x6400]  }
0x49: {  	v8 =	vld [tilespmem:s22+$0x6410]  }
0x4a: {  	v10 =	vld [tilespmem:s22+$0x6420]  }
0x4b: {  	v11 =	vld [tilespmem:s22+$0x6430]  }
0x4c: {  	v12 =	vld [tilespmem:s22+$0x6470]  }
0x4d: {  	v13 =	vld [tilespmem:s22+$0x6460]  }
0x4e: {  	v14 =	vld [tilespmem:s22+$0x6450]  }
0x4f: {  	s6 =	simm.s32 $0xC800;
	v15 =	vld [tilespmem:s22+$0x6440]  }
0x50: {  	[tilespmem:s6+$0x0] =	vst.add.f32.msk $0xffff, v9  }
0x51: {  	[tilespmem:s6+$0x1F0] =	vst.add.f32.msk $0xffff, v12  }
0x52: {  	[tilespmem:s6+$0x1E0] =	vst.add.f32.msk $0xffff, v13  }
0x53: {  	[tilespmem:s6+$0x1D0] =	vst.add.f32.msk $0xffff, v14  }
0x54: {  	[tilespmem:s6+$0x1C0] =	vst.add.f32.msk $0xffff, v15  }
0x55: {  	[tilespmem:s6+$0x1B0] =	vst.add.f32.msk $0xffff, v11  }
0x56: {  	[tilespmem:s6+$0x1A0] =	vst.add.f32.msk $0xffff, v10  }
0x57: {  	[tilespmem:s6+$0x190] =	vst.add.f32.msk $0xffff, v8  }
0x58: {  	[tilespmem:s6+$0x180] =	vst.add.f32.msk $0xffff, v9  }
0x59: {  	[tilespmem:s6+$0x170] =	vst.add.f32.msk $0xffff, v12  }
0x5a: {  	[tilespmem:s6+$0x160] =	vst.add.f32.msk $0xffff, v13  }
0x5b: {  	[tilespmem:s6+$0x150] =	vst.add.f32.msk $0xffff, v14  }
0x5c: {  	[tilespmem:s6+$0x140] =	vst.add.f32.msk $0xffff, v15  }
0x5d: {  	[tilespmem:s6+$0x130] =	vst.add.f32.msk $0xffff, v11  }
0x5e: {  	[tilespmem:s6+$0x120] =	vst.add.f32.msk $0xffff, v10  }
0x5f: {  	[tilespmem:s6+$0x110] =	vst.add.f32.msk $0xffff, v8  }
0x60: {  	[tilespmem:s6+$0x100] =	vst.add.f32.msk $0xffff, v9  }
0x61: {  	[tilespmem:s6+$0xF0] =	vst.add.f32.msk $0xffff, v12  }
0x62: {  	[tilespmem:s6+$0xE0] =	vst.add.f32.msk $0xffff, v13  }
0x63: {  	[tilespmem:s6+$0xD0] =	vst.add.f32.msk $0xffff, v14  }
0x64: {  	[tilespmem:s6+$0xC0] =	vst.add.f32.msk $0xffff, v15  }
0x65: {  	[tilespmem:s6+$0xB0] =	vst.add.f32.msk $0xffff, v11  }
0x66: {  	[tilespmem:s6+$0xA0] =	vst.add.f32.msk $0xffff, v10  }
0x67: {  	[tilespmem:s6+$0x90] =	vst.add.f32.msk $0xffff, v8  }
0x68: {  	[tilespmem:s6+$0x80] =	vst.add.f32.msk $0xffff, v9  }
0x69: {  	[tilespmem:s6+$0x70] =	vst.add.f32.msk $0xffff, v12  }
0x6a: {  	[tilespmem:s6+$0x60] =	vst.add.f32.msk $0xffff, v13  }
0x6b: {  	[tilespmem:s6+$0x50] =	vst.add.f32.msk $0xffff, v14  }
0x6c: {  	[tilespmem:s6+$0x40] =	vst.add.f32.msk $0xffff, v15  }
0x6d: {  	[tilespmem:s6+$0x30] =	vst.add.f32.msk $0xffff, v11  }
0x6e: {  	s8 =	simm.s32 $0x0;
	[tilespmem:s6+$0x20] =	vst.add.f32.msk $0xffff, v10  }
.LBB2_3:
0x6f: {  	s8 =	sadd.s32 $0x4, s8;
	[tilespmem:s6+$0x10] =	vst.add.f32.msk $0xffff, v8;
	s6 =	sadd.s32 $0x200, s6  }
0x70: {  	[tilespmem:s6+$0x0] =	vst.add.f32.msk $0xffff, v9;
	p2 =	slt.u32 s8, $0x3C  }
0x71: {  	[tilespmem:s6+$0x1F0] =	vst.add.f32.msk $0xffff, v12  }
0x72: {  	[tilespmem:s6+$0x1E0] =	vst.add.f32.msk $0xffff, v13  }
0x73: {  	[tilespmem:s6+$0x1D0] =	vst.add.f32.msk $0xffff, v14  }
0x74: {  	[tilespmem:s6+$0x1C0] =	vst.add.f32.msk $0xffff, v15  }
0x75: {  	[tilespmem:s6+$0x1B0] =	vst.add.f32.msk $0xffff, v11  }
0x76: {  	[tilespmem:s6+$0x1A0] =	vst.add.f32.msk $0xffff, v10  }
0x77: {  	[tilespmem:s6+$0x190] =	vst.add.f32.msk $0xffff, v8  }
0x78: {  	[tilespmem:s6+$0x180] =	vst.add.f32.msk $0xffff, v9  }
0x79: {  	[tilespmem:s6+$0x170] =	vst.add.f32.msk $0xffff, v12  }
0x7a: {  	[tilespmem:s6+$0x160] =	vst.add.f32.msk $0xffff, v13  }
0x7b: {  	[tilespmem:s6+$0x150] =	vst.add.f32.msk $0xffff, v14  }
0x7c: {  	[tilespmem:s6+$0x140] =	vst.add.f32.msk $0xffff, v15  }
0x7d: {  	[tilespmem:s6+$0x130] =	vst.add.f32.msk $0xffff, v11  }
0x7e: {  	[tilespmem:s6+$0x120] =	vst.add.f32.msk $0xffff, v10  }
0x7f: {  	[tilespmem:s6+$0x110] =	vst.add.f32.msk $0xffff, v8  }
0x80: {  	[tilespmem:s6+$0x100] =	vst.add.f32.msk $0xffff, v9  }
0x81: {  	[tilespmem:s6+$0xF0] =	vst.add.f32.msk $0xffff, v12  }
0x82: {  	[tilespmem:s6+$0xE0] =	vst.add.f32.msk $0xffff, v13  }
0x83: {  	[tilespmem:s6+$0xD0] =	vst.add.f32.msk $0xffff, v14  }
0x84: {  	[tilespmem:s6+$0xC0] =	vst.add.f32.msk $0xffff, v15  }
0x85: {  	[tilespmem:s6+$0xB0] =	vst.add.f32.msk $0xffff, v11  }
0x86: {  	[tilespmem:s6+$0xA0] =	vst.add.f32.msk $0xffff, v10  }
0x87: {  	[tilespmem:s6+$0x90] =	vst.add.f32.msk $0xffff, v8  }
0x88: {  	[tilespmem:s6+$0x80] =	vst.add.f32.msk $0xffff, v9  }
0x89: {  	[tilespmem:s6+$0x70] =	vst.add.f32.msk $0xffff, v12  }
.Ltmp0:
0x8a: {  	[tilespmem:s6+$0x60] =	vst.add.f32.msk $0xffff, v13;
	(pc) =	sbr.rel @p2 .LBB2_3-.Ltmp0, $4  }
0x8b: {  	[tilespmem:s6+$0x50] =	vst.add.f32.msk $0xffff, v14  }
0x8c: {  	[tilespmem:s6+$0x40] =	vst.add.f32.msk $0xffff, v15  }
0x8d: {  	[tilespmem:s6+$0x30] =	vst.add.f32.msk $0xffff, v11  }
0x8e: {  	[tilespmem:s6+$0x20] =	vst.add.f32.msk $0xffff, v10  }
0x8f: {  	[tilespmem:s6+$0x10] =	vst.add.f32.msk $0xffff, v8;
	s22 =	simm.s32 $0x1C800;
	s6 =	simm.s32 $0xE800  }
0x90: {  	[hbm4b:s2+s16] =	stream.indirect.scatter [tilespmem:s12], [sflag:$0x5], $0x80, s22, s16, $0xb8;
	[tilespmem:$0x1EBC0] =	vst v63  }
0x91: {  	[tilespmem:s6+$0x0] =	vst.add.f32.msk $0xffff, v9  }
0x92: {  	[tilespmem:s6+$0x1F0] =	vst.add.f32.msk $0xffff, v12  }
0x93: {  	[tilespmem:s6+$0x1E0] =	vst.add.f32.msk $0xffff, v13  }
0x94: {  	[tilespmem:s6+$0x1D0] =	vst.add.f32.msk $0xffff, v14  }
0x95: {  	[tilespmem:s6+$0x1C0] =	vst.add.f32.msk $0xffff, v15  }
0x96: {  	[tilespmem:s6+$0x1B0] =	vst.add.f32.msk $0xffff, v11  }
0x97: {  	[tilespmem:s6+$0x1A0] =	vst.add.f32.msk $0xffff, v10  }
0x98: {  	[tilespmem:s6+$0x190] =	vst.add.f32.msk $0xffff, v8  }
0x99: {  	[tilespmem:s6+$0x180] =	vst.add.f32.msk $0xffff, v9  }
0x9a: {  	[tilespmem:s6+$0x170] =	vst.add.f32.msk $0xffff, v12  }
0x9b: {  	[tilespmem:s6+$0x160] =	vst.add.f32.msk $0xffff, v13  }
0x9c: {  	[tilespmem:s6+$0x150] =	vst.add.f32.msk $0xffff, v14  }
0x9d: {  	[tilespmem:s6+$0x140] =	vst.add.f32.msk $0xffff, v15  }
0x9e: {  	[tilespmem:s6+$0x130] =	vst.add.f32.msk $0xffff, v11  }
0x9f: {  	[tilespmem:s6+$0x120] =	vst.add.f32.msk $0xffff, v10  }
0xa0: {  	[tilespmem:s6+$0x110] =	vst.add.f32.msk $0xffff, v8  }
0xa1: {  	[tilespmem:s6+$0x100] =	vst.add.f32.msk $0xffff, v9  }
0xa2: {  	[tilespmem:s6+$0xF0] =	vst.add.f32.msk $0xffff, v12  }
0xa3: {  	[tilespmem:s6+$0xE0] =	vst.add.f32.msk $0xffff, v13  }
0xa4: {  	[tilespmem:s6+$0xD0] =	vst.add.f32.msk $0xffff, v14  }
0xa5: {  	[tilespmem:s6+$0xC0] =	vst.add.f32.msk $0xffff, v15  }
0xa6: {  	[tilespmem:s6+$0xB0] =	vst.add.f32.msk $0xffff, v11  }
0xa7: {  	[tilespmem:s6+$0xA0] =	vst.add.f32.msk $0xffff, v10  }
0xa8: {  	[tilespmem:s6+$0x90] =	vst.add.f32.msk $0xffff, v8  }
0xa9: {  	[tilespmem:s6+$0x80] =	vst.add.f32.msk $0xffff, v9  }
0xaa: {  	[tilespmem:s6+$0x70] =	vst.add.f32.msk $0xffff, v12  }
0xab: {  	[tilespmem:s6+$0x60] =	vst.add.f32.msk $0xffff, v13  }
0xac: {  	[tilespmem:s6+$0x50] =	vst.add.f32.msk $0xffff, v14  }
0xad: {  	[tilespmem:s6+$0x40] =	vst.add.f32.msk $0xffff, v15  }
0xae: {  	[tilespmem:s6+$0x30] =	vst.add.f32.msk $0xffff, v11  }
0xaf: {  	s8 =	simm.s32 $0x0;
	[tilespmem:s6+$0x20] =	vst.add.f32.msk $0xffff, v10  }
.LBB2_5:
0xb0: {  	s8 =	sadd.s32 $0x4, s8;
	[tilespmem:s6+$0x10] =	vst.add.f32.msk $0xffff, v8;
	s6 =	sadd.s32 $0x200, s6  }
0xb1: {  	[tilespmem:s6+$0x0] =	vst.add.f32.msk $0xffff, v9;
	p2 =	slt.u32 s8, $0x3C  }
0xb2: {  	[tilespmem:s6+$0x1F0] =	vst.add.f32.msk $0xffff, v12  }
0xb3: {  	[tilespmem:s6+$0x1E0] =	vst.add.f32.msk $0xffff, v13  }
0xb4: {  	[tilespmem:s6+$0x1D0] =	vst.add.f32.msk $0xffff, v14  }
0xb5: {  	[tilespmem:s6+$0x1C0] =	vst.add.f32.msk $0xffff, v15  }
0xb6: {  	[tilespmem:s6+$0x1B0] =	vst.add.f32.msk $0xffff, v11  }
0xb7: {  	[tilespmem:s6+$0x1A0] =	vst.add.f32.msk $0xffff, v10  }
0xb8: {  	[tilespmem:s6+$0x190] =	vst.add.f32.msk $0xffff, v8  }
0xb9: {  	[tilespmem:s6+$0x180] =	vst.add.f32.msk $0xffff, v9  }
0xba: {  	[tilespmem:s6+$0x170] =	vst.add.f32.msk $0xffff, v12  }
0xbb: {  	[tilespmem:s6+$0x160] =	vst.add.f32.msk $0xffff, v13  }
0xbc: {  	[tilespmem:s6+$0x150] =	vst.add.f32.msk $0xffff, v14  }
0xbd: {  	[tilespmem:s6+$0x140] =	vst.add.f32.msk $0xffff, v15  }
0xbe: {  	[tilespmem:s6+$0x130] =	vst.add.f32.msk $0xffff, v11  }
0xbf: {  	[tilespmem:s6+$0x120] =	vst.add.f32.msk $0xffff, v10  }
0xc0: {  	[tilespmem:s6+$0x110] =	vst.add.f32.msk $0xffff, v8  }
0xc1: {  	[tilespmem:s6+$0x100] =	vst.add.f32.msk $0xffff, v9  }
0xc2: {  	[tilespmem:s6+$0xF0] =	vst.add.f32.msk $0xffff, v12  }
0xc3: {  	[tilespmem:s6+$0xE0] =	vst.add.f32.msk $0xffff, v13  }
0xc4: {  	[tilespmem:s6+$0xD0] =	vst.add.f32.msk $0xffff, v14  }
0xc5: {  	[tilespmem:s6+$0xC0] =	vst.add.f32.msk $0xffff, v15  }
0xc6: {  	[tilespmem:s6+$0xB0] =	vst.add.f32.msk $0xffff, v11  }
0xc7: {  	[tilespmem:s6+$0xA0] =	vst.add.f32.msk $0xffff, v10  }
0xc8: {  	[tilespmem:s6+$0x90] =	vst.add.f32.msk $0xffff, v8  }
0xc9: {  	[tilespmem:s6+$0x80] =	vst.add.f32.msk $0xffff, v9  }
0xca: {  	[tilespmem:s6+$0x70] =	vst.add.f32.msk $0xffff, v12  }
.Ltmp1:
0xcb: {  	[tilespmem:s6+$0x60] =	vst.add.f32.msk $0xffff, v13;
	(pc) =	sbr.rel @p2 .LBB2_5-.Ltmp1, $4  }
0xcc: {  	[tilespmem:s6+$0x50] =	vst.add.f32.msk $0xffff, v14  }
0xcd: {  	[tilespmem:s6+$0x40] =	vst.add.f32.msk $0xffff, v15  }
0xce: {  	[tilespmem:s6+$0x30] =	vst.add.f32.msk $0xffff, v11  }
0xcf: {  	[tilespmem:s6+$0x20] =	vst.add.f32.msk $0xffff, v10  }
0xd0: {  	[tilespmem:s6+$0x10] =	vst.add.f32.msk $0xffff, v8;
	s19 =	simm.s32 $0x1C880;
	s8 =	simm.s32 $0xE800;
	s6 =	simm.s32 @!p1 $0x8  }
0xd1: {  	[hbm4b:s2+s16] =	stream.indirect.scatter [tilespmem:s8], [sflag:$0x5], $0x80, s19, s16, $0xb8;
	[tilespmem:$0x1EBC0] =	vst v63  }
0xd2: {  	_ =	swait.ge @!p1 [sflag:s6], $0x2000  }
0xd3: {  	[sflag:s6] =	ssyncset.done @!p1 $0x0  }
0xd4: {  	[sflag:s6] =	ssyncadd.s32 @!p1 $0xFFFFE000  }
0xd5: {  	s8 =	sor.u32 $0x3, s18;
	_ =	swait.ge @!p1 [sflag:s6], $0x2000  }
0xd6: {  	s19 =	sshll.u32 s8, $0x9;
	[sflag:s6] =	ssyncset.done @!p1 $0x0  }
0xd7: {  	[sflag:s6] =	ssyncadd.s32 @!p1 $0xFFFFE000;
	s6 =	sshrl.u32 s19, $0x2  }
0xd8: {  	[tilespmem:s20], [sflag:$0x4] =	stream.indirect.gather [spmem:s3], $0x80, s6, s11, $0xb8;
	[tilespmem:$0x1EBC0] =	vst v63  }
0xd9: {  	v8 =	vld [tilespmem:$0x1CC00]  }
0xda: {  	v9 =	vld [tilespmem:$0x1CC10]  }
0xdb: {  	v10 =	vld [tilespmem:$0x1CC20]  }
0xdc: {  	v11 =	vld [tilespmem:$0x1CC30]  }
0xdd: {  	s22 =	sor.u32 $0x1, s18;
	v12 =	vld [tilespmem:$0x1CC40]  }
0xde: {  	v13 =	vld [tilespmem:$0x1CC50];
	v8 =	vadd.s32 s22, v8  }
0xdf: {  	[tilespmem:$0x1C900] =	vst v8;
	v8 =	vadd.s32 s22, v9;
	v9 =	vld [tilespmem:$0x1CC60]  }
0xe0: {  	[tilespmem:$0x1C910] =	vst v8;
	v8 =	vadd.s32 s22, v10;
	v10 =	vld [tilespmem:$0x1CC70]  }
0xe1: {  	[tilespmem:$0x1C920] =	vst v8;
	v8 =	vadd.s32 s22, v11  }
0xe2: {  	[tilespmem:$0x1C930] =	vst v8;
	v8 =	vadd.s32 s22, v12  }
0xe3: {  	[tilespmem:$0x1C980] =	vst v8;
	v8 =	vadd.s32 s22, v13  }
0xe4: {  	[tilespmem:$0x1C990] =	vst v8;
	v8 =	vadd.s32 s22, v9  }
0xe5: {  	[tilespmem:$0x1C9A0] =	vst v8;
	v8 =	vadd.s32 s22, v10  }
0xe6: {  	[tilespmem:$0x1C9B0] =	vst v8  }
0xe7: {  	_ =	swait.ge [sflag:s21], $0x4000  }
0xe8: {  	s18 =	sshll.u32 s22, $0x7;
	[sflag:s21] =	ssyncset.done $0x0  }
0xe9: {  	s18 =	sand.u32 $0x3FFFFF80, s18;
	[sflag:s21] =	ssyncadd.s32 $0xFFFFC000  }
0xea: {  	v9 =	vld [tilespmem:s18+$0x6400]  }
0xeb: {  	v8 =	vld [tilespmem:s18+$0x6410]  }
0xec: {  	v10 =	vld [tilespmem:s18+$0x6420]  }
0xed: {  	v11 =	vld [tilespmem:s18+$0x6430]  }
0xee: {  	v12 =	vld [tilespmem:s18+$0x6470]  }
0xef: {  	v13 =	vld [tilespmem:s18+$0x6460]  }
0xf0: {  	v14 =	vld [tilespmem:s18+$0x6450]  }
0xf1: {  	v15 =	vld [tilespmem:s18+$0x6440];
	s18 =	simm.s32 $0x10800  }
0xf2: {  	[tilespmem:s18+$0x0] =	vst.add.f32.msk $0xffff, v9  }
0xf3: {  	[tilespmem:s18+$0x1F0] =	vst.add.f32.msk $0xffff, v12  }
0xf4: {  	[tilespmem:s18+$0x1E0] =	vst.add.f32.msk $0xffff, v13  }
0xf5: {  	[tilespmem:s18+$0x1D0] =	vst.add.f32.msk $0xffff, v14  }
0xf6: {  	[tilespmem:s18+$0x1C0] =	vst.add.f32.msk $0xffff, v15  }
0xf7: {  	[tilespmem:s18+$0x1B0] =	vst.add.f32.msk $0xffff, v11  }
0xf8: {  	[tilespmem:s18+$0x1A0] =	vst.add.f32.msk $0xffff, v10  }
0xf9: {  	[tilespmem:s18+$0x190] =	vst.add.f32.msk $0xffff, v8  }
0xfa: {  	[tilespmem:s18+$0x180] =	vst.add.f32.msk $0xffff, v9  }
0xfb: {  	[tilespmem:s18+$0x170] =	vst.add.f32.msk $0xffff, v12  }
0xfc: {  	[tilespmem:s18+$0x160] =	vst.add.f32.msk $0xffff, v13  }
0xfd: {  	[tilespmem:s18+$0x150] =	vst.add.f32.msk $0xffff, v14  }
0xfe: {  	[tilespmem:s18+$0x140] =	vst.add.f32.msk $0xffff, v15  }
0xff: {  	[tilespmem:s18+$0x130] =	vst.add.f32.msk $0xffff, v11  }
0x100: {  	[tilespmem:s18+$0x120] =	vst.add.f32.msk $0xffff, v10  }
0x101: {  	[tilespmem:s18+$0x110] =	vst.add.f32.msk $0xffff, v8  }
0x102: {  	[tilespmem:s18+$0x100] =	vst.add.f32.msk $0xffff, v9  }
0x103: {  	[tilespmem:s18+$0xF0] =	vst.add.f32.msk $0xffff, v12  }
0x104: {  	[tilespmem:s18+$0xE0] =	vst.add.f32.msk $0xffff, v13  }
0x105: {  	[tilespmem:s18+$0xD0] =	vst.add.f32.msk $0xffff, v14  }
0x106: {  	[tilespmem:s18+$0xC0] =	vst.add.f32.msk $0xffff, v15  }
0x107: {  	[tilespmem:s18+$0xB0] =	vst.add.f32.msk $0xffff, v11  }
0x108: {  	[tilespmem:s18+$0xA0] =	vst.add.f32.msk $0xffff, v10  }
0x109: {  	[tilespmem:s18+$0x90] =	vst.add.f32.msk $0xffff, v8  }
0x10a: {  	[tilespmem:s18+$0x80] =	vst.add.f32.msk $0xffff, v9  }
0x10b: {  	[tilespmem:s18+$0x70] =	vst.add.f32.msk $0xffff, v12  }
0x10c: {  	[tilespmem:s18+$0x60] =	vst.add.f32.msk $0xffff, v13  }
0x10d: {  	[tilespmem:s18+$0x50] =	vst.add.f32.msk $0xffff, v14  }
0x10e: {  	[tilespmem:s18+$0x40] =	vst.add.f32.msk $0xffff, v15  }
0x10f: {  	[tilespmem:s18+$0x30] =	vst.add.f32.msk $0xffff, v11  }
0x110: {  	s19 =	simm.s32 $0x0;
	[tilespmem:s18+$0x20] =	vst.add.f32.msk $0xffff, v10  }
.LBB2_7:
0x111: {  	s19 =	sadd.s32 $0x4, s19;
	[tilespmem:s18+$0x10] =	vst.add.f32.msk $0xffff, v8;
	s18 =	sadd.s32 $0x200, s18  }
0x112: {  	[tilespmem:s18+$0x0] =	vst.add.f32.msk $0xffff, v9;
	p1 =	slt.u32 s19, $0x3C  }
0x113: {  	[tilespmem:s18+$0x1F0] =	vst.add.f32.msk $0xffff, v12  }
0x114: {  	[tilespmem:s18+$0x1E0] =	vst.add.f32.msk $0xffff, v13  }
0x115: {  	[tilespmem:s18+$0x1D0] =	vst.add.f32.msk $0xffff, v14  }
0x116: {  	[tilespmem:s18+$0x1C0] =	vst.add.f32.msk $0xffff, v15  }
0x117: {  	[tilespmem:s18+$0x1B0] =	vst.add.f32.msk $0xffff, v11  }
0x118: {  	[tilespmem:s18+$0x1A0] =	vst.add.f32.msk $0xffff, v10  }
0x119: {  	[tilespmem:s18+$0x190] =	vst.add.f32.msk $0xffff, v8  }
0x11a: {  	[tilespmem:s18+$0x180] =	vst.add.f32.msk $0xffff, v9  }
0x11b: {  	[tilespmem:s18+$0x170] =	vst.add.f32.msk $0xffff, v12  }
0x11c: {  	[tilespmem:s18+$0x160] =	vst.add.f32.msk $0xffff, v13  }
0x11d: {  	[tilespmem:s18+$0x150] =	vst.add.f32.msk $0xffff, v14  }
0x11e: {  	[tilespmem:s18+$0x140] =	vst.add.f32.msk $0xffff, v15  }
0x11f: {  	[tilespmem:s18+$0x130] =	vst.add.f32.msk $0xffff, v11  }
0x120: {  	[tilespmem:s18+$0x120] =	vst.add.f32.msk $0xffff, v10  }
0x121: {  	[tilespmem:s18+$0x110] =	vst.add.f32.msk $0xffff, v8  }
0x122: {  	[tilespmem:s18+$0x100] =	vst.add.f32.msk $0xffff, v9  }
0x123: {  	[tilespmem:s18+$0xF0] =	vst.add.f32.msk $0xffff, v12  }
0x124: {  	[tilespmem:s18+$0xE0] =	vst.add.f32.msk $0xffff, v13  }
0x125: {  	[tilespmem:s18+$0xD0] =	vst.add.f32.msk $0xffff, v14  }
0x126: {  	[tilespmem:s18+$0xC0] =	vst.add.f32.msk $0xffff, v15  }
0x127: {  	[tilespmem:s18+$0xB0] =	vst.add.f32.msk $0xffff, v11  }
0x128: {  	[tilespmem:s18+$0xA0] =	vst.add.f32.msk $0xffff, v10  }
0x129: {  	[tilespmem:s18+$0x90] =	vst.add.f32.msk $0xffff, v8  }
0x12a: {  	[tilespmem:s18+$0x80] =	vst.add.f32.msk $0xffff, v9  }
0x12b: {  	[tilespmem:s18+$0x70] =	vst.add.f32.msk $0xffff, v12  }
.Ltmp2:
0x12c: {  	[tilespmem:s18+$0x60] =	vst.add.f32.msk $0xffff, v13;
	(pc) =	sbr.rel @p1 .LBB2_7-.Ltmp2, $4  }
0x12d: {  	[tilespmem:s18+$0x50] =	vst.add.f32.msk $0xffff, v14  }
0x12e: {  	[tilespmem:s18+$0x40] =	vst.add.f32.msk $0xffff, v15  }
0x12f: {  	[tilespmem:s18+$0x30] =	vst.add.f32.msk $0xffff, v11  }
0x130: {  	[tilespmem:s18+$0x20] =	vst.add.f32.msk $0xffff, v10  }
0x131: {  	[tilespmem:s18+$0x10] =	vst.add.f32.msk $0xffff, v8;
	s22 =	simm.s32 $0x1C900;
	s18 =	simm.s32 $0x12800  }
0x132: {  	[hbm4b:s2+s16] =	stream.indirect.scatter [tilespmem:s13], [sflag:$0x6], $0x80, s22, s16, $0xb8;
	[tilespmem:$0x1EBC0] =	vst v63  }
0x133: {  	[tilespmem:s18+$0x0] =	vst.add.f32.msk $0xffff, v9  }
0x134: {  	[tilespmem:s18+$0x1F0] =	vst.add.f32.msk $0xffff, v12  }
0x135: {  	[tilespmem:s18+$0x1E0] =	vst.add.f32.msk $0xffff, v13  }
0x136: {  	[tilespmem:s18+$0x1D0] =	vst.add.f32.msk $0xffff, v14  }
0x137: {  	[tilespmem:s18+$0x1C0] =	vst.add.f32.msk $0xffff, v15  }
0x138: {  	[tilespmem:s18+$0x1B0] =	vst.add.f32.msk $0xffff, v11  }
0x139: {  	[tilespmem:s18+$0x1A0] =	vst.add.f32.msk $0xffff, v10  }
0x13a: {  	[tilespmem:s18+$0x190] =	vst.add.f32.msk $0xffff, v8  }
0x13b: {  	[tilespmem:s18+$0x180] =	vst.add.f32.msk $0xffff, v9  }
0x13c: {  	[tilespmem:s18+$0x170] =	vst.add.f32.msk $0xffff, v12  }
0x13d: {  	[tilespmem:s18+$0x160] =	vst.add.f32.msk $0xffff, v13  }
0x13e: {  	[tilespmem:s18+$0x150] =	vst.add.f32.msk $0xffff, v14  }
0x13f: {  	[tilespmem:s18+$0x140] =	vst.add.f32.msk $0xffff, v15  }
0x140: {  	[tilespmem:s18+$0x130] =	vst.add.f32.msk $0xffff, v11  }
0x141: {  	[tilespmem:s18+$0x120] =	vst.add.f32.msk $0xffff, v10  }
0x142: {  	[tilespmem:s18+$0x110] =	vst.add.f32.msk $0xffff, v8  }
0x143: {  	[tilespmem:s18+$0x100] =	vst.add.f32.msk $0xffff, v9  }
0x144: {  	[tilespmem:s18+$0xF0] =	vst.add.f32.msk $0xffff, v12  }
0x145: {  	[tilespmem:s18+$0xE0] =	vst.add.f32.msk $0xffff, v13  }
0x146: {  	[tilespmem:s18+$0xD0] =	vst.add.f32.msk $0xffff, v14  }
0x147: {  	[tilespmem:s18+$0xC0] =	vst.add.f32.msk $0xffff, v15  }
0x148: {  	[tilespmem:s18+$0xB0] =	vst.add.f32.msk $0xffff, v11  }
0x149: {  	[tilespmem:s18+$0xA0] =	vst.add.f32.msk $0xffff, v10  }
0x14a: {  	[tilespmem:s18+$0x90] =	vst.add.f32.msk $0xffff, v8  }
0x14b: {  	[tilespmem:s18+$0x80] =	vst.add.f32.msk $0xffff, v9  }
0x14c: {  	[tilespmem:s18+$0x70] =	vst.add.f32.msk $0xffff, v12  }
0x14d: {  	[tilespmem:s18+$0x60] =	vst.add.f32.msk $0xffff, v13  }
0x14e: {  	[tilespmem:s18+$0x50] =	vst.add.f32.msk $0xffff, v14  }
0x14f: {  	[tilespmem:s18+$0x40] =	vst.add.f32.msk $0xffff, v15  }
0x150: {  	[tilespmem:s18+$0x30] =	vst.add.f32.msk $0xffff, v11  }
0x151: {  	s19 =	simm.s32 $0x0;
	[tilespmem:s18+$0x20] =	vst.add.f32.msk $0xffff, v10  }
.LBB2_9:
0x152: {  	s19 =	sadd.s32 $0x4, s19;
	[tilespmem:s18+$0x10] =	vst.add.f32.msk $0xffff, v8;
	s18 =	sadd.s32 $0x200, s18  }
0x153: {  	[tilespmem:s18+$0x0] =	vst.add.f32.msk $0xffff, v9;
	p1 =	slt.u32 s19, $0x3C  }
0x154: {  	[tilespmem:s18+$0x1F0] =	vst.add.f32.msk $0xffff, v12  }
0x155: {  	[tilespmem:s18+$0x1E0] =	vst.add.f32.msk $0xffff, v13  }
0x156: {  	[tilespmem:s18+$0x1D0] =	vst.add.f32.msk $0xffff, v14  }
0x157: {  	[tilespmem:s18+$0x1C0] =	vst.add.f32.msk $0xffff, v15  }
0x158: {  	[tilespmem:s18+$0x1B0] =	vst.add.f32.msk $0xffff, v11  }
0x159: {  	[tilespmem:s18+$0x1A0] =	vst.add.f32.msk $0xffff, v10  }
0x15a: {  	[tilespmem:s18+$0x190] =	vst.add.f32.msk $0xffff, v8  }
0x15b: {  	[tilespmem:s18+$0x180] =	vst.add.f32.msk $0xffff, v9  }
0x15c: {  	[tilespmem:s18+$0x170] =	vst.add.f32.msk $0xffff, v12  }
0x15d: {  	[tilespmem:s18+$0x160] =	vst.add.f32.msk $0xffff, v13  }
0x15e: {  	[tilespmem:s18+$0x150] =	vst.add.f32.msk $0xffff, v14  }
0x15f: {  	[tilespmem:s18+$0x140] =	vst.add.f32.msk $0xffff, v15  }
0x160: {  	[tilespmem:s18+$0x130] =	vst.add.f32.msk $0xffff, v11  }
0x161: {  	[tilespmem:s18+$0x120] =	vst.add.f32.msk $0xffff, v10  }
0x162: {  	[tilespmem:s18+$0x110] =	vst.add.f32.msk $0xffff, v8  }
0x163: {  	[tilespmem:s18+$0x100] =	vst.add.f32.msk $0xffff, v9  }
0x164: {  	[tilespmem:s18+$0xF0] =	vst.add.f32.msk $0xffff, v12  }
0x165: {  	[tilespmem:s18+$0xE0] =	vst.add.f32.msk $0xffff, v13  }
0x166: {  	[tilespmem:s18+$0xD0] =	vst.add.f32.msk $0xffff, v14  }
0x167: {  	[tilespmem:s18+$0xC0] =	vst.add.f32.msk $0xffff, v15  }
0x168: {  	[tilespmem:s18+$0xB0] =	vst.add.f32.msk $0xffff, v11  }
0x169: {  	[tilespmem:s18+$0xA0] =	vst.add.f32.msk $0xffff, v10  }
0x16a: {  	[tilespmem:s18+$0x90] =	vst.add.f32.msk $0xffff, v8  }
0x16b: {  	[tilespmem:s18+$0x80] =	vst.add.f32.msk $0xffff, v9  }
0x16c: {  	[tilespmem:s18+$0x70] =	vst.add.f32.msk $0xffff, v12  }
.Ltmp3:
0x16d: {  	[tilespmem:s18+$0x60] =	vst.add.f32.msk $0xffff, v13;
	(pc) =	sbr.rel @p1 .LBB2_9-.Ltmp3, $4  }
0x16e: {  	[tilespmem:s18+$0x50] =	vst.add.f32.msk $0xffff, v14  }
0x16f: {  	[tilespmem:s18+$0x40] =	vst.add.f32.msk $0xffff, v15  }
0x170: {  	[tilespmem:s18+$0x30] =	vst.add.f32.msk $0xffff, v11  }
0x171: {  	[tilespmem:s18+$0x20] =	vst.add.f32.msk $0xffff, v10  }
0x172: {  	[tilespmem:s18+$0x10] =	vst.add.f32.msk $0xffff, v8  }
0x173: {  	[hbm4b:s2+s16] =	stream.indirect.scatter [tilespmem:s24], [sflag:$0x6], $0x80, s23, s16, $0xb8;
	[tilespmem:$0x1EBC0] =	vst v63  }
0x174: {  	_ =	swait.ge [sflag:s25], $0x2000  }
0x175: {  	[sflag:s25] =	ssyncset.done $0x0  }
0x176: {  	[sflag:s25] =	ssyncadd.s32 $0xFFFFE000  }
0x177: {  	p1 =	seq.s32 s4, $0x31;
	_ =	swait.ge [sflag:s25], $0x2000  }
0x178: {  	s17 =	sshrl.u32 @!p1 s17, $0x2;
	s19 =	simm.s32 @!p1 $0x80;
	[sflag:s25] =	ssyncset.done $0x0  }
0x179: {  	s22 =	simm.s32 @!p1 $0xC800;
	s18 =	sadd.s32 @!p1 $0x200, s17;
	[sflag:s25] =	ssyncadd.s32 $0xFFFFE000  }
0x17a: {  	[tilespmem:s22], [sflag:$0x1] =	stream.indirect.gather @!p1 [spmem:s3], $0x80, s18, s19, $0xb8;
	[tilespmem:$0x1EBC0] =	vst v63  }
0x17b: {  	v8 =	vld [tilespmem:$0x1CC00]  }
0x17c: {  	v9 =	vld [tilespmem:$0x1CC10]  }
0x17d: {  	v10 =	vld [tilespmem:$0x1CC20]  }
0x17e: {  	v11 =	vld [tilespmem:$0x1CC30]  }
0x17f: {  	v12 =	vld [tilespmem:$0x1CC40]  }
0x180: {  	v13 =	vld [tilespmem:$0x1CC50];
	v8 =	vadd.s32 s7, v8  }
0x181: {  	[tilespmem:$0x1CA00] =	vst v8;
	v8 =	vadd.s32 s7, v9;
	v9 =	vld [tilespmem:$0x1CC60]  }
0x182: {  	[tilespmem:$0x1CA10] =	vst v8;
	v8 =	vadd.s32 s7, v10;
	v10 =	vld [tilespmem:$0x1CC70]  }
0x183: {  	[tilespmem:$0x1CA20] =	vst v8;
	v8 =	vadd.s32 s7, v11  }
0x184: {  	[tilespmem:$0x1CA30] =	vst v8;
	v8 =	vadd.s32 s7, v12  }
0x185: {  	[tilespmem:$0x1CA80] =	vst v8;
	v8 =	vadd.s32 s7, v13  }
0x186: {  	[tilespmem:$0x1CA90] =	vst v8;
	v8 =	vadd.s32 s7, v9  }
0x187: {  	[tilespmem:$0x1CAA0] =	vst v8;
	v8 =	vadd.s32 s7, v10  }
0x188: {  	[tilespmem:$0x1CAB0] =	vst v8  }
0x189: {  	_ =	swait.ge [sflag:s26], $0x4000  }
0x18a: {  	[sflag:s26] =	ssyncset.done $0x0  }
0x18b: {  	[sflag:s26] =	ssyncadd.s32 $0xFFFFC000  }
0x18c: {  	v9 =	vld [tilespmem:s9+$0x6400]  }
0x18d: {  	v8 =	vld [tilespmem:s9+$0x6410]  }
0x18e: {  	v10 =	vld [tilespmem:s9+$0x6420]  }
0x18f: {  	v11 =	vld [tilespmem:s9+$0x6430]  }
0x190: {  	v12 =	vld [tilespmem:s9+$0x6470]  }
0x191: {  	v13 =	vld [tilespmem:s9+$0x6460]  }
0x192: {  	v14 =	vld [tilespmem:s9+$0x6450]  }
0x193: {  	s7 =	simm.s32 $0x14800;
	v15 =	vld [tilespmem:s9+$0x6440]  }
0x194: {  	[tilespmem:s7+$0x0] =	vst.add.f32.msk $0xffff, v9  }
0x195: {  	[tilespmem:s7+$0x1F0] =	vst.add.f32.msk $0xffff, v12  }
0x196: {  	[tilespmem:s7+$0x1E0] =	vst.add.f32.msk $0xffff, v13  }
0x197: {  	[tilespmem:s7+$0x1D0] =	vst.add.f32.msk $0xffff, v14  }
0x198: {  	[tilespmem:s7+$0x1C0] =	vst.add.f32.msk $0xffff, v15  }
0x199: {  	[tilespmem:s7+$0x1B0] =	vst.add.f32.msk $0xffff, v11  }
0x19a: {  	[tilespmem:s7+$0x1A0] =	vst.add.f32.msk $0xffff, v10  }
0x19b: {  	[tilespmem:s7+$0x190] =	vst.add.f32.msk $0xffff, v8  }
0x19c: {  	[tilespmem:s7+$0x180] =	vst.add.f32.msk $0xffff, v9  }
0x19d: {  	[tilespmem:s7+$0x170] =	vst.add.f32.msk $0xffff, v12  }
0x19e: {  	[tilespmem:s7+$0x160] =	vst.add.f32.msk $0xffff, v13  }
0x19f: {  	[tilespmem:s7+$0x150] =	vst.add.f32.msk $0xffff, v14  }
0x1a0: {  	[tilespmem:s7+$0x140] =	vst.add.f32.msk $0xffff, v15  }
0x1a1: {  	[tilespmem:s7+$0x130] =	vst.add.f32.msk $0xffff, v11  }
0x1a2: {  	[tilespmem:s7+$0x120] =	vst.add.f32.msk $0xffff, v10  }
0x1a3: {  	[tilespmem:s7+$0x110] =	vst.add.f32.msk $0xffff, v8  }
0x1a4: {  	[tilespmem:s7+$0x100] =	vst.add.f32.msk $0xffff, v9  }
0x1a5: {  	[tilespmem:s7+$0xF0] =	vst.add.f32.msk $0xffff, v12  }
0x1a6: {  	[tilespmem:s7+$0xE0] =	vst.add.f32.msk $0xffff, v13  }
0x1a7: {  	[tilespmem:s7+$0xD0] =	vst.add.f32.msk $0xffff, v14  }
0x1a8: {  	[tilespmem:s7+$0xC0] =	vst.add.f32.msk $0xffff, v15  }
0x1a9: {  	[tilespmem:s7+$0xB0] =	vst.add.f32.msk $0xffff, v11  }
0x1aa: {  	[tilespmem:s7+$0xA0] =	vst.add.f32.msk $0xffff, v10  }
0x1ab: {  	[tilespmem:s7+$0x90] =	vst.add.f32.msk $0xffff, v8  }
0x1ac: {  	[tilespmem:s7+$0x80] =	vst.add.f32.msk $0xffff, v9  }
0x1ad: {  	[tilespmem:s7+$0x70] =	vst.add.f32.msk $0xffff, v12  }
0x1ae: {  	[tilespmem:s7+$0x60] =	vst.add.f32.msk $0xffff, v13  }
0x1af: {  	[tilespmem:s7+$0x50] =	vst.add.f32.msk $0xffff, v14  }
0x1b0: {  	[tilespmem:s7+$0x40] =	vst.add.f32.msk $0xffff, v15  }
0x1b1: {  	[tilespmem:s7+$0x30] =	vst.add.f32.msk $0xffff, v11  }
0x1b2: {  	s9 =	simm.s32 $0x0;
	[tilespmem:s7+$0x20] =	vst.add.f32.msk $0xffff, v10  }
.LBB2_11:
0x1b3: {  	s9 =	sadd.s32 $0x4, s9;
	[tilespmem:s7+$0x10] =	vst.add.f32.msk $0xffff, v8;
	s7 =	sadd.s32 $0x200, s7  }
0x1b4: {  	[tilespmem:s7+$0x0] =	vst.add.f32.msk $0xffff, v9;
	p2 =	slt.u32 s9, $0x3C  }
0x1b5: {  	[tilespmem:s7+$0x1F0] =	vst.add.f32.msk $0xffff, v12  }
0x1b6: {  	[tilespmem:s7+$0x1E0] =	vst.add.f32.msk $0xffff, v13  }
0x1b7: {  	[tilespmem:s7+$0x1D0] =	vst.add.f32.msk $0xffff, v14  }
0x1b8: {  	[tilespmem:s7+$0x1C0] =	vst.add.f32.msk $0xffff, v15  }
0x1b9: {  	[tilespmem:s7+$0x1B0] =	vst.add.f32.msk $0xffff, v11  }
0x1ba: {  	[tilespmem:s7+$0x1A0] =	vst.add.f32.msk $0xffff, v10  }
0x1bb: {  	[tilespmem:s7+$0x190] =	vst.add.f32.msk $0xffff, v8  }
0x1bc: {  	[tilespmem:s7+$0x180] =	vst.add.f32.msk $0xffff, v9  }
0x1bd: {  	[tilespmem:s7+$0x170] =	vst.add.f32.msk $0xffff, v12  }
0x1be: {  	[tilespmem:s7+$0x160] =	vst.add.f32.msk $0xffff, v13  }
0x1bf: {  	[tilespmem:s7+$0x150] =	vst.add.f32.msk $0xffff, v14  }
0x1c0: {  	[tilespmem:s7+$0x140] =	vst.add.f32.msk $0xffff, v15  }
0x1c1: {  	[tilespmem:s7+$0x130] =	vst.add.f32.msk $0xffff, v11  }
0x1c2: {  	[tilespmem:s7+$0x120] =	vst.add.f32.msk $0xffff, v10  }
0x1c3: {  	[tilespmem:s7+$0x110] =	vst.add.f32.msk $0xffff, v8  }
0x1c4: {  	[tilespmem:s7+$0x100] =	vst.add.f32.msk $0xffff, v9  }
0x1c5: {  	[tilespmem:s7+$0xF0] =	vst.add.f32.msk $0xffff, v12  }
0x1c6: {  	[tilespmem:s7+$0xE0] =	vst.add.f32.msk $0xffff, v13  }
0x1c7: {  	[tilespmem:s7+$0xD0] =	vst.add.f32.msk $0xffff, v14  }
0x1c8: {  	[tilespmem:s7+$0xC0] =	vst.add.f32.msk $0xffff, v15  }
0x1c9: {  	[tilespmem:s7+$0xB0] =	vst.add.f32.msk $0xffff, v11  }
0x1ca: {  	[tilespmem:s7+$0xA0] =	vst.add.f32.msk $0xffff, v10  }
0x1cb: {  	[tilespmem:s7+$0x90] =	vst.add.f32.msk $0xffff, v8  }
0x1cc: {  	[tilespmem:s7+$0x80] =	vst.add.f32.msk $0xffff, v9  }
0x1cd: {  	[tilespmem:s7+$0x70] =	vst.add.f32.msk $0xffff, v12  }
.Ltmp4:
0x1ce: {  	[tilespmem:s7+$0x60] =	vst.add.f32.msk $0xffff, v13;
	(pc) =	sbr.rel @p2 .LBB2_11-.Ltmp4, $4  }
0x1cf: {  	[tilespmem:s7+$0x50] =	vst.add.f32.msk $0xffff, v14  }
0x1d0: {  	[tilespmem:s7+$0x40] =	vst.add.f32.msk $0xffff, v15  }
0x1d1: {  	[tilespmem:s7+$0x30] =	vst.add.f32.msk $0xffff, v11  }
0x1d2: {  	[tilespmem:s7+$0x20] =	vst.add.f32.msk $0xffff, v10  }
0x1d3: {  	[tilespmem:s7+$0x10] =	vst.add.f32.msk $0xffff, v8;
	s7 =	simm.s32 $0x16800  }
0x1d4: {  	[hbm4b:s2+s16] =	stream.indirect.scatter [tilespmem:s14], [sflag:$0x7], $0x80, s28, s16, $0xb8;
	[tilespmem:$0x1EBC0] =	vst v63  }
0x1d5: {  	[tilespmem:s7+$0x0] =	vst.add.f32.msk $0xffff, v9  }
0x1d6: {  	[tilespmem:s7+$0x1F0] =	vst.add.f32.msk $0xffff, v12  }
0x1d7: {  	[tilespmem:s7+$0x1E0] =	vst.add.f32.msk $0xffff, v13  }
0x1d8: {  	[tilespmem:s7+$0x1D0] =	vst.add.f32.msk $0xffff, v14  }
0x1d9: {  	[tilespmem:s7+$0x1C0] =	vst.add.f32.msk $0xffff, v15  }
0x1da: {  	[tilespmem:s7+$0x1B0] =	vst.add.f32.msk $0xffff, v11  }
0x1db: {  	[tilespmem:s7+$0x1A0] =	vst.add.f32.msk $0xffff, v10  }
0x1dc: {  	[tilespmem:s7+$0x190] =	vst.add.f32.msk $0xffff, v8  }
0x1dd: {  	[tilespmem:s7+$0x180] =	vst.add.f32.msk $0xffff, v9  }
0x1de: {  	[tilespmem:s7+$0x170] =	vst.add.f32.msk $0xffff, v12  }
0x1df: {  	[tilespmem:s7+$0x160] =	vst.add.f32.msk $0xffff, v13  }
0x1e0: {  	[tilespmem:s7+$0x150] =	vst.add.f32.msk $0xffff, v14  }
0x1e1: {  	[tilespmem:s7+$0x140] =	vst.add.f32.msk $0xffff, v15  }
0x1e2: {  	[tilespmem:s7+$0x130] =	vst.add.f32.msk $0xffff, v11  }
0x1e3: {  	[tilespmem:s7+$0x120] =	vst.add.f32.msk $0xffff, v10  }
0x1e4: {  	[tilespmem:s7+$0x110] =	vst.add.f32.msk $0xffff, v8  }
0x1e5: {  	[tilespmem:s7+$0x100] =	vst.add.f32.msk $0xffff, v9  }
0x1e6: {  	[tilespmem:s7+$0xF0] =	vst.add.f32.msk $0xffff, v12  }
0x1e7: {  	[tilespmem:s7+$0xE0] =	vst.add.f32.msk $0xffff, v13  }
0x1e8: {  	[tilespmem:s7+$0xD0] =	vst.add.f32.msk $0xffff, v14  }
0x1e9: {  	[tilespmem:s7+$0xC0] =	vst.add.f32.msk $0xffff, v15  }
0x1ea: {  	[tilespmem:s7+$0xB0] =	vst.add.f32.msk $0xffff, v11  }
0x1eb: {  	[tilespmem:s7+$0xA0] =	vst.add.f32.msk $0xffff, v10  }
0x1ec: {  	[tilespmem:s7+$0x90] =	vst.add.f32.msk $0xffff, v8  }
0x1ed: {  	[tilespmem:s7+$0x80] =	vst.add.f32.msk $0xffff, v9  }
0x1ee: {  	[tilespmem:s7+$0x70] =	vst.add.f32.msk $0xffff, v12  }
0x1ef: {  	[tilespmem:s7+$0x60] =	vst.add.f32.msk $0xffff, v13  }
0x1f0: {  	[tilespmem:s7+$0x50] =	vst.add.f32.msk $0xffff, v14  }
0x1f1: {  	[tilespmem:s7+$0x40] =	vst.add.f32.msk $0xffff, v15  }
0x1f2: {  	[tilespmem:s7+$0x30] =	vst.add.f32.msk $0xffff, v11  }
0x1f3: {  	s9 =	simm.s32 $0x0;
	[tilespmem:s7+$0x20] =	vst.add.f32.msk $0xffff, v10  }
.LBB2_13:
0x1f4: {  	s9 =	sadd.s32 $0x4, s9;
	[tilespmem:s7+$0x10] =	vst.add.f32.msk $0xffff, v8;
	s7 =	sadd.s32 $0x200, s7  }
0x1f5: {  	[tilespmem:s7+$0x0] =	vst.add.f32.msk $0xffff, v9;
	p2 =	slt.u32 s9, $0x3C  }
0x1f6: {  	[tilespmem:s7+$0x1F0] =	vst.add.f32.msk $0xffff, v12  }
0x1f7: {  	[tilespmem:s7+$0x1E0] =	vst.add.f32.msk $0xffff, v13  }
0x1f8: {  	[tilespmem:s7+$0x1D0] =	vst.add.f32.msk $0xffff, v14  }
0x1f9: {  	[tilespmem:s7+$0x1C0] =	vst.add.f32.msk $0xffff, v15  }
0x1fa: {  	[tilespmem:s7+$0x1B0] =	vst.add.f32.msk $0xffff, v11  }
0x1fb: {  	[tilespmem:s7+$0x1A0] =	vst.add.f32.msk $0xffff, v10  }
0x1fc: {  	[tilespmem:s7+$0x190] =	vst.add.f32.msk $0xffff, v8  }
0x1fd: {  	[tilespmem:s7+$0x180] =	vst.add.f32.msk $0xffff, v9  }
0x1fe: {  	[tilespmem:s7+$0x170] =	vst.add.f32.msk $0xffff, v12  }
0x1ff: {  	[tilespmem:s7+$0x160] =	vst.add.f32.msk $0xffff, v13  }
0x200: {  	[tilespmem:s7+$0x150] =	vst.add.f32.msk $0xffff, v14  }
0x201: {  	[tilespmem:s7+$0x140] =	vst.add.f32.msk $0xffff, v15  }
0x202: {  	[tilespmem:s7+$0x130] =	vst.add.f32.msk $0xffff, v11  }
0x203: {  	[tilespmem:s7+$0x120] =	vst.add.f32.msk $0xffff, v10  }
0x204: {  	[tilespmem:s7+$0x110] =	vst.add.f32.msk $0xffff, v8  }
0x205: {  	[tilespmem:s7+$0x100] =	vst.add.f32.msk $0xffff, v9  }
0x206: {  	[tilespmem:s7+$0xF0] =	vst.add.f32.msk $0xffff, v12  }
0x207: {  	[tilespmem:s7+$0xE0] =	vst.add.f32.msk $0xffff, v13  }
0x208: {  	[tilespmem:s7+$0xD0] =	vst.add.f32.msk $0xffff, v14  }
0x209: {  	[tilespmem:s7+$0xC0] =	vst.add.f32.msk $0xffff, v15  }
0x20a: {  	[tilespmem:s7+$0xB0] =	vst.add.f32.msk $0xffff, v11  }
0x20b: {  	[tilespmem:s7+$0xA0] =	vst.add.f32.msk $0xffff, v10  }
0x20c: {  	[tilespmem:s7+$0x90] =	vst.add.f32.msk $0xffff, v8  }
0x20d: {  	[tilespmem:s7+$0x80] =	vst.add.f32.msk $0xffff, v9  }
0x20e: {  	[tilespmem:s7+$0x70] =	vst.add.f32.msk $0xffff, v12  }
.Ltmp5:
0x20f: {  	[tilespmem:s7+$0x60] =	vst.add.f32.msk $0xffff, v13;
	(pc) =	sbr.rel @p2 .LBB2_13-.Ltmp5, $4  }
0x210: {  	[tilespmem:s7+$0x50] =	vst.add.f32.msk $0xffff, v14  }
0x211: {  	[tilespmem:s7+$0x40] =	vst.add.f32.msk $0xffff, v15  }
0x212: {  	[tilespmem:s7+$0x30] =	vst.add.f32.msk $0xffff, v11  }
0x213: {  	[tilespmem:s7+$0x20] =	vst.add.f32.msk $0xffff, v10  }
0x214: {  	[tilespmem:s7+$0x10] =	vst.add.f32.msk $0xffff, v8  }
0x215: {  	[hbm4b:s2+s16] =	stream.indirect.scatter [tilespmem:s30], [sflag:$0x7], $0x80, s29, s16, $0xb8;
	[tilespmem:$0x1EBC0] =	vst v63  }
0x216: {  	_ =	swait.ge [sflag:s31], $0x2000  }
0x217: {  	[sflag:s31] =	ssyncset.done $0x0  }
0x218: {  	[sflag:s31] =	ssyncadd.s32 $0xFFFFE000  }
0x219: {  	_ =	swait.ge [sflag:s31], $0x2000  }
0x21a: {  	s7 =	sadd.s32 @!p1 $0x280, s17;
	[sflag:s31] =	ssyncset.done $0x0  }
0x21b: {  	s9 =	simm.s32 @!p1 $0x80;
	s17 =	simm.s32 @!p1 $0x10800;
	[sflag:s31] =	ssyncadd.s32 $0xFFFFE000  }
0x21c: {  	[tilespmem:s17], [sflag:$0x2] =	stream.indirect.gather @!p1 [spmem:s3], $0x80, s7, s9, $0xb8;
	[tilespmem:$0x1EBC0] =	vst v63  }
0x21d: {  	v8 =	vld [tilespmem:$0x1CC00]  }
0x21e: {  	v9 =	vld [tilespmem:$0x1CC10]  }
0x21f: {  	v10 =	vld [tilespmem:$0x1CC20]  }
0x220: {  	v11 =	vld [tilespmem:$0x1CC30]  }
0x221: {  	v12 =	vld [tilespmem:$0x1CC40]  }
0x222: {  	v13 =	vld [tilespmem:$0x1CC50];
	v8 =	vadd.s32 s8, v8  }
0x223: {  	[tilespmem:$0x1CB00] =	vst v8;
	v8 =	vadd.s32 s8, v9;
	v9 =	vld [tilespmem:$0x1CC60]  }
0x224: {  	[tilespmem:$0x1CB10] =	vst v8;
	v8 =	vadd.s32 s8, v10;
	v10 =	vld [tilespmem:$0x1CC70]  }
0x225: {  	[tilespmem:$0x1CB20] =	vst v8;
	v8 =	vadd.s32 s8, v11  }
0x226: {  	[tilespmem:$0x1CB30] =	vst v8;
	v8 =	vadd.s32 s8, v12  }
0x227: {  	[tilespmem:$0x1CB80] =	vst v8;
	v8 =	vadd.s32 s8, v13  }
0x228: {  	[tilespmem:$0x1CB90] =	vst v8;
	v8 =	vadd.s32 s8, v9  }
0x229: {  	[tilespmem:$0x1CBA0] =	vst v8;
	v8 =	vadd.s32 s8, v10  }
0x22a: {  	[tilespmem:$0x1CBB0] =	vst v8  }
0x22b: {  	_ =	swait.ge [sflag:s1], $0x4000  }
0x22c: {  	[sflag:s1] =	ssyncset.done $0x0  }
0x22d: {  	[sflag:s1] =	ssyncadd.s32 $0xFFFFC000  }
0x22e: {  	v9 =	vld [tilespmem:s6+$0x6400]  }
0x22f: {  	v8 =	vld [tilespmem:s6+$0x6410]  }
0x230: {  	v10 =	vld [tilespmem:s6+$0x6420]  }
0x231: {  	v11 =	vld [tilespmem:s6+$0x6430]  }
0x232: {  	v12 =	vld [tilespmem:s6+$0x6470]  }
0x233: {  	v13 =	vld [tilespmem:s6+$0x6460]  }
0x234: {  	v14 =	vld [tilespmem:s6+$0x6450]  }
0x235: {  	v15 =	vld [tilespmem:s6+$0x6440];
	s6 =	simm.s32 $0x18800  }
0x236: {  	[tilespmem:s6+$0x0] =	vst.add.f32.msk $0xffff, v9  }
0x237: {  	[tilespmem:s6+$0x1F0] =	vst.add.f32.msk $0xffff, v12  }
0x238: {  	[tilespmem:s6+$0x1E0] =	vst.add.f32.msk $0xffff, v13  }
0x239: {  	[tilespmem:s6+$0x1D0] =	vst.add.f32.msk $0xffff, v14  }
0x23a: {  	[tilespmem:s6+$0x1C0] =	vst.add.f32.msk $0xffff, v15  }
0x23b: {  	[tilespmem:s6+$0x1B0] =	vst.add.f32.msk $0xffff, v11  }
0x23c: {  	[tilespmem:s6+$0x1A0] =	vst.add.f32.msk $0xffff, v10  }
0x23d: {  	[tilespmem:s6+$0x190] =	vst.add.f32.msk $0xffff, v8  }
0x23e: {  	[tilespmem:s6+$0x180] =	vst.add.f32.msk $0xffff, v9  }
0x23f: {  	[tilespmem:s6+$0x170] =	vst.add.f32.msk $0xffff, v12  }
0x240: {  	[tilespmem:s6+$0x160] =	vst.add.f32.msk $0xffff, v13  }
0x241: {  	[tilespmem:s6+$0x150] =	vst.add.f32.msk $0xffff, v14  }
0x242: {  	[tilespmem:s6+$0x140] =	vst.add.f32.msk $0xffff, v15  }
0x243: {  	[tilespmem:s6+$0x130] =	vst.add.f32.msk $0xffff, v11  }
0x244: {  	[tilespmem:s6+$0x120] =	vst.add.f32.msk $0xffff, v10  }
0x245: {  	[tilespmem:s6+$0x110] =	vst.add.f32.msk $0xffff, v8  }
0x246: {  	[tilespmem:s6+$0x100] =	vst.add.f32.msk $0xffff, v9  }
0x247: {  	[tilespmem:s6+$0xF0] =	vst.add.f32.msk $0xffff, v12  }
0x248: {  	[tilespmem:s6+$0xE0] =	vst.add.f32.msk $0xffff, v13  }
0x249: {  	[tilespmem:s6+$0xD0] =	vst.add.f32.msk $0xffff, v14  }
0x24a: {  	[tilespmem:s6+$0xC0] =	vst.add.f32.msk $0xffff, v15  }
0x24b: {  	[tilespmem:s6+$0xB0] =	vst.add.f32.msk $0xffff, v11  }
0x24c: {  	[tilespmem:s6+$0xA0] =	vst.add.f32.msk $0xffff, v10  }
0x24d: {  	[tilespmem:s6+$0x90] =	vst.add.f32.msk $0xffff, v8  }
0x24e: {  	[tilespmem:s6+$0x80] =	vst.add.f32.msk $0xffff, v9  }
0x24f: {  	[tilespmem:s6+$0x70] =	vst.add.f32.msk $0xffff, v12  }
0x250: {  	[tilespmem:s6+$0x60] =	vst.add.f32.msk $0xffff, v13  }
0x251: {  	[tilespmem:s6+$0x50] =	vst.add.f32.msk $0xffff, v14  }
0x252: {  	[tilespmem:s6+$0x40] =	vst.add.f32.msk $0xffff, v15  }
0x253: {  	[tilespmem:s6+$0x30] =	vst.add.f32.msk $0xffff, v11  }
0x254: {  	s7 =	simm.s32 $0x0;
	[tilespmem:s6+$0x20] =	vst.add.f32.msk $0xffff, v10  }
.LBB2_15:
0x255: {  	s7 =	sadd.s32 $0x4, s7;
	[tilespmem:s6+$0x10] =	vst.add.f32.msk $0xffff, v8;
	s6 =	sadd.s32 $0x200, s6  }
0x256: {  	[tilespmem:s6+$0x0] =	vst.add.f32.msk $0xffff, v9;
	p1 =	slt.u32 s7, $0x3C  }
0x257: {  	[tilespmem:s6+$0x1F0] =	vst.add.f32.msk $0xffff, v12  }
0x258: {  	[tilespmem:s6+$0x1E0] =	vst.add.f32.msk $0xffff, v13  }
0x259: {  	[tilespmem:s6+$0x1D0] =	vst.add.f32.msk $0xffff, v14  }
0x25a: {  	[tilespmem:s6+$0x1C0] =	vst.add.f32.msk $0xffff, v15  }
0x25b: {  	[tilespmem:s6+$0x1B0] =	vst.add.f32.msk $0xffff, v11  }
0x25c: {  	[tilespmem:s6+$0x1A0] =	vst.add.f32.msk $0xffff, v10  }
0x25d: {  	[tilespmem:s6+$0x190] =	vst.add.f32.msk $0xffff, v8  }
0x25e: {  	[tilespmem:s6+$0x180] =	vst.add.f32.msk $0xffff, v9  }
0x25f: {  	[tilespmem:s6+$0x170] =	vst.add.f32.msk $0xffff, v12  }
0x260: {  	[tilespmem:s6+$0x160] =	vst.add.f32.msk $0xffff, v13  }
0x261: {  	[tilespmem:s6+$0x150] =	vst.add.f32.msk $0xffff, v14  }
0x262: {  	[tilespmem:s6+$0x140] =	vst.add.f32.msk $0xffff, v15  }
0x263: {  	[tilespmem:s6+$0x130] =	vst.add.f32.msk $0xffff, v11  }
0x264: {  	[tilespmem:s6+$0x120] =	vst.add.f32.msk $0xffff, v10  }
0x265: {  	[tilespmem:s6+$0x110] =	vst.add.f32.msk $0xffff, v8  }
0x266: {  	[tilespmem:s6+$0x100] =	vst.add.f32.msk $0xffff, v9  }
0x267: {  	[tilespmem:s6+$0xF0] =	vst.add.f32.msk $0xffff, v12  }
0x268: {  	[tilespmem:s6+$0xE0] =	vst.add.f32.msk $0xffff, v13  }
0x269: {  	[tilespmem:s6+$0xD0] =	vst.add.f32.msk $0xffff, v14  }
0x26a: {  	[tilespmem:s6+$0xC0] =	vst.add.f32.msk $0xffff, v15  }
0x26b: {  	[tilespmem:s6+$0xB0] =	vst.add.f32.msk $0xffff, v11  }
0x26c: {  	[tilespmem:s6+$0xA0] =	vst.add.f32.msk $0xffff, v10  }
0x26d: {  	[tilespmem:s6+$0x90] =	vst.add.f32.msk $0xffff, v8  }
0x26e: {  	[tilespmem:s6+$0x80] =	vst.add.f32.msk $0xffff, v9  }
0x26f: {  	[tilespmem:s6+$0x70] =	vst.add.f32.msk $0xffff, v12  }
.Ltmp6:
0x270: {  	[tilespmem:s6+$0x60] =	vst.add.f32.msk $0xffff, v13;
	(pc) =	sbr.rel @p1 .LBB2_15-.Ltmp6, $4  }
0x271: {  	[tilespmem:s6+$0x50] =	vst.add.f32.msk $0xffff, v14  }
0x272: {  	[tilespmem:s6+$0x40] =	vst.add.f32.msk $0xffff, v15  }
0x273: {  	[tilespmem:s6+$0x30] =	vst.add.f32.msk $0xffff, v11  }
0x274: {  	[tilespmem:s6+$0x20] =	vst.add.f32.msk $0xffff, v10  }
0x275: {  	[tilespmem:s6+$0x10] =	vst.add.f32.msk $0xffff, v8;
	s6 =	simm.s32 $0x1A800  }
0x276: {  	[hbm4b:s2+s16] =	stream.indirect.scatter [tilespmem:s20], [sflag:$0x8], $0x80, s0, s16, $0xb8;
	[tilespmem:$0x1EBC0] =	vst v63  }
0x277: {  	[tilespmem:s6+$0x0] =	vst.add.f32.msk $0xffff, v9  }
0x278: {  	[tilespmem:s6+$0x1F0] =	vst.add.f32.msk $0xffff, v12  }
0x279: {  	[tilespmem:s6+$0x1E0] =	vst.add.f32.msk $0xffff, v13  }
0x27a: {  	[tilespmem:s6+$0x1D0] =	vst.add.f32.msk $0xffff, v14  }
0x27b: {  	[tilespmem:s6+$0x1C0] =	vst.add.f32.msk $0xffff, v15  }
0x27c: {  	[tilespmem:s6+$0x1B0] =	vst.add.f32.msk $0xffff, v11  }
0x27d: {  	[tilespmem:s6+$0x1A0] =	vst.add.f32.msk $0xffff, v10  }
0x27e: {  	[tilespmem:s6+$0x190] =	vst.add.f32.msk $0xffff, v8  }
0x27f: {  	[tilespmem:s6+$0x180] =	vst.add.f32.msk $0xffff, v9  }
0x280: {  	[tilespmem:s6+$0x170] =	vst.add.f32.msk $0xffff, v12  }
0x281: {  	[tilespmem:s6+$0x160] =	vst.add.f32.msk $0xffff, v13  }
0x282: {  	[tilespmem:s6+$0x150] =	vst.add.f32.msk $0xffff, v14  }
0x283: {  	[tilespmem:s6+$0x140] =	vst.add.f32.msk $0xffff, v15  }
0x284: {  	[tilespmem:s6+$0x130] =	vst.add.f32.msk $0xffff, v11  }
0x285: {  	[tilespmem:s6+$0x120] =	vst.add.f32.msk $0xffff, v10  }
0x286: {  	[tilespmem:s6+$0x110] =	vst.add.f32.msk $0xffff, v8  }
0x287: {  	[tilespmem:s6+$0x100] =	vst.add.f32.msk $0xffff, v9  }
0x288: {  	[tilespmem:s6+$0xF0] =	vst.add.f32.msk $0xffff, v12  }
0x289: {  	[tilespmem:s6+$0xE0] =	vst.add.f32.msk $0xffff, v13  }
0x28a: {  	[tilespmem:s6+$0xD0] =	vst.add.f32.msk $0xffff, v14  }
0x28b: {  	[tilespmem:s6+$0xC0] =	vst.add.f32.msk $0xffff, v15  }
0x28c: {  	[tilespmem:s6+$0xB0] =	vst.add.f32.msk $0xffff, v11  }
0x28d: {  	[tilespmem:s6+$0xA0] =	vst.add.f32.msk $0xffff, v10  }
0x28e: {  	[tilespmem:s6+$0x90] =	vst.add.f32.msk $0xffff, v8  }
0x28f: {  	[tilespmem:s6+$0x80] =	vst.add.f32.msk $0xffff, v9  }
0x290: {  	[tilespmem:s6+$0x70] =	vst.add.f32.msk $0xffff, v12  }
0x291: {  	[tilespmem:s6+$0x60] =	vst.add.f32.msk $0xffff, v13  }
0x292: {  	[tilespmem:s6+$0x50] =	vst.add.f32.msk $0xffff, v14  }
0x293: {  	[tilespmem:s6+$0x40] =	vst.add.f32.msk $0xffff, v15  }
0x294: {  	[tilespmem:s6+$0x30] =	vst.add.f32.msk $0xffff, v11  }
0x295: {  	s7 =	simm.s32 $0x0;
	[tilespmem:s6+$0x20] =	vst.add.f32.msk $0xffff, v10  }
.LBB2_17:
0x296: {  	s7 =	sadd.s32 $0x4, s7;
	[tilespmem:s6+$0x10] =	vst.add.f32.msk $0xffff, v8;
	s6 =	sadd.s32 $0x200, s6  }
0x297: {  	[tilespmem:s6+$0x0] =	vst.add.f32.msk $0xffff, v9;
	p1 =	slt.u32 s7, $0x3C  }
0x298: {  	[tilespmem:s6+$0x1F0] =	vst.add.f32.msk $0xffff, v12  }
0x299: {  	[tilespmem:s6+$0x1E0] =	vst.add.f32.msk $0xffff, v13  }
0x29a: {  	[tilespmem:s6+$0x1D0] =	vst.add.f32.msk $0xffff, v14  }
0x29b: {  	[tilespmem:s6+$0x1C0] =	vst.add.f32.msk $0xffff, v15  }
0x29c: {  	[tilespmem:s6+$0x1B0] =	vst.add.f32.msk $0xffff, v11  }
0x29d: {  	[tilespmem:s6+$0x1A0] =	vst.add.f32.msk $0xffff, v10  }
0x29e: {  	[tilespmem:s6+$0x190] =	vst.add.f32.msk $0xffff, v8  }
0x29f: {  	[tilespmem:s6+$0x180] =	vst.add.f32.msk $0xffff, v9  }
0x2a0: {  	[tilespmem:s6+$0x170] =	vst.add.f32.msk $0xffff, v12  }
0x2a1: {  	[tilespmem:s6+$0x160] =	vst.add.f32.msk $0xffff, v13  }
0x2a2: {  	[tilespmem:s6+$0x150] =	vst.add.f32.msk $0xffff, v14  }
0x2a3: {  	[tilespmem:s6+$0x140] =	vst.add.f32.msk $0xffff, v15  }
0x2a4: {  	[tilespmem:s6+$0x130] =	vst.add.f32.msk $0xffff, v11  }
0x2a5: {  	[tilespmem:s6+$0x120] =	vst.add.f32.msk $0xffff, v10  }
0x2a6: {  	[tilespmem:s6+$0x110] =	vst.add.f32.msk $0xffff, v8  }
0x2a7: {  	[tilespmem:s6+$0x100] =	vst.add.f32.msk $0xffff, v9  }
0x2a8: {  	[tilespmem:s6+$0xF0] =	vst.add.f32.msk $0xffff, v12  }
0x2a9: {  	[tilespmem:s6+$0xE0] =	vst.add.f32.msk $0xffff, v13  }
0x2aa: {  	[tilespmem:s6+$0xD0] =	vst.add.f32.msk $0xffff, v14  }
0x2ab: {  	[tilespmem:s6+$0xC0] =	vst.add.f32.msk $0xffff, v15  }
0x2ac: {  	[tilespmem:s6+$0xB0] =	vst.add.f32.msk $0xffff, v11  }
0x2ad: {  	[tilespmem:s6+$0xA0] =	vst.add.f32.msk $0xffff, v10  }
0x2ae: {  	[tilespmem:s6+$0x90] =	vst.add.f32.msk $0xffff, v8  }
0x2af: {  	[tilespmem:s6+$0x80] =	vst.add.f32.msk $0xffff, v9  }
0x2b0: {  	[tilespmem:s6+$0x70] =	vst.add.f32.msk $0xffff, v12  }
.Ltmp7:
0x2b1: {  	[tilespmem:s6+$0x60] =	vst.add.f32.msk $0xffff, v13;
	(pc) =	sbr.rel @p1 .LBB2_17-.Ltmp7, $4  }
0x2b2: {  	[tilespmem:s6+$0x50] =	vst.add.f32.msk $0xffff, v14  }
0x2b3: {  	[tilespmem:s6+$0x40] =	vst.add.f32.msk $0xffff, v15  }
0x2b4: {  	[tilespmem:s6+$0x30] =	vst.add.f32.msk $0xffff, v11  }
0x2b5: {  	[tilespmem:s6+$0x20] =	vst.add.f32.msk $0xffff, v10  }
0x2b6: {  	s4 =	sadd.s32 $0x1, s4  }
0x2b7: {  	p1 =	sne.s32 s4, $0x32  }
.Ltmp8:
0x2b8: {  	_ = 	snop;
	(pc) =	sbr.rel @p1 .LBB2_2-.Ltmp8, $3  }
0x2b9: {  	_ =	sdelay $0x1  }
0x2ba: {  	[tilespmem:s6+$0x10] =	vst.add.f32.msk $0xffff, v8  }
0x2bb: {  	[hbm4b:s2+s16] =	stream.indirect.scatter [tilespmem:s5], [sflag:$0x8], $0x80, s10, s16, $0xb8;
	[tilespmem:$0x1EBC0] =	vst v63  }
0x2bc: {  	s4 =	simm.s32 $0x7  }
0x2bd: {  	_ =	swait.ge [sflag:s4], $0x2000  }
0x2be: {  	[sflag:s4] =	ssyncset.done $0x0  }
0x2bf: {  	[sflag:s4] =	ssyncadd.s32 $0xFFFFE000  }
0x2c0: {  	_ =	swait.ge [sflag:s4], $0x2000  }
0x2c1: {  	[sflag:s4] =	ssyncset.done $0x0  }
0x2c2: {  	s6 =	simm.s32 $0x8;
	[sflag:s4] =	ssyncadd.s32 $0xFFFFE000  }
0x2c3: {  	_ =	swait.ge [sflag:s6], $0x2000  }
0x2c4: {  	[sflag:s6] =	ssyncset.done $0x0  }
0x2c5: {  	[sflag:s6] =	ssyncadd.s32 $0xFFFFE000  }
0x2c6: {  	_ =	swait.ge [sflag:s6], $0x2000  }
0x2c7: {  	s7 =	rddreg [dreg:$0x9]  }
0x2c8: {  	s22 =	rddreg [dreg:$0x7];
	s7 =	sadd.s32 $0x1, s7  }
0x2c9: {  	p1 =	sne.s32 s7, s22  }
.Ltmp9:
0x2ca: {  	_ = 	snop;
	(pc) =	sbr.rel @p1 .LBB2_1-.Ltmp9, $3  }
0x2cb: {  	_ =	sdelay $0x1  }
0x2cc: {  	[sflag:s6] =	ssyncset.done $0x0  }
0x2cd: {  	[sflag:s6] =	ssyncadd.s32 $0xFFFFE000  }
0x2ce: {  	_ =	sfence.sel $0x180000  }
0x2cf: {  	[bflag:$0x0] =	sbarrier.arrive $0xFFFF  }
0x2d0: {  	_ =	strace $0x90000047  }
0x2d1: {  	[bflag:$0x2] =	sbarrier.arrive $0xFFFF  }
0x2d2: {  	s0 =	rddreg [dreg:$0x4]  }
0x2d3: {  	s0 =	sadd.s32 @!p0 $0x100000, s0  }
0x2d4: {  	[sflag:s0] =	ssyncadd.tile.s32 @!p0 $0x1;
	_ =	shalt  }
.Lfunc_end2:
_tile_overlayer_lowered:
.L_overlay_start_2:
0x2d5: {  	(tag) =	ssettag $0x2  }
0x2d6: {  	s0 =	rddreg [dreg:$0x0];
	s2 =	stileid.u32  }
0x2d7: {  	s1 =	rddreg [dreg:$0x1];
	p0 =	sne.s32 s2, $0x0  }
0x2d8: {  	s3 =	rddreg [dreg:$0x2];
	[bflag:$0x3] =	sbarrier.arrive $0xFFFF;
	s2 =	simm.s32 @!p0 $0x1C09  }
0x2d9: {  	[timem:s3], [sflag:s2] =	dma.local @!p0 [hbm:s0], s1  }
0x2da: {  	s0 =	simm.s32 @!p0 $0x9  }
0x2db: {  	_ =	swait.ge @!p0 [sflag:s0], s1  }
0x2dc: {  	s1 =	ssub.s32 @!p0 $0x0, s1;
	[sflag:s0] =	ssyncset.done @!p0 $0x0  }
0x2dd: {  	[sflag:s0] =	ssyncadd.s32 @!p0 s1  }
0x2de: {  	[bflag:$0x3] =	sbarrier.arrive $0xFFFF  }
0x2df: {  	_ =	shalt  }

</sc_bundles>
